<compile_context>
chip_gen: v7x
topology: tpu7x:2x2x1
jax: 0.10.2.dev20260603
libtpu: 0.0.44.dev20260713+nightly
codegen_flags: <defaults>
</compile_context>

<pallas_src>
import functools

import jax
import jax.numpy as jnp
from jax import lax
from jax.experimental import pallas as pl
from jax.experimental.pallas import tpu as pltpu
from jax.experimental.pallas import tpu_sc as plsc

NSUB = 128
NDIM = 3
NCOL = NSUB * NDIM
NROW = 150000
ROW_BLOCK = 3000
XPAD_ROWS = (NROW + 127) // 128 + 1
LANES = 16


def _sc_body(xpad_hbm, idx_hbm, xi_hbm, idx_v, tgt_v, rowidx_v, rows_v, xi_v,
             sem):
    cid = lax.axis_index("c")
    sid = lax.axis_index("s")

    @pl.when((cid == 0) & (sid == 0))
    def _():
        pltpu.sync_copy(idx_hbm, idx_v)
        for k in range(NSUB // LANES):
            ivec = idx_v[pl.ds(k * LANES, LANES)]
            base = ivec * 3
            lane = lax.iota(jnp.int32, LANES) + (k * LANES)
            for e in range(NDIM):
                tgt = base + e
                pos = lane * 3 + e
                plsc.store_scatter(tgt_v, [pos], tgt)
                plsc.store_scatter(
                    rowidx_v, [pos // 128, pos % 128], tgt // 128
                )
        for j in range(NCOL // 128):
            pltpu.async_copy(
                xpad_hbm.at[rowidx_v.at[j]], rows_v.at[j], sem
            ).wait()
        for k in range(NCOL // LANES):
            pos = lax.iota(jnp.int32, LANES) + k * LANES
            tgt = tgt_v[pl.ds(k * LANES, LANES)]
            word = plsc.load_gather(
                rows_v, [pos // 128, pos % 128, tgt % 128]
            )
            xi_v[pl.ds(k * LANES, LANES)] = word
        pltpu.sync_copy(xi_v, xi_hbm)


_sc_gather = functools.partial(
    pl.kernel,
    mesh=plsc.VectorSubcoreMesh(core_axis_name="c", subcore_axis_name="s"),
    out_type=jax.ShapeDtypeStruct((NCOL,), jnp.float32),
    scratch_types=[
        pltpu.VMEM((NSUB,), jnp.int32),
        pltpu.VMEM((NCOL,), jnp.int32),
        pltpu.VMEM((NCOL // 128, 128), jnp.int32),
        pltpu.VMEM((NCOL // 128, 128, 128), jnp.float32),
        pltpu.VMEM((NCOL,), jnp.float32),
        pltpu.SemaphoreType.DMA,
    ],
    compiler_params=pltpu.CompilerParams(
        needs_layout_passes=False, use_tc_tiling_on_sc=False
    ),
)(_sc_body)


def _grad_body(idx_ref, out_ref, tgt_ref):
    blk = pl.program_id(0)

    @pl.when(blk == 0)
    def _():
        ii = lax.broadcasted_iota(jnp.int32, (NSUB, NCOL), 0)
        cc = lax.broadcasted_iota(jnp.int32, (NSUB, NCOL), 1)
        onehot = (ii == cc // 3).astype(jnp.float32)
        idx_f = idx_ref[...].astype(jnp.float32)
        expanded = jnp.dot(
            idx_f,
            onehot,
            precision=lax.Precision.HIGHEST,
            preferred_element_type=jnp.float32,
        )
        col = lax.broadcasted_iota(jnp.int32, (1, NCOL), 1)
        tgt_ref[...] = expanded.astype(jnp.int32) * 3 + col % 3

    rows = lax.broadcasted_iota(jnp.int32, (ROW_BLOCK, NCOL), 0) + blk * ROW_BLOCK
    out_ref[...] = (rows == tgt_ref[...]).astype(jnp.float32)


_grad_call = pl.pallas_call(
    _grad_body,
    grid=(NROW // ROW_BLOCK,),
    in_specs=[pl.BlockSpec((1, NSUB), lambda i: (0, 0))],
    out_specs=pl.BlockSpec((ROW_BLOCK, NCOL), lambda i: (i, 0)),
    out_shape=jax.ShapeDtypeStruct((NROW, NCOL), jnp.float32),
    scratch_shapes=[pltpu.VMEM((1, NCOL), jnp.int32)],
)


def kernel(x, subset_indices):
    xpad = jnp.pad(x.reshape(-1), (0, XPAD_ROWS * 128 - NROW)).reshape(
        XPAD_ROWS, 128
    )
    xi = _sc_gather(xpad, subset_indices)
    grad = _grad_call(subset_indices.reshape(1, NSUB))
    return xi, grad

# --- scband reference (transcript-rebuilt; emitter-appended) ---
"""Pipeline reference for scband-energy-model-lin-cvsubset-9861244912196 (READ-ONLY COPY).

The authoritative reference and input builder live on the scoring server;
editing this copy changes nothing except your own understanding.
"""

import jax, jax.numpy as jnp
import numpy as np


def setup_inputs(seed: int = 0) -> dict:
    key = jax.random.key(seed)
    x = jax.random.normal(key, (50000, 3), dtype=jnp.float32)
    subset_indices = jnp.arange(128, dtype=jnp.int32) * 390
    return {"x": x, "subset_indices": subset_indices}


def reference(x, subset_indices):
    # xi(x): gather of subset rows, flattened (EnergyModelLinCVSubset.xi_subset)
    x_subset = x[subset_indices]
    xi = x_subset.flatten()
    nsub = xi.shape[0]
    ndims = x.flatten().shape[0]
    # grad_xi_subset: identity Jacobian on the subset coordinates
    grad_xi_sub = jnp.diag(jnp.ones(nsub))
    # grad_xi: scatter-set identity blocks into a zeros (x.shape + (nsub,)) tensor
    grad_xi_full = jnp.zeros(x.shape + (nsub,))
    grad_xi_full = grad_xi_full.at[subset_indices].set(
        grad_xi_sub.reshape(x_subset.shape + (nsub,))
    ).reshape(ndims, nsub)
    return (xi, grad_xi_full)

if __name__ == "__main__":
    import jax
    _d = setup_inputs()
    print(jax.jit(kernel)(*tuple(_d.values())))

</pallas_src>

<mosaic_0001>
#map = affine_map<(d0, d1) -> (0, 0)>
#map1 = affine_map<(d0, d1) -> (0)>
module attributes {stable_mosaic.version = 14 : i64} {
  func.func @_sc_body(%arg0: i32, %arg1: i32, %arg2: memref<1173x128xf32, #tpu.memory_space<hbm>>, %arg3: memref<128xi32, #tpu.memory_space<hbm>>, %arg4: memref<384xf32, #tpu.memory_space<hbm>>, %arg5: memref<128xi32, #tpu.memory_space<vmem>>, %arg6: memref<384xi32, #tpu.memory_space<vmem>>, %arg7: memref<3x128xi32, #tpu.memory_space<vmem>>, %arg8: memref<3x128x128xf32, #tpu.memory_space<vmem>>, %arg9: memref<384xf32, #tpu.memory_space<vmem>>, %arg10: memref<!tpu.dma_semaphore, #tpu.memory_space<semaphore_mem>>) attributes {dimension_semantics = [#tpu.dimension_semantics<core_parallel>, #tpu.dimension_semantics<subcore_parallel>], iteration_bounds = array<i64: 2, 16>, scalar_prefetch = 0 : i64, scratch_operands = 6 : i64, tpu.core_type = #tpu.core_type<sc_vector_subcore>, window_params = [{transform_indices = #map}, {transform_indices = #map1}, {transform_indices = #map1}]} {
    %eq3A = arith.constant 0 : i32
    %eq3A_0 = arith.cmpi eq, %arg0, %eq3A : i32
    %eq3A_1 = arith.constant 0 : i32
    %eq3A_2 = arith.cmpi eq, %arg1, %eq3A_1 : i32
    %and3A = arith.andi %eq3A_0, %eq3A_2 : i1
    %convert_element_type3A = arith.extui %and3A : i1 to i32
    %cond3A = arith.constant 0 : i32
    %cond3A_3 = arith.cmpi ne, %convert_element_type3A, %cond3A : i32
    scf.if %cond3A_3 {
      "tpu.region"() ({
        %run_scoped3A = tpu.sem_alloc : memref<!tpu.dma_semaphore, #tpu.memory_space<semaphore_mem>>
        tpu.enqueue_dma source(%arg3 : memref<128xi32, #tpu.memory_space<hbm>>) target(%arg5 : memref<128xi32, #tpu.memory_space<vmem>>) target_semaphore(%run_scoped3A : memref<!tpu.dma_semaphore, #tpu.memory_space<semaphore_mem>>)
        tpu.wait_dma2 semaphore(%run_scoped3A : memref<!tpu.dma_semaphore, #tpu.memory_space<semaphore_mem>>) src(%arg3 : memref<128xi32, #tpu.memory_space<hbm>>) dst(%arg5 : memref<128xi32, #tpu.memory_space<vmem>>)
        tpu.yield
      }) : () -> ()
      %get3A = arith.constant 0 : index
      %get3A_4 = tpu.vector_load %arg5[%get3A] {strides = array<i32>} : memref<128xi32, #tpu.memory_space<vmem>>, vector<16xi32>,
      %mul3A = arith.constant 3 : i32
      %mul3A_5 = vector.broadcast %mul3A : i32 to vector<16xi32>
      %mul3A_6 = arith.muli %get3A_4, %mul3A_5 : vector<16xi32>
      %iota3A = tpu.iota {dimensions = array<i32: 0>} : vector<16xi32>
      %add3A = arith.constant 0 : i32
      %add3A_7 = vector.broadcast %add3A : i32 to vector<16xi32>
      %add3A_8 = arith.addi %iota3A, %add3A_7 : vector<16xi32>
      %add3A_9 = arith.constant 0 : i32
      %add3A_10 = vector.broadcast %add3A_9 : i32 to vector<16xi32>
      %add3A_11 = arith.addi %mul3A_6, %add3A_10 : vector<16xi32>
      %mul3A_12 = arith.constant 3 : i32
      %mul3A_13 = vector.broadcast %mul3A_12 : i32 to vector<16xi32>
      %mul3A_14 = arith.muli %add3A_8, %mul3A_13 : vector<16xi32>
      %add3A_15 = arith.constant 0 : i32
      %add3A_16 = vector.broadcast %add3A_15 : i32 to vector<16xi32>
      %add3A_17 = arith.addi %mul3A_14, %add3A_16 : vector<16xi32>
      tpu.vector_store_idx %arg6[%add3A_17], %add3A_11 : memref<384xi32, #tpu.memory_space<vmem>>[vector<16xi32>], vector<16xi32>,
      %jit3A = arith.constant 128 : i32
      %div3A = vector.broadcast %jit3A : i32 to vector<16xi32>
      %div3A_18 = arith.divsi %add3A_17, %div3A : vector<16xi32>
      %sign3A = arith.constant 0 : i32
      %sign3A_19 = vector.broadcast %sign3A : i32 to vector<16xi32>
      %sign3A_20 = arith.cmpi sgt, %add3A_17, %sign3A_19 : vector<16xi32>
      %sign3A_21 = arith.extui %sign3A_20 : vector<16xi1> to vector<16xi32>
      %sign3A_22 = arith.constant 0 : i32
      %sign3A_23 = vector.broadcast %sign3A_22 : i32 to vector<16xi32>
      %sign3A_24 = arith.cmpi slt, %add3A_17, %sign3A_23 : vector<16xi32>
      %sign3A_25 = arith.extui %sign3A_24 : vector<16xi1> to vector<16xi32>
      %sign3A_26 = arith.subi %sign3A_21, %sign3A_25 : vector<16xi32>
      %sign3A_27 = arith.constant 0 : i32
      %sign3A_28 = arith.cmpi sgt, %jit3A, %sign3A_27 : i32
      %sign3A_29 = arith.extui %sign3A_28 : i1 to i32
      %sign3A_30 = arith.constant 0 : i32
      %sign3A_31 = arith.cmpi slt, %jit3A, %sign3A_30 : i32
      %sign3A_32 = arith.extui %sign3A_31 : i1 to i32
      %sign3A_33 = arith.subi %sign3A_29, %sign3A_32 : i32
      %ne3A = vector.broadcast %sign3A_33 : i32 to vector<16xi32>
      %ne3A_34 = arith.cmpi ne, %sign3A_26, %ne3A : vector<16xi32>
      %rem3A = vector.broadcast %jit3A : i32 to vector<16xi32>
      %rem3A_35 = arith.remsi %add3A_17, %rem3A : vector<16xi32>
      %ne3A_36 = arith.constant 0 : i32
      %ne3A_37 = vector.broadcast %ne3A_36 : i32 to vector<16xi32>
      %ne3A_38 = arith.cmpi ne, %rem3A_35, %ne3A_37 : vector<16xi32>
      %and3A_39 = arith.andi %ne3A_34, %ne3A_38 : vector<16xi1>
      %sub3A = arith.constant 1 : i32
      %sub3A_40 = vector.broadcast %sub3A : i32 to vector<16xi32>
      %sub3A_41 = arith.subi %div3A_18, %sub3A_40 : vector<16xi32>
      %select_n3A = arith.select %and3A_39, %sub3A_41, %div3A_18 : vector<16xi1>, vector<16xi32>
      %jit3A_42 = arith.constant 128 : i32
      %eq3A_43 = arith.constant 0 : i32
      %eq3A_44 = arith.cmpi eq, %jit3A_42, %eq3A_43 : i32
      %jit3A_45 = arith.constant 1 : i32
      %select_n3A_46 = arith.select %eq3A_44, %jit3A_45, %jit3A_42 : i32
      %rem3A_47 = vector.broadcast %select_n3A_46 : i32 to vector<16xi32>
      %rem3A_48 = arith.remsi %add3A_17, %rem3A_47 : vector<16xi32>
      %ne3A_49 = arith.constant 0 : i32
      %ne3A_50 = vector.broadcast %ne3A_49 : i32 to vector<16xi32>
      %ne3A_51 = arith.cmpi ne, %rem3A_48, %ne3A_50 : vector<16xi32>
      %lt3A = arith.constant 0 : i32
      %lt3A_52 = vector.broadcast %lt3A : i32 to vector<16xi32>
      %lt3A_53 = arith.cmpi slt, %rem3A_48, %lt3A_52 : vector<16xi32>
      %lt3A_54 = arith.constant 0 : i32
      %lt3A_55 = arith.cmpi slt, %select_n3A_46, %lt3A_54 : i32
      %ne3A_56 = vector.broadcast %lt3A_55 : i1 to vector<16xi1>
      %ne3A_57 = vector.broadcast %ne3A_56 : vector<16xi1> to vector<16xi1>
      %ne3A_58 = arith.xori %lt3A_53, %ne3A_57 : vector<16xi1>
      %and3A_59 = arith.andi %ne3A_58, %ne3A_51 : vector<16xi1>
      %add3A_60 = vector.broadcast %select_n3A_46 : i32 to vector<16xi32>
      %add3A_61 = arith.addi %rem3A_48, %add3A_60 : vector<16xi32>
      %select_n3A_62 = arith.select %and3A_59, %add3A_61, %rem3A_48 : vector<16xi1>, vector<16xi32>
      %jit3A_63 = arith.constant 128 : i32
      %div3A_64 = vector.broadcast %jit3A_63 : i32 to vector<16xi32>
      %div3A_65 = arith.divsi %add3A_11, %div3A_64 : vector<16xi32>
      %sign3A_66 = arith.constant 0 : i32
      %sign3A_67 = vector.broadcast %sign3A_66 : i32 to vector<16xi32>
      %sign3A_68 = arith.cmpi sgt, %add3A_11, %sign3A_67 : vector<16xi32>
      %sign3A_69 = arith.extui %sign3A_68 : vector<16xi1> to vector<16xi32>
      %sign3A_70 = arith.constant 0 : i32
      %sign3A_71 = vector.broadcast %sign3A_70 : i32 to vector<16xi32>
      %sign3A_72 = arith.cmpi slt, %add3A_11, %sign3A_71 : vector<16xi32>
      %sign3A_73 = arith.extui %sign3A_72 : vector<16xi1> to vector<16xi32>
      %sign3A_74 = arith.subi %sign3A_69, %sign3A_73 : vector<16xi32>
      %sign3A_75 = arith.constant 0 : i32
      %sign3A_76 = arith.cmpi sgt, %jit3A_63, %sign3A_75 : i32
      %sign3A_77 = arith.extui %sign3A_76 : i1 to i32
      %sign3A_78 = arith.constant 0 : i32
      %sign3A_79 = arith.cmpi slt, %jit3A_63, %sign3A_78 : i32
      %sign3A_80 = arith.extui %sign3A_79 : i1 to i32
      %sign3A_81 = arith.subi %sign3A_77, %sign3A_80 : i32
      %ne3A_82 = vector.broadcast %sign3A_81 : i32 to vector<16xi32>
      %ne3A_83 = arith.cmpi ne, %sign3A_74, %ne3A_82 : vector<16xi32>
      %rem3A_84 = vector.broadcast %jit3A_63 : i32 to vector<16xi32>
      %rem3A_85 = arith.remsi %add3A_11, %rem3A_84 : vector<16xi32>
      %ne3A_86 = arith.constant 0 : i32
      %ne3A_87 = vector.broadcast %ne3A_86 : i32 to vector<16xi32>
      %ne3A_88 = arith.cmpi ne, %rem3A_85, %ne3A_87 : vector<16xi32>
      %and3A_89 = arith.andi %ne3A_83, %ne3A_88 : vector<16xi1>
      %sub3A_90 = arith.constant 1 : i32
      %sub3A_91 = vector.broadcast %sub3A_90 : i32 to vector<16xi32>
      %sub3A_92 = arith.subi %div3A_65, %sub3A_91 : vector<16xi32>
      %select_n3A_93 = arith.select %and3A_89, %sub3A_92, %div3A_65 : vector<16xi1>, vector<16xi32>
      tpu.vector_store_idx %arg7[%select_n3A, %select_n3A_62], %select_n3A_93 : memref<3x128xi32, #tpu.memory_space<vmem>>[vector<16xi32>, vector<16xi32>], vector<16xi32>,
      %add3A_94 = arith.constant 1 : i32
      %add3A_95 = vector.broadcast %add3A_94 : i32 to vector<16xi32>
      %add3A_96 = arith.addi %mul3A_6, %add3A_95 : vector<16xi32>
      %mul3A_97 = arith.constant 3 : i32
      %mul3A_98 = vector.broadcast %mul3A_97 : i32 to vector<16xi32>
      %mul3A_99 = arith.muli %add3A_8, %mul3A_98 : vector<16xi32>
      %add3A_100 = arith.constant 1 : i32
      %add3A_101 = vector.broadcast %add3A_100 : i32 to vector<16xi32>
      %add3A_102 = arith.addi %mul3A_99, %add3A_101 : vector<16xi32>
      tpu.vector_store_idx %arg6[%add3A_102], %add3A_96 : memref<384xi32, #tpu.memory_space<vmem>>[vector<16xi32>], vector<16xi32>,
      %jit3A_103 = arith.constant 128 : i32
      %div3A_104 = vector.broadcast %jit3A_103 : i32 to vector<16xi32>
      %div3A_105 = arith.divsi %add3A_102, %div3A_104 : vector<16xi32>
      %sign3A_106 = arith.constant 0 : i32
      %sign3A_107 = vector.broadcast %sign3A_106 : i32 to vector<16xi32>
      %sign3A_108 = arith.cmpi sgt, %add3A_102, %sign3A_107 : vector<16xi32>
      %sign3A_109 = arith.extui %sign3A_108 : vector<16xi1> to vector<16xi32>
      %sign3A_110 = arith.constant 0 : i32
      %sign3A_111 = vector.broadcast %sign3A_110 : i32 to vector<16xi32>
      %sign3A_112 = arith.cmpi slt, %add3A_102, %sign3A_111 : vector<16xi32>
      %sign3A_113 = arith.extui %sign3A_112 : vector<16xi1> to vector<16xi32>
      %sign3A_114 = arith.subi %sign3A_109, %sign3A_113 : vector<16xi32>
      %sign3A_115 = arith.constant 0 : i32
      %sign3A_116 = arith.cmpi sgt, %jit3A_103, %sign3A_115 : i32
      %sign3A_117 = arith.extui %sign3A_116 : i1 to i32
      %sign3A_118 = arith.constant 0 : i32
      %sign3A_119 = arith.cmpi slt, %jit3A_103, %sign3A_118 : i32
      %sign3A_120 = arith.extui %sign3A_119 : i1 to i32
      %sign3A_121 = arith.subi %sign3A_117, %sign3A_120 : i32
      %ne3A_122 = vector.broadcast %sign3A_121 : i32 to vector<16xi32>
      %ne3A_123 = arith.cmpi ne, %sign3A_114, %ne3A_122 : vector<16xi32>
      %rem3A_124 = vector.broadcast %jit3A_103 : i32 to vector<16xi32>
      %rem3A_125 = arith.remsi %add3A_102, %rem3A_124 : vector<16xi32>
      %ne3A_126 = arith.constant 0 : i32
      %ne3A_127 = vector.broadcast %ne3A_126 : i32 to vector<16xi32>
      %ne3A_128 = arith.cmpi ne, %rem3A_125, %ne3A_127 : vector<16xi32>
      %and3A_129 = arith.andi %ne3A_123, %ne3A_128 : vector<16xi1>
      %sub3A_130 = arith.constant 1 : i32
      %sub3A_131 = vector.broadcast %sub3A_130 : i32 to vector<16xi32>
      %sub3A_132 = arith.subi %div3A_105, %sub3A_131 : vector<16xi32>
      %select_n3A_133 = arith.select %and3A_129, %sub3A_132, %div3A_105 : vector<16xi1>, vector<16xi32>
      %jit3A_134 = arith.constant 128 : i32
      %eq3A_135 = arith.constant 0 : i32
      %eq3A_136 = arith.cmpi eq, %jit3A_134, %eq3A_135 : i32
      %jit3A_137 = arith.constant 1 : i32
      %select_n3A_138 = arith.select %eq3A_136, %jit3A_137, %jit3A_134 : i32
      %rem3A_139 = vector.broadcast %select_n3A_138 : i32 to vector<16xi32>
      %rem3A_140 = arith.remsi %add3A_102, %rem3A_139 : vector<16xi32>
      %ne3A_141 = arith.constant 0 : i32
      %ne3A_142 = vector.broadcast %ne3A_141 : i32 to vector<16xi32>
      %ne3A_143 = arith.cmpi ne, %rem3A_140, %ne3A_142 : vector<16xi32>
      %lt3A_144 = arith.constant 0 : i32
      %lt3A_145 = vector.broadcast %lt3A_144 : i32 to vector<16xi32>
      %lt3A_146 = arith.cmpi slt, %rem3A_140, %lt3A_145 : vector<16xi32>
      %lt3A_147 = arith.constant 0 : i32
      %lt3A_148 = arith.cmpi slt, %select_n3A_138, %lt3A_147 : i32
      %ne3A_149 = vector.broadcast %lt3A_148 : i1 to vector<16xi1>
      %ne3A_150 = vector.broadcast %ne3A_149 : vector<16xi1> to vector<16xi1>
      %ne3A_151 = arith.xori %lt3A_146, %ne3A_150 : vector<16xi1>
      %and3A_152 = arith.andi %ne3A_151, %ne3A_143 : vector<16xi1>
      %add3A_153 = vector.broadcast %select_n3A_138 : i32 to vector<16xi32>
      %add3A_154 = arith.addi %rem3A_140, %add3A_153 : vector<16xi32>
      %select_n3A_155 = arith.select %and3A_152, %add3A_154, %rem3A_140 : vector<16xi1>, vector<16xi32>
      %jit3A_156 = arith.constant 128 : i32
      %div3A_157 = vector.broadcast %jit3A_156 : i32 to vector<16xi32>
      %div3A_158 = arith.divsi %add3A_96, %div3A_157 : vector<16xi32>
      %sign3A_159 = arith.constant 0 : i32
      %sign3A_160 = vector.broadcast %sign3A_159 : i32 to vector<16xi32>
      %sign3A_161 = arith.cmpi sgt, %add3A_96, %sign3A_160 : vector<16xi32>
      %sign3A_162 = arith.extui %sign3A_161 : vector<16xi1> to vector<16xi32>
      %sign3A_163 = arith.constant 0 : i32
      %sign3A_164 = vector.broadcast %sign3A_163 : i32 to vector<16xi32>
      %sign3A_165 = arith.cmpi slt, %add3A_96, %sign3A_164 : vector<16xi32>
      %sign3A_166 = arith.extui %sign3A_165 : vector<16xi1> to vector<16xi32>
      %sign3A_167 = arith.subi %sign3A_162, %sign3A_166 : vector<16xi32>
      %sign3A_168 = arith.constant 0 : i32
      %sign3A_169 = arith.cmpi sgt, %jit3A_156, %sign3A_168 : i32
      %sign3A_170 = arith.extui %sign3A_169 : i1 to i32
      %sign3A_171 = arith.constant 0 : i32
      %sign3A_172 = arith.cmpi slt, %jit3A_156, %sign3A_171 : i32
      %sign3A_173 = arith.extui %sign3A_172 : i1 to i32
      %sign3A_174 = arith.subi %sign3A_170, %sign3A_173 : i32
      %ne3A_175 = vector.broadcast %sign3A_174 : i32 to vector<16xi32>
      %ne3A_176 = arith.cmpi ne, %sign3A_167, %ne3A_175 : vector<16xi32>
      %rem3A_177 = vector.broadcast %jit3A_156 : i32 to vector<16xi32>
      %rem3A_178 = arith.remsi %add3A_96, %rem3A_177 : vector<16xi32>
      %ne3A_179 = arith.constant 0 : i32
      %ne3A_180 = vector.broadcast %ne3A_179 : i32 to vector<16xi32>
      %ne3A_181 = arith.cmpi ne, %rem3A_178, %ne3A_180 : vector<16xi32>
      %and3A_182 = arith.andi %ne3A_176, %ne3A_181 : vector<16xi1>
      %sub3A_183 = arith.constant 1 : i32
      %sub3A_184 = vector.broadcast %sub3A_183 : i32 to vector<16xi32>
      %sub3A_185 = arith.subi %div3A_158, %sub3A_184 : vector<16xi32>
      %select_n3A_186 = arith.select %and3A_182, %sub3A_185, %div3A_158 : vector<16xi1>, vector<16xi32>
      tpu.vector_store_idx %arg7[%select_n3A_133, %select_n3A_155], %select_n3A_186 : memref<3x128xi32, #tpu.memory_space<vmem>>[vector<16xi32>, vector<16xi32>], vector<16xi32>,
      %add3A_187 = arith.constant 2 : i32
      %add3A_188 = vector.broadcast %add3A_187 : i32 to vector<16xi32>
      %add3A_189 = arith.addi %mul3A_6, %add3A_188 : vector<16xi32>
      %mul3A_190 = arith.constant 3 : i32
      %mul3A_191 = vector.broadcast %mul3A_190 : i32 to vector<16xi32>
      %mul3A_192 = arith.muli %add3A_8, %mul3A_191 : vector<16xi32>
      %add3A_193 = arith.constant 2 : i32
      %add3A_194 = vector.broadcast %add3A_193 : i32 to vector<16xi32>
      %add3A_195 = arith.addi %mul3A_192, %add3A_194 : vector<16xi32>
      tpu.vector_store_idx %arg6[%add3A_195], %add3A_189 : memref<384xi32, #tpu.memory_space<vmem>>[vector<16xi32>], vector<16xi32>,
      %jit3A_196 = arith.constant 128 : i32
      %div3A_197 = vector.broadcast %jit3A_196 : i32 to vector<16xi32>
      %div3A_198 = arith.divsi %add3A_195, %div3A_197 : vector<16xi32>
      %sign3A_199 = arith.constant 0 : i32
      %sign3A_200 = vector.broadcast %sign3A_199 : i32 to vector<16xi32>
      %sign3A_201 = arith.cmpi sgt, %add3A_195, %sign3A_200 : vector<16xi32>
      %sign3A_202 = arith.extui %sign3A_201 : vector<16xi1> to vector<16xi32>
      %sign3A_203 = arith.constant 0 : i32
      %sign3A_204 = vector.broadcast %sign3A_203 : i32 to vector<16xi32>
      %sign3A_205 = arith.cmpi slt, %add3A_195, %sign3A_204 : vector<16xi32>
      %sign3A_206 = arith.extui %sign3A_205 : vector<16xi1> to vector<16xi32>
      %sign3A_207 = arith.subi %sign3A_202, %sign3A_206 : vector<16xi32>
      %sign3A_208 = arith.constant 0 : i32
      %sign3A_209 = arith.cmpi sgt, %jit3A_196, %sign3A_208 : i32
      %sign3A_210 = arith.extui %sign3A_209 : i1 to i32
      %sign3A_211 = arith.constant 0 : i32
      %sign3A_212 = arith.cmpi slt, %jit3A_196, %sign3A_211 : i32
      %sign3A_213 = arith.extui %sign3A_212 : i1 to i32
      %sign3A_214 = arith.subi %sign3A_210, %sign3A_213 : i32
      %ne3A_215 = vector.broadcast %sign3A_214 : i32 to vector<16xi32>
      %ne3A_216 = arith.cmpi ne, %sign3A_207, %ne3A_215 : vector<16xi32>
      %rem3A_217 = vector.broadcast %jit3A_196 : i32 to vector<16xi32>
      %rem3A_218 = arith.remsi %add3A_195, %rem3A_217 : vector<16xi32>
      %ne3A_219 = arith.constant 0 : i32
      %ne3A_220 = vector.broadcast %ne3A_219 : i32 to vector<16xi32>
      %ne3A_221 = arith.cmpi ne, %rem3A_218, %ne3A_220 : vector<16xi32>
      %and3A_222 = arith.andi %ne3A_216, %ne3A_221 : vector<16xi1>
      %sub3A_223 = arith.constant 1 : i32
      %sub3A_224 = vector.broadcast %sub3A_223 : i32 to vector<16xi32>
      %sub3A_225 = arith.subi %div3A_198, %sub3A_224 : vector<16xi32>
      %select_n3A_226 = arith.select %and3A_222, %sub3A_225, %div3A_198 : vector<16xi1>, vector<16xi32>
      %jit3A_227 = arith.constant 128 : i32
      %eq3A_228 = arith.constant 0 : i32
      %eq3A_229 = arith.cmpi eq, %jit3A_227, %eq3A_228 : i32
      %jit3A_230 = arith.constant 1 : i32
      %select_n3A_231 = arith.select %eq3A_229, %jit3A_230, %jit3A_227 : i32
      %rem3A_232 = vector.broadcast %select_n3A_231 : i32 to vector<16xi32>
      %rem3A_233 = arith.remsi %add3A_195, %rem3A_232 : vector<16xi32>
      %ne3A_234 = arith.constant 0 : i32
      %ne3A_235 = vector.broadcast %ne3A_234 : i32 to vector<16xi32>
      %ne3A_236 = arith.cmpi ne, %rem3A_233, %ne3A_235 : vector<16xi32>
      %lt3A_237 = arith.constant 0 : i32
      %lt3A_238 = vector.broadcast %lt3A_237 : i32 to vector<16xi32>
      %lt3A_239 = arith.cmpi slt, %rem3A_233, %lt3A_238 : vector<16xi32>
      %lt3A_240 = arith.constant 0 : i32
      %lt3A_241 = arith.cmpi slt, %select_n3A_231, %lt3A_240 : i32
      %ne3A_242 = vector.broadcast %lt3A_241 : i1 to vector<16xi1>
      %ne3A_243 = vector.broadcast %ne3A_242 : vector<16xi1> to vector<16xi1>
      %ne3A_244 = arith.xori %lt3A_239, %ne3A_243 : vector<16xi1>
      %and3A_245 = arith.andi %ne3A_244, %ne3A_236 : vector<16xi1>
      %add3A_246 = vector.broadcast %select_n3A_231 : i32 to vector<16xi32>
      %add3A_247 = arith.addi %rem3A_233, %add3A_246 : vector<16xi32>
      %select_n3A_248 = arith.select %and3A_245, %add3A_247, %rem3A_233 : vector<16xi1>, vector<16xi32>
      %jit3A_249 = arith.constant 128 : i32
      %div3A_250 = vector.broadcast %jit3A_249 : i32 to vector<16xi32>
      %div3A_251 = arith.divsi %add3A_189, %div3A_250 : vector<16xi32>
      %sign3A_252 = arith.constant 0 : i32
      %sign3A_253 = vector.broadcast %sign3A_252 : i32 to vector<16xi32>
      %sign3A_254 = arith.cmpi sgt, %add3A_189, %sign3A_253 : vector<16xi32>
      %sign3A_255 = arith.extui %sign3A_254 : vector<16xi1> to vector<16xi32>
      %sign3A_256 = arith.constant 0 : i32
      %sign3A_257 = vector.broadcast %sign3A_256 : i32 to vector<16xi32>
      %sign3A_258 = arith.cmpi slt, %add3A_189, %sign3A_257 : vector<16xi32>
      %sign3A_259 = arith.extui %sign3A_258 : vector<16xi1> to vector<16xi32>
      %sign3A_260 = arith.subi %sign3A_255, %sign3A_259 : vector<16xi32>
      %sign3A_261 = arith.constant 0 : i32
      %sign3A_262 = arith.cmpi sgt, %jit3A_249, %sign3A_261 : i32
      %sign3A_263 = arith.extui %sign3A_262 : i1 to i32
      %sign3A_264 = arith.constant 0 : i32
      %sign3A_265 = arith.cmpi slt, %jit3A_249, %sign3A_264 : i32
      %sign3A_266 = arith.extui %sign3A_265 : i1 to i32
      %sign3A_267 = arith.subi %sign3A_263, %sign3A_266 : i32
      %ne3A_268 = vector.broadcast %sign3A_267 : i32 to vector<16xi32>
      %ne3A_269 = arith.cmpi ne, %sign3A_260, %ne3A_268 : vector<16xi32>
      %rem3A_270 = vector.broadcast %jit3A_249 : i32 to vector<16xi32>
      %rem3A_271 = arith.remsi %add3A_189, %rem3A_270 : vector<16xi32>
      %ne3A_272 = arith.constant 0 : i32
      %ne3A_273 = vector.broadcast %ne3A_272 : i32 to vector<16xi32>
      %ne3A_274 = arith.cmpi ne, %rem3A_271, %ne3A_273 : vector<16xi32>
      %and3A_275 = arith.andi %ne3A_269, %ne3A_274 : vector<16xi1>
      %sub3A_276 = arith.constant 1 : i32
      %sub3A_277 = vector.broadcast %sub3A_276 : i32 to vector<16xi32>
      %sub3A_278 = arith.subi %div3A_251, %sub3A_277 : vector<16xi32>
      %select_n3A_279 = arith.select %and3A_275, %sub3A_278, %div3A_251 : vector<16xi1>, vector<16xi32>
      tpu.vector_store_idx %arg7[%select_n3A_226, %select_n3A_248], %select_n3A_279 : memref<3x128xi32, #tpu.memory_space<vmem>>[vector<16xi32>, vector<16xi32>], vector<16xi32>,
      %get3A_280 = arith.constant 16 : index
      %get3A_281 = tpu.vector_load %arg5[%get3A_280] {strides = array<i32>} : memref<128xi32, #tpu.memory_space<vmem>>, vector<16xi32>,
      %mul3A_282 = arith.constant 3 : i32
      %mul3A_283 = vector.broadcast %mul3A_282 : i32 to vector<16xi32>
      %mul3A_284 = arith.muli %get3A_281, %mul3A_283 : vector<16xi32>
      %iota3A_285 = tpu.iota {dimensions = array<i32: 0>} : vector<16xi32>
      %add3A_286 = arith.constant 16 : i32
      %add3A_287 = vector.broadcast %add3A_286 : i32 to vector<16xi32>
      %add3A_288 = arith.addi %iota3A_285, %add3A_287 : vector<16xi32>
      %add3A_289 = arith.constant 0 : i32
      %add3A_290 = vector.broadcast %add3A_289 : i32 to vector<16xi32>
      %add3A_291 = arith.addi %mul3A_284, %add3A_290 : vector<16xi32>
      %mul3A_292 = arith.constant 3 : i32
      %mul3A_293 = vector.broadcast %mul3A_292 : i32 to vector<16xi32>
      %mul3A_294 = arith.muli %add3A_288, %mul3A_293 : vector<16xi32>
      %add3A_295 = arith.constant 0 : i32
      %add3A_296 = vector.broadcast %add3A_295 : i32 to vector<16xi32>
      %add3A_297 = arith.addi %mul3A_294, %add3A_296 : vector<16xi32>
      tpu.vector_store_idx %arg6[%add3A_297], %add3A_291 : memref<384xi32, #tpu.memory_space<vmem>>[vector<16xi32>], vector<16xi32>,
      %jit3A_298 = arith.constant 128 : i32
      %div3A_299 = vector.broadcast %jit3A_298 : i32 to vector<16xi32>
      %div3A_300 = arith.divsi %add3A_297, %div3A_299 : vector<16xi32>
      %sign3A_301 = arith.constant 0 : i32
      %sign3A_302 = vector.broadcast %sign3A_301 : i32 to vector<16xi32>
      %sign3A_303 = arith.cmpi sgt, %add3A_297, %sign3A_302 : vector<16xi32>
      %sign3A_304 = arith.extui %sign3A_303 : vector<16xi1> to vector<16xi32>
      %sign3A_305 = arith.constant 0 : i32
      %sign3A_306 = vector.broadcast %sign3A_305 : i32 to vector<16xi32>
      %sign3A_307 = arith.cmpi slt, %add3A_297, %sign3A_306 : vector<16xi32>
      %sign3A_308 = arith.extui %sign3A_307 : vector<16xi1> to vector<16xi32>
      %sign3A_309 = arith.subi %sign3A_304, %sign3A_308 : vector<16xi32>
      %sign3A_310 = arith.constant 0 : i32
      %sign3A_311 = arith.cmpi sgt, %jit3A_298, %sign3A_310 : i32
      %sign3A_312 = arith.extui %sign3A_311 : i1 to i32
      %sign3A_313 = arith.constant 0 : i32
      %sign3A_314 = arith.cmpi slt, %jit3A_298, %sign3A_313 : i32
      %sign3A_315 = arith.extui %sign3A_314 : i1 to i32
      %sign3A_316 = arith.subi %sign3A_312, %sign3A_315 : i32
      %ne3A_317 = vector.broadcast %sign3A_316 : i32 to vector<16xi32>
      %ne3A_318 = arith.cmpi ne, %sign3A_309, %ne3A_317 : vector<16xi32>
      %rem3A_319 = vector.broadcast %jit3A_298 : i32 to vector<16xi32>
      %rem3A_320 = arith.remsi %add3A_297, %rem3A_319 : vector<16xi32>
      %ne3A_321 = arith.constant 0 : i32
      %ne3A_322 = vector.broadcast %ne3A_321 : i32 to vector<16xi32>
      %ne3A_323 = arith.cmpi ne, %rem3A_320, %ne3A_322 : vector<16xi32>
      %and3A_324 = arith.andi %ne3A_318, %ne3A_323 : vector<16xi1>
      %sub3A_325 = arith.constant 1 : i32
      %sub3A_326 = vector.broadcast %sub3A_325 : i32 to vector<16xi32>
      %sub3A_327 = arith.subi %div3A_300, %sub3A_326 : vector<16xi32>
      %select_n3A_328 = arith.select %and3A_324, %sub3A_327, %div3A_300 : vector<16xi1>, vector<16xi32>
      %jit3A_329 = arith.constant 128 : i32
      %eq3A_330 = arith.constant 0 : i32
      %eq3A_331 = arith.cmpi eq, %jit3A_329, %eq3A_330 : i32
      %jit3A_332 = arith.constant 1 : i32
      %select_n3A_333 = arith.select %eq3A_331, %jit3A_332, %jit3A_329 : i32
      %rem3A_334 = vector.broadcast %select_n3A_333 : i32 to vector<16xi32>
      %rem3A_335 = arith.remsi %add3A_297, %rem3A_334 : vector<16xi32>
      %ne3A_336 = arith.constant 0 : i32
      %ne3A_337 = vector.broadcast %ne3A_336 : i32 to vector<16xi32>
      %ne3A_338 = arith.cmpi ne, %rem3A_335, %ne3A_337 : vector<16xi32>
      %lt3A_339 = arith.constant 0 : i32
      %lt3A_340 = vector.broadcast %lt3A_339 : i32 to vector<16xi32>
      %lt3A_341 = arith.cmpi slt, %rem3A_335, %lt3A_340 : vector<16xi32>
      %lt3A_342 = arith.constant 0 : i32
      %lt3A_343 = arith.cmpi slt, %select_n3A_333, %lt3A_342 : i32
      %ne3A_344 = vector.broadcast %lt3A_343 : i1 to vector<16xi1>
      %ne3A_345 = vector.broadcast %ne3A_344 : vector<16xi1> to vector<16xi1>
      %ne3A_346 = arith.xori %lt3A_341, %ne3A_345 : vector<16xi1>
      %and3A_347 = arith.andi %ne3A_346, %ne3A_338 : vector<16xi1>
      %add3A_348 = vector.broadcast %select_n3A_333 : i32 to vector<16xi32>
      %add3A_349 = arith.addi %rem3A_335, %add3A_348 : vector<16xi32>
      %select_n3A_350 = arith.select %and3A_347, %add3A_349, %rem3A_335 : vector<16xi1>, vector<16xi32>
      %jit3A_351 = arith.constant 128 : i32
      %div3A_352 = vector.broadcast %jit3A_351 : i32 to vector<16xi32>
      %div3A_353 = arith.divsi %add3A_291, %div3A_352 : vector<16xi32>
      %sign3A_354 = arith.constant 0 : i32
      %sign3A_355 = vector.broadcast %sign3A_354 : i32 to vector<16xi32>
      %sign3A_356 = arith.cmpi sgt, %add3A_291, %sign3A_355 : vector<16xi32>
      %sign3A_357 = arith.extui %sign3A_356 : vector<16xi1> to vector<16xi32>
      %sign3A_358 = arith.constant 0 : i32
      %sign3A_359 = vector.broadcast %sign3A_358 : i32 to vector<16xi32>
      %sign3A_360 = arith.cmpi slt, %add3A_291, %sign3A_359 : vector<16xi32>
      %sign3A_361 = arith.extui %sign3A_360 : vector<16xi1> to vector<16xi32>
      %sign3A_362 = arith.subi %sign3A_357, %sign3A_361 : vector<16xi32>
      %sign3A_363 = arith.constant 0 : i32
      %sign3A_364 = arith.cmpi sgt, %jit3A_351, %sign3A_363 : i32
      %sign3A_365 = arith.extui %sign3A_364 : i1 to i32
      %sign3A_366 = arith.constant 0 : i32
      %sign3A_367 = arith.cmpi slt, %jit3A_351, %sign3A_366 : i32
      %sign3A_368 = arith.extui %sign3A_367 : i1 to i32
      %sign3A_369 = arith.subi %sign3A_365, %sign3A_368 : i32
      %ne3A_370 = vector.broadcast %sign3A_369 : i32 to vector<16xi32>
      %ne3A_371 = arith.cmpi ne, %sign3A_362, %ne3A_370 : vector<16xi32>
      %rem3A_372 = vector.broadcast %jit3A_351 : i32 to vector<16xi32>
      %rem3A_373 = arith.remsi %add3A_291, %rem3A_372 : vector<16xi32>
      %ne3A_374 = arith.constant 0 : i32
      %ne3A_375 = vector.broadcast %ne3A_374 : i32 to vector<16xi32>
      %ne3A_376 = arith.cmpi ne, %rem3A_373, %ne3A_375 : vector<16xi32>
      %and3A_377 = arith.andi %ne3A_371, %ne3A_376 : vector<16xi1>
      %sub3A_378 = arith.constant 1 : i32
      %sub3A_379 = vector.broadcast %sub3A_378 : i32 to vector<16xi32>
      %sub3A_380 = arith.subi %div3A_353, %sub3A_379 : vector<16xi32>
      %select_n3A_381 = arith.select %and3A_377, %sub3A_380, %div3A_353 : vector<16xi1>, vector<16xi32>
      tpu.vector_store_idx %arg7[%select_n3A_328, %select_n3A_350], %select_n3A_381 : memref<3x128xi32, #tpu.memory_space<vmem>>[vector<16xi32>, vector<16xi32>], vector<16xi32>,
      %add3A_382 = arith.constant 1 : i32
      %add3A_383 = vector.broadcast %add3A_382 : i32 to vector<16xi32>
      %add3A_384 = arith.addi %mul3A_284, %add3A_383 : vector<16xi32>
      %mul3A_385 = arith.constant 3 : i32
      %mul3A_386 = vector.broadcast %mul3A_385 : i32 to vector<16xi32>
      %mul3A_387 = arith.muli %add3A_288, %mul3A_386 : vector<16xi32>
      %add3A_388 = arith.constant 1 : i32
      %add3A_389 = vector.broadcast %add3A_388 : i32 to vector<16xi32>
      %add3A_390 = arith.addi %mul3A_387, %add3A_389 : vector<16xi32>
      tpu.vector_store_idx %arg6[%add3A_390], %add3A_384 : memref<384xi32, #tpu.memory_space<vmem>>[vector<16xi32>], vector<16xi32>,
      %jit3A_391 = arith.constant 128 : i32
      %div3A_392 = vector.broadcast %jit3A_391 : i32 to vector<16xi32>
      %div3A_393 = arith.divsi %add3A_390, %div3A_392 : vector<16xi32>
      %sign3A_394 = arith.constant 0 : i32
      %sign3A_395 = vector.broadcast %sign3A_394 : i32 to vector<16xi32>
      %sign3A_396 = arith.cmpi sgt, %add3A_390, %sign3A_395 : vector<16xi32>
      %sign3A_397 = arith.extui %sign3A_396 : vector<16xi1> to vector<16xi32>
      %sign3A_398 = arith.constant 0 : i32
      %sign3A_399 = vector.broadcast %sign3A_398 : i32 to vector<16xi32>
      %sign3A_400 = arith.cmpi slt, %add3A_390, %sign3A_399 : vector<16xi32>
      %sign3A_401 = arith.extui %sign3A_400 : vector<16xi1> to vector<16xi32>
      %sign3A_402 = arith.subi %sign3A_397, %sign3A_401 : vector<16xi32>
      %sign3A_403 = arith.constant 0 : i32
      %sign3A_404 = arith.cmpi sgt, %jit3A_391, %sign3A_403 : i32
      %sign3A_405 = arith.extui %sign3A_404 : i1 to i32
      %sign3A_406 = arith.constant 0 : i32
      %sign3A_407 = arith.cmpi slt, %jit3A_391, %sign3A_406 : i32
      %sign3A_408 = arith.extui %sign3A_407 : i1 to i32
      %sign3A_409 = arith.subi %sign3A_405, %sign3A_408 : i32
      %ne3A_410 = vector.broadcast %sign3A_409 : i32 to vector<16xi32>
      %ne3A_411 = arith.cmpi ne, %sign3A_402, %ne3A_410 : vector<16xi32>
      %rem3A_412 = vector.broadcast %jit3A_391 : i32 to vector<16xi32>
      %rem3A_413 = arith.remsi %add3A_390, %rem3A_412 : vector<16xi32>
      %ne3A_414 = arith.constant 0 : i32
      %ne3A_415 = vector.broadcast %ne3A_414 : i32 to vector<16xi32>
      %ne3A_416 = arith.cmpi ne, %rem3A_413, %ne3A_415 : vector<16xi32>
      %and3A_417 = arith.andi %ne3A_411, %ne3A_416 : vector<16xi1>
      %sub3A_418 = arith.constant 1 : i32
      %sub3A_419 = vector.broadcast %sub3A_418 : i32 to vector<16xi32>
      %sub3A_420 = arith.subi %div3A_393, %sub3A_419 : vector<16xi32>
      %select_n3A_421 = arith.select %and3A_417, %sub3A_420, %div3A_393 : vector<16xi1>, vector<16xi32>
      %jit3A_422 = arith.constant 128 : i32
      %eq3A_423 = arith.constant 0 : i32
      %eq3A_424 = arith.cmpi eq, %jit3A_422, %eq3A_423 : i32
      %jit3A_425 = arith.constant 1 : i32
      %select_n3A_426 = arith.select %eq3A_424, %jit3A_425, %jit3A_422 : i32
      %rem3A_427 = vector.broadcast %select_n3A_426 : i32 to vector<16xi32>
      %rem3A_428 = arith.remsi %add3A_390, %rem3A_427 : vector<16xi32>
      %ne3A_429 = arith.constant 0 : i32
      %ne3A_430 = vector.broadcast %ne3A_429 : i32 to vector<16xi32>
      %ne3A_431 = arith.cmpi ne, %rem3A_428, %ne3A_430 : vector<16xi32>
      %lt3A_432 = arith.constant 0 : i32
      %lt3A_433 = vector.broadcast %lt3A_432 : i32 to vector<16xi32>
      %lt3A_434 = arith.cmpi slt, %rem3A_428, %lt3A_433 : vector<16xi32>
      %lt3A_435 = arith.constant 0 : i32
      %lt3A_436 = arith.cmpi slt, %select_n3A_426, %lt3A_435 : i32
      %ne3A_437 = vector.broadcast %lt3A_436 : i1 to vector<16xi1>
      %ne3A_438 = vector.broadcast %ne3A_437 : vector<16xi1> to vector<16xi1>
      %ne3A_439 = arith.xori %lt3A_434, %ne3A_438 : vector<16xi1>
      %and3A_440 = arith.andi %ne3A_439, %ne3A_431 : vector<16xi1>
      %add3A_441 = vector.broadcast %select_n3A_426 : i32 to vector<16xi32>
      %add3A_442 = arith.addi %rem3A_428, %add3A_441 : vector<16xi32>
      %select_n3A_443 = arith.select %and3A_440, %add3A_442, %rem3A_428 : vector<16xi1>, vector<16xi32>
      %jit3A_444 = arith.constant 128 : i32
      %div3A_445 = vector.broadcast %jit3A_444 : i32 to vector<16xi32>
      %div3A_446 = arith.divsi %add3A_384, %div3A_445 : vector<16xi32>
      %sign3A_447 = arith.constant 0 : i32
      %sign3A_448 = vector.broadcast %sign3A_447 : i32 to vector<16xi32>
      %sign3A_449 = arith.cmpi sgt, %add3A_384, %sign3A_448 : vector<16xi32>
      %sign3A_450 = arith.extui %sign3A_449 : vector<16xi1> to vector<16xi32>
      %sign3A_451 = arith.constant 0 : i32
      %sign3A_452 = vector.broadcast %sign3A_451 : i32 to vector<16xi32>
      %sign3A_453 = arith.cmpi slt, %add3A_384, %sign3A_452 : vector<16xi32>
      %sign3A_454 = arith.extui %sign3A_453 : vector<16xi1> to vector<16xi32>
      %sign3A_455 = arith.subi %sign3A_450, %sign3A_454 : vector<16xi32>
      %sign3A_456 = arith.constant 0 : i32
      %sign3A_457 = arith.cmpi sgt, %jit3A_444, %sign3A_456 : i32
      %sign3A_458 = arith.extui %sign3A_457 : i1 to i32
      %sign3A_459 = arith.constant 0 : i32
      %sign3A_460 = arith.cmpi slt, %jit3A_444, %sign3A_459 : i32
      %sign3A_461 = arith.extui %sign3A_460 : i1 to i32
      %sign3A_462 = arith.subi %sign3A_458, %sign3A_461 : i32
      %ne3A_463 = vector.broadcast %sign3A_462 : i32 to vector<16xi32>
      %ne3A_464 = arith.cmpi ne, %sign3A_455, %ne3A_463 : vector<16xi32>
      %rem3A_465 = vector.broadcast %jit3A_444 : i32 to vector<16xi32>
      %rem3A_466 = arith.remsi %add3A_384, %rem3A_465 : vector<16xi32>
      %ne3A_467 = arith.constant 0 : i32
      %ne3A_468 = vector.broadcast %ne3A_467 : i32 to vector<16xi32>
      %ne3A_469 = arith.cmpi ne, %rem3A_466, %ne3A_468 : vector<16xi32>
      %and3A_470 = arith.andi %ne3A_464, %ne3A_469 : vector<16xi1>
      %sub3A_471 = arith.constant 1 : i32
      %sub3A_472 = vector.broadcast %sub3A_471 : i32 to vector<16xi32>
      %sub3A_473 = arith.subi %div3A_446, %sub3A_472 : vector<16xi32>
      %select_n3A_474 = arith.select %and3A_470, %sub3A_473, %div3A_446 : vector<16xi1>, vector<16xi32>
      tpu.vector_store_idx %arg7[%select_n3A_421, %select_n3A_443], %select_n3A_474 : memref<3x128xi32, #tpu.memory_space<vmem>>[vector<16xi32>, vector<16xi32>], vector<16xi32>,
      %add3A_475 = arith.constant 2 : i32
      %add3A_476 = vector.broadcast %add3A_475 : i32 to vector<16xi32>
      %add3A_477 = arith.addi %mul3A_284, %add3A_476 : vector<16xi32>
      %mul3A_478 = arith.constant 3 : i32
      %mul3A_479 = vector.broadcast %mul3A_478 : i32 to vector<16xi32>
      %mul3A_480 = arith.muli %add3A_288, %mul3A_479 : vector<16xi32>
      %add3A_481 = arith.constant 2 : i32
      %add3A_482 = vector.broadcast %add3A_481 : i32 to vector<16xi32>
      %add3A_483 = arith.addi %mul3A_480, %add3A_482 : vector<16xi32>
      tpu.vector_store_idx %arg6[%add3A_483], %add3A_477 : memref<384xi32, #tpu.memory_space<vmem>>[vector<16xi32>], vector<16xi32>,
      %jit3A_484 = arith.constant 128 : i32
      %div3A_485 = vector.broadcast %jit3A_484 : i32 to vector<16xi32>
      %div3A_486 = arith.divsi %add3A_483, %div3A_485 : vector<16xi32>
      %sign3A_487 = arith.constant 0 : i32
      %sign3A_488 = vector.broadcast %sign3A_487 : i32 to vector<16xi32>
      %sign3A_489 = arith.cmpi sgt, %add3A_483, %sign3A_488 : vector<16xi32>
      %sign3A_490 = arith.extui %sign3A_489 : vector<16xi1> to vector<16xi32>
      %sign3A_491 = arith.constant 0 : i32
      %sign3A_492 = vector.broadcast %sign3A_491 : i32 to vector<16xi32>
      %sign3A_493 = arith.cmpi slt, %add3A_483, %sign3A_492 : vector<16xi32>
      %sign3A_494 = arith.extui %sign3A_493 : vector<16xi1> to vector<16xi32>
      %sign3A_495 = arith.subi %sign3A_490, %sign3A_494 : vector<16xi32>
      %sign3A_496 = arith.constant 0 : i32
      %sign3A_497 = arith.cmpi sgt, %jit3A_484, %sign3A_496 : i32
      %sign3A_498 = arith.extui %sign3A_497 : i1 to i32
      %sign3A_499 = arith.constant 0 : i32
      %sign3A_500 = arith.cmpi slt, %jit3A_484, %sign3A_499 : i32
      %sign3A_501 = arith.extui %sign3A_500 : i1 to i32
      %sign3A_502 = arith.subi %sign3A_498, %sign3A_501 : i32
      %ne3A_503 = vector.broadcast %sign3A_502 : i32 to vector<16xi32>
      %ne3A_504 = arith.cmpi ne, %sign3A_495, %ne3A_503 : vector<16xi32>
      %rem3A_505 = vector.broadcast %jit3A_484 : i32 to vector<16xi32>
      %rem3A_506 = arith.remsi %add3A_483, %rem3A_505 : vector<16xi32>
      %ne3A_507 = arith.constant 0 : i32
      %ne3A_508 = vector.broadcast %ne3A_507 : i32 to vector<16xi32>
      %ne3A_509 = arith.cmpi ne, %rem3A_506, %ne3A_508 : vector<16xi32>
      %and3A_510 = arith.andi %ne3A_504, %ne3A_509 : vector<16xi1>
      %sub3A_511 = arith.constant 1 : i32
      %sub3A_512 = vector.broadcast %sub3A_511 : i32 to vector<16xi32>
      %sub3A_513 = arith.subi %div3A_486, %sub3A_512 : vector<16xi32>
      %select_n3A_514 = arith.select %and3A_510, %sub3A_513, %div3A_486 : vector<16xi1>, vector<16xi32>
      %jit3A_515 = arith.constant 128 : i32
      %eq3A_516 = arith.constant 0 : i32
      %eq3A_517 = arith.cmpi eq, %jit3A_515, %eq3A_516 : i32
      %jit3A_518 = arith.constant 1 : i32
      %select_n3A_519 = arith.select %eq3A_517, %jit3A_518, %jit3A_515 : i32
      %rem3A_520 = vector.broadcast %select_n3A_519 : i32 to vector<16xi32>
      %rem3A_521 = arith.remsi %add3A_483, %rem3A_520 : vector<16xi32>
      %ne3A_522 = arith.constant 0 : i32
      %ne3A_523 = vector.broadcast %ne3A_522 : i32 to vector<16xi32>
      %ne3A_524 = arith.cmpi ne, %rem3A_521, %ne3A_523 : vector<16xi32>
      %lt3A_525 = arith.constant 0 : i32
      %lt3A_526 = vector.broadcast %lt3A_525 : i32 to vector<16xi32>
      %lt3A_527 = arith.cmpi slt, %rem3A_521, %lt3A_526 : vector<16xi32>
      %lt3A_528 = arith.constant 0 : i32
      %lt3A_529 = arith.cmpi slt, %select_n3A_519, %lt3A_528 : i32
      %ne3A_530 = vector.broadcast %lt3A_529 : i1 to vector<16xi1>
      %ne3A_531 = vector.broadcast %ne3A_530 : vector<16xi1> to vector<16xi1>
      %ne3A_532 = arith.xori %lt3A_527, %ne3A_531 : vector<16xi1>
      %and3A_533 = arith.andi %ne3A_532, %ne3A_524 : vector<16xi1>
      %add3A_534 = vector.broadcast %select_n3A_519 : i32 to vector<16xi32>
      %add3A_535 = arith.addi %rem3A_521, %add3A_534 : vector<16xi32>
      %select_n3A_536 = arith.select %and3A_533, %add3A_535, %rem3A_521 : vector<16xi1>, vector<16xi32>
      %jit3A_537 = arith.constant 128 : i32
      %div3A_538 = vector.broadcast %jit3A_537 : i32 to vector<16xi32>
      %div3A_539 = arith.divsi %add3A_477, %div3A_538 : vector<16xi32>
      %sign3A_540 = arith.constant 0 : i32
      %sign3A_541 = vector.broadcast %sign3A_540 : i32 to vector<16xi32>
      %sign3A_542 = arith.cmpi sgt, %add3A_477, %sign3A_541 : vector<16xi32>
      %sign3A_543 = arith.extui %sign3A_542 : vector<16xi1> to vector<16xi32>
      %sign3A_544 = arith.constant 0 : i32
      %sign3A_545 = vector.broadcast %sign3A_544 : i32 to vector<16xi32>
      %sign3A_546 = arith.cmpi slt, %add3A_477, %sign3A_545 : vector<16xi32>
      %sign3A_547 = arith.extui %sign3A_546 : vector<16xi1> to vector<16xi32>
      %sign3A_548 = arith.subi %sign3A_543, %sign3A_547 : vector<16xi32>
      %sign3A_549 = arith.constant 0 : i32
      %sign3A_550 = arith.cmpi sgt, %jit3A_537, %sign3A_549 : i32
      %sign3A_551 = arith.extui %sign3A_550 : i1 to i32
      %sign3A_552 = arith.constant 0 : i32
      %sign3A_553 = arith.cmpi slt, %jit3A_537, %sign3A_552 : i32
      %sign3A_554 = arith.extui %sign3A_553 : i1 to i32
      %sign3A_555 = arith.subi %sign3A_551, %sign3A_554 : i32
      %ne3A_556 = vector.broadcast %sign3A_555 : i32 to vector<16xi32>
      %ne3A_557 = arith.cmpi ne, %sign3A_548, %ne3A_556 : vector<16xi32>
      %rem3A_558 = vector.broadcast %jit3A_537 : i32 to vector<16xi32>
      %rem3A_559 = arith.remsi %add3A_477, %rem3A_558 : vector<16xi32>
      %ne3A_560 = arith.constant 0 : i32
      %ne3A_561 = vector.broadcast %ne3A_560 : i32 to vector<16xi32>
      %ne3A_562 = arith.cmpi ne, %rem3A_559, %ne3A_561 : vector<16xi32>
      %and3A_563 = arith.andi %ne3A_557, %ne3A_562 : vector<16xi1>
      %sub3A_564 = arith.constant 1 : i32
      %sub3A_565 = vector.broadcast %sub3A_564 : i32 to vector<16xi32>
      %sub3A_566 = arith.subi %div3A_539, %sub3A_565 : vector<16xi32>
      %select_n3A_567 = arith.select %and3A_563, %sub3A_566, %div3A_539 : vector<16xi1>, vector<16xi32>
      tpu.vector_store_idx %arg7[%select_n3A_514, %select_n3A_536], %select_n3A_567 : memref<3x128xi32, #tpu.memory_space<vmem>>[vector<16xi32>, vector<16xi32>], vector<16xi32>,
      %get3A_568 = arith.constant 32 : index
      %get3A_569 = tpu.vector_load %arg5[%get3A_568] {strides = array<i32>} : memref<128xi32, #tpu.memory_space<vmem>>, vector<16xi32>,
      %mul3A_570 = arith.constant 3 : i32
      %mul3A_571 = vector.broadcast %mul3A_570 : i32 to vector<16xi32>
      %mul3A_572 = arith.muli %get3A_569, %mul3A_571 : vector<16xi32>
      %iota3A_573 = tpu.iota {dimensions = array<i32: 0>} : vector<16xi32>
      %add3A_574 = arith.constant 32 : i32
      %add3A_575 = vector.broadcast %add3A_574 : i32 to vector<16xi32>
      %add3A_576 = arith.addi %iota3A_573, %add3A_575 : vector<16xi32>
      %add3A_577 = arith.constant 0 : i32
      %add3A_578 = vector.broadcast %add3A_577 : i32 to vector<16xi32>
      %add3A_579 = arith.addi %mul3A_572, %add3A_578 : vector<16xi32>
      %mul3A_580 = arith.constant 3 : i32
      %mul3A_581 = vector.broadcast %mul3A_580 : i32 to vector<16xi32>
      %mul3A_582 = arith.muli %add3A_576, %mul3A_581 : vector<16xi32>
      %add3A_583 = arith.constant 0 : i32
      %add3A_584 = vector.broadcast %add3A_583 : i32 to vector<16xi32>
      %add3A_585 = arith.addi %mul3A_582, %add3A_584 : vector<16xi32>
      tpu.vector_store_idx %arg6[%add3A_585], %add3A_579 : memref<384xi32, #tpu.memory_space<vmem>>[vector<16xi32>], vector<16xi32>,
      %jit3A_586 = arith.constant 128 : i32
      %div3A_587 = vector.broadcast %jit3A_586 : i32 to vector<16xi32>
      %div3A_588 = arith.divsi %add3A_585, %div3A_587 : vector<16xi32>
      %sign3A_589 = arith.constant 0 : i32
      %sign3A_590 = vector.broadcast %sign3A_589 : i32 to vector<16xi32>
      %sign3A_591 = arith.cmpi sgt, %add3A_585, %sign3A_590 : vector<16xi32>
      %sign3A_592 = arith.extui %sign3A_591 : vector<16xi1> to vector<16xi32>
      %sign3A_593 = arith.constant 0 : i32
      %sign3A_594 = vector.broadcast %sign3A_593 : i32 to vector<16xi32>
      %sign3A_595 = arith.cmpi slt, %add3A_585, %sign3A_594 : vector<16xi32>
      %sign3A_596 = arith.extui %sign3A_595 : vector<16xi1> to vector<16xi32>
      %sign3A_597 = arith.subi %sign3A_592, %sign3A_596 : vector<16xi32>
      %sign3A_598 = arith.constant 0 : i32
      %sign3A_599 = arith.cmpi sgt, %jit3A_586, %sign3A_598 : i32
      %sign3A_600 = arith.extui %sign3A_599 : i1 to i32
      %sign3A_601 = arith.constant 0 : i32
      %sign3A_602 = arith.cmpi slt, %jit3A_586, %sign3A_601 : i32
      %sign3A_603 = arith.extui %sign3A_602 : i1 to i32
      %sign3A_604 = arith.subi %sign3A_600, %sign3A_603 : i32
      %ne3A_605 = vector.broadcast %sign3A_604 : i32 to vector<16xi32>
      %ne3A_606 = arith.cmpi ne, %sign3A_597, %ne3A_605 : vector<16xi32>
      %rem3A_607 = vector.broadcast %jit3A_586 : i32 to vector<16xi32>
      %rem3A_608 = arith.remsi %add3A_585, %rem3A_607 : vector<16xi32>
      %ne3A_609 = arith.constant 0 : i32
      %ne3A_610 = vector.broadcast %ne3A_609 : i32 to vector<16xi32>
      %ne3A_611 = arith.cmpi ne, %rem3A_608, %ne3A_610 : vector<16xi32>
      %and3A_612 = arith.andi %ne3A_606, %ne3A_611 : vector<16xi1>
      %sub3A_613 = arith.constant 1 : i32
      %sub3A_614 = vector.broadcast %sub3A_613 : i32 to vector<16xi32>
      %sub3A_615 = arith.subi %div3A_588, %sub3A_614 : vector<16xi32>
      %select_n3A_616 = arith.select %and3A_612, %sub3A_615, %div3A_588 : vector<16xi1>, vector<16xi32>
      %jit3A_617 = arith.constant 128 : i32
      %eq3A_618 = arith.constant 0 : i32
      %eq3A_619 = arith.cmpi eq, %jit3A_617, %eq3A_618 : i32
      %jit3A_620 = arith.constant 1 : i32
      %select_n3A_621 = arith.select %eq3A_619, %jit3A_620, %jit3A_617 : i32
      %rem3A_622 = vector.broadcast %select_n3A_621 : i32 to vector<16xi32>
      %rem3A_623 = arith.remsi %add3A_585, %rem3A_622 : vector<16xi32>
      %ne3A_624 = arith.constant 0 : i32
      %ne3A_625 = vector.broadcast %ne3A_624 : i32 to vector<16xi32>
      %ne3A_626 = arith.cmpi ne, %rem3A_623, %ne3A_625 : vector<16xi32>
      %lt3A_627 = arith.constant 0 : i32
      %lt3A_628 = vector.broadcast %lt3A_627 : i32 to vector<16xi32>
      %lt3A_629 = arith.cmpi slt, %rem3A_623, %lt3A_628 : vector<16xi32>
      %lt3A_630 = arith.constant 0 : i32
      %lt3A_631 = arith.cmpi slt, %select_n3A_621, %lt3A_630 : i32
      %ne3A_632 = vector.broadcast %lt3A_631 : i1 to vector<16xi1>
      %ne3A_633 = vector.broadcast %ne3A_632 : vector<16xi1> to vector<16xi1>
      %ne3A_634 = arith.xori %lt3A_629, %ne3A_633 : vector<16xi1>
      %and3A_635 = arith.andi %ne3A_634, %ne3A_626 : vector<16xi1>
      %add3A_636 = vector.broadcast %select_n3A_621 : i32 to vector<16xi32>
      %add3A_637 = arith.addi %rem3A_623, %add3A_636 : vector<16xi32>
      %select_n3A_638 = arith.select %and3A_635, %add3A_637, %rem3A_623 : vector<16xi1>, vector<16xi32>
      %jit3A_639 = arith.constant 128 : i32
      %div3A_640 = vector.broadcast %jit3A_639 : i32 to vector<16xi32>
      %div3A_641 = arith.divsi %add3A_579, %div3A_640 : vector<16xi32>
      %sign3A_642 = arith.constant 0 : i32
      %sign3A_643 = vector.broadcast %sign3A_642 : i32 to vector<16xi32>
      %sign3A_644 = arith.cmpi sgt, %add3A_579, %sign3A_643 : vector<16xi32>
      %sign3A_645 = arith.extui %sign3A_644 : vector<16xi1> to vector<16xi32>
      %sign3A_646 = arith.constant 0 : i32
      %sign3A_647 = vector.broadcast %sign3A_646 : i32 to vector<16xi32>
      %sign3A_648 = arith.cmpi slt, %add3A_579, %sign3A_647 : vector<16xi32>
      %sign3A_649 = arith.extui %sign3A_648 : vector<16xi1> to vector<16xi32>
      %sign3A_650 = arith.subi %sign3A_645, %sign3A_649 : vector<16xi32>
      %sign3A_651 = arith.constant 0 : i32
      %sign3A_652 = arith.cmpi sgt, %jit3A_639, %sign3A_651 : i32
      %sign3A_653 = arith.extui %sign3A_652 : i1 to i32
      %sign3A_654 = arith.constant 0 : i32
      %sign3A_655 = arith.cmpi slt, %jit3A_639, %sign3A_654 : i32
      %sign3A_656 = arith.extui %sign3A_655 : i1 to i32
      %sign3A_657 = arith.subi %sign3A_653, %sign3A_656 : i32
      %ne3A_658 = vector.broadcast %sign3A_657 : i32 to vector<16xi32>
      %ne3A_659 = arith.cmpi ne, %sign3A_650, %ne3A_658 : vector<16xi32>
      %rem3A_660 = vector.broadcast %jit3A_639 : i32 to vector<16xi32>
      %rem3A_661 = arith.remsi %add3A_579, %rem3A_660 : vector<16xi32>
      %ne3A_662 = arith.constant 0 : i32
      %ne3A_663 = vector.broadcast %ne3A_662 : i32 to vector<16xi32>
      %ne3A_664 = arith.cmpi ne, %rem3A_661, %ne3A_663 : vector<16xi32>
      %and3A_665 = arith.andi %ne3A_659, %ne3A_664 : vector<16xi1>
      %sub3A_666 = arith.constant 1 : i32
      %sub3A_667 = vector.broadcast %sub3A_666 : i32 to vector<16xi32>
      %sub3A_668 = arith.subi %div3A_641, %sub3A_667 : vector<16xi32>
      %select_n3A_669 = arith.select %and3A_665, %sub3A_668, %div3A_641 : vector<16xi1>, vector<16xi32>
      tpu.vector_store_idx %arg7[%select_n3A_616, %select_n3A_638], %select_n3A_669 : memref<3x128xi32, #tpu.memory_space<vmem>>[vector<16xi32>, vector<16xi32>], vector<16xi32>,
      %add3A_670 = arith.constant 1 : i32
      %add3A_671 = vector.broadcast %add3A_670 : i32 to vector<16xi32>
      %add3A_672 = arith.addi %mul3A_572, %add3A_671 : vector<16xi32>
      %mul3A_673 = arith.constant 3 : i32
      %mul3A_674 = vector.broadcast %mul3A_673 : i32 to vector<16xi32>
      %mul3A_675 = arith.muli %add3A_576, %mul3A_674 : vector<16xi32>
      %add3A_676 = arith.constant 1 : i32
      %add3A_677 = vector.broadcast %add3A_676 : i32 to vector<16xi32>
      %add3A_678 = arith.addi %mul3A_675, %add3A_677 : vector<16xi32>
      tpu.vector_store_idx %arg6[%add3A_678], %add3A_672 : memref<384xi32, #tpu.memory_space<vmem>>[vector<16xi32>], vector<16xi32>,
      %jit3A_679 = arith.constant 128 : i32
      %div3A_680 = vector.broadcast %jit3A_679 : i32 to vector<16xi32>
      %div3A_681 = arith.divsi %add3A_678, %div3A_680 : vector<16xi32>
      %sign3A_682 = arith.constant 0 : i32
      %sign3A_683 = vector.broadcast %sign3A_682 : i32 to vector<16xi32>
      %sign3A_684 = arith.cmpi sgt, %add3A_678, %sign3A_683 : vector<16xi32>
      %sign3A_685 = arith.extui %sign3A_684 : vector<16xi1> to vector<16xi32>
      %sign3A_686 = arith.constant 0 : i32
      %sign3A_687 = vector.broadcast %sign3A_686 : i32 to vector<16xi32>
      %sign3A_688 = arith.cmpi slt, %add3A_678, %sign3A_687 : vector<16xi32>
      %sign3A_689 = arith.extui %sign3A_688 : vector<16xi1> to vector<16xi32>
      %sign3A_690 = arith.subi %sign3A_685, %sign3A_689 : vector<16xi32>
      %sign3A_691 = arith.constant 0 : i32
      %sign3A_692 = arith.cmpi sgt, %jit3A_679, %sign3A_691 : i32
      %sign3A_693 = arith.extui %sign3A_692 : i1 to i32
      %sign3A_694 = arith.constant 0 : i32
      %sign3A_695 = arith.cmpi slt, %jit3A_679, %sign3A_694 : i32
      %sign3A_696 = arith.extui %sign3A_695 : i1 to i32
      %sign3A_697 = arith.subi %sign3A_693, %sign3A_696 : i32
      %ne3A_698 = vector.broadcast %sign3A_697 : i32 to vector<16xi32>
      %ne3A_699 = arith.cmpi ne, %sign3A_690, %ne3A_698 : vector<16xi32>
      %rem3A_700 = vector.broadcast %jit3A_679 : i32 to vector<16xi32>
      %rem3A_701 = arith.remsi %add3A_678, %rem3A_700 : vector<16xi32>
      %ne3A_702 = arith.constant 0 : i32
      %ne3A_703 = vector.broadcast %ne3A_702 : i32 to vector<16xi32>
      %ne3A_704 = arith.cmpi ne, %rem3A_701, %ne3A_703 : vector<16xi32>
      %and3A_705 = arith.andi %ne3A_699, %ne3A_704 : vector<16xi1>
      %sub3A_706 = arith.constant 1 : i32
      %sub3A_707 = vector.broadcast %sub3A_706 : i32 to vector<16xi32>
      %sub3A_708 = arith.subi %div3A_681, %sub3A_707 : vector<16xi32>
      %select_n3A_709 = arith.select %and3A_705, %sub3A_708, %div3A_681 : vector<16xi1>, vector<16xi32>
      %jit3A_710 = arith.constant 128 : i32
      %eq3A_711 = arith.constant 0 : i32
      %eq3A_712 = arith.cmpi eq, %jit3A_710, %eq3A_711 : i32
      %jit3A_713 = arith.constant 1 : i32
      %select_n3A_714 = arith.select %eq3A_712, %jit3A_713, %jit3A_710 : i32
      %rem3A_715 = vector.broadcast %select_n3A_714 : i32 to vector<16xi32>
      %rem3A_716 = arith.remsi %add3A_678, %rem3A_715 : vector<16xi32>
      %ne3A_717 = arith.constant 0 : i32
      %ne3A_718 = vector.broadcast %ne3A_717 : i32 to vector<16xi32>
      %ne3A_719 = arith.cmpi ne, %rem3A_716, %ne3A_718 : vector<16xi32>
      %lt3A_720 = arith.constant 0 : i32
      %lt3A_721 = vector.broadcast %lt3A_720 : i32 to vector<16xi32>
      %lt3A_722 = arith.cmpi slt, %rem3A_716, %lt3A_721 : vector<16xi32>
      %lt3A_723 = arith.constant 0 : i32
      %lt3A_724 = arith.cmpi slt, %select_n3A_714, %lt3A_723 : i32
      %ne3A_725 = vector.broadcast %lt3A_724 : i1 to vector<16xi1>
      %ne3A_726 = vector.broadcast %ne3A_725 : vector<16xi1> to vector<16xi1>
      %ne3A_727 = arith.xori %lt3A_722, %ne3A_726 : vector<16xi1>
      %and3A_728 = arith.andi %ne3A_727, %ne3A_719 : vector<16xi1>
      %add3A_729 = vector.broadcast %select_n3A_714 : i32 to vector<16xi32>
      %add3A_730 = arith.addi %rem3A_716, %add3A_729 : vector<16xi32>
      %select_n3A_731 = arith.select %and3A_728, %add3A_730, %rem3A_716 : vector<16xi1>, vector<16xi32>
      %jit3A_732 = arith.constant 128 : i32
      %div3A_733 = vector.broadcast %jit3A_732 : i32 to vector<16xi32>
      %div3A_734 = arith.divsi %add3A_672, %div3A_733 : vector<16xi32>
      %sign3A_735 = arith.constant 0 : i32
      %sign3A_736 = vector.broadcast %sign3A_735 : i32 to vector<16xi32>
      %sign3A_737 = arith.cmpi sgt, %add3A_672, %sign3A_736 : vector<16xi32>
      %sign3A_738 = arith.extui %sign3A_737 : vector<16xi1> to vector<16xi32>
      %sign3A_739 = arith.constant 0 : i32
      %sign3A_740 = vector.broadcast %sign3A_739 : i32 to vector<16xi32>
      %sign3A_741 = arith.cmpi slt, %add3A_672, %sign3A_740 : vector<16xi32>
      %sign3A_742 = arith.extui %sign3A_741 : vector<16xi1> to vector<16xi32>
      %sign3A_743 = arith.subi %sign3A_738, %sign3A_742 : vector<16xi32>
      %sign3A_744 = arith.constant 0 : i32
      %sign3A_745 = arith.cmpi sgt, %jit3A_732, %sign3A_744 : i32
      %sign3A_746 = arith.extui %sign3A_745 : i1 to i32
      %sign3A_747 = arith.constant 0 : i32
      %sign3A_748 = arith.cmpi slt, %jit3A_732, %sign3A_747 : i32
      %sign3A_749 = arith.extui %sign3A_748 : i1 to i32
      %sign3A_750 = arith.subi %sign3A_746, %sign3A_749 : i32
      %ne3A_751 = vector.broadcast %sign3A_750 : i32 to vector<16xi32>
      %ne3A_752 = arith.cmpi ne, %sign3A_743, %ne3A_751 : vector<16xi32>
      %rem3A_753 = vector.broadcast %jit3A_732 : i32 to vector<16xi32>
      %rem3A_754 = arith.remsi %add3A_672, %rem3A_753 : vector<16xi32>
      %ne3A_755 = arith.constant 0 : i32
      %ne3A_756 = vector.broadcast %ne3A_755 : i32 to vector<16xi32>
      %ne3A_757 = arith.cmpi ne, %rem3A_754, %ne3A_756 : vector<16xi32>
      %and3A_758 = arith.andi %ne3A_752, %ne3A_757 : vector<16xi1>
      %sub3A_759 = arith.constant 1 : i32
      %sub3A_760 = vector.broadcast %sub3A_759 : i32 to vector<16xi32>
      %sub3A_761 = arith.subi %div3A_734, %sub3A_760 : vector<16xi32>
      %select_n3A_762 = arith.select %and3A_758, %sub3A_761, %div3A_734 : vector<16xi1>, vector<16xi32>
      tpu.vector_store_idx %arg7[%select_n3A_709, %select_n3A_731], %select_n3A_762 : memref<3x128xi32, #tpu.memory_space<vmem>>[vector<16xi32>, vector<16xi32>], vector<16xi32>,
      %add3A_763 = arith.constant 2 : i32
      %add3A_764 = vector.broadcast %add3A_763 : i32 to vector<16xi32>
      %add3A_765 = arith.addi %mul3A_572, %add3A_764 : vector<16xi32>
      %mul3A_766 = arith.constant 3 : i32
      %mul3A_767 = vector.broadcast %mul3A_766 : i32 to vector<16xi32>
      %mul3A_768 = arith.muli %add3A_576, %mul3A_767 : vector<16xi32>
      %add3A_769 = arith.constant 2 : i32
      %add3A_770 = vector.broadcast %add3A_769 : i32 to vector<16xi32>
      %add3A_771 = arith.addi %mul3A_768, %add3A_770 : vector<16xi32>
      tpu.vector_store_idx %arg6[%add3A_771], %add3A_765 : memref<384xi32, #tpu.memory_space<vmem>>[vector<16xi32>], vector<16xi32>,
      %jit3A_772 = arith.constant 128 : i32
      %div3A_773 = vector.broadcast %jit3A_772 : i32 to vector<16xi32>
      %div3A_774 = arith.divsi %add3A_771, %div3A_773 : vector<16xi32>
      %sign3A_775 = arith.constant 0 : i32
      %sign3A_776 = vector.broadcast %sign3A_775 : i32 to vector<16xi32>
      %sign3A_777 = arith.cmpi sgt, %add3A_771, %sign3A_776 : vector<16xi32>
      %sign3A_778 = arith.extui %sign3A_777 : vector<16xi1> to vector<16xi32>
      %sign3A_779 = arith.constant 0 : i32
      %sign3A_780 = vector.broadcast %sign3A_779 : i32 to vector<16xi32>
      %sign3A_781 = arith.cmpi slt, %add3A_771, %sign3A_780 : vector<16xi32>
      %sign3A_782 = arith.extui %sign3A_781 : vector<16xi1> to vector<16xi32>
      %sign3A_783 = arith.subi %sign3A_778, %sign3A_782 : vector<16xi32>
      %sign3A_784 = arith.constant 0 : i32
      %sign3A_785 = arith.cmpi sgt, %jit3A_772, %sign3A_784 : i32
      %sign3A_786 = arith.extui %sign3A_785 : i1 to i32
      %sign3A_787 = arith.constant 0 : i32
      %sign3A_788 = arith.cmpi slt, %jit3A_772, %sign3A_787 : i32
      %sign3A_789 = arith.extui %sign3A_788 : i1 to i32
      %sign3A_790 = arith.subi %sign3A_786, %sign3A_789 : i32
      %ne3A_791 = vector.broadcast %sign3A_790 : i32 to vector<16xi32>
      %ne3A_792 = arith.cmpi ne, %sign3A_783, %ne3A_791 : vector<16xi32>
      %rem3A_793 = vector.broadcast %jit3A_772 : i32 to vector<16xi32>
      %rem3A_794 = arith.remsi %add3A_771, %rem3A_793 : vector<16xi32>
      %ne3A_795 = arith.constant 0 : i32
      %ne3A_796 = vector.broadcast %ne3A_795 : i32 to vector<16xi32>
      %ne3A_797 = arith.cmpi ne, %rem3A_794, %ne3A_796 : vector<16xi32>
      %and3A_798 = arith.andi %ne3A_792, %ne3A_797 : vector<16xi1>
      %sub3A_799 = arith.constant 1 : i32
      %sub3A_800 = vector.broadcast %sub3A_799 : i32 to vector<16xi32>
      %sub3A_801 = arith.subi %div3A_774, %sub3A_800 : vector<16xi32>
      %select_n3A_802 = arith.select %and3A_798, %sub3A_801, %div3A_774 : vector<16xi1>, vector<16xi32>
      %jit3A_803 = arith.constant 128 : i32
      %eq3A_804 = arith.constant 0 : i32
      %eq3A_805 = arith.cmpi eq, %jit3A_803, %eq3A_804 : i32
      %jit3A_806 = arith.constant 1 : i32
      %select_n3A_807 = arith.select %eq3A_805, %jit3A_806, %jit3A_803 : i32
      %rem3A_808 = vector.broadcast %select_n3A_807 : i32 to vector<16xi32>
      %rem3A_809 = arith.remsi %add3A_771, %rem3A_808 : vector<16xi32>
      %ne3A_810 = arith.constant 0 : i32
      %ne3A_811 = vector.broadcast %ne3A_810 : i32 to vector<16xi32>
      %ne3A_812 = arith.cmpi ne, %rem3A_809, %ne3A_811 : vector<16xi32>
      %lt3A_813 = arith.constant 0 : i32
      %lt3A_814 = vector.broadcast %lt3A_813 : i32 to vector<16xi32>
      %lt3A_815 = arith.cmpi slt, %rem3A_809, %lt3A_814 : vector<16xi32>
      %lt3A_816 = arith.constant 0 : i32
      %lt3A_817 = arith.cmpi slt, %select_n3A_807, %lt3A_816 : i32
      %ne3A_818 = vector.broadcast %lt3A_817 : i1 to vector<16xi1>
      %ne3A_819 = vector.broadcast %ne3A_818 : vector<16xi1> to vector<16xi1>
      %ne3A_820 = arith.xori %lt3A_815, %ne3A_819 : vector<16xi1>
      %and3A_821 = arith.andi %ne3A_820, %ne3A_812 : vector<16xi1>
      %add3A_822 = vector.broadcast %select_n3A_807 : i32 to vector<16xi32>
      %add3A_823 = arith.addi %rem3A_809, %add3A_822 : vector<16xi32>
      %select_n3A_824 = arith.select %and3A_821, %add3A_823, %rem3A_809 : vector<16xi1>, vector<16xi32>
      %jit3A_825 = arith.constant 128 : i32
      %div3A_826 = vector.broadcast %jit3A_825 : i32 to vector<16xi32>
      %div3A_827 = arith.divsi %add3A_765, %div3A_826 : vector<16xi32>
      %sign3A_828 = arith.constant 0 : i32
      %sign3A_829 = vector.broadcast %sign3A_828 : i32 to vector<16xi32>
      %sign3A_830 = arith.cmpi sgt, %add3A_765, %sign3A_829 : vector<16xi32>
      %sign3A_831 = arith.extui %sign3A_830 : vector<16xi1> to vector<16xi32>
      %sign3A_832 = arith.constant 0 : i32
      %sign3A_833 = vector.broadcast %sign3A_832 : i32 to vector<16xi32>
      %sign3A_834 = arith.cmpi slt, %add3A_765, %sign3A_833 : vector<16xi32>
      %sign3A_835 = arith.extui %sign3A_834 : vector<16xi1> to vector<16xi32>
      %sign3A_836 = arith.subi %sign3A_831, %sign3A_835 : vector<16xi32>
      %sign3A_837 = arith.constant 0 : i32
      %sign3A_838 = arith.cmpi sgt, %jit3A_825, %sign3A_837 : i32
      %sign3A_839 = arith.extui %sign3A_838 : i1 to i32
      %sign3A_840 = arith.constant 0 : i32
      %sign3A_841 = arith.cmpi slt, %jit3A_825, %sign3A_840 : i32
      %sign3A_842 = arith.extui %sign3A_841 : i1 to i32
      %sign3A_843 = arith.subi %sign3A_839, %sign3A_842 : i32
      %ne3A_844 = vector.broadcast %sign3A_843 : i32 to vector<16xi32>
      %ne3A_845 = arith.cmpi ne, %sign3A_836, %ne3A_844 : vector<16xi32>
      %rem3A_846 = vector.broadcast %jit3A_825 : i32 to vector<16xi32>
      %rem3A_847 = arith.remsi %add3A_765, %rem3A_846 : vector<16xi32>
      %ne3A_848 = arith.constant 0 : i32
      %ne3A_849 = vector.broadcast %ne3A_848 : i32 to vector<16xi32>
      %ne3A_850 = arith.cmpi ne, %rem3A_847, %ne3A_849 : vector<16xi32>
      %and3A_851 = arith.andi %ne3A_845, %ne3A_850 : vector<16xi1>
      %sub3A_852 = arith.constant 1 : i32
      %sub3A_853 = vector.broadcast %sub3A_852 : i32 to vector<16xi32>
      %sub3A_854 = arith.subi %div3A_827, %sub3A_853 : vector<16xi32>
      %select_n3A_855 = arith.select %and3A_851, %sub3A_854, %div3A_827 : vector<16xi1>, vector<16xi32>
      tpu.vector_store_idx %arg7[%select_n3A_802, %select_n3A_824], %select_n3A_855 : memref<3x128xi32, #tpu.memory_space<vmem>>[vector<16xi32>, vector<16xi32>], vector<16xi32>,
      %get3A_856 = arith.constant 48 : index
      %get3A_857 = tpu.vector_load %arg5[%get3A_856] {strides = array<i32>} : memref<128xi32, #tpu.memory_space<vmem>>, vector<16xi32>,
      %mul3A_858 = arith.constant 3 : i32
      %mul3A_859 = vector.broadcast %mul3A_858 : i32 to vector<16xi32>
      %mul3A_860 = arith.muli %get3A_857, %mul3A_859 : vector<16xi32>
      %iota3A_861 = tpu.iota {dimensions = array<i32: 0>} : vector<16xi32>
      %add3A_862 = arith.constant 48 : i32
      %add3A_863 = vector.broadcast %add3A_862 : i32 to vector<16xi32>
      %add3A_864 = arith.addi %iota3A_861, %add3A_863 : vector<16xi32>
      %add3A_865 = arith.constant 0 : i32
      %add3A_866 = vector.broadcast %add3A_865 : i32 to vector<16xi32>
      %add3A_867 = arith.addi %mul3A_860, %add3A_866 : vector<16xi32>
      %mul3A_868 = arith.constant 3 : i32
      %mul3A_869 = vector.broadcast %mul3A_868 : i32 to vector<16xi32>
      %mul3A_870 = arith.muli %add3A_864, %mul3A_869 : vector<16xi32>
      %add3A_871 = arith.constant 0 : i32
      %add3A_872 = vector.broadcast %add3A_871 : i32 to vector<16xi32>
      %add3A_873 = arith.addi %mul3A_870, %add3A_872 : vector<16xi32>
      tpu.vector_store_idx %arg6[%add3A_873], %add3A_867 : memref<384xi32, #tpu.memory_space<vmem>>[vector<16xi32>], vector<16xi32>,
      %jit3A_874 = arith.constant 128 : i32
      %div3A_875 = vector.broadcast %jit3A_874 : i32 to vector<16xi32>
      %div3A_876 = arith.divsi %add3A_873, %div3A_875 : vector<16xi32>
      %sign3A_877 = arith.constant 0 : i32
      %sign3A_878 = vector.broadcast %sign3A_877 : i32 to vector<16xi32>
      %sign3A_879 = arith.cmpi sgt, %add3A_873, %sign3A_878 : vector<16xi32>
      %sign3A_880 = arith.extui %sign3A_879 : vector<16xi1> to vector<16xi32>
      %sign3A_881 = arith.constant 0 : i32
      %sign3A_882 = vector.broadcast %sign3A_881 : i32 to vector<16xi32>
      %sign3A_883 = arith.cmpi slt, %add3A_873, %sign3A_882 : vector<16xi32>
      %sign3A_884 = arith.extui %sign3A_883 : vector<16xi1> to vector<16xi32>
      %sign3A_885 = arith.subi %sign3A_880, %sign3A_884 : vector<16xi32>
      %sign3A_886 = arith.constant 0 : i32
      %sign3A_887 = arith.cmpi sgt, %jit3A_874, %sign3A_886 : i32
      %sign3A_888 = arith.extui %sign3A_887 : i1 to i32
      %sign3A_889 = arith.constant 0 : i32
      %sign3A_890 = arith.cmpi slt, %jit3A_874, %sign3A_889 : i32
      %sign3A_891 = arith.extui %sign3A_890 : i1 to i32
      %sign3A_892 = arith.subi %sign3A_888, %sign3A_891 : i32
      %ne3A_893 = vector.broadcast %sign3A_892 : i32 to vector<16xi32>
      %ne3A_894 = arith.cmpi ne, %sign3A_885, %ne3A_893 : vector<16xi32>
      %rem3A_895 = vector.broadcast %jit3A_874 : i32 to vector<16xi32>
      %rem3A_896 = arith.remsi %add3A_873, %rem3A_895 : vector<16xi32>
      %ne3A_897 = arith.constant 0 : i32
      %ne3A_898 = vector.broadcast %ne3A_897 : i32 to vector<16xi32>
      %ne3A_899 = arith.cmpi ne, %rem3A_896, %ne3A_898 : vector<16xi32>
      %and3A_900 = arith.andi %ne3A_894, %ne3A_899 : vector<16xi1>
      %sub3A_901 = arith.constant 1 : i32
      %sub3A_902 = vector.broadcast %sub3A_901 : i32 to vector<16xi32>
      %sub3A_903 = arith.subi %div3A_876, %sub3A_902 : vector<16xi32>
      %select_n3A_904 = arith.select %and3A_900, %sub3A_903, %div3A_876 : vector<16xi1>, vector<16xi32>
      %jit3A_905 = arith.constant 128 : i32
      %eq3A_906 = arith.constant 0 : i32
      %eq3A_907 = arith.cmpi eq, %jit3A_905, %eq3A_906 : i32
      %jit3A_908 = arith.constant 1 : i32
      %select_n3A_909 = arith.select %eq3A_907, %jit3A_908, %jit3A_905 : i32
      %rem3A_910 = vector.broadcast %select_n3A_909 : i32 to vector<16xi32>
      %rem3A_911 = arith.remsi %add3A_873, %rem3A_910 : vector<16xi32>
      %ne3A_912 = arith.constant 0 : i32
      %ne3A_913 = vector.broadcast %ne3A_912 : i32 to vector<16xi32>
      %ne3A_914 = arith.cmpi ne, %rem3A_911, %ne3A_913 : vector<16xi32>
      %lt3A_915 = arith.constant 0 : i32
      %lt3A_916 = vector.broadcast %lt3A_915 : i32 to vector<16xi32>
      %lt3A_917 = arith.cmpi slt, %rem3A_911, %lt3A_916 : vector<16xi32>
      %lt3A_918 = arith.constant 0 : i32
      %lt3A_919 = arith.cmpi slt, %select_n3A_909, %lt3A_918 : i32
      %ne3A_920 = vector.broadcast %lt3A_919 : i1 to vector<16xi1>
      %ne3A_921 = vector.broadcast %ne3A_920 : vector<16xi1> to vector<16xi1>
      %ne3A_922 = arith.xori %lt3A_917, %ne3A_921 : vector<16xi1>
      %and3A_923 = arith.andi %ne3A_922, %ne3A_914 : vector<16xi1>
      %add3A_924 = vector.broadcast %select_n3A_909 : i32 to vector<16xi32>
      %add3A_925 = arith.addi %rem3A_911, %add3A_924 : vector<16xi32>
      %select_n3A_926 = arith.select %and3A_923, %add3A_925, %rem3A_911 : vector<16xi1>, vector<16xi32>
      %jit3A_927 = arith.constant 128 : i32
      %div3A_928 = vector.broadcast %jit3A_927 : i32 to vector<16xi32>
      %div3A_929 = arith.divsi %add3A_867, %div3A_928 : vector<16xi32>
      %sign3A_930 = arith.constant 0 : i32
      %sign3A_931 = vector.broadcast %sign3A_930 : i32 to vector<16xi32>
      %sign3A_932 = arith.cmpi sgt, %add3A_867, %sign3A_931 : vector<16xi32>
      %sign3A_933 = arith.extui %sign3A_932 : vector<16xi1> to vector<16xi32>
      %sign3A_934 = arith.constant 0 : i32
      %sign3A_935 = vector.broadcast %sign3A_934 : i32 to vector<16xi32>
      %sign3A_936 = arith.cmpi slt, %add3A_867, %sign3A_935 : vector<16xi32>
      %sign3A_937 = arith.extui %sign3A_936 : vector<16xi1> to vector<16xi32>
      %sign3A_938 = arith.subi %sign3A_933, %sign3A_937 : vector<16xi32>
      %sign3A_939 = arith.constant 0 : i32
      %sign3A_940 = arith.cmpi sgt, %jit3A_927, %sign3A_939 : i32
      %sign3A_941 = arith.extui %sign3A_940 : i1 to i32
      %sign3A_942 = arith.constant 0 : i32
      %sign3A_943 = arith.cmpi slt, %jit3A_927, %sign3A_942 : i32
      %sign3A_944 = arith.extui %sign3A_943 : i1 to i32
      %sign3A_945 = arith.subi %sign3A_941, %sign3A_944 : i32
      %ne3A_946 = vector.broadcast %sign3A_945 : i32 to vector<16xi32>
      %ne3A_947 = arith.cmpi ne, %sign3A_938, %ne3A_946 : vector<16xi32>
      %rem3A_948 = vector.broadcast %jit3A_927 : i32 to vector<16xi32>
      %rem3A_949 = arith.remsi %add3A_867, %rem3A_948 : vector<16xi32>
      %ne3A_950 = arith.constant 0 : i32
      %ne3A_951 = vector.broadcast %ne3A_950 : i32 to vector<16xi32>
      %ne3A_952 = arith.cmpi ne, %rem3A_949, %ne3A_951 : vector<16xi32>
      %and3A_953 = arith.andi %ne3A_947, %ne3A_952 : vector<16xi1>
      %sub3A_954 = arith.constant 1 : i32
      %sub3A_955 = vector.broadcast %sub3A_954 : i32 to vector<16xi32>
      %sub3A_956 = arith.subi %div3A_929, %sub3A_955 : vector<16xi32>
      %select_n3A_957 = arith.select %and3A_953, %sub3A_956, %div3A_929 : vector<16xi1>, vector<16xi32>
      tpu.vector_store_idx %arg7[%select_n3A_904, %select_n3A_926], %select_n3A_957 : memref<3x128xi32, #tpu.memory_space<vmem>>[vector<16xi32>, vector<16xi32>], vector<16xi32>,
      %add3A_958 = arith.constant 1 : i32
      %add3A_959 = vector.broadcast %add3A_958 : i32 to vector<16xi32>
      %add3A_960 = arith.addi %mul3A_860, %add3A_959 : vector<16xi32>
      %mul3A_961 = arith.constant 3 : i32
      %mul3A_962 = vector.broadcast %mul3A_961 : i32 to vector<16xi32>
      %mul3A_963 = arith.muli %add3A_864, %mul3A_962 : vector<16xi32>
      %add3A_964 = arith.constant 1 : i32
      %add3A_965 = vector.broadcast %add3A_964 : i32 to vector<16xi32>
      %add3A_966 = arith.addi %mul3A_963, %add3A_965 : vector<16xi32>
      tpu.vector_store_idx %arg6[%add3A_966], %add3A_960 : memref<384xi32, #tpu.memory_space<vmem>>[vector<16xi32>], vector<16xi32>,
      %jit3A_967 = arith.constant 128 : i32
      %div3A_968 = vector.broadcast %jit3A_967 : i32 to vector<16xi32>
      %div3A_969 = arith.divsi %add3A_966, %div3A_968 : vector<16xi32>
      %sign3A_970 = arith.constant 0 : i32
      %sign3A_971 = vector.broadcast %sign3A_970 : i32 to vector<16xi32>
      %sign3A_972 = arith.cmpi sgt, %add3A_966, %sign3A_971 : vector<16xi32>
      %sign3A_973 = arith.extui %sign3A_972 : vector<16xi1> to vector<16xi32>
      %sign3A_974 = arith.constant 0 : i32
      %sign3A_975 = vector.broadcast %sign3A_974 : i32 to vector<16xi32>
      %sign3A_976 = arith.cmpi slt, %add3A_966, %sign3A_975 : vector<16xi32>
      %sign3A_977 = arith.extui %sign3A_976 : vector<16xi1> to vector<16xi32>
      %sign3A_978 = arith.subi %sign3A_973, %sign3A_977 : vector<16xi32>
      %sign3A_979 = arith.constant 0 : i32
      %sign3A_980 = arith.cmpi sgt, %jit3A_967, %sign3A_979 : i32
      %sign3A_981 = arith.extui %sign3A_980 : i1 to i32
      %sign3A_982 = arith.constant 0 : i32
      %sign3A_983 = arith.cmpi slt, %jit3A_967, %sign3A_982 : i32
      %sign3A_984 = arith.extui %sign3A_983 : i1 to i32
      %sign3A_985 = arith.subi %sign3A_981, %sign3A_984 : i32
      %ne3A_986 = vector.broadcast %sign3A_985 : i32 to vector<16xi32>
      %ne3A_987 = arith.cmpi ne, %sign3A_978, %ne3A_986 : vector<16xi32>
      %rem3A_988 = vector.broadcast %jit3A_967 : i32 to vector<16xi32>
      %rem3A_989 = arith.remsi %add3A_966, %rem3A_988 : vector<16xi32>
      %ne3A_990 = arith.constant 0 : i32
      %ne3A_991 = vector.broadcast %ne3A_990 : i32 to vector<16xi32>
      %ne3A_992 = arith.cmpi ne, %rem3A_989, %ne3A_991 : vector<16xi32>
      %and3A_993 = arith.andi %ne3A_987, %ne3A_992 : vector<16xi1>
      %sub3A_994 = arith.constant 1 : i32
      %sub3A_995 = vector.broadcast %sub3A_994 : i32 to vector<16xi32>
      %sub3A_996 = arith.subi %div3A_969, %sub3A_995 : vector<16xi32>
      %select_n3A_997 = arith.select %and3A_993, %sub3A_996, %div3A_969 : vector<16xi1>, vector<16xi32>
      %jit3A_998 = arith.constant 128 : i32
      %eq3A_999 = arith.constant 0 : i32
      %eq3A_1000 = arith.cmpi eq, %jit3A_998, %eq3A_999 : i32
      %jit3A_1001 = arith.constant 1 : i32
      %select_n3A_1002 = arith.select %eq3A_1000, %jit3A_1001, %jit3A_998 : i32
      %rem3A_1003 = vector.broadcast %select_n3A_1002 : i32 to vector<16xi32>
      %rem3A_1004 = arith.remsi %add3A_966, %rem3A_1003 : vector<16xi32>
      %ne3A_1005 = arith.constant 0 : i32
      %ne3A_1006 = vector.broadcast %ne3A_1005 : i32 to vector<16xi32>
      %ne3A_1007 = arith.cmpi ne, %rem3A_1004, %ne3A_1006 : vector<16xi32>
      %lt3A_1008 = arith.constant 0 : i32
      %lt3A_1009 = vector.broadcast %lt3A_1008 : i32 to vector<16xi32>
      %lt3A_1010 = arith.cmpi slt, %rem3A_1004, %lt3A_1009 : vector<16xi32>
      %lt3A_1011 = arith.constant 0 : i32
      %lt3A_1012 = arith.cmpi slt, %select_n3A_1002, %lt3A_1011 : i32
      %ne3A_1013 = vector.broadcast %lt3A_1012 : i1 to vector<16xi1>
      %ne3A_1014 = vector.broadcast %ne3A_1013 : vector<16xi1> to vector<16xi1>
      %ne3A_1015 = arith.xori %lt3A_1010, %ne3A_1014 : vector<16xi1>
      %and3A_1016 = arith.andi %ne3A_1015, %ne3A_1007 : vector<16xi1>
      %add3A_1017 = vector.broadcast %select_n3A_1002 : i32 to vector<16xi32>
      %add3A_1018 = arith.addi %rem3A_1004, %add3A_1017 : vector<16xi32>
      %select_n3A_1019 = arith.select %and3A_1016, %add3A_1018, %rem3A_1004 : vector<16xi1>, vector<16xi32>
      %jit3A_1020 = arith.constant 128 : i32
      %div3A_1021 = vector.broadcast %jit3A_1020 : i32 to vector<16xi32>
      %div3A_1022 = arith.divsi %add3A_960, %div3A_1021 : vector<16xi32>
      %sign3A_1023 = arith.constant 0 : i32
      %sign3A_1024 = vector.broadcast %sign3A_1023 : i32 to vector<16xi32>
      %sign3A_1025 = arith.cmpi sgt, %add3A_960, %sign3A_1024 : vector<16xi32>
      %sign3A_1026 = arith.extui %sign3A_1025 : vector<16xi1> to vector<16xi32>
      %sign3A_1027 = arith.constant 0 : i32
      %sign3A_1028 = vector.broadcast %sign3A_1027 : i32 to vector<16xi32>
      %sign3A_1029 = arith.cmpi slt, %add3A_960, %sign3A_1028 : vector<16xi32>
      %sign3A_1030 = arith.extui %sign3A_1029 : vector<16xi1> to vector<16xi32>
      %sign3A_1031 = arith.subi %sign3A_1026, %sign3A_1030 : vector<16xi32>
      %sign3A_1032 = arith.constant 0 : i32
      %sign3A_1033 = arith.cmpi sgt, %jit3A_1020, %sign3A_1032 : i32
      %sign3A_1034 = arith.extui %sign3A_1033 : i1 to i32
      %sign3A_1035 = arith.constant 0 : i32
      %sign3A_1036 = arith.cmpi slt, %jit3A_1020, %sign3A_1035 : i32
      %sign3A_1037 = arith.extui %sign3A_1036 : i1 to i32
      %sign3A_1038 = arith.subi %sign3A_1034, %sign3A_1037 : i32
      %ne3A_1039 = vector.broadcast %sign3A_1038 : i32 to vector<16xi32>
      %ne3A_1040 = arith.cmpi ne, %sign3A_1031, %ne3A_1039 : vector<16xi32>
      %rem3A_1041 = vector.broadcast %jit3A_1020 : i32 to vector<16xi32>
      %rem3A_1042 = arith.remsi %add3A_960, %rem3A_1041 : vector<16xi32>
      %ne3A_1043 = arith.constant 0 : i32
      %ne3A_1044 = vector.broadcast %ne3A_1043 : i32 to vector<16xi32>
      %ne3A_1045 = arith.cmpi ne, %rem3A_1042, %ne3A_1044 : vector<16xi32>
      %and3A_1046 = arith.andi %ne3A_1040, %ne3A_1045 : vector<16xi1>
      %sub3A_1047 = arith.constant 1 : i32
      %sub3A_1048 = vector.broadcast %sub3A_1047 : i32 to vector<16xi32>
      %sub3A_1049 = arith.subi %div3A_1022, %sub3A_1048 : vector<16xi32>
      %select_n3A_1050 = arith.select %and3A_1046, %sub3A_1049, %div3A_1022 : vector<16xi1>, vector<16xi32>
      tpu.vector_store_idx %arg7[%select_n3A_997, %select_n3A_1019], %select_n3A_1050 : memref<3x128xi32, #tpu.memory_space<vmem>>[vector<16xi32>, vector<16xi32>], vector<16xi32>,
      %add3A_1051 = arith.constant 2 : i32
      %add3A_1052 = vector.broadcast %add3A_1051 : i32 to vector<16xi32>
      %add3A_1053 = arith.addi %mul3A_860, %add3A_1052 : vector<16xi32>
      %mul3A_1054 = arith.constant 3 : i32
      %mul3A_1055 = vector.broadcast %mul3A_1054 : i32 to vector<16xi32>
      %mul3A_1056 = arith.muli %add3A_864, %mul3A_1055 : vector<16xi32>
      %add3A_1057 = arith.constant 2 : i32
      %add3A_1058 = vector.broadcast %add3A_1057 : i32 to vector<16xi32>
      %add3A_1059 = arith.addi %mul3A_1056, %add3A_1058 : vector<16xi32>
      tpu.vector_store_idx %arg6[%add3A_1059], %add3A_1053 : memref<384xi32, #tpu.memory_space<vmem>>[vector<16xi32>], vector<16xi32>,
      %jit3A_1060 = arith.constant 128 : i32
      %div3A_1061 = vector.broadcast %jit3A_1060 : i32 to vector<16xi32>
      %div3A_1062 = arith.divsi %add3A_1059, %div3A_1061 : vector<16xi32>
      %sign3A_1063 = arith.constant 0 : i32
      %sign3A_1064 = vector.broadcast %sign3A_1063 : i32 to vector<16xi32>
      %sign3A_1065 = arith.cmpi sgt, %add3A_1059, %sign3A_1064 : vector<16xi32>
      %sign3A_1066 = arith.extui %sign3A_1065 : vector<16xi1> to vector<16xi32>
      %sign3A_1067 = arith.constant 0 : i32
      %sign3A_1068 = vector.broadcast %sign3A_1067 : i32 to vector<16xi32>
      %sign3A_1069 = arith.cmpi slt, %add3A_1059, %sign3A_1068 : vector<16xi32>
      %sign3A_1070 = arith.extui %sign3A_1069 : vector<16xi1> to vector<16xi32>
      %sign3A_1071 = arith.subi %sign3A_1066, %sign3A_1070 : vector<16xi32>
      %sign3A_1072 = arith.constant 0 : i32
      %sign3A_1073 = arith.cmpi sgt, %jit3A_1060, %sign3A_1072 : i32
      %sign3A_1074 = arith.extui %sign3A_1073 : i1 to i32
      %sign3A_1075 = arith.constant 0 : i32
      %sign3A_1076 = arith.cmpi slt, %jit3A_1060, %sign3A_1075 : i32
      %sign3A_1077 = arith.extui %sign3A_1076 : i1 to i32
      %sign3A_1078 = arith.subi %sign3A_1074, %sign3A_1077 : i32
      %ne3A_1079 = vector.broadcast %sign3A_1078 : i32 to vector<16xi32>
      %ne3A_1080 = arith.cmpi ne, %sign3A_1071, %ne3A_1079 : vector<16xi32>
      %rem3A_1081 = vector.broadcast %jit3A_1060 : i32 to vector<16xi32>
      %rem3A_1082 = arith.remsi %add3A_1059, %rem3A_1081 : vector<16xi32>
      %ne3A_1083 = arith.constant 0 : i32
      %ne3A_1084 = vector.broadcast %ne3A_1083 : i32 to vector<16xi32>
      %ne3A_1085 = arith.cmpi ne, %rem3A_1082, %ne3A_1084 : vector<16xi32>
      %and3A_1086 = arith.andi %ne3A_1080, %ne3A_1085 : vector<16xi1>
      %sub3A_1087 = arith.constant 1 : i32
      %sub3A_1088 = vector.broadcast %sub3A_1087 : i32 to vector<16xi32>
      %sub3A_1089 = arith.subi %div3A_1062, %sub3A_1088 : vector<16xi32>
      %select_n3A_1090 = arith.select %and3A_1086, %sub3A_1089, %div3A_1062 : vector<16xi1>, vector<16xi32>
      %jit3A_1091 = arith.constant 128 : i32
      %eq3A_1092 = arith.constant 0 : i32
      %eq3A_1093 = arith.cmpi eq, %jit3A_1091, %eq3A_1092 : i32
      %jit3A_1094 = arith.constant 1 : i32
      %select_n3A_1095 = arith.select %eq3A_1093, %jit3A_1094, %jit3A_1091 : i32
      %rem3A_1096 = vector.broadcast %select_n3A_1095 : i32 to vector<16xi32>
      %rem3A_1097 = arith.remsi %add3A_1059, %rem3A_1096 : vector<16xi32>
      %ne3A_1098 = arith.constant 0 : i32
      %ne3A_1099 = vector.broadcast %ne3A_1098 : i32 to vector<16xi32>
      %ne3A_1100 = arith.cmpi ne, %rem3A_1097, %ne3A_1099 : vector<16xi32>
      %lt3A_1101 = arith.constant 0 : i32
      %lt3A_1102 = vector.broadcast %lt3A_1101 : i32 to vector<16xi32>
      %lt3A_1103 = arith.cmpi slt, %rem3A_1097, %lt3A_1102 : vector<16xi32>
      %lt3A_1104 = arith.constant 0 : i32
      %lt3A_1105 = arith.cmpi slt, %select_n3A_1095, %lt3A_1104 : i32
      %ne3A_1106 = vector.broadcast %lt3A_1105 : i1 to vector<16xi1>
      %ne3A_1107 = vector.broadcast %ne3A_1106 : vector<16xi1> to vector<16xi1>
      %ne3A_1108 = arith.xori %lt3A_1103, %ne3A_1107 : vector<16xi1>
      %and3A_1109 = arith.andi %ne3A_1108, %ne3A_1100 : vector<16xi1>
      %add3A_1110 = vector.broadcast %select_n3A_1095 : i32 to vector<16xi32>
      %add3A_1111 = arith.addi %rem3A_1097, %add3A_1110 : vector<16xi32>
      %select_n3A_1112 = arith.select %and3A_1109, %add3A_1111, %rem3A_1097 : vector<16xi1>, vector<16xi32>
      %jit3A_1113 = arith.constant 128 : i32
      %div3A_1114 = vector.broadcast %jit3A_1113 : i32 to vector<16xi32>
      %div3A_1115 = arith.divsi %add3A_1053, %div3A_1114 : vector<16xi32>
      %sign3A_1116 = arith.constant 0 : i32
      %sign3A_1117 = vector.broadcast %sign3A_1116 : i32 to vector<16xi32>
      %sign3A_1118 = arith.cmpi sgt, %add3A_1053, %sign3A_1117 : vector<16xi32>
      %sign3A_1119 = arith.extui %sign3A_1118 : vector<16xi1> to vector<16xi32>
      %sign3A_1120 = arith.constant 0 : i32
      %sign3A_1121 = vector.broadcast %sign3A_1120 : i32 to vector<16xi32>
      %sign3A_1122 = arith.cmpi slt, %add3A_1053, %sign3A_1121 : vector<16xi32>
      %sign3A_1123 = arith.extui %sign3A_1122 : vector<16xi1> to vector<16xi32>
      %sign3A_1124 = arith.subi %sign3A_1119, %sign3A_1123 : vector<16xi32>
      %sign3A_1125 = arith.constant 0 : i32
      %sign3A_1126 = arith.cmpi sgt, %jit3A_1113, %sign3A_1125 : i32
      %sign3A_1127 = arith.extui %sign3A_1126 : i1 to i32
      %sign3A_1128 = arith.constant 0 : i32
      %sign3A_1129 = arith.cmpi slt, %jit3A_1113, %sign3A_1128 : i32
      %sign3A_1130 = arith.extui %sign3A_1129 : i1 to i32
      %sign3A_1131 = arith.subi %sign3A_1127, %sign3A_1130 : i32
      %ne3A_1132 = vector.broadcast %sign3A_1131 : i32 to vector<16xi32>
      %ne3A_1133 = arith.cmpi ne, %sign3A_1124, %ne3A_1132 : vector<16xi32>
      %rem3A_1134 = vector.broadcast %jit3A_1113 : i32 to vector<16xi32>
      %rem3A_1135 = arith.remsi %add3A_1053, %rem3A_1134 : vector<16xi32>
      %ne3A_1136 = arith.constant 0 : i32
      %ne3A_1137 = vector.broadcast %ne3A_1136 : i32 to vector<16xi32>
      %ne3A_1138 = arith.cmpi ne, %rem3A_1135, %ne3A_1137 : vector<16xi32>
      %and3A_1139 = arith.andi %ne3A_1133, %ne3A_1138 : vector<16xi1>
      %sub3A_1140 = arith.constant 1 : i32
      %sub3A_1141 = vector.broadcast %sub3A_1140 : i32 to vector<16xi32>
      %sub3A_1142 = arith.subi %div3A_1115, %sub3A_1141 : vector<16xi32>
      %select_n3A_1143 = arith.select %and3A_1139, %sub3A_1142, %div3A_1115 : vector<16xi1>, vector<16xi32>
      tpu.vector_store_idx %arg7[%select_n3A_1090, %select_n3A_1112], %select_n3A_1143 : memref<3x128xi32, #tpu.memory_space<vmem>>[vector<16xi32>, vector<16xi32>], vector<16xi32>,
      %get3A_1144 = arith.constant 64 : index
      %get3A_1145 = tpu.vector_load %arg5[%get3A_1144] {strides = array<i32>} : memref<128xi32, #tpu.memory_space<vmem>>, vector<16xi32>,
      %mul3A_1146 = arith.constant 3 : i32
      %mul3A_1147 = vector.broadcast %mul3A_1146 : i32 to vector<16xi32>
      %mul3A_1148 = arith.muli %get3A_1145, %mul3A_1147 : vector<16xi32>
      %iota3A_1149 = tpu.iota {dimensions = array<i32: 0>} : vector<16xi32>
      %add3A_1150 = arith.constant 64 : i32
      %add3A_1151 = vector.broadcast %add3A_1150 : i32 to vector<16xi32>
      %add3A_1152 = arith.addi %iota3A_1149, %add3A_1151 : vector<16xi32>
      %add3A_1153 = arith.constant 0 : i32
      %add3A_1154 = vector.broadcast %add3A_1153 : i32 to vector<16xi32>
      %add3A_1155 = arith.addi %mul3A_1148, %add3A_1154 : vector<16xi32>
      %mul3A_1156 = arith.constant 3 : i32
      %mul3A_1157 = vector.broadcast %mul3A_1156 : i32 to vector<16xi32>
      %mul3A_1158 = arith.muli %add3A_1152, %mul3A_1157 : vector<16xi32>
      %add3A_1159 = arith.constant 0 : i32
      %add3A_1160 = vector.broadcast %add3A_1159 : i32 to vector<16xi32>
      %add3A_1161 = arith.addi %mul3A_1158, %add3A_1160 : vector<16xi32>
      tpu.vector_store_idx %arg6[%add3A_1161], %add3A_1155 : memref<384xi32, #tpu.memory_space<vmem>>[vector<16xi32>], vector<16xi32>,
      %jit3A_1162 = arith.constant 128 : i32
      %div3A_1163 = vector.broadcast %jit3A_1162 : i32 to vector<16xi32>
      %div3A_1164 = arith.divsi %add3A_1161, %div3A_1163 : vector<16xi32>
      %sign3A_1165 = arith.constant 0 : i32
      %sign3A_1166 = vector.broadcast %sign3A_1165 : i32 to vector<16xi32>
      %sign3A_1167 = arith.cmpi sgt, %add3A_1161, %sign3A_1166 : vector<16xi32>
      %sign3A_1168 = arith.extui %sign3A_1167 : vector<16xi1> to vector<16xi32>
      %sign3A_1169 = arith.constant 0 : i32
      %sign3A_1170 = vector.broadcast %sign3A_1169 : i32 to vector<16xi32>
      %sign3A_1171 = arith.cmpi slt, %add3A_1161, %sign3A_1170 : vector<16xi32>
      %sign3A_1172 = arith.extui %sign3A_1171 : vector<16xi1> to vector<16xi32>
      %sign3A_1173 = arith.subi %sign3A_1168, %sign3A_1172 : vector<16xi32>
      %sign3A_1174 = arith.constant 0 : i32
      %sign3A_1175 = arith.cmpi sgt, %jit3A_1162, %sign3A_1174 : i32
      %sign3A_1176 = arith.extui %sign3A_1175 : i1 to i32
      %sign3A_1177 = arith.constant 0 : i32
      %sign3A_1178 = arith.cmpi slt, %jit3A_1162, %sign3A_1177 : i32
      %sign3A_1179 = arith.extui %sign3A_1178 : i1 to i32
      %sign3A_1180 = arith.subi %sign3A_1176, %sign3A_1179 : i32
      %ne3A_1181 = vector.broadcast %sign3A_1180 : i32 to vector<16xi32>
      %ne3A_1182 = arith.cmpi ne, %sign3A_1173, %ne3A_1181 : vector<16xi32>
      %rem3A_1183 = vector.broadcast %jit3A_1162 : i32 to vector<16xi32>
      %rem3A_1184 = arith.remsi %add3A_1161, %rem3A_1183 : vector<16xi32>
      %ne3A_1185 = arith.constant 0 : i32
      %ne3A_1186 = vector.broadcast %ne3A_1185 : i32 to vector<16xi32>
      %ne3A_1187 = arith.cmpi ne, %rem3A_1184, %ne3A_1186 : vector<16xi32>
      %and3A_1188 = arith.andi %ne3A_1182, %ne3A_1187 : vector<16xi1>
      %sub3A_1189 = arith.constant 1 : i32
      %sub3A_1190 = vector.broadcast %sub3A_1189 : i32 to vector<16xi32>
      %sub3A_1191 = arith.subi %div3A_1164, %sub3A_1190 : vector<16xi32>
      %select_n3A_1192 = arith.select %and3A_1188, %sub3A_1191, %div3A_1164 : vector<16xi1>, vector<16xi32>
      %jit3A_1193 = arith.constant 128 : i32
      %eq3A_1194 = arith.constant 0 : i32
      %eq3A_1195 = arith.cmpi eq, %jit3A_1193, %eq3A_1194 : i32
      %jit3A_1196 = arith.constant 1 : i32
      %select_n3A_1197 = arith.select %eq3A_1195, %jit3A_1196, %jit3A_1193 : i32
      %rem3A_1198 = vector.broadcast %select_n3A_1197 : i32 to vector<16xi32>
      %rem3A_1199 = arith.remsi %add3A_1161, %rem3A_1198 : vector<16xi32>
      %ne3A_1200 = arith.constant 0 : i32
      %ne3A_1201 = vector.broadcast %ne3A_1200 : i32 to vector<16xi32>
      %ne3A_1202 = arith.cmpi ne, %rem3A_1199, %ne3A_1201 : vector<16xi32>
      %lt3A_1203 = arith.constant 0 : i32
      %lt3A_1204 = vector.broadcast %lt3A_1203 : i32 to vector<16xi32>
      %lt3A_1205 = arith.cmpi slt, %rem3A_1199, %lt3A_1204 : vector<16xi32>
      %lt3A_1206 = arith.constant 0 : i32
      %lt3A_1207 = arith.cmpi slt, %select_n3A_1197, %lt3A_1206 : i32
      %ne3A_1208 = vector.broadcast %lt3A_1207 : i1 to vector<16xi1>
      %ne3A_1209 = vector.broadcast %ne3A_1208 : vector<16xi1> to vector<16xi1>
      %ne3A_1210 = arith.xori %lt3A_1205, %ne3A_1209 : vector<16xi1>
      %and3A_1211 = arith.andi %ne3A_1210, %ne3A_1202 : vector<16xi1>
      %add3A_1212 = vector.broadcast %select_n3A_1197 : i32 to vector<16xi32>
      %add3A_1213 = arith.addi %rem3A_1199, %add3A_1212 : vector<16xi32>
      %select_n3A_1214 = arith.select %and3A_1211, %add3A_1213, %rem3A_1199 : vector<16xi1>, vector<16xi32>
      %jit3A_1215 = arith.constant 128 : i32
      %div3A_1216 = vector.broadcast %jit3A_1215 : i32 to vector<16xi32>
      %div3A_1217 = arith.divsi %add3A_1155, %div3A_1216 : vector<16xi32>
      %sign3A_1218 = arith.constant 0 : i32
      %sign3A_1219 = vector.broadcast %sign3A_1218 : i32 to vector<16xi32>
      %sign3A_1220 = arith.cmpi sgt, %add3A_1155, %sign3A_1219 : vector<16xi32>
      %sign3A_1221 = arith.extui %sign3A_1220 : vector<16xi1> to vector<16xi32>
      %sign3A_1222 = arith.constant 0 : i32
      %sign3A_1223 = vector.broadcast %sign3A_1222 : i32 to vector<16xi32>
      %sign3A_1224 = arith.cmpi slt, %add3A_1155, %sign3A_1223 : vector<16xi32>
      %sign3A_1225 = arith.extui %sign3A_1224 : vector<16xi1> to vector<16xi32>
      %sign3A_1226 = arith.subi %sign3A_1221, %sign3A_1225 : vector<16xi32>
      %sign3A_1227 = arith.constant 0 : i32
      %sign3A_1228 = arith.cmpi sgt, %jit3A_1215, %sign3A_1227 : i32
      %sign3A_1229 = arith.extui %sign3A_1228 : i1 to i32
      %sign3A_1230 = arith.constant 0 : i32
      %sign3A_1231 = arith.cmpi slt, %jit3A_1215, %sign3A_1230 : i32
      %sign3A_1232 = arith.extui %sign3A_1231 : i1 to i32
      %sign3A_1233 = arith.subi %sign3A_1229, %sign3A_1232 : i32
      %ne3A_1234 = vector.broadcast %sign3A_1233 : i32 to vector<16xi32>
      %ne3A_1235 = arith.cmpi ne, %sign3A_1226, %ne3A_1234 : vector<16xi32>
      %rem3A_1236 = vector.broadcast %jit3A_1215 : i32 to vector<16xi32>
      %rem3A_1237 = arith.remsi %add3A_1155, %rem3A_1236 : vector<16xi32>
      %ne3A_1238 = arith.constant 0 : i32
      %ne3A_1239 = vector.broadcast %ne3A_1238 : i32 to vector<16xi32>
      %ne3A_1240 = arith.cmpi ne, %rem3A_1237, %ne3A_1239 : vector<16xi32>
      %and3A_1241 = arith.andi %ne3A_1235, %ne3A_1240 : vector<16xi1>
      %sub3A_1242 = arith.constant 1 : i32
      %sub3A_1243 = vector.broadcast %sub3A_1242 : i32 to vector<16xi32>
      %sub3A_1244 = arith.subi %div3A_1217, %sub3A_1243 : vector<16xi32>
      %select_n3A_1245 = arith.select %and3A_1241, %sub3A_1244, %div3A_1217 : vector<16xi1>, vector<16xi32>
      tpu.vector_store_idx %arg7[%select_n3A_1192, %select_n3A_1214], %select_n3A_1245 : memref<3x128xi32, #tpu.memory_space<vmem>>[vector<16xi32>, vector<16xi32>], vector<16xi32>,
      %add3A_1246 = arith.constant 1 : i32
      %add3A_1247 = vector.broadcast %add3A_1246 : i32 to vector<16xi32>
      %add3A_1248 = arith.addi %mul3A_1148, %add3A_1247 : vector<16xi32>
      %mul3A_1249 = arith.constant 3 : i32
      %mul3A_1250 = vector.broadcast %mul3A_1249 : i32 to vector<16xi32>
      %mul3A_1251 = arith.muli %add3A_1152, %mul3A_1250 : vector<16xi32>
      %add3A_1252 = arith.constant 1 : i32
      %add3A_1253 = vector.broadcast %add3A_1252 : i32 to vector<16xi32>
      %add3A_1254 = arith.addi %mul3A_1251, %add3A_1253 : vector<16xi32>
      tpu.vector_store_idx %arg6[%add3A_1254], %add3A_1248 : memref<384xi32, #tpu.memory_space<vmem>>[vector<16xi32>], vector<16xi32>,
      %jit3A_1255 = arith.constant 128 : i32
      %div3A_1256 = vector.broadcast %jit3A_1255 : i32 to vector<16xi32>
      %div3A_1257 = arith.divsi %add3A_1254, %div3A_1256 : vector<16xi32>
      %sign3A_1258 = arith.constant 0 : i32
      %sign3A_1259 = vector.broadcast %sign3A_1258 : i32 to vector<16xi32>
      %sign3A_1260 = arith.cmpi sgt, %add3A_1254, %sign3A_1259 : vector<16xi32>
      %sign3A_1261 = arith.extui %sign3A_1260 : vector<16xi1> to vector<16xi32>
      %sign3A_1262 = arith.constant 0 : i32
      %sign3A_1263 = vector.broadcast %sign3A_1262 : i32 to vector<16xi32>
      %sign3A_1264 = arith.cmpi slt, %add3A_1254, %sign3A_1263 : vector<16xi32>
      %sign3A_1265 = arith.extui %sign3A_1264 : vector<16xi1> to vector<16xi32>
      %sign3A_1266 = arith.subi %sign3A_1261, %sign3A_1265 : vector<16xi32>
      %sign3A_1267 = arith.constant 0 : i32
      %sign3A_1268 = arith.cmpi sgt, %jit3A_1255, %sign3A_1267 : i32
      %sign3A_1269 = arith.extui %sign3A_1268 : i1 to i32
      %sign3A_1270 = arith.constant 0 : i32
      %sign3A_1271 = arith.cmpi slt, %jit3A_1255, %sign3A_1270 : i32
      %sign3A_1272 = arith.extui %sign3A_1271 : i1 to i32
      %sign3A_1273 = arith.subi %sign3A_1269, %sign3A_1272 : i32
      %ne3A_1274 = vector.broadcast %sign3A_1273 : i32 to vector<16xi32>
      %ne3A_1275 = arith.cmpi ne, %sign3A_1266, %ne3A_1274 : vector<16xi32>
      %rem3A_1276 = vector.broadcast %jit3A_1255 : i32 to vector<16xi32>
      %rem3A_1277 = arith.remsi %add3A_1254, %rem3A_1276 : vector<16xi32>
      %ne3A_1278 = arith.constant 0 : i32
      %ne3A_1279 = vector.broadcast %ne3A_1278 : i32 to vector<16xi32>
      %ne3A_1280 = arith.cmpi ne, %rem3A_1277, %ne3A_1279 : vector<16xi32>
      %and3A_1281 = arith.andi %ne3A_1275, %ne3A_1280 : vector<16xi1>
      %sub3A_1282 = arith.constant 1 : i32
      %sub3A_1283 = vector.broadcast %sub3A_1282 : i32 to vector<16xi32>
      %sub3A_1284 = arith.subi %div3A_1257, %sub3A_1283 : vector<16xi32>
      %select_n3A_1285 = arith.select %and3A_1281, %sub3A_1284, %div3A_1257 : vector<16xi1>, vector<16xi32>
      %jit3A_1286 = arith.constant 128 : i32
      %eq3A_1287 = arith.constant 0 : i32
      %eq3A_1288 = arith.cmpi eq, %jit3A_1286, %eq3A_1287 : i32
      %jit3A_1289 = arith.constant 1 : i32
      %select_n3A_1290 = arith.select %eq3A_1288, %jit3A_1289, %jit3A_1286 : i32
      %rem3A_1291 = vector.broadcast %select_n3A_1290 : i32 to vector<16xi32>
      %rem3A_1292 = arith.remsi %add3A_1254, %rem3A_1291 : vector<16xi32>
      %ne3A_1293 = arith.constant 0 : i32
      %ne3A_1294 = vector.broadcast %ne3A_1293 : i32 to vector<16xi32>
      %ne3A_1295 = arith.cmpi ne, %rem3A_1292, %ne3A_1294 : vector<16xi32>
      %lt3A_1296 = arith.constant 0 : i32
      %lt3A_1297 = vector.broadcast %lt3A_1296 : i32 to vector<16xi32>
      %lt3A_1298 = arith.cmpi slt, %rem3A_1292, %lt3A_1297 : vector<16xi32>
      %lt3A_1299 = arith.constant 0 : i32
      %lt3A_1300 = arith.cmpi slt, %select_n3A_1290, %lt3A_1299 : i32
      %ne3A_1301 = vector.broadcast %lt3A_1300 : i1 to vector<16xi1>
      %ne3A_1302 = vector.broadcast %ne3A_1301 : vector<16xi1> to vector<16xi1>
      %ne3A_1303 = arith.xori %lt3A_1298, %ne3A_1302 : vector<16xi1>
      %and3A_1304 = arith.andi %ne3A_1303, %ne3A_1295 : vector<16xi1>
      %add3A_1305 = vector.broadcast %select_n3A_1290 : i32 to vector<16xi32>
      %add3A_1306 = arith.addi %rem3A_1292, %add3A_1305 : vector<16xi32>
      %select_n3A_1307 = arith.select %and3A_1304, %add3A_1306, %rem3A_1292 : vector<16xi1>, vector<16xi32>
      %jit3A_1308 = arith.constant 128 : i32
      %div3A_1309 = vector.broadcast %jit3A_1308 : i32 to vector<16xi32>
      %div3A_1310 = arith.divsi %add3A_1248, %div3A_1309 : vector<16xi32>
      %sign3A_1311 = arith.constant 0 : i32
      %sign3A_1312 = vector.broadcast %sign3A_1311 : i32 to vector<16xi32>
      %sign3A_1313 = arith.cmpi sgt, %add3A_1248, %sign3A_1312 : vector<16xi32>
      %sign3A_1314 = arith.extui %sign3A_1313 : vector<16xi1> to vector<16xi32>
      %sign3A_1315 = arith.constant 0 : i32
      %sign3A_1316 = vector.broadcast %sign3A_1315 : i32 to vector<16xi32>
      %sign3A_1317 = arith.cmpi slt, %add3A_1248, %sign3A_1316 : vector<16xi32>
      %sign3A_1318 = arith.extui %sign3A_1317 : vector<16xi1> to vector<16xi32>
      %sign3A_1319 = arith.subi %sign3A_1314, %sign3A_1318 : vector<16xi32>
      %sign3A_1320 = arith.constant 0 : i32
      %sign3A_1321 = arith.cmpi sgt, %jit3A_1308, %sign3A_1320 : i32
      %sign3A_1322 = arith.extui %sign3A_1321 : i1 to i32
      %sign3A_1323 = arith.constant 0 : i32
      %sign3A_1324 = arith.cmpi slt, %jit3A_1308, %sign3A_1323 : i32
      %sign3A_1325 = arith.extui %sign3A_1324 : i1 to i32
      %sign3A_1326 = arith.subi %sign3A_1322, %sign3A_1325 : i32
      %ne3A_1327 = vector.broadcast %sign3A_1326 : i32 to vector<16xi32>
      %ne3A_1328 = arith.cmpi ne, %sign3A_1319, %ne3A_1327 : vector<16xi32>
      %rem3A_1329 = vector.broadcast %jit3A_1308 : i32 to vector<16xi32>
      %rem3A_1330 = arith.remsi %add3A_1248, %rem3A_1329 : vector<16xi32>
      %ne3A_1331 = arith.constant 0 : i32
      %ne3A_1332 = vector.broadcast %ne3A_1331 : i32 to vector<16xi32>
      %ne3A_1333 = arith.cmpi ne, %rem3A_1330, %ne3A_1332 : vector<16xi32>
      %and3A_1334 = arith.andi %ne3A_1328, %ne3A_1333 : vector<16xi1>
      %sub3A_1335 = arith.constant 1 : i32
      %sub3A_1336 = vector.broadcast %sub3A_1335 : i32 to vector<16xi32>
      %sub3A_1337 = arith.subi %div3A_1310, %sub3A_1336 : vector<16xi32>
      %select_n3A_1338 = arith.select %and3A_1334, %sub3A_1337, %div3A_1310 : vector<16xi1>, vector<16xi32>
      tpu.vector_store_idx %arg7[%select_n3A_1285, %select_n3A_1307], %select_n3A_1338 : memref<3x128xi32, #tpu.memory_space<vmem>>[vector<16xi32>, vector<16xi32>], vector<16xi32>,
      %add3A_1339 = arith.constant 2 : i32
      %add3A_1340 = vector.broadcast %add3A_1339 : i32 to vector<16xi32>
      %add3A_1341 = arith.addi %mul3A_1148, %add3A_1340 : vector<16xi32>
      %mul3A_1342 = arith.constant 3 : i32
      %mul3A_1343 = vector.broadcast %mul3A_1342 : i32 to vector<16xi32>
      %mul3A_1344 = arith.muli %add3A_1152, %mul3A_1343 : vector<16xi32>
      %add3A_1345 = arith.constant 2 : i32
      %add3A_1346 = vector.broadcast %add3A_1345 : i32 to vector<16xi32>
      %add3A_1347 = arith.addi %mul3A_1344, %add3A_1346 : vector<16xi32>
      tpu.vector_store_idx %arg6[%add3A_1347], %add3A_1341 : memref<384xi32, #tpu.memory_space<vmem>>[vector<16xi32>], vector<16xi32>,
      %jit3A_1348 = arith.constant 128 : i32
      %div3A_1349 = vector.broadcast %jit3A_1348 : i32 to vector<16xi32>
      %div3A_1350 = arith.divsi %add3A_1347, %div3A_1349 : vector<16xi32>
      %sign3A_1351 = arith.constant 0 : i32
      %sign3A_1352 = vector.broadcast %sign3A_1351 : i32 to vector<16xi32>
      %sign3A_1353 = arith.cmpi sgt, %add3A_1347, %sign3A_1352 : vector<16xi32>
      %sign3A_1354 = arith.extui %sign3A_1353 : vector<16xi1> to vector<16xi32>
      %sign3A_1355 = arith.constant 0 : i32
      %sign3A_1356 = vector.broadcast %sign3A_1355 : i32 to vector<16xi32>
      %sign3A_1357 = arith.cmpi slt, %add3A_1347, %sign3A_1356 : vector<16xi32>
      %sign3A_1358 = arith.extui %sign3A_1357 : vector<16xi1> to vector<16xi32>
      %sign3A_1359 = arith.subi %sign3A_1354, %sign3A_1358 : vector<16xi32>
      %sign3A_1360 = arith.constant 0 : i32
      %sign3A_1361 = arith.cmpi sgt, %jit3A_1348, %sign3A_1360 : i32
      %sign3A_1362 = arith.extui %sign3A_1361 : i1 to i32
      %sign3A_1363 = arith.constant 0 : i32
      %sign3A_1364 = arith.cmpi slt, %jit3A_1348, %sign3A_1363 : i32
      %sign3A_1365 = arith.extui %sign3A_1364 : i1 to i32
      %sign3A_1366 = arith.subi %sign3A_1362, %sign3A_1365 : i32
      %ne3A_1367 = vector.broadcast %sign3A_1366 : i32 to vector<16xi32>
      %ne3A_1368 = arith.cmpi ne, %sign3A_1359, %ne3A_1367 : vector<16xi32>
      %rem3A_1369 = vector.broadcast %jit3A_1348 : i32 to vector<16xi32>
      %rem3A_1370 = arith.remsi %add3A_1347, %rem3A_1369 : vector<16xi32>
      %ne3A_1371 = arith.constant 0 : i32
      %ne3A_1372 = vector.broadcast %ne3A_1371 : i32 to vector<16xi32>
      %ne3A_1373 = arith.cmpi ne, %rem3A_1370, %ne3A_1372 : vector<16xi32>
      %and3A_1374 = arith.andi %ne3A_1368, %ne3A_1373 : vector<16xi1>
      %sub3A_1375 = arith.constant 1 : i32
      %sub3A_1376 = vector.broadcast %sub3A_1375 : i32 to vector<16xi32>
      %sub3A_1377 = arith.subi %div3A_1350, %sub3A_1376 : vector<16xi32>
      %select_n3A_1378 = arith.select %and3A_1374, %sub3A_1377, %div3A_1350 : vector<16xi1>, vector<16xi32>
      %jit3A_1379 = arith.constant 128 : i32
      %eq3A_1380 = arith.constant 0 : i32
      %eq3A_1381 = arith.cmpi eq, %jit3A_1379, %eq3A_1380 : i32
      %jit3A_1382 = arith.constant 1 : i32
      %select_n3A_1383 = arith.select %eq3A_1381, %jit3A_1382, %jit3A_1379 : i32
      %rem3A_1384 = vector.broadcast %select_n3A_1383 : i32 to vector<16xi32>
      %rem3A_1385 = arith.remsi %add3A_1347, %rem3A_1384 : vector<16xi32>
      %ne3A_1386 = arith.constant 0 : i32
      %ne3A_1387 = vector.broadcast %ne3A_1386 : i32 to vector<16xi32>
      %ne3A_1388 = arith.cmpi ne, %rem3A_1385, %ne3A_1387 : vector<16xi32>
      %lt3A_1389 = arith.constant 0 : i32
      %lt3A_1390 = vector.broadcast %lt3A_1389 : i32 to vector<16xi32>
      %lt3A_1391 = arith.cmpi slt, %rem3A_1385, %lt3A_1390 : vector<16xi32>
      %lt3A_1392 = arith.constant 0 : i32
      %lt3A_1393 = arith.cmpi slt, %select_n3A_1383, %lt3A_1392 : i32
      %ne3A_1394 = vector.broadcast %lt3A_1393 : i1 to vector<16xi1>
      %ne3A_1395 = vector.broadcast %ne3A_1394 : vector<16xi1> to vector<16xi1>
      %ne3A_1396 = arith.xori %lt3A_1391, %ne3A_1395 : vector<16xi1>
      %and3A_1397 = arith.andi %ne3A_1396, %ne3A_1388 : vector<16xi1>
      %add3A_1398 = vector.broadcast %select_n3A_1383 : i32 to vector<16xi32>
      %add3A_1399 = arith.addi %rem3A_1385, %add3A_1398 : vector<16xi32>
      %select_n3A_1400 = arith.select %and3A_1397, %add3A_1399, %rem3A_1385 : vector<16xi1>, vector<16xi32>
      %jit3A_1401 = arith.constant 128 : i32
      %div3A_1402 = vector.broadcast %jit3A_1401 : i32 to vector<16xi32>
      %div3A_1403 = arith.divsi %add3A_1341, %div3A_1402 : vector<16xi32>
      %sign3A_1404 = arith.constant 0 : i32
      %sign3A_1405 = vector.broadcast %sign3A_1404 : i32 to vector<16xi32>
      %sign3A_1406 = arith.cmpi sgt, %add3A_1341, %sign3A_1405 : vector<16xi32>
      %sign3A_1407 = arith.extui %sign3A_1406 : vector<16xi1> to vector<16xi32>
      %sign3A_1408 = arith.constant 0 : i32
      %sign3A_1409 = vector.broadcast %sign3A_1408 : i32 to vector<16xi32>
      %sign3A_1410 = arith.cmpi slt, %add3A_1341, %sign3A_1409 : vector<16xi32>
      %sign3A_1411 = arith.extui %sign3A_1410 : vector<16xi1> to vector<16xi32>
      %sign3A_1412 = arith.subi %sign3A_1407, %sign3A_1411 : vector<16xi32>
      %sign3A_1413 = arith.constant 0 : i32
      %sign3A_1414 = arith.cmpi sgt, %jit3A_1401, %sign3A_1413 : i32
      %sign3A_1415 = arith.extui %sign3A_1414 : i1 to i32
      %sign3A_1416 = arith.constant 0 : i32
      %sign3A_1417 = arith.cmpi slt, %jit3A_1401, %sign3A_1416 : i32
      %sign3A_1418 = arith.extui %sign3A_1417 : i1 to i32
      %sign3A_1419 = arith.subi %sign3A_1415, %sign3A_1418 : i32
      %ne3A_1420 = vector.broadcast %sign3A_1419 : i32 to vector<16xi32>
      %ne3A_1421 = arith.cmpi ne, %sign3A_1412, %ne3A_1420 : vector<16xi32>
      %rem3A_1422 = vector.broadcast %jit3A_1401 : i32 to vector<16xi32>
      %rem3A_1423 = arith.remsi %add3A_1341, %rem3A_1422 : vector<16xi32>
      %ne3A_1424 = arith.constant 0 : i32
      %ne3A_1425 = vector.broadcast %ne3A_1424 : i32 to vector<16xi32>
      %ne3A_1426 = arith.cmpi ne, %rem3A_1423, %ne3A_1425 : vector<16xi32>
      %and3A_1427 = arith.andi %ne3A_1421, %ne3A_1426 : vector<16xi1>
      %sub3A_1428 = arith.constant 1 : i32
      %sub3A_1429 = vector.broadcast %sub3A_1428 : i32 to vector<16xi32>
      %sub3A_1430 = arith.subi %div3A_1403, %sub3A_1429 : vector<16xi32>
      %select_n3A_1431 = arith.select %and3A_1427, %sub3A_1430, %div3A_1403 : vector<16xi1>, vector<16xi32>
      tpu.vector_store_idx %arg7[%select_n3A_1378, %select_n3A_1400], %select_n3A_1431 : memref<3x128xi32, #tpu.memory_space<vmem>>[vector<16xi32>, vector<16xi32>], vector<16xi32>,
      %get3A_1432 = arith.constant 80 : index
      %get3A_1433 = tpu.vector_load %arg5[%get3A_1432] {strides = array<i32>} : memref<128xi32, #tpu.memory_space<vmem>>, vector<16xi32>,
      %mul3A_1434 = arith.constant 3 : i32
      %mul3A_1435 = vector.broadcast %mul3A_1434 : i32 to vector<16xi32>
      %mul3A_1436 = arith.muli %get3A_1433, %mul3A_1435 : vector<16xi32>
      %iota3A_1437 = tpu.iota {dimensions = array<i32: 0>} : vector<16xi32>
      %add3A_1438 = arith.constant 80 : i32
      %add3A_1439 = vector.broadcast %add3A_1438 : i32 to vector<16xi32>
      %add3A_1440 = arith.addi %iota3A_1437, %add3A_1439 : vector<16xi32>
      %add3A_1441 = arith.constant 0 : i32
      %add3A_1442 = vector.broadcast %add3A_1441 : i32 to vector<16xi32>
      %add3A_1443 = arith.addi %mul3A_1436, %add3A_1442 : vector<16xi32>
      %mul3A_1444 = arith.constant 3 : i32
      %mul3A_1445 = vector.broadcast %mul3A_1444 : i32 to vector<16xi32>
      %mul3A_1446 = arith.muli %add3A_1440, %mul3A_1445 : vector<16xi32>
      %add3A_1447 = arith.constant 0 : i32
      %add3A_1448 = vector.broadcast %add3A_1447 : i32 to vector<16xi32>
      %add3A_1449 = arith.addi %mul3A_1446, %add3A_1448 : vector<16xi32>
      tpu.vector_store_idx %arg6[%add3A_1449], %add3A_1443 : memref<384xi32, #tpu.memory_space<vmem>>[vector<16xi32>], vector<16xi32>,
      %jit3A_1450 = arith.constant 128 : i32
      %div3A_1451 = vector.broadcast %jit3A_1450 : i32 to vector<16xi32>
      %div3A_1452 = arith.divsi %add3A_1449, %div3A_1451 : vector<16xi32>
      %sign3A_1453 = arith.constant 0 : i32
      %sign3A_1454 = vector.broadcast %sign3A_1453 : i32 to vector<16xi32>
      %sign3A_1455 = arith.cmpi sgt, %add3A_1449, %sign3A_1454 : vector<16xi32>
      %sign3A_1456 = arith.extui %sign3A_1455 : vector<16xi1> to vector<16xi32>
      %sign3A_1457 = arith.constant 0 : i32
      %sign3A_1458 = vector.broadcast %sign3A_1457 : i32 to vector<16xi32>
      %sign3A_1459 = arith.cmpi slt, %add3A_1449, %sign3A_1458 : vector<16xi32>
      %sign3A_1460 = arith.extui %sign3A_1459 : vector<16xi1> to vector<16xi32>
      %sign3A_1461 = arith.subi %sign3A_1456, %sign3A_1460 : vector<16xi32>
      %sign3A_1462 = arith.constant 0 : i32
      %sign3A_1463 = arith.cmpi sgt, %jit3A_1450, %sign3A_1462 : i32
      %sign3A_1464 = arith.extui %sign3A_1463 : i1 to i32
      %sign3A_1465 = arith.constant 0 : i32
      %sign3A_1466 = arith.cmpi slt, %jit3A_1450, %sign3A_1465 : i32
      %sign3A_1467 = arith.extui %sign3A_1466 : i1 to i32
      %sign3A_1468 = arith.subi %sign3A_1464, %sign3A_1467 : i32
      %ne3A_1469 = vector.broadcast %sign3A_1468 : i32 to vector<16xi32>
      %ne3A_1470 = arith.cmpi ne, %sign3A_1461, %ne3A_1469 : vector<16xi32>
      %rem3A_1471 = vector.broadcast %jit3A_1450 : i32 to vector<16xi32>
      %rem3A_1472 = arith.remsi %add3A_1449, %rem3A_1471 : vector<16xi32>
      %ne3A_1473 = arith.constant 0 : i32
      %ne3A_1474 = vector.broadcast %ne3A_1473 : i32 to vector<16xi32>
      %ne3A_1475 = arith.cmpi ne, %rem3A_1472, %ne3A_1474 : vector<16xi32>
      %and3A_1476 = arith.andi %ne3A_1470, %ne3A_1475 : vector<16xi1>
      %sub3A_1477 = arith.constant 1 : i32
      %sub3A_1478 = vector.broadcast %sub3A_1477 : i32 to vector<16xi32>
      %sub3A_1479 = arith.subi %div3A_1452, %sub3A_1478 : vector<16xi32>
      %select_n3A_1480 = arith.select %and3A_1476, %sub3A_1479, %div3A_1452 : vector<16xi1>, vector<16xi32>
      %jit3A_1481 = arith.constant 128 : i32
      %eq3A_1482 = arith.constant 0 : i32
      %eq3A_1483 = arith.cmpi eq, %jit3A_1481, %eq3A_1482 : i32
      %jit3A_1484 = arith.constant 1 : i32
      %select_n3A_1485 = arith.select %eq3A_1483, %jit3A_1484, %jit3A_1481 : i32
      %rem3A_1486 = vector.broadcast %select_n3A_1485 : i32 to vector<16xi32>
      %rem3A_1487 = arith.remsi %add3A_1449, %rem3A_1486 : vector<16xi32>
      %ne3A_1488 = arith.constant 0 : i32
      %ne3A_1489 = vector.broadcast %ne3A_1488 : i32 to vector<16xi32>
      %ne3A_1490 = arith.cmpi ne, %rem3A_1487, %ne3A_1489 : vector<16xi32>
      %lt3A_1491 = arith.constant 0 : i32
      %lt3A_1492 = vector.broadcast %lt3A_1491 : i32 to vector<16xi32>
      %lt3A_1493 = arith.cmpi slt, %rem3A_1487, %lt3A_1492 : vector<16xi32>
      %lt3A_1494 = arith.constant 0 : i32
      %lt3A_1495 = arith.cmpi slt, %select_n3A_1485, %lt3A_1494 : i32
      %ne3A_1496 = vector.broadcast %lt3A_1495 : i1 to vector<16xi1>
      %ne3A_1497 = vector.broadcast %ne3A_1496 : vector<16xi1> to vector<16xi1>
      %ne3A_1498 = arith.xori %lt3A_1493, %ne3A_1497 : vector<16xi1>
      %and3A_1499 = arith.andi %ne3A_1498, %ne3A_1490 : vector<16xi1>
      %add3A_1500 = vector.broadcast %select_n3A_1485 : i32 to vector<16xi32>
      %add3A_1501 = arith.addi %rem3A_1487, %add3A_1500 : vector<16xi32>
      %select_n3A_1502 = arith.select %and3A_1499, %add3A_1501, %rem3A_1487 : vector<16xi1>, vector<16xi32>
      %jit3A_1503 = arith.constant 128 : i32
      %div3A_1504 = vector.broadcast %jit3A_1503 : i32 to vector<16xi32>
      %div3A_1505 = arith.divsi %add3A_1443, %div3A_1504 : vector<16xi32>
      %sign3A_1506 = arith.constant 0 : i32
      %sign3A_1507 = vector.broadcast %sign3A_1506 : i32 to vector<16xi32>
      %sign3A_1508 = arith.cmpi sgt, %add3A_1443, %sign3A_1507 : vector<16xi32>
      %sign3A_1509 = arith.extui %sign3A_1508 : vector<16xi1> to vector<16xi32>
      %sign3A_1510 = arith.constant 0 : i32
      %sign3A_1511 = vector.broadcast %sign3A_1510 : i32 to vector<16xi32>
      %sign3A_1512 = arith.cmpi slt, %add3A_1443, %sign3A_1511 : vector<16xi32>
      %sign3A_1513 = arith.extui %sign3A_1512 : vector<16xi1> to vector<16xi32>
      %sign3A_1514 = arith.subi %sign3A_1509, %sign3A_1513 : vector<16xi32>
      %sign3A_1515 = arith.constant 0 : i32
      %sign3A_1516 = arith.cmpi sgt, %jit3A_1503, %sign3A_1515 : i32
      %sign3A_1517 = arith.extui %sign3A_1516 : i1 to i32
      %sign3A_1518 = arith.constant 0 : i32
      %sign3A_1519 = arith.cmpi slt, %jit3A_1503, %sign3A_1518 : i32
      %sign3A_1520 = arith.extui %sign3A_1519 : i1 to i32
      %sign3A_1521 = arith.subi %sign3A_1517, %sign3A_1520 : i32
      %ne3A_1522 = vector.broadcast %sign3A_1521 : i32 to vector<16xi32>
      %ne3A_1523 = arith.cmpi ne, %sign3A_1514, %ne3A_1522 : vector<16xi32>
      %rem3A_1524 = vector.broadcast %jit3A_1503 : i32 to vector<16xi32>
      %rem3A_1525 = arith.remsi %add3A_1443, %rem3A_1524 : vector<16xi32>
      %ne3A_1526 = arith.constant 0 : i32
      %ne3A_1527 = vector.broadcast %ne3A_1526 : i32 to vector<16xi32>
      %ne3A_1528 = arith.cmpi ne, %rem3A_1525, %ne3A_1527 : vector<16xi32>
      %and3A_1529 = arith.andi %ne3A_1523, %ne3A_1528 : vector<16xi1>
      %sub3A_1530 = arith.constant 1 : i32
      %sub3A_1531 = vector.broadcast %sub3A_1530 : i32 to vector<16xi32>
      %sub3A_1532 = arith.subi %div3A_1505, %sub3A_1531 : vector<16xi32>
      %select_n3A_1533 = arith.select %and3A_1529, %sub3A_1532, %div3A_1505 : vector<16xi1>, vector<16xi32>
      tpu.vector_store_idx %arg7[%select_n3A_1480, %select_n3A_1502], %select_n3A_1533 : memref<3x128xi32, #tpu.memory_space<vmem>>[vector<16xi32>, vector<16xi32>], vector<16xi32>,
      %add3A_1534 = arith.constant 1 : i32
      %add3A_1535 = vector.broadcast %add3A_1534 : i32 to vector<16xi32>
      %add3A_1536 = arith.addi %mul3A_1436, %add3A_1535 : vector<16xi32>
      %mul3A_1537 = arith.constant 3 : i32
      %mul3A_1538 = vector.broadcast %mul3A_1537 : i32 to vector<16xi32>
      %mul3A_1539 = arith.muli %add3A_1440, %mul3A_1538 : vector<16xi32>
      %add3A_1540 = arith.constant 1 : i32
      %add3A_1541 = vector.broadcast %add3A_1540 : i32 to vector<16xi32>
      %add3A_1542 = arith.addi %mul3A_1539, %add3A_1541 : vector<16xi32>
      tpu.vector_store_idx %arg6[%add3A_1542], %add3A_1536 : memref<384xi32, #tpu.memory_space<vmem>>[vector<16xi32>], vector<16xi32>,
      %jit3A_1543 = arith.constant 128 : i32
      %div3A_1544 = vector.broadcast %jit3A_1543 : i32 to vector<16xi32>
      %div3A_1545 = arith.divsi %add3A_1542, %div3A_1544 : vector<16xi32>
      %sign3A_1546 = arith.constant 0 : i32
      %sign3A_1547 = vector.broadcast %sign3A_1546 : i32 to vector<16xi32>
      %sign3A_1548 = arith.cmpi sgt, %add3A_1542, %sign3A_1547 : vector<16xi32>
      %sign3A_1549 = arith.extui %sign3A_1548 : vector<16xi1> to vector<16xi32>
      %sign3A_1550 = arith.constant 0 : i32
      %sign3A_1551 = vector.broadcast %sign3A_1550 : i32 to vector<16xi32>
      %sign3A_1552 = arith.cmpi slt, %add3A_1542, %sign3A_1551 : vector<16xi32>
      %sign3A_1553 = arith.extui %sign3A_1552 : vector<16xi1> to vector<16xi32>
      %sign3A_1554 = arith.subi %sign3A_1549, %sign3A_1553 : vector<16xi32>
      %sign3A_1555 = arith.constant 0 : i32
      %sign3A_1556 = arith.cmpi sgt, %jit3A_1543, %sign3A_1555 : i32
      %sign3A_1557 = arith.extui %sign3A_1556 : i1 to i32
      %sign3A_1558 = arith.constant 0 : i32
      %sign3A_1559 = arith.cmpi slt, %jit3A_1543, %sign3A_1558 : i32
      %sign3A_1560 = arith.extui %sign3A_1559 : i1 to i32
      %sign3A_1561 = arith.subi %sign3A_1557, %sign3A_1560 : i32
      %ne3A_1562 = vector.broadcast %sign3A_1561 : i32 to vector<16xi32>
      %ne3A_1563 = arith.cmpi ne, %sign3A_1554, %ne3A_1562 : vector<16xi32>
      %rem3A_1564 = vector.broadcast %jit3A_1543 : i32 to vector<16xi32>
      %rem3A_1565 = arith.remsi %add3A_1542, %rem3A_1564 : vector<16xi32>
      %ne3A_1566 = arith.constant 0 : i32
      %ne3A_1567 = vector.broadcast %ne3A_1566 : i32 to vector<16xi32>
      %ne3A_1568 = arith.cmpi ne, %rem3A_1565, %ne3A_1567 : vector<16xi32>
      %and3A_1569 = arith.andi %ne3A_1563, %ne3A_1568 : vector<16xi1>
      %sub3A_1570 = arith.constant 1 : i32
      %sub3A_1571 = vector.broadcast %sub3A_1570 : i32 to vector<16xi32>
      %sub3A_1572 = arith.subi %div3A_1545, %sub3A_1571 : vector<16xi32>
      %select_n3A_1573 = arith.select %and3A_1569, %sub3A_1572, %div3A_1545 : vector<16xi1>, vector<16xi32>
      %jit3A_1574 = arith.constant 128 : i32
      %eq3A_1575 = arith.constant 0 : i32
      %eq3A_1576 = arith.cmpi eq, %jit3A_1574, %eq3A_1575 : i32
      %jit3A_1577 = arith.constant 1 : i32
      %select_n3A_1578 = arith.select %eq3A_1576, %jit3A_1577, %jit3A_1574 : i32
      %rem3A_1579 = vector.broadcast %select_n3A_1578 : i32 to vector<16xi32>
      %rem3A_1580 = arith.remsi %add3A_1542, %rem3A_1579 : vector<16xi32>
      %ne3A_1581 = arith.constant 0 : i32
      %ne3A_1582 = vector.broadcast %ne3A_1581 : i32 to vector<16xi32>
      %ne3A_1583 = arith.cmpi ne, %rem3A_1580, %ne3A_1582 : vector<16xi32>
      %lt3A_1584 = arith.constant 0 : i32
      %lt3A_1585 = vector.broadcast %lt3A_1584 : i32 to vector<16xi32>
      %lt3A_1586 = arith.cmpi slt, %rem3A_1580, %lt3A_1585 : vector<16xi32>
      %lt3A_1587 = arith.constant 0 : i32
      %lt3A_1588 = arith.cmpi slt, %select_n3A_1578, %lt3A_1587 : i32
      %ne3A_1589 = vector.broadcast %lt3A_1588 : i1 to vector<16xi1>
      %ne3A_1590 = vector.broadcast %ne3A_1589 : vector<16xi1> to vector<16xi1>
      %ne3A_1591 = arith.xori %lt3A_1586, %ne3A_1590 : vector<16xi1>
      %and3A_1592 = arith.andi %ne3A_1591, %ne3A_1583 : vector<16xi1>
      %add3A_1593 = vector.broadcast %select_n3A_1578 : i32 to vector<16xi32>
      %add3A_1594 = arith.addi %rem3A_1580, %add3A_1593 : vector<16xi32>
      %select_n3A_1595 = arith.select %and3A_1592, %add3A_1594, %rem3A_1580 : vector<16xi1>, vector<16xi32>
      %jit3A_1596 = arith.constant 128 : i32
      %div3A_1597 = vector.broadcast %jit3A_1596 : i32 to vector<16xi32>
      %div3A_1598 = arith.divsi %add3A_1536, %div3A_1597 : vector<16xi32>
      %sign3A_1599 = arith.constant 0 : i32
      %sign3A_1600 = vector.broadcast %sign3A_1599 : i32 to vector<16xi32>
      %sign3A_1601 = arith.cmpi sgt, %add3A_1536, %sign3A_1600 : vector<16xi32>
      %sign3A_1602 = arith.extui %sign3A_1601 : vector<16xi1> to vector<16xi32>
      %sign3A_1603 = arith.constant 0 : i32
      %sign3A_1604 = vector.broadcast %sign3A_1603 : i32 to vector<16xi32>
      %sign3A_1605 = arith.cmpi slt, %add3A_1536, %sign3A_1604 : vector<16xi32>
      %sign3A_1606 = arith.extui %sign3A_1605 : vector<16xi1> to vector<16xi32>
      %sign3A_1607 = arith.subi %sign3A_1602, %sign3A_1606 : vector<16xi32>
      %sign3A_1608 = arith.constant 0 : i32
      %sign3A_1609 = arith.cmpi sgt, %jit3A_1596, %sign3A_1608 : i32
      %sign3A_1610 = arith.extui %sign3A_1609 : i1 to i32
      %sign3A_1611 = arith.constant 0 : i32
      %sign3A_1612 = arith.cmpi slt, %jit3A_1596, %sign3A_1611 : i32
      %sign3A_1613 = arith.extui %sign3A_1612 : i1 to i32
      %sign3A_1614 = arith.subi %sign3A_1610, %sign3A_1613 : i32
      %ne3A_1615 = vector.broadcast %sign3A_1614 : i32 to vector<16xi32>
      %ne3A_1616 = arith.cmpi ne, %sign3A_1607, %ne3A_1615 : vector<16xi32>
      %rem3A_1617 = vector.broadcast %jit3A_1596 : i32 to vector<16xi32>
      %rem3A_1618 = arith.remsi %add3A_1536, %rem3A_1617 : vector<16xi32>
      %ne3A_1619 = arith.constant 0 : i32
      %ne3A_1620 = vector.broadcast %ne3A_1619 : i32 to vector<16xi32>
      %ne3A_1621 = arith.cmpi ne, %rem3A_1618, %ne3A_1620 : vector<16xi32>
      %and3A_1622 = arith.andi %ne3A_1616, %ne3A_1621 : vector<16xi1>
      %sub3A_1623 = arith.constant 1 : i32
      %sub3A_1624 = vector.broadcast %sub3A_1623 : i32 to vector<16xi32>
      %sub3A_1625 = arith.subi %div3A_1598, %sub3A_1624 : vector<16xi32>
      %select_n3A_1626 = arith.select %and3A_1622, %sub3A_1625, %div3A_1598 : vector<16xi1>, vector<16xi32>
      tpu.vector_store_idx %arg7[%select_n3A_1573, %select_n3A_1595], %select_n3A_1626 : memref<3x128xi32, #tpu.memory_space<vmem>>[vector<16xi32>, vector<16xi32>], vector<16xi32>,
      %add3A_1627 = arith.constant 2 : i32
      %add3A_1628 = vector.broadcast %add3A_1627 : i32 to vector<16xi32>
      %add3A_1629 = arith.addi %mul3A_1436, %add3A_1628 : vector<16xi32>
      %mul3A_1630 = arith.constant 3 : i32
      %mul3A_1631 = vector.broadcast %mul3A_1630 : i32 to vector<16xi32>
      %mul3A_1632 = arith.muli %add3A_1440, %mul3A_1631 : vector<16xi32>
      %add3A_1633 = arith.constant 2 : i32
      %add3A_1634 = vector.broadcast %add3A_1633 : i32 to vector<16xi32>
      %add3A_1635 = arith.addi %mul3A_1632, %add3A_1634 : vector<16xi32>
      tpu.vector_store_idx %arg6[%add3A_1635], %add3A_1629 : memref<384xi32, #tpu.memory_space<vmem>>[vector<16xi32>], vector<16xi32>,
      %jit3A_1636 = arith.constant 128 : i32
      %div3A_1637 = vector.broadcast %jit3A_1636 : i32 to vector<16xi32>
      %div3A_1638 = arith.divsi %add3A_1635, %div3A_1637 : vector<16xi32>
      %sign3A_1639 = arith.constant 0 : i32
      %sign3A_1640 = vector.broadcast %sign3A_1639 : i32 to vector<16xi32>
      %sign3A_1641 = arith.cmpi sgt, %add3A_1635, %sign3A_1640 : vector<16xi32>
      %sign3A_1642 = arith.extui %sign3A_1641 : vector<16xi1> to vector<16xi32>
      %sign3A_1643 = arith.constant 0 : i32
      %sign3A_1644 = vector.broadcast %sign3A_1643 : i32 to vector<16xi32>
      %sign3A_1645 = arith.cmpi slt, %add3A_1635, %sign3A_1644 : vector<16xi32>
      %sign3A_1646 = arith.extui %sign3A_1645 : vector<16xi1> to vector<16xi32>
      %sign3A_1647 = arith.subi %sign3A_1642, %sign3A_1646 : vector<16xi32>
      %sign3A_1648 = arith.constant 0 : i32
      %sign3A_1649 = arith.cmpi sgt, %jit3A_1636, %sign3A_1648 : i32
      %sign3A_1650 = arith.extui %sign3A_1649 : i1 to i32
      %sign3A_1651 = arith.constant 0 : i32
      %sign3A_1652 = arith.cmpi slt, %jit3A_1636, %sign3A_1651 : i32
      %sign3A_1653 = arith.extui %sign3A_1652 : i1 to i32
      %sign3A_1654 = arith.subi %sign3A_1650, %sign3A_1653 : i32
      %ne3A_1655 = vector.broadcast %sign3A_1654 : i32 to vector<16xi32>
      %ne3A_1656 = arith.cmpi ne, %sign3A_1647, %ne3A_1655 : vector<16xi32>
      %rem3A_1657 = vector.broadcast %jit3A_1636 : i32 to vector<16xi32>
      %rem3A_1658 = arith.remsi %add3A_1635, %rem3A_1657 : vector<16xi32>
      %ne3A_1659 = arith.constant 0 : i32
      %ne3A_1660 = vector.broadcast %ne3A_1659 : i32 to vector<16xi32>
      %ne3A_1661 = arith.cmpi ne, %rem3A_1658, %ne3A_1660 : vector<16xi32>
      %and3A_1662 = arith.andi %ne3A_1656, %ne3A_1661 : vector<16xi1>
      %sub3A_1663 = arith.constant 1 : i32
      %sub3A_1664 = vector.broadcast %sub3A_1663 : i32 to vector<16xi32>
      %sub3A_1665 = arith.subi %div3A_1638, %sub3A_1664 : vector<16xi32>
      %select_n3A_1666 = arith.select %and3A_1662, %sub3A_1665, %div3A_1638 : vector<16xi1>, vector<16xi32>
      %jit3A_1667 = arith.constant 128 : i32
      %eq3A_1668 = arith.constant 0 : i32
      %eq3A_1669 = arith.cmpi eq, %jit3A_1667, %eq3A_1668 : i32
      %jit3A_1670 = arith.constant 1 : i32
      %select_n3A_1671 = arith.select %eq3A_1669, %jit3A_1670, %jit3A_1667 : i32
      %rem3A_1672 = vector.broadcast %select_n3A_1671 : i32 to vector<16xi32>
      %rem3A_1673 = arith.remsi %add3A_1635, %rem3A_1672 : vector<16xi32>
      %ne3A_1674 = arith.constant 0 : i32
      %ne3A_1675 = vector.broadcast %ne3A_1674 : i32 to vector<16xi32>
      %ne3A_1676 = arith.cmpi ne, %rem3A_1673, %ne3A_1675 : vector<16xi32>
      %lt3A_1677 = arith.constant 0 : i32
      %lt3A_1678 = vector.broadcast %lt3A_1677 : i32 to vector<16xi32>
      %lt3A_1679 = arith.cmpi slt, %rem3A_1673, %lt3A_1678 : vector<16xi32>
      %lt3A_1680 = arith.constant 0 : i32
      %lt3A_1681 = arith.cmpi slt, %select_n3A_1671, %lt3A_1680 : i32
      %ne3A_1682 = vector.broadcast %lt3A_1681 : i1 to vector<16xi1>
      %ne3A_1683 = vector.broadcast %ne3A_1682 : vector<16xi1> to vector<16xi1>
      %ne3A_1684 = arith.xori %lt3A_1679, %ne3A_1683 : vector<16xi1>
      %and3A_1685 = arith.andi %ne3A_1684, %ne3A_1676 : vector<16xi1>
      %add3A_1686 = vector.broadcast %select_n3A_1671 : i32 to vector<16xi32>
      %add3A_1687 = arith.addi %rem3A_1673, %add3A_1686 : vector<16xi32>
      %select_n3A_1688 = arith.select %and3A_1685, %add3A_1687, %rem3A_1673 : vector<16xi1>, vector<16xi32>
      %jit3A_1689 = arith.constant 128 : i32
      %div3A_1690 = vector.broadcast %jit3A_1689 : i32 to vector<16xi32>
      %div3A_1691 = arith.divsi %add3A_1629, %div3A_1690 : vector<16xi32>
      %sign3A_1692 = arith.constant 0 : i32
      %sign3A_1693 = vector.broadcast %sign3A_1692 : i32 to vector<16xi32>
      %sign3A_1694 = arith.cmpi sgt, %add3A_1629, %sign3A_1693 : vector<16xi32>
      %sign3A_1695 = arith.extui %sign3A_1694 : vector<16xi1> to vector<16xi32>
      %sign3A_1696 = arith.constant 0 : i32
      %sign3A_1697 = vector.broadcast %sign3A_1696 : i32 to vector<16xi32>
      %sign3A_1698 = arith.cmpi slt, %add3A_1629, %sign3A_1697 : vector<16xi32>
      %sign3A_1699 = arith.extui %sign3A_1698 : vector<16xi1> to vector<16xi32>
      %sign3A_1700 = arith.subi %sign3A_1695, %sign3A_1699 : vector<16xi32>
      %sign3A_1701 = arith.constant 0 : i32
      %sign3A_1702 = arith.cmpi sgt, %jit3A_1689, %sign3A_1701 : i32
      %sign3A_1703 = arith.extui %sign3A_1702 : i1 to i32
      %sign3A_1704 = arith.constant 0 : i32
      %sign3A_1705 = arith.cmpi slt, %jit3A_1689, %sign3A_1704 : i32
      %sign3A_1706 = arith.extui %sign3A_1705 : i1 to i32
      %sign3A_1707 = arith.subi %sign3A_1703, %sign3A_1706 : i32
      %ne3A_1708 = vector.broadcast %sign3A_1707 : i32 to vector<16xi32>
      %ne3A_1709 = arith.cmpi ne, %sign3A_1700, %ne3A_1708 : vector<16xi32>
      %rem3A_1710 = vector.broadcast %jit3A_1689 : i32 to vector<16xi32>
      %rem3A_1711 = arith.remsi %add3A_1629, %rem3A_1710 : vector<16xi32>
      %ne3A_1712 = arith.constant 0 : i32
      %ne3A_1713 = vector.broadcast %ne3A_1712 : i32 to vector<16xi32>
      %ne3A_1714 = arith.cmpi ne, %rem3A_1711, %ne3A_1713 : vector<16xi32>
      %and3A_1715 = arith.andi %ne3A_1709, %ne3A_1714 : vector<16xi1>
      %sub3A_1716 = arith.constant 1 : i32
      %sub3A_1717 = vector.broadcast %sub3A_1716 : i32 to vector<16xi32>
      %sub3A_1718 = arith.subi %div3A_1691, %sub3A_1717 : vector<16xi32>
      %select_n3A_1719 = arith.select %and3A_1715, %sub3A_1718, %div3A_1691 : vector<16xi1>, vector<16xi32>
      tpu.vector_store_idx %arg7[%select_n3A_1666, %select_n3A_1688], %select_n3A_1719 : memref<3x128xi32, #tpu.memory_space<vmem>>[vector<16xi32>, vector<16xi32>], vector<16xi32>,
      %get3A_1720 = arith.constant 96 : index
      %get3A_1721 = tpu.vector_load %arg5[%get3A_1720] {strides = array<i32>} : memref<128xi32, #tpu.memory_space<vmem>>, vector<16xi32>,
      %mul3A_1722 = arith.constant 3 : i32
      %mul3A_1723 = vector.broadcast %mul3A_1722 : i32 to vector<16xi32>
      %mul3A_1724 = arith.muli %get3A_1721, %mul3A_1723 : vector<16xi32>
      %iota3A_1725 = tpu.iota {dimensions = array<i32: 0>} : vector<16xi32>
      %add3A_1726 = arith.constant 96 : i32
      %add3A_1727 = vector.broadcast %add3A_1726 : i32 to vector<16xi32>
      %add3A_1728 = arith.addi %iota3A_1725, %add3A_1727 : vector<16xi32>
      %add3A_1729 = arith.constant 0 : i32
      %add3A_1730 = vector.broadcast %add3A_1729 : i32 to vector<16xi32>
      %add3A_1731 = arith.addi %mul3A_1724, %add3A_1730 : vector<16xi32>
      %mul3A_1732 = arith.constant 3 : i32
      %mul3A_1733 = vector.broadcast %mul3A_1732 : i32 to vector<16xi32>
      %mul3A_1734 = arith.muli %add3A_1728, %mul3A_1733 : vector<16xi32>
      %add3A_1735 = arith.constant 0 : i32
      %add3A_1736 = vector.broadcast %add3A_1735 : i32 to vector<16xi32>
      %add3A_1737 = arith.addi %mul3A_1734, %add3A_1736 : vector<16xi32>
      tpu.vector_store_idx %arg6[%add3A_1737], %add3A_1731 : memref<384xi32, #tpu.memory_space<vmem>>[vector<16xi32>], vector<16xi32>,
      %jit3A_1738 = arith.constant 128 : i32
      %div3A_1739 = vector.broadcast %jit3A_1738 : i32 to vector<16xi32>
      %div3A_1740 = arith.divsi %add3A_1737, %div3A_1739 : vector<16xi32>
      %sign3A_1741 = arith.constant 0 : i32
      %sign3A_1742 = vector.broadcast %sign3A_1741 : i32 to vector<16xi32>
      %sign3A_1743 = arith.cmpi sgt, %add3A_1737, %sign3A_1742 : vector<16xi32>
      %sign3A_1744 = arith.extui %sign3A_1743 : vector<16xi1> to vector<16xi32>
      %sign3A_1745 = arith.constant 0 : i32
      %sign3A_1746 = vector.broadcast %sign3A_1745 : i32 to vector<16xi32>
      %sign3A_1747 = arith.cmpi slt, %add3A_1737, %sign3A_1746 : vector<16xi32>
      %sign3A_1748 = arith.extui %sign3A_1747 : vector<16xi1> to vector<16xi32>
      %sign3A_1749 = arith.subi %sign3A_1744, %sign3A_1748 : vector<16xi32>
      %sign3A_1750 = arith.constant 0 : i32
      %sign3A_1751 = arith.cmpi sgt, %jit3A_1738, %sign3A_1750 : i32
      %sign3A_1752 = arith.extui %sign3A_1751 : i1 to i32
      %sign3A_1753 = arith.constant 0 : i32
      %sign3A_1754 = arith.cmpi slt, %jit3A_1738, %sign3A_1753 : i32
      %sign3A_1755 = arith.extui %sign3A_1754 : i1 to i32
      %sign3A_1756 = arith.subi %sign3A_1752, %sign3A_1755 : i32
      %ne3A_1757 = vector.broadcast %sign3A_1756 : i32 to vector<16xi32>
      %ne3A_1758 = arith.cmpi ne, %sign3A_1749, %ne3A_1757 : vector<16xi32>
      %rem3A_1759 = vector.broadcast %jit3A_1738 : i32 to vector<16xi32>
      %rem3A_1760 = arith.remsi %add3A_1737, %rem3A_1759 : vector<16xi32>
      %ne3A_1761 = arith.constant 0 : i32
      %ne3A_1762 = vector.broadcast %ne3A_1761 : i32 to vector<16xi32>
      %ne3A_1763 = arith.cmpi ne, %rem3A_1760, %ne3A_1762 : vector<16xi32>
      %and3A_1764 = arith.andi %ne3A_1758, %ne3A_1763 : vector<16xi1>
      %sub3A_1765 = arith.constant 1 : i32
      %sub3A_1766 = vector.broadcast %sub3A_1765 : i32 to vector<16xi32>
      %sub3A_1767 = arith.subi %div3A_1740, %sub3A_1766 : vector<16xi32>
      %select_n3A_1768 = arith.select %and3A_1764, %sub3A_1767, %div3A_1740 : vector<16xi1>, vector<16xi32>
      %jit3A_1769 = arith.constant 128 : i32
      %eq3A_1770 = arith.constant 0 : i32
      %eq3A_1771 = arith.cmpi eq, %jit3A_1769, %eq3A_1770 : i32
      %jit3A_1772 = arith.constant 1 : i32
      %select_n3A_1773 = arith.select %eq3A_1771, %jit3A_1772, %jit3A_1769 : i32
      %rem3A_1774 = vector.broadcast %select_n3A_1773 : i32 to vector<16xi32>
      %rem3A_1775 = arith.remsi %add3A_1737, %rem3A_1774 : vector<16xi32>
      %ne3A_1776 = arith.constant 0 : i32
      %ne3A_1777 = vector.broadcast %ne3A_1776 : i32 to vector<16xi32>
      %ne3A_1778 = arith.cmpi ne, %rem3A_1775, %ne3A_1777 : vector<16xi32>
      %lt3A_1779 = arith.constant 0 : i32
      %lt3A_1780 = vector.broadcast %lt3A_1779 : i32 to vector<16xi32>
      %lt3A_1781 = arith.cmpi slt, %rem3A_1775, %lt3A_1780 : vector<16xi32>
      %lt3A_1782 = arith.constant 0 : i32
      %lt3A_1783 = arith.cmpi slt, %select_n3A_1773, %lt3A_1782 : i32
      %ne3A_1784 = vector.broadcast %lt3A_1783 : i1 to vector<16xi1>
      %ne3A_1785 = vector.broadcast %ne3A_1784 : vector<16xi1> to vector<16xi1>
      %ne3A_1786 = arith.xori %lt3A_1781, %ne3A_1785 : vector<16xi1>
      %and3A_1787 = arith.andi %ne3A_1786, %ne3A_1778 : vector<16xi1>
      %add3A_1788 = vector.broadcast %select_n3A_1773 : i32 to vector<16xi32>
      %add3A_1789 = arith.addi %rem3A_1775, %add3A_1788 : vector<16xi32>
      %select_n3A_1790 = arith.select %and3A_1787, %add3A_1789, %rem3A_1775 : vector<16xi1>, vector<16xi32>
      %jit3A_1791 = arith.constant 128 : i32
      %div3A_1792 = vector.broadcast %jit3A_1791 : i32 to vector<16xi32>
      %div3A_1793 = arith.divsi %add3A_1731, %div3A_1792 : vector<16xi32>
      %sign3A_1794 = arith.constant 0 : i32
      %sign3A_1795 = vector.broadcast %sign3A_1794 : i32 to vector<16xi32>
      %sign3A_1796 = arith.cmpi sgt, %add3A_1731, %sign3A_1795 : vector<16xi32>
      %sign3A_1797 = arith.extui %sign3A_1796 : vector<16xi1> to vector<16xi32>
      %sign3A_1798 = arith.constant 0 : i32
      %sign3A_1799 = vector.broadcast %sign3A_1798 : i32 to vector<16xi32>
      %sign3A_1800 = arith.cmpi slt, %add3A_1731, %sign3A_1799 : vector<16xi32>
      %sign3A_1801 = arith.extui %sign3A_1800 : vector<16xi1> to vector<16xi32>
      %sign3A_1802 = arith.subi %sign3A_1797, %sign3A_1801 : vector<16xi32>
      %sign3A_1803 = arith.constant 0 : i32
      %sign3A_1804 = arith.cmpi sgt, %jit3A_1791, %sign3A_1803 : i32
      %sign3A_1805 = arith.extui %sign3A_1804 : i1 to i32
      %sign3A_1806 = arith.constant 0 : i32
      %sign3A_1807 = arith.cmpi slt, %jit3A_1791, %sign3A_1806 : i32
      %sign3A_1808 = arith.extui %sign3A_1807 : i1 to i32
      %sign3A_1809 = arith.subi %sign3A_1805, %sign3A_1808 : i32
      %ne3A_1810 = vector.broadcast %sign3A_1809 : i32 to vector<16xi32>
      %ne3A_1811 = arith.cmpi ne, %sign3A_1802, %ne3A_1810 : vector<16xi32>
      %rem3A_1812 = vector.broadcast %jit3A_1791 : i32 to vector<16xi32>
      %rem3A_1813 = arith.remsi %add3A_1731, %rem3A_1812 : vector<16xi32>
      %ne3A_1814 = arith.constant 0 : i32
      %ne3A_1815 = vector.broadcast %ne3A_1814 : i32 to vector<16xi32>
      %ne3A_1816 = arith.cmpi ne, %rem3A_1813, %ne3A_1815 : vector<16xi32>
      %and3A_1817 = arith.andi %ne3A_1811, %ne3A_1816 : vector<16xi1>
      %sub3A_1818 = arith.constant 1 : i32
      %sub3A_1819 = vector.broadcast %sub3A_1818 : i32 to vector<16xi32>
      %sub3A_1820 = arith.subi %div3A_1793, %sub3A_1819 : vector<16xi32>
      %select_n3A_1821 = arith.select %and3A_1817, %sub3A_1820, %div3A_1793 : vector<16xi1>, vector<16xi32>
      tpu.vector_store_idx %arg7[%select_n3A_1768, %select_n3A_1790], %select_n3A_1821 : memref<3x128xi32, #tpu.memory_space<vmem>>[vector<16xi32>, vector<16xi32>], vector<16xi32>,
      %add3A_1822 = arith.constant 1 : i32
      %add3A_1823 = vector.broadcast %add3A_1822 : i32 to vector<16xi32>
      %add3A_1824 = arith.addi %mul3A_1724, %add3A_1823 : vector<16xi32>
      %mul3A_1825 = arith.constant 3 : i32
      %mul3A_1826 = vector.broadcast %mul3A_1825 : i32 to vector<16xi32>
      %mul3A_1827 = arith.muli %add3A_1728, %mul3A_1826 : vector<16xi32>
      %add3A_1828 = arith.constant 1 : i32
      %add3A_1829 = vector.broadcast %add3A_1828 : i32 to vector<16xi32>
      %add3A_1830 = arith.addi %mul3A_1827, %add3A_1829 : vector<16xi32>
      tpu.vector_store_idx %arg6[%add3A_1830], %add3A_1824 : memref<384xi32, #tpu.memory_space<vmem>>[vector<16xi32>], vector<16xi32>,
      %jit3A_1831 = arith.constant 128 : i32
      %div3A_1832 = vector.broadcast %jit3A_1831 : i32 to vector<16xi32>
      %div3A_1833 = arith.divsi %add3A_1830, %div3A_1832 : vector<16xi32>
      %sign3A_1834 = arith.constant 0 : i32
      %sign3A_1835 = vector.broadcast %sign3A_1834 : i32 to vector<16xi32>
      %sign3A_1836 = arith.cmpi sgt, %add3A_1830, %sign3A_1835 : vector<16xi32>
      %sign3A_1837 = arith.extui %sign3A_1836 : vector<16xi1> to vector<16xi32>
      %sign3A_1838 = arith.constant 0 : i32
      %sign3A_1839 = vector.broadcast %sign3A_1838 : i32 to vector<16xi32>
      %sign3A_1840 = arith.cmpi slt, %add3A_1830, %sign3A_1839 : vector<16xi32>
      %sign3A_1841 = arith.extui %sign3A_1840 : vector<16xi1> to vector<16xi32>
      %sign3A_1842 = arith.subi %sign3A_1837, %sign3A_1841 : vector<16xi32>
      %sign3A_1843 = arith.constant 0 : i32
      %sign3A_1844 = arith.cmpi sgt, %jit3A_1831, %sign3A_1843 : i32
      %sign3A_1845 = arith.extui %sign3A_1844 : i1 to i32
      %sign3A_1846 = arith.constant 0 : i32
      %sign3A_1847 = arith.cmpi slt, %jit3A_1831, %sign3A_1846 : i32
      %sign3A_1848 = arith.extui %sign3A_1847 : i1 to i32
      %sign3A_1849 = arith.subi %sign3A_1845, %sign3A_1848 : i32
      %ne3A_1850 = vector.broadcast %sign3A_1849 : i32 to vector<16xi32>
      %ne3A_1851 = arith.cmpi ne, %sign3A_1842, %ne3A_1850 : vector<16xi32>
      %rem3A_1852 = vector.broadcast %jit3A_1831 : i32 to vector<16xi32>
      %rem3A_1853 = arith.remsi %add3A_1830, %rem3A_1852 : vector<16xi32>
      %ne3A_1854 = arith.constant 0 : i32
      %ne3A_1855 = vector.broadcast %ne3A_1854 : i32 to vector<16xi32>
      %ne3A_1856 = arith.cmpi ne, %rem3A_1853, %ne3A_1855 : vector<16xi32>
      %and3A_1857 = arith.andi %ne3A_1851, %ne3A_1856 : vector<16xi1>
      %sub3A_1858 = arith.constant 1 : i32
      %sub3A_1859 = vector.broadcast %sub3A_1858 : i32 to vector<16xi32>
      %sub3A_1860 = arith.subi %div3A_1833, %sub3A_1859 : vector<16xi32>
      %select_n3A_1861 = arith.select %and3A_1857, %sub3A_1860, %div3A_1833 : vector<16xi1>, vector<16xi32>
      %jit3A_1862 = arith.constant 128 : i32
      %eq3A_1863 = arith.constant 0 : i32
      %eq3A_1864 = arith.cmpi eq, %jit3A_1862, %eq3A_1863 : i32
      %jit3A_1865 = arith.constant 1 : i32
      %select_n3A_1866 = arith.select %eq3A_1864, %jit3A_1865, %jit3A_1862 : i32
      %rem3A_1867 = vector.broadcast %select_n3A_1866 : i32 to vector<16xi32>
      %rem3A_1868 = arith.remsi %add3A_1830, %rem3A_1867 : vector<16xi32>
      %ne3A_1869 = arith.constant 0 : i32
      %ne3A_1870 = vector.broadcast %ne3A_1869 : i32 to vector<16xi32>
      %ne3A_1871 = arith.cmpi ne, %rem3A_1868, %ne3A_1870 : vector<16xi32>
      %lt3A_1872 = arith.constant 0 : i32
      %lt3A_1873 = vector.broadcast %lt3A_1872 : i32 to vector<16xi32>
      %lt3A_1874 = arith.cmpi slt, %rem3A_1868, %lt3A_1873 : vector<16xi32>
      %lt3A_1875 = arith.constant 0 : i32
      %lt3A_1876 = arith.cmpi slt, %select_n3A_1866, %lt3A_1875 : i32
      %ne3A_1877 = vector.broadcast %lt3A_1876 : i1 to vector<16xi1>
      %ne3A_1878 = vector.broadcast %ne3A_1877 : vector<16xi1> to vector<16xi1>
      %ne3A_1879 = arith.xori %lt3A_1874, %ne3A_1878 : vector<16xi1>
      %and3A_1880 = arith.andi %ne3A_1879, %ne3A_1871 : vector<16xi1>
      %add3A_1881 = vector.broadcast %select_n3A_1866 : i32 to vector<16xi32>
      %add3A_1882 = arith.addi %rem3A_1868, %add3A_1881 : vector<16xi32>
      %select_n3A_1883 = arith.select %and3A_1880, %add3A_1882, %rem3A_1868 : vector<16xi1>, vector<16xi32>
      %jit3A_1884 = arith.constant 128 : i32
      %div3A_1885 = vector.broadcast %jit3A_1884 : i32 to vector<16xi32>
      %div3A_1886 = arith.divsi %add3A_1824, %div3A_1885 : vector<16xi32>
      %sign3A_1887 = arith.constant 0 : i32
      %sign3A_1888 = vector.broadcast %sign3A_1887 : i32 to vector<16xi32>
      %sign3A_1889 = arith.cmpi sgt, %add3A_1824, %sign3A_1888 : vector<16xi32>
      %sign3A_1890 = arith.extui %sign3A_1889 : vector<16xi1> to vector<16xi32>
      %sign3A_1891 = arith.constant 0 : i32
      %sign3A_1892 = vector.broadcast %sign3A_1891 : i32 to vector<16xi32>
      %sign3A_1893 = arith.cmpi slt, %add3A_1824, %sign3A_1892 : vector<16xi32>
      %sign3A_1894 = arith.extui %sign3A_1893 : vector<16xi1> to vector<16xi32>
      %sign3A_1895 = arith.subi %sign3A_1890, %sign3A_1894 : vector<16xi32>
      %sign3A_1896 = arith.constant 0 : i32
      %sign3A_1897 = arith.cmpi sgt, %jit3A_1884, %sign3A_1896 : i32
      %sign3A_1898 = arith.extui %sign3A_1897 : i1 to i32
      %sign3A_1899 = arith.constant 0 : i32
      %sign3A_1900 = arith.cmpi slt, %jit3A_1884, %sign3A_1899 : i32
      %sign3A_1901 = arith.extui %sign3A_1900 : i1 to i32
      %sign3A_1902 = arith.subi %sign3A_1898, %sign3A_1901 : i32
      %ne3A_1903 = vector.broadcast %sign3A_1902 : i32 to vector<16xi32>
      %ne3A_1904 = arith.cmpi ne, %sign3A_1895, %ne3A_1903 : vector<16xi32>
      %rem3A_1905 = vector.broadcast %jit3A_1884 : i32 to vector<16xi32>
      %rem3A_1906 = arith.remsi %add3A_1824, %rem3A_1905 : vector<16xi32>
      %ne3A_1907 = arith.constant 0 : i32
      %ne3A_1908 = vector.broadcast %ne3A_1907 : i32 to vector<16xi32>
      %ne3A_1909 = arith.cmpi ne, %rem3A_1906, %ne3A_1908 : vector<16xi32>
      %and3A_1910 = arith.andi %ne3A_1904, %ne3A_1909 : vector<16xi1>
      %sub3A_1911 = arith.constant 1 : i32
      %sub3A_1912 = vector.broadcast %sub3A_1911 : i32 to vector<16xi32>
      %sub3A_1913 = arith.subi %div3A_1886, %sub3A_1912 : vector<16xi32>
      %select_n3A_1914 = arith.select %and3A_1910, %sub3A_1913, %div3A_1886 : vector<16xi1>, vector<16xi32>
      tpu.vector_store_idx %arg7[%select_n3A_1861, %select_n3A_1883], %select_n3A_1914 : memref<3x128xi32, #tpu.memory_space<vmem>>[vector<16xi32>, vector<16xi32>], vector<16xi32>,
      %add3A_1915 = arith.constant 2 : i32
      %add3A_1916 = vector.broadcast %add3A_1915 : i32 to vector<16xi32>
      %add3A_1917 = arith.addi %mul3A_1724, %add3A_1916 : vector<16xi32>
      %mul3A_1918 = arith.constant 3 : i32
      %mul3A_1919 = vector.broadcast %mul3A_1918 : i32 to vector<16xi32>
      %mul3A_1920 = arith.muli %add3A_1728, %mul3A_1919 : vector<16xi32>
      %add3A_1921 = arith.constant 2 : i32
      %add3A_1922 = vector.broadcast %add3A_1921 : i32 to vector<16xi32>
      %add3A_1923 = arith.addi %mul3A_1920, %add3A_1922 : vector<16xi32>
      tpu.vector_store_idx %arg6[%add3A_1923], %add3A_1917 : memref<384xi32, #tpu.memory_space<vmem>>[vector<16xi32>], vector<16xi32>,
      %jit3A_1924 = arith.constant 128 : i32
      %div3A_1925 = vector.broadcast %jit3A_1924 : i32 to vector<16xi32>
      %div3A_1926 = arith.divsi %add3A_1923, %div3A_1925 : vector<16xi32>
      %sign3A_1927 = arith.constant 0 : i32
      %sign3A_1928 = vector.broadcast %sign3A_1927 : i32 to vector<16xi32>
      %sign3A_1929 = arith.cmpi sgt, %add3A_1923, %sign3A_1928 : vector<16xi32>
      %sign3A_1930 = arith.extui %sign3A_1929 : vector<16xi1> to vector<16xi32>
      %sign3A_1931 = arith.constant 0 : i32
      %sign3A_1932 = vector.broadcast %sign3A_1931 : i32 to vector<16xi32>
      %sign3A_1933 = arith.cmpi slt, %add3A_1923, %sign3A_1932 : vector<16xi32>
      %sign3A_1934 = arith.extui %sign3A_1933 : vector<16xi1> to vector<16xi32>
      %sign3A_1935 = arith.subi %sign3A_1930, %sign3A_1934 : vector<16xi32>
      %sign3A_1936 = arith.constant 0 : i32
      %sign3A_1937 = arith.cmpi sgt, %jit3A_1924, %sign3A_1936 : i32
      %sign3A_1938 = arith.extui %sign3A_1937 : i1 to i32
      %sign3A_1939 = arith.constant 0 : i32
      %sign3A_1940 = arith.cmpi slt, %jit3A_1924, %sign3A_1939 : i32
      %sign3A_1941 = arith.extui %sign3A_1940 : i1 to i32
      %sign3A_1942 = arith.subi %sign3A_1938, %sign3A_1941 : i32
      %ne3A_1943 = vector.broadcast %sign3A_1942 : i32 to vector<16xi32>
      %ne3A_1944 = arith.cmpi ne, %sign3A_1935, %ne3A_1943 : vector<16xi32>
      %rem3A_1945 = vector.broadcast %jit3A_1924 : i32 to vector<16xi32>
      %rem3A_1946 = arith.remsi %add3A_1923, %rem3A_1945 : vector<16xi32>
      %ne3A_1947 = arith.constant 0 : i32
      %ne3A_1948 = vector.broadcast %ne3A_1947 : i32 to vector<16xi32>
      %ne3A_1949 = arith.cmpi ne, %rem3A_1946, %ne3A_1948 : vector<16xi32>
      %and3A_1950 = arith.andi %ne3A_1944, %ne3A_1949 : vector<16xi1>
      %sub3A_1951 = arith.constant 1 : i32
      %sub3A_1952 = vector.broadcast %sub3A_1951 : i32 to vector<16xi32>
      %sub3A_1953 = arith.subi %div3A_1926, %sub3A_1952 : vector<16xi32>
      %select_n3A_1954 = arith.select %and3A_1950, %sub3A_1953, %div3A_1926 : vector<16xi1>, vector<16xi32>
      %jit3A_1955 = arith.constant 128 : i32
      %eq3A_1956 = arith.constant 0 : i32
      %eq3A_1957 = arith.cmpi eq, %jit3A_1955, %eq3A_1956 : i32
      %jit3A_1958 = arith.constant 1 : i32
      %select_n3A_1959 = arith.select %eq3A_1957, %jit3A_1958, %jit3A_1955 : i32
      %rem3A_1960 = vector.broadcast %select_n3A_1959 : i32 to vector<16xi32>
      %rem3A_1961 = arith.remsi %add3A_1923, %rem3A_1960 : vector<16xi32>
      %ne3A_1962 = arith.constant 0 : i32
      %ne3A_1963 = vector.broadcast %ne3A_1962 : i32 to vector<16xi32>
      %ne3A_1964 = arith.cmpi ne, %rem3A_1961, %ne3A_1963 : vector<16xi32>
      %lt3A_1965 = arith.constant 0 : i32
      %lt3A_1966 = vector.broadcast %lt3A_1965 : i32 to vector<16xi32>
      %lt3A_1967 = arith.cmpi slt, %rem3A_1961, %lt3A_1966 : vector<16xi32>
      %lt3A_1968 = arith.constant 0 : i32
      %lt3A_1969 = arith.cmpi slt, %select_n3A_1959, %lt3A_1968 : i32
      %ne3A_1970 = vector.broadcast %lt3A_1969 : i1 to vector<16xi1>
      %ne3A_1971 = vector.broadcast %ne3A_1970 : vector<16xi1> to vector<16xi1>
      %ne3A_1972 = arith.xori %lt3A_1967, %ne3A_1971 : vector<16xi1>
      %and3A_1973 = arith.andi %ne3A_1972, %ne3A_1964 : vector<16xi1>
      %add3A_1974 = vector.broadcast %select_n3A_1959 : i32 to vector<16xi32>
      %add3A_1975 = arith.addi %rem3A_1961, %add3A_1974 : vector<16xi32>
      %select_n3A_1976 = arith.select %and3A_1973, %add3A_1975, %rem3A_1961 : vector<16xi1>, vector<16xi32>
      %jit3A_1977 = arith.constant 128 : i32
      %div3A_1978 = vector.broadcast %jit3A_1977 : i32 to vector<16xi32>
      %div3A_1979 = arith.divsi %add3A_1917, %div3A_1978 : vector<16xi32>
      %sign3A_1980 = arith.constant 0 : i32
      %sign3A_1981 = vector.broadcast %sign3A_1980 : i32 to vector<16xi32>
      %sign3A_1982 = arith.cmpi sgt, %add3A_1917, %sign3A_1981 : vector<16xi32>
      %sign3A_1983 = arith.extui %sign3A_1982 : vector<16xi1> to vector<16xi32>
      %sign3A_1984 = arith.constant 0 : i32
      %sign3A_1985 = vector.broadcast %sign3A_1984 : i32 to vector<16xi32>
      %sign3A_1986 = arith.cmpi slt, %add3A_1917, %sign3A_1985 : vector<16xi32>
      %sign3A_1987 = arith.extui %sign3A_1986 : vector<16xi1> to vector<16xi32>
      %sign3A_1988 = arith.subi %sign3A_1983, %sign3A_1987 : vector<16xi32>
      %sign3A_1989 = arith.constant 0 : i32
      %sign3A_1990 = arith.cmpi sgt, %jit3A_1977, %sign3A_1989 : i32
      %sign3A_1991 = arith.extui %sign3A_1990 : i1 to i32
      %sign3A_1992 = arith.constant 0 : i32
      %sign3A_1993 = arith.cmpi slt, %jit3A_1977, %sign3A_1992 : i32
      %sign3A_1994 = arith.extui %sign3A_1993 : i1 to i32
      %sign3A_1995 = arith.subi %sign3A_1991, %sign3A_1994 : i32
      %ne3A_1996 = vector.broadcast %sign3A_1995 : i32 to vector<16xi32>
      %ne3A_1997 = arith.cmpi ne, %sign3A_1988, %ne3A_1996 : vector<16xi32>
      %rem3A_1998 = vector.broadcast %jit3A_1977 : i32 to vector<16xi32>
      %rem3A_1999 = arith.remsi %add3A_1917, %rem3A_1998 : vector<16xi32>
      %ne3A_2000 = arith.constant 0 : i32
      %ne3A_2001 = vector.broadcast %ne3A_2000 : i32 to vector<16xi32>
      %ne3A_2002 = arith.cmpi ne, %rem3A_1999, %ne3A_2001 : vector<16xi32>
      %and3A_2003 = arith.andi %ne3A_1997, %ne3A_2002 : vector<16xi1>
      %sub3A_2004 = arith.constant 1 : i32
      %sub3A_2005 = vector.broadcast %sub3A_2004 : i32 to vector<16xi32>
      %sub3A_2006 = arith.subi %div3A_1979, %sub3A_2005 : vector<16xi32>
      %select_n3A_2007 = arith.select %and3A_2003, %sub3A_2006, %div3A_1979 : vector<16xi1>, vector<16xi32>
      tpu.vector_store_idx %arg7[%select_n3A_1954, %select_n3A_1976], %select_n3A_2007 : memref<3x128xi32, #tpu.memory_space<vmem>>[vector<16xi32>, vector<16xi32>], vector<16xi32>,
      %get3A_2008 = arith.constant 112 : index
      %get3A_2009 = tpu.vector_load %arg5[%get3A_2008] {strides = array<i32>} : memref<128xi32, #tpu.memory_space<vmem>>, vector<16xi32>,
      %mul3A_2010 = arith.constant 3 : i32
      %mul3A_2011 = vector.broadcast %mul3A_2010 : i32 to vector<16xi32>
      %mul3A_2012 = arith.muli %get3A_2009, %mul3A_2011 : vector<16xi32>
      %iota3A_2013 = tpu.iota {dimensions = array<i32: 0>} : vector<16xi32>
      %add3A_2014 = arith.constant 112 : i32
      %add3A_2015 = vector.broadcast %add3A_2014 : i32 to vector<16xi32>
      %add3A_2016 = arith.addi %iota3A_2013, %add3A_2015 : vector<16xi32>
      %add3A_2017 = arith.constant 0 : i32
      %add3A_2018 = vector.broadcast %add3A_2017 : i32 to vector<16xi32>
      %add3A_2019 = arith.addi %mul3A_2012, %add3A_2018 : vector<16xi32>
      %mul3A_2020 = arith.constant 3 : i32
      %mul3A_2021 = vector.broadcast %mul3A_2020 : i32 to vector<16xi32>
      %mul3A_2022 = arith.muli %add3A_2016, %mul3A_2021 : vector<16xi32>
      %add3A_2023 = arith.constant 0 : i32
      %add3A_2024 = vector.broadcast %add3A_2023 : i32 to vector<16xi32>
      %add3A_2025 = arith.addi %mul3A_2022, %add3A_2024 : vector<16xi32>
      tpu.vector_store_idx %arg6[%add3A_2025], %add3A_2019 : memref<384xi32, #tpu.memory_space<vmem>>[vector<16xi32>], vector<16xi32>,
      %jit3A_2026 = arith.constant 128 : i32
      %div3A_2027 = vector.broadcast %jit3A_2026 : i32 to vector<16xi32>
      %div3A_2028 = arith.divsi %add3A_2025, %div3A_2027 : vector<16xi32>
      %sign3A_2029 = arith.constant 0 : i32
      %sign3A_2030 = vector.broadcast %sign3A_2029 : i32 to vector<16xi32>
      %sign3A_2031 = arith.cmpi sgt, %add3A_2025, %sign3A_2030 : vector<16xi32>
      %sign3A_2032 = arith.extui %sign3A_2031 : vector<16xi1> to vector<16xi32>
      %sign3A_2033 = arith.constant 0 : i32
      %sign3A_2034 = vector.broadcast %sign3A_2033 : i32 to vector<16xi32>
      %sign3A_2035 = arith.cmpi slt, %add3A_2025, %sign3A_2034 : vector<16xi32>
      %sign3A_2036 = arith.extui %sign3A_2035 : vector<16xi1> to vector<16xi32>
      %sign3A_2037 = arith.subi %sign3A_2032, %sign3A_2036 : vector<16xi32>
      %sign3A_2038 = arith.constant 0 : i32
      %sign3A_2039 = arith.cmpi sgt, %jit3A_2026, %sign3A_2038 : i32
      %sign3A_2040 = arith.extui %sign3A_2039 : i1 to i32
      %sign3A_2041 = arith.constant 0 : i32
      %sign3A_2042 = arith.cmpi slt, %jit3A_2026, %sign3A_2041 : i32
      %sign3A_2043 = arith.extui %sign3A_2042 : i1 to i32
      %sign3A_2044 = arith.subi %sign3A_2040, %sign3A_2043 : i32
      %ne3A_2045 = vector.broadcast %sign3A_2044 : i32 to vector<16xi32>
      %ne3A_2046 = arith.cmpi ne, %sign3A_2037, %ne3A_2045 : vector<16xi32>
      %rem3A_2047 = vector.broadcast %jit3A_2026 : i32 to vector<16xi32>
      %rem3A_2048 = arith.remsi %add3A_2025, %rem3A_2047 : vector<16xi32>
      %ne3A_2049 = arith.constant 0 : i32
      %ne3A_2050 = vector.broadcast %ne3A_2049 : i32 to vector<16xi32>
      %ne3A_2051 = arith.cmpi ne, %rem3A_2048, %ne3A_2050 : vector<16xi32>
      %and3A_2052 = arith.andi %ne3A_2046, %ne3A_2051 : vector<16xi1>
      %sub3A_2053 = arith.constant 1 : i32
      %sub3A_2054 = vector.broadcast %sub3A_2053 : i32 to vector<16xi32>
      %sub3A_2055 = arith.subi %div3A_2028, %sub3A_2054 : vector<16xi32>
      %select_n3A_2056 = arith.select %and3A_2052, %sub3A_2055, %div3A_2028 : vector<16xi1>, vector<16xi32>
      %jit3A_2057 = arith.constant 128 : i32
      %eq3A_2058 = arith.constant 0 : i32
      %eq3A_2059 = arith.cmpi eq, %jit3A_2057, %eq3A_2058 : i32
      %jit3A_2060 = arith.constant 1 : i32
      %select_n3A_2061 = arith.select %eq3A_2059, %jit3A_2060, %jit3A_2057 : i32
      %rem3A_2062 = vector.broadcast %select_n3A_2061 : i32 to vector<16xi32>
      %rem3A_2063 = arith.remsi %add3A_2025, %rem3A_2062 : vector<16xi32>
      %ne3A_2064 = arith.constant 0 : i32
      %ne3A_2065 = vector.broadcast %ne3A_2064 : i32 to vector<16xi32>
      %ne3A_2066 = arith.cmpi ne, %rem3A_2063, %ne3A_2065 : vector<16xi32>
      %lt3A_2067 = arith.constant 0 : i32
      %lt3A_2068 = vector.broadcast %lt3A_2067 : i32 to vector<16xi32>
      %lt3A_2069 = arith.cmpi slt, %rem3A_2063, %lt3A_2068 : vector<16xi32>
      %lt3A_2070 = arith.constant 0 : i32
      %lt3A_2071 = arith.cmpi slt, %select_n3A_2061, %lt3A_2070 : i32
      %ne3A_2072 = vector.broadcast %lt3A_2071 : i1 to vector<16xi1>
      %ne3A_2073 = vector.broadcast %ne3A_2072 : vector<16xi1> to vector<16xi1>
      %ne3A_2074 = arith.xori %lt3A_2069, %ne3A_2073 : vector<16xi1>
      %and3A_2075 = arith.andi %ne3A_2074, %ne3A_2066 : vector<16xi1>
      %add3A_2076 = vector.broadcast %select_n3A_2061 : i32 to vector<16xi32>
      %add3A_2077 = arith.addi %rem3A_2063, %add3A_2076 : vector<16xi32>
      %select_n3A_2078 = arith.select %and3A_2075, %add3A_2077, %rem3A_2063 : vector<16xi1>, vector<16xi32>
      %jit3A_2079 = arith.constant 128 : i32
      %div3A_2080 = vector.broadcast %jit3A_2079 : i32 to vector<16xi32>
      %div3A_2081 = arith.divsi %add3A_2019, %div3A_2080 : vector<16xi32>
      %sign3A_2082 = arith.constant 0 : i32
      %sign3A_2083 = vector.broadcast %sign3A_2082 : i32 to vector<16xi32>
      %sign3A_2084 = arith.cmpi sgt, %add3A_2019, %sign3A_2083 : vector<16xi32>
      %sign3A_2085 = arith.extui %sign3A_2084 : vector<16xi1> to vector<16xi32>
      %sign3A_2086 = arith.constant 0 : i32
      %sign3A_2087 = vector.broadcast %sign3A_2086 : i32 to vector<16xi32>
      %sign3A_2088 = arith.cmpi slt, %add3A_2019, %sign3A_2087 : vector<16xi32>
      %sign3A_2089 = arith.extui %sign3A_2088 : vector<16xi1> to vector<16xi32>
      %sign3A_2090 = arith.subi %sign3A_2085, %sign3A_2089 : vector<16xi32>
      %sign3A_2091 = arith.constant 0 : i32
      %sign3A_2092 = arith.cmpi sgt, %jit3A_2079, %sign3A_2091 : i32
      %sign3A_2093 = arith.extui %sign3A_2092 : i1 to i32
      %sign3A_2094 = arith.constant 0 : i32
      %sign3A_2095 = arith.cmpi slt, %jit3A_2079, %sign3A_2094 : i32
      %sign3A_2096 = arith.extui %sign3A_2095 : i1 to i32
      %sign3A_2097 = arith.subi %sign3A_2093, %sign3A_2096 : i32
      %ne3A_2098 = vector.broadcast %sign3A_2097 : i32 to vector<16xi32>
      %ne3A_2099 = arith.cmpi ne, %sign3A_2090, %ne3A_2098 : vector<16xi32>
      %rem3A_2100 = vector.broadcast %jit3A_2079 : i32 to vector<16xi32>
      %rem3A_2101 = arith.remsi %add3A_2019, %rem3A_2100 : vector<16xi32>
      %ne3A_2102 = arith.constant 0 : i32
      %ne3A_2103 = vector.broadcast %ne3A_2102 : i32 to vector<16xi32>
      %ne3A_2104 = arith.cmpi ne, %rem3A_2101, %ne3A_2103 : vector<16xi32>
      %and3A_2105 = arith.andi %ne3A_2099, %ne3A_2104 : vector<16xi1>
      %sub3A_2106 = arith.constant 1 : i32
      %sub3A_2107 = vector.broadcast %sub3A_2106 : i32 to vector<16xi32>
      %sub3A_2108 = arith.subi %div3A_2081, %sub3A_2107 : vector<16xi32>
      %select_n3A_2109 = arith.select %and3A_2105, %sub3A_2108, %div3A_2081 : vector<16xi1>, vector<16xi32>
      tpu.vector_store_idx %arg7[%select_n3A_2056, %select_n3A_2078], %select_n3A_2109 : memref<3x128xi32, #tpu.memory_space<vmem>>[vector<16xi32>, vector<16xi32>], vector<16xi32>,
      %add3A_2110 = arith.constant 1 : i32
      %add3A_2111 = vector.broadcast %add3A_2110 : i32 to vector<16xi32>
      %add3A_2112 = arith.addi %mul3A_2012, %add3A_2111 : vector<16xi32>
      %mul3A_2113 = arith.constant 3 : i32
      %mul3A_2114 = vector.broadcast %mul3A_2113 : i32 to vector<16xi32>
      %mul3A_2115 = arith.muli %add3A_2016, %mul3A_2114 : vector<16xi32>
      %add3A_2116 = arith.constant 1 : i32
      %add3A_2117 = vector.broadcast %add3A_2116 : i32 to vector<16xi32>
      %add3A_2118 = arith.addi %mul3A_2115, %add3A_2117 : vector<16xi32>
      tpu.vector_store_idx %arg6[%add3A_2118], %add3A_2112 : memref<384xi32, #tpu.memory_space<vmem>>[vector<16xi32>], vector<16xi32>,
      %jit3A_2119 = arith.constant 128 : i32
      %div3A_2120 = vector.broadcast %jit3A_2119 : i32 to vector<16xi32>
      %div3A_2121 = arith.divsi %add3A_2118, %div3A_2120 : vector<16xi32>
      %sign3A_2122 = arith.constant 0 : i32
      %sign3A_2123 = vector.broadcast %sign3A_2122 : i32 to vector<16xi32>
      %sign3A_2124 = arith.cmpi sgt, %add3A_2118, %sign3A_2123 : vector<16xi32>
      %sign3A_2125 = arith.extui %sign3A_2124 : vector<16xi1> to vector<16xi32>
      %sign3A_2126 = arith.constant 0 : i32
      %sign3A_2127 = vector.broadcast %sign3A_2126 : i32 to vector<16xi32>
      %sign3A_2128 = arith.cmpi slt, %add3A_2118, %sign3A_2127 : vector<16xi32>
      %sign3A_2129 = arith.extui %sign3A_2128 : vector<16xi1> to vector<16xi32>
      %sign3A_2130 = arith.subi %sign3A_2125, %sign3A_2129 : vector<16xi32>
      %sign3A_2131 = arith.constant 0 : i32
      %sign3A_2132 = arith.cmpi sgt, %jit3A_2119, %sign3A_2131 : i32
      %sign3A_2133 = arith.extui %sign3A_2132 : i1 to i32
      %sign3A_2134 = arith.constant 0 : i32
      %sign3A_2135 = arith.cmpi slt, %jit3A_2119, %sign3A_2134 : i32
      %sign3A_2136 = arith.extui %sign3A_2135 : i1 to i32
      %sign3A_2137 = arith.subi %sign3A_2133, %sign3A_2136 : i32
      %ne3A_2138 = vector.broadcast %sign3A_2137 : i32 to vector<16xi32>
      %ne3A_2139 = arith.cmpi ne, %sign3A_2130, %ne3A_2138 : vector<16xi32>
      %rem3A_2140 = vector.broadcast %jit3A_2119 : i32 to vector<16xi32>
      %rem3A_2141 = arith.remsi %add3A_2118, %rem3A_2140 : vector<16xi32>
      %ne3A_2142 = arith.constant 0 : i32
      %ne3A_2143 = vector.broadcast %ne3A_2142 : i32 to vector<16xi32>
      %ne3A_2144 = arith.cmpi ne, %rem3A_2141, %ne3A_2143 : vector<16xi32>
      %and3A_2145 = arith.andi %ne3A_2139, %ne3A_2144 : vector<16xi1>
      %sub3A_2146 = arith.constant 1 : i32
      %sub3A_2147 = vector.broadcast %sub3A_2146 : i32 to vector<16xi32>
      %sub3A_2148 = arith.subi %div3A_2121, %sub3A_2147 : vector<16xi32>
      %select_n3A_2149 = arith.select %and3A_2145, %sub3A_2148, %div3A_2121 : vector<16xi1>, vector<16xi32>
      %jit3A_2150 = arith.constant 128 : i32
      %eq3A_2151 = arith.constant 0 : i32
      %eq3A_2152 = arith.cmpi eq, %jit3A_2150, %eq3A_2151 : i32
      %jit3A_2153 = arith.constant 1 : i32
      %select_n3A_2154 = arith.select %eq3A_2152, %jit3A_2153, %jit3A_2150 : i32
      %rem3A_2155 = vector.broadcast %select_n3A_2154 : i32 to vector<16xi32>
      %rem3A_2156 = arith.remsi %add3A_2118, %rem3A_2155 : vector<16xi32>
      %ne3A_2157 = arith.constant 0 : i32
      %ne3A_2158 = vector.broadcast %ne3A_2157 : i32 to vector<16xi32>
      %ne3A_2159 = arith.cmpi ne, %rem3A_2156, %ne3A_2158 : vector<16xi32>
      %lt3A_2160 = arith.constant 0 : i32
      %lt3A_2161 = vector.broadcast %lt3A_2160 : i32 to vector<16xi32>
      %lt3A_2162 = arith.cmpi slt, %rem3A_2156, %lt3A_2161 : vector<16xi32>
      %lt3A_2163 = arith.constant 0 : i32
      %lt3A_2164 = arith.cmpi slt, %select_n3A_2154, %lt3A_2163 : i32
      %ne3A_2165 = vector.broadcast %lt3A_2164 : i1 to vector<16xi1>
      %ne3A_2166 = vector.broadcast %ne3A_2165 : vector<16xi1> to vector<16xi1>
      %ne3A_2167 = arith.xori %lt3A_2162, %ne3A_2166 : vector<16xi1>
      %and3A_2168 = arith.andi %ne3A_2167, %ne3A_2159 : vector<16xi1>
      %add3A_2169 = vector.broadcast %select_n3A_2154 : i32 to vector<16xi32>
      %add3A_2170 = arith.addi %rem3A_2156, %add3A_2169 : vector<16xi32>
      %select_n3A_2171 = arith.select %and3A_2168, %add3A_2170, %rem3A_2156 : vector<16xi1>, vector<16xi32>
      %jit3A_2172 = arith.constant 128 : i32
      %div3A_2173 = vector.broadcast %jit3A_2172 : i32 to vector<16xi32>
      %div3A_2174 = arith.divsi %add3A_2112, %div3A_2173 : vector<16xi32>
      %sign3A_2175 = arith.constant 0 : i32
      %sign3A_2176 = vector.broadcast %sign3A_2175 : i32 to vector<16xi32>
      %sign3A_2177 = arith.cmpi sgt, %add3A_2112, %sign3A_2176 : vector<16xi32>
      %sign3A_2178 = arith.extui %sign3A_2177 : vector<16xi1> to vector<16xi32>
      %sign3A_2179 = arith.constant 0 : i32
      %sign3A_2180 = vector.broadcast %sign3A_2179 : i32 to vector<16xi32>
      %sign3A_2181 = arith.cmpi slt, %add3A_2112, %sign3A_2180 : vector<16xi32>
      %sign3A_2182 = arith.extui %sign3A_2181 : vector<16xi1> to vector<16xi32>
      %sign3A_2183 = arith.subi %sign3A_2178, %sign3A_2182 : vector<16xi32>
      %sign3A_2184 = arith.constant 0 : i32
      %sign3A_2185 = arith.cmpi sgt, %jit3A_2172, %sign3A_2184 : i32
      %sign3A_2186 = arith.extui %sign3A_2185 : i1 to i32
      %sign3A_2187 = arith.constant 0 : i32
      %sign3A_2188 = arith.cmpi slt, %jit3A_2172, %sign3A_2187 : i32
      %sign3A_2189 = arith.extui %sign3A_2188 : i1 to i32
      %sign3A_2190 = arith.subi %sign3A_2186, %sign3A_2189 : i32
      %ne3A_2191 = vector.broadcast %sign3A_2190 : i32 to vector<16xi32>
      %ne3A_2192 = arith.cmpi ne, %sign3A_2183, %ne3A_2191 : vector<16xi32>
      %rem3A_2193 = vector.broadcast %jit3A_2172 : i32 to vector<16xi32>
      %rem3A_2194 = arith.remsi %add3A_2112, %rem3A_2193 : vector<16xi32>
      %ne3A_2195 = arith.constant 0 : i32
      %ne3A_2196 = vector.broadcast %ne3A_2195 : i32 to vector<16xi32>
      %ne3A_2197 = arith.cmpi ne, %rem3A_2194, %ne3A_2196 : vector<16xi32>
      %and3A_2198 = arith.andi %ne3A_2192, %ne3A_2197 : vector<16xi1>
      %sub3A_2199 = arith.constant 1 : i32
      %sub3A_2200 = vector.broadcast %sub3A_2199 : i32 to vector<16xi32>
      %sub3A_2201 = arith.subi %div3A_2174, %sub3A_2200 : vector<16xi32>
      %select_n3A_2202 = arith.select %and3A_2198, %sub3A_2201, %div3A_2174 : vector<16xi1>, vector<16xi32>
      tpu.vector_store_idx %arg7[%select_n3A_2149, %select_n3A_2171], %select_n3A_2202 : memref<3x128xi32, #tpu.memory_space<vmem>>[vector<16xi32>, vector<16xi32>], vector<16xi32>,
      %add3A_2203 = arith.constant 2 : i32
      %add3A_2204 = vector.broadcast %add3A_2203 : i32 to vector<16xi32>
      %add3A_2205 = arith.addi %mul3A_2012, %add3A_2204 : vector<16xi32>
      %mul3A_2206 = arith.constant 3 : i32
      %mul3A_2207 = vector.broadcast %mul3A_2206 : i32 to vector<16xi32>
      %mul3A_2208 = arith.muli %add3A_2016, %mul3A_2207 : vector<16xi32>
      %add3A_2209 = arith.constant 2 : i32
      %add3A_2210 = vector.broadcast %add3A_2209 : i32 to vector<16xi32>
      %add3A_2211 = arith.addi %mul3A_2208, %add3A_2210 : vector<16xi32>
      tpu.vector_store_idx %arg6[%add3A_2211], %add3A_2205 : memref<384xi32, #tpu.memory_space<vmem>>[vector<16xi32>], vector<16xi32>,
      %jit3A_2212 = arith.constant 128 : i32
      %div3A_2213 = vector.broadcast %jit3A_2212 : i32 to vector<16xi32>
      %div3A_2214 = arith.divsi %add3A_2211, %div3A_2213 : vector<16xi32>
      %sign3A_2215 = arith.constant 0 : i32
      %sign3A_2216 = vector.broadcast %sign3A_2215 : i32 to vector<16xi32>
      %sign3A_2217 = arith.cmpi sgt, %add3A_2211, %sign3A_2216 : vector<16xi32>
      %sign3A_2218 = arith.extui %sign3A_2217 : vector<16xi1> to vector<16xi32>
      %sign3A_2219 = arith.constant 0 : i32
      %sign3A_2220 = vector.broadcast %sign3A_2219 : i32 to vector<16xi32>
      %sign3A_2221 = arith.cmpi slt, %add3A_2211, %sign3A_2220 : vector<16xi32>
      %sign3A_2222 = arith.extui %sign3A_2221 : vector<16xi1> to vector<16xi32>
      %sign3A_2223 = arith.subi %sign3A_2218, %sign3A_2222 : vector<16xi32>
      %sign3A_2224 = arith.constant 0 : i32
      %sign3A_2225 = arith.cmpi sgt, %jit3A_2212, %sign3A_2224 : i32
      %sign3A_2226 = arith.extui %sign3A_2225 : i1 to i32
      %sign3A_2227 = arith.constant 0 : i32
      %sign3A_2228 = arith.cmpi slt, %jit3A_2212, %sign3A_2227 : i32
      %sign3A_2229 = arith.extui %sign3A_2228 : i1 to i32
      %sign3A_2230 = arith.subi %sign3A_2226, %sign3A_2229 : i32
      %ne3A_2231 = vector.broadcast %sign3A_2230 : i32 to vector<16xi32>
      %ne3A_2232 = arith.cmpi ne, %sign3A_2223, %ne3A_2231 : vector<16xi32>
      %rem3A_2233 = vector.broadcast %jit3A_2212 : i32 to vector<16xi32>
      %rem3A_2234 = arith.remsi %add3A_2211, %rem3A_2233 : vector<16xi32>
      %ne3A_2235 = arith.constant 0 : i32
      %ne3A_2236 = vector.broadcast %ne3A_2235 : i32 to vector<16xi32>
      %ne3A_2237 = arith.cmpi ne, %rem3A_2234, %ne3A_2236 : vector<16xi32>
      %and3A_2238 = arith.andi %ne3A_2232, %ne3A_2237 : vector<16xi1>
      %sub3A_2239 = arith.constant 1 : i32
      %sub3A_2240 = vector.broadcast %sub3A_2239 : i32 to vector<16xi32>
      %sub3A_2241 = arith.subi %div3A_2214, %sub3A_2240 : vector<16xi32>
      %select_n3A_2242 = arith.select %and3A_2238, %sub3A_2241, %div3A_2214 : vector<16xi1>, vector<16xi32>
      %jit3A_2243 = arith.constant 128 : i32
      %eq3A_2244 = arith.constant 0 : i32
      %eq3A_2245 = arith.cmpi eq, %jit3A_2243, %eq3A_2244 : i32
      %jit3A_2246 = arith.constant 1 : i32
      %select_n3A_2247 = arith.select %eq3A_2245, %jit3A_2246, %jit3A_2243 : i32
      %rem3A_2248 = vector.broadcast %select_n3A_2247 : i32 to vector<16xi32>
      %rem3A_2249 = arith.remsi %add3A_2211, %rem3A_2248 : vector<16xi32>
      %ne3A_2250 = arith.constant 0 : i32
      %ne3A_2251 = vector.broadcast %ne3A_2250 : i32 to vector<16xi32>
      %ne3A_2252 = arith.cmpi ne, %rem3A_2249, %ne3A_2251 : vector<16xi32>
      %lt3A_2253 = arith.constant 0 : i32
      %lt3A_2254 = vector.broadcast %lt3A_2253 : i32 to vector<16xi32>
      %lt3A_2255 = arith.cmpi slt, %rem3A_2249, %lt3A_2254 : vector<16xi32>
      %lt3A_2256 = arith.constant 0 : i32
      %lt3A_2257 = arith.cmpi slt, %select_n3A_2247, %lt3A_2256 : i32
      %ne3A_2258 = vector.broadcast %lt3A_2257 : i1 to vector<16xi1>
      %ne3A_2259 = vector.broadcast %ne3A_2258 : vector<16xi1> to vector<16xi1>
      %ne3A_2260 = arith.xori %lt3A_2255, %ne3A_2259 : vector<16xi1>
      %and3A_2261 = arith.andi %ne3A_2260, %ne3A_2252 : vector<16xi1>
      %add3A_2262 = vector.broadcast %select_n3A_2247 : i32 to vector<16xi32>
      %add3A_2263 = arith.addi %rem3A_2249, %add3A_2262 : vector<16xi32>
      %select_n3A_2264 = arith.select %and3A_2261, %add3A_2263, %rem3A_2249 : vector<16xi1>, vector<16xi32>
      %jit3A_2265 = arith.constant 128 : i32
      %div3A_2266 = vector.broadcast %jit3A_2265 : i32 to vector<16xi32>
      %div3A_2267 = arith.divsi %add3A_2205, %div3A_2266 : vector<16xi32>
      %sign3A_2268 = arith.constant 0 : i32
      %sign3A_2269 = vector.broadcast %sign3A_2268 : i32 to vector<16xi32>
      %sign3A_2270 = arith.cmpi sgt, %add3A_2205, %sign3A_2269 : vector<16xi32>
      %sign3A_2271 = arith.extui %sign3A_2270 : vector<16xi1> to vector<16xi32>
      %sign3A_2272 = arith.constant 0 : i32
      %sign3A_2273 = vector.broadcast %sign3A_2272 : i32 to vector<16xi32>
      %sign3A_2274 = arith.cmpi slt, %add3A_2205, %sign3A_2273 : vector<16xi32>
      %sign3A_2275 = arith.extui %sign3A_2274 : vector<16xi1> to vector<16xi32>
      %sign3A_2276 = arith.subi %sign3A_2271, %sign3A_2275 : vector<16xi32>
      %sign3A_2277 = arith.constant 0 : i32
      %sign3A_2278 = arith.cmpi sgt, %jit3A_2265, %sign3A_2277 : i32
      %sign3A_2279 = arith.extui %sign3A_2278 : i1 to i32
      %sign3A_2280 = arith.constant 0 : i32
      %sign3A_2281 = arith.cmpi slt, %jit3A_2265, %sign3A_2280 : i32
      %sign3A_2282 = arith.extui %sign3A_2281 : i1 to i32
      %sign3A_2283 = arith.subi %sign3A_2279, %sign3A_2282 : i32
      %ne3A_2284 = vector.broadcast %sign3A_2283 : i32 to vector<16xi32>
      %ne3A_2285 = arith.cmpi ne, %sign3A_2276, %ne3A_2284 : vector<16xi32>
      %rem3A_2286 = vector.broadcast %jit3A_2265 : i32 to vector<16xi32>
      %rem3A_2287 = arith.remsi %add3A_2205, %rem3A_2286 : vector<16xi32>
      %ne3A_2288 = arith.constant 0 : i32
      %ne3A_2289 = vector.broadcast %ne3A_2288 : i32 to vector<16xi32>
      %ne3A_2290 = arith.cmpi ne, %rem3A_2287, %ne3A_2289 : vector<16xi32>
      %and3A_2291 = arith.andi %ne3A_2285, %ne3A_2290 : vector<16xi1>
      %sub3A_2292 = arith.constant 1 : i32
      %sub3A_2293 = vector.broadcast %sub3A_2292 : i32 to vector<16xi32>
      %sub3A_2294 = arith.subi %div3A_2267, %sub3A_2293 : vector<16xi32>
      %select_n3A_2295 = arith.select %and3A_2291, %sub3A_2294, %div3A_2267 : vector<16xi1>, vector<16xi32>
      tpu.vector_store_idx %arg7[%select_n3A_2242, %select_n3A_2264], %select_n3A_2295 : memref<3x128xi32, #tpu.memory_space<vmem>>[vector<16xi32>, vector<16xi32>], vector<16xi32>,
      %dma_start3A = arith.constant 0 : i32
      %dma_start3A_2296 = arith.constant 0 : i32
      %dma_start3A_2297 = arith.constant 0 : i32
      %dma_start3A_2298 = arith.constant 0 : i32
      %dma_start3A_2299 = tpu.memref_slice %arg8[%dma_start3A_2296, %dma_start3A_2297, %dma_start3A_2298] : memref<3x128x128xf32, #tpu.memory_space<vmem>> -> memref<1x128x128xf32, #tpu.memory_space<vmem>>
      %dma_start3A_2300 = tpu.memref_squeeze %dma_start3A_2299 : memref<1x128x128xf32, #tpu.memory_space<vmem>> -> memref<128x128xf32, #tpu.memory_space<vmem>>
      %dma_start3A_2301 = arith.constant 0 : i32
      %dma_start3A_2302 = tpu.memref_slice %arg7[%dma_start3A, %dma_start3A_2301] : memref<3x128xi32, #tpu.memory_space<vmem>> -> memref<1x128xi32, #tpu.memory_space<vmem>>
      %dma_start3A_2303 = tpu.memref_squeeze %dma_start3A_2302 : memref<1x128xi32, #tpu.memory_space<vmem>> -> memref<128xi32, #tpu.memory_space<vmem>>
      %dma_start3A_2304 = arith.constant 0 : i32
      %dma_start3A_2305 = arith.constant 0 : i32
      %dma_start3A_2306 = tpu.memref_slice %arg2[%dma_start3A_2304, %dma_start3A_2305] : memref<1173x128xf32, #tpu.memory_space<hbm>> -> memref<1173x128xf32, #tpu.memory_space<hbm>>
      tpu.enqueue_indirect_dma source(%dma_start3A_2306 : memref<1173x128xf32, #tpu.memory_space<hbm>>) target(%dma_start3A_2300 : memref<128x128xf32, #tpu.memory_space<vmem>>) offsets(%dma_start3A_2303 : memref<128xi32, #tpu.memory_space<vmem>>) semaphore(%arg10 : memref<!tpu.dma_semaphore, #tpu.memory_space<semaphore_mem>>)
      %dma_wait3A = arith.constant 0 : i32
      %dma_wait3A_2307 = arith.constant 0 : i32
      %dma_wait3A_2308 = arith.constant 0 : i32
      %dma_wait3A_2309 = arith.constant 0 : i32
      %dma_wait3A_2310 = tpu.memref_slice %arg8[%dma_wait3A_2307, %dma_wait3A_2308, %dma_wait3A_2309] : memref<3x128x128xf32, #tpu.memory_space<vmem>> -> memref<1x128x128xf32, #tpu.memory_space<vmem>>
      %dma_wait3A_2311 = tpu.memref_squeeze %dma_wait3A_2310 : memref<1x128x128xf32, #tpu.memory_space<vmem>> -> memref<128x128xf32, #tpu.memory_space<vmem>>
      %dma_wait3A_2312 = arith.constant 0 : i32
      %dma_wait3A_2313 = tpu.memref_slice %arg7[%dma_wait3A, %dma_wait3A_2312] : memref<3x128xi32, #tpu.memory_space<vmem>> -> memref<1x128xi32, #tpu.memory_space<vmem>>
      %dma_wait3A_2314 = tpu.memref_squeeze %dma_wait3A_2313 : memref<1x128xi32, #tpu.memory_space<vmem>> -> memref<128xi32, #tpu.memory_space<vmem>>
      %dma_wait3A_2315 = arith.constant 0 : i32
      %dma_wait3A_2316 = arith.constant 0 : i32
      %dma_wait3A_2317 = tpu.memref_slice %arg2[%dma_wait3A_2315, %dma_wait3A_2316] : memref<1173x128xf32, #tpu.memory_space<hbm>> -> memref<1173x128xf32, #tpu.memory_space<hbm>>
      tpu.wait_indirect_dma semaphore(%arg10 : memref<!tpu.dma_semaphore, #tpu.memory_space<semaphore_mem>>) src(%dma_wait3A_2317 : memref<1173x128xf32, #tpu.memory_space<hbm>>) dst(%dma_wait3A_2311 : memref<128x128xf32, #tpu.memory_space<vmem>>)
      %dma_start3A_2318 = arith.constant 1 : i32
      %dma_start3A_2319 = arith.constant 1 : i32
      %dma_start3A_2320 = arith.constant 0 : i32
      %dma_start3A_2321 = arith.constant 0 : i32
      %dma_start3A_2322 = tpu.memref_slice %arg8[%dma_start3A_2319, %dma_start3A_2320, %dma_start3A_2321] : memref<3x128x128xf32, #tpu.memory_space<vmem>> -> memref<1x128x128xf32, #tpu.memory_space<vmem>>
      %dma_start3A_2323 = tpu.memref_squeeze %dma_start3A_2322 : memref<1x128x128xf32, #tpu.memory_space<vmem>> -> memref<128x128xf32, #tpu.memory_space<vmem>>
      %dma_start3A_2324 = arith.constant 0 : i32
      %dma_start3A_2325 = tpu.memref_slice %arg7[%dma_start3A_2318, %dma_start3A_2324] : memref<3x128xi32, #tpu.memory_space<vmem>> -> memref<1x128xi32, #tpu.memory_space<vmem>>
      %dma_start3A_2326 = tpu.memref_squeeze %dma_start3A_2325 : memref<1x128xi32, #tpu.memory_space<vmem>> -> memref<128xi32, #tpu.memory_space<vmem>>
      %dma_start3A_2327 = arith.constant 0 : i32
      %dma_start3A_2328 = arith.constant 0 : i32
      %dma_start3A_2329 = tpu.memref_slice %arg2[%dma_start3A_2327, %dma_start3A_2328] : memref<1173x128xf32, #tpu.memory_space<hbm>> -> memref<1173x128xf32, #tpu.memory_space<hbm>>
      tpu.enqueue_indirect_dma source(%dma_start3A_2329 : memref<1173x128xf32, #tpu.memory_space<hbm>>) target(%dma_start3A_2323 : memref<128x128xf32, #tpu.memory_space<vmem>>) offsets(%dma_start3A_2326 : memref<128xi32, #tpu.memory_space<vmem>>) semaphore(%arg10 : memref<!tpu.dma_semaphore, #tpu.memory_space<semaphore_mem>>)
      %dma_wait3A_2330 = arith.constant 1 : i32
      %dma_wait3A_2331 = arith.constant 1 : i32
      %dma_wait3A_2332 = arith.constant 0 : i32
      %dma_wait3A_2333 = arith.constant 0 : i32
      %dma_wait3A_2334 = tpu.memref_slice %arg8[%dma_wait3A_2331, %dma_wait3A_2332, %dma_wait3A_2333] : memref<3x128x128xf32, #tpu.memory_space<vmem>> -> memref<1x128x128xf32, #tpu.memory_space<vmem>>
      %dma_wait3A_2335 = tpu.memref_squeeze %dma_wait3A_2334 : memref<1x128x128xf32, #tpu.memory_space<vmem>> -> memref<128x128xf32, #tpu.memory_space<vmem>>
      %dma_wait3A_2336 = arith.constant 0 : i32
      %dma_wait3A_2337 = tpu.memref_slice %arg7[%dma_wait3A_2330, %dma_wait3A_2336] : memref<3x128xi32, #tpu.memory_space<vmem>> -> memref<1x128xi32, #tpu.memory_space<vmem>>
      %dma_wait3A_2338 = tpu.memref_squeeze %dma_wait3A_2337 : memref<1x128xi32, #tpu.memory_space<vmem>> -> memref<128xi32, #tpu.memory_space<vmem>>
      %dma_wait3A_2339 = arith.constant 0 : i32
      %dma_wait3A_2340 = arith.constant 0 : i32
      %dma_wait3A_2341 = tpu.memref_slice %arg2[%dma_wait3A_2339, %dma_wait3A_2340] : memref<1173x128xf32, #tpu.memory_space<hbm>> -> memref<1173x128xf32, #tpu.memory_space<hbm>>
      tpu.wait_indirect_dma semaphore(%arg10 : memref<!tpu.dma_semaphore, #tpu.memory_space<semaphore_mem>>) src(%dma_wait3A_2341 : memref<1173x128xf32, #tpu.memory_space<hbm>>) dst(%dma_wait3A_2335 : memref<128x128xf32, #tpu.memory_space<vmem>>)
      %dma_start3A_2342 = arith.constant 2 : i32
      %dma_start3A_2343 = arith.constant 2 : i32
      %dma_start3A_2344 = arith.constant 0 : i32
      %dma_start3A_2345 = arith.constant 0 : i32
      %dma_start3A_2346 = tpu.memref_slice %arg8[%dma_start3A_2343, %dma_start3A_2344, %dma_start3A_2345] : memref<3x128x128xf32, #tpu.memory_space<vmem>> -> memref<1x128x128xf32, #tpu.memory_space<vmem>>
      %dma_start3A_2347 = tpu.memref_squeeze %dma_start3A_2346 : memref<1x128x128xf32, #tpu.memory_space<vmem>> -> memref<128x128xf32, #tpu.memory_space<vmem>>
      %dma_start3A_2348 = arith.constant 0 : i32
      %dma_start3A_2349 = tpu.memref_slice %arg7[%dma_start3A_2342, %dma_start3A_2348] : memref<3x128xi32, #tpu.memory_space<vmem>> -> memref<1x128xi32, #tpu.memory_space<vmem>>
      %dma_start3A_2350 = tpu.memref_squeeze %dma_start3A_2349 : memref<1x128xi32, #tpu.memory_space<vmem>> -> memref<128xi32, #tpu.memory_space<vmem>>
      %dma_start3A_2351 = arith.constant 0 : i32
      %dma_start3A_2352 = arith.constant 0 : i32
      %dma_start3A_2353 = tpu.memref_slice %arg2[%dma_start3A_2351, %dma_start3A_2352] : memref<1173x128xf32, #tpu.memory_space<hbm>> -> memref<1173x128xf32, #tpu.memory_space<hbm>>
      tpu.enqueue_indirect_dma source(%dma_start3A_2353 : memref<1173x128xf32, #tpu.memory_space<hbm>>) target(%dma_start3A_2347 : memref<128x128xf32, #tpu.memory_space<vmem>>) offsets(%dma_start3A_2350 : memref<128xi32, #tpu.memory_space<vmem>>) semaphore(%arg10 : memref<!tpu.dma_semaphore, #tpu.memory_space<semaphore_mem>>)
      %dma_wait3A_2354 = arith.constant 2 : i32
      %dma_wait3A_2355 = arith.constant 2 : i32
      %dma_wait3A_2356 = arith.constant 0 : i32
      %dma_wait3A_2357 = arith.constant 0 : i32
      %dma_wait3A_2358 = tpu.memref_slice %arg8[%dma_wait3A_2355, %dma_wait3A_2356, %dma_wait3A_2357] : memref<3x128x128xf32, #tpu.memory_space<vmem>> -> memref<1x128x128xf32, #tpu.memory_space<vmem>>
      %dma_wait3A_2359 = tpu.memref_squeeze %dma_wait3A_2358 : memref<1x128x128xf32, #tpu.memory_space<vmem>> -> memref<128x128xf32, #tpu.memory_space<vmem>>
      %dma_wait3A_2360 = arith.constant 0 : i32
      %dma_wait3A_2361 = tpu.memref_slice %arg7[%dma_wait3A_2354, %dma_wait3A_2360] : memref<3x128xi32, #tpu.memory_space<vmem>> -> memref<1x128xi32, #tpu.memory_space<vmem>>
      %dma_wait3A_2362 = tpu.memref_squeeze %dma_wait3A_2361 : memref<1x128xi32, #tpu.memory_space<vmem>> -> memref<128xi32, #tpu.memory_space<vmem>>
      %dma_wait3A_2363 = arith.constant 0 : i32
      %dma_wait3A_2364 = arith.constant 0 : i32
      %dma_wait3A_2365 = tpu.memref_slice %arg2[%dma_wait3A_2363, %dma_wait3A_2364] : memref<1173x128xf32, #tpu.memory_space<hbm>> -> memref<1173x128xf32, #tpu.memory_space<hbm>>
      tpu.wait_indirect_dma semaphore(%arg10 : memref<!tpu.dma_semaphore, #tpu.memory_space<semaphore_mem>>) src(%dma_wait3A_2365 : memref<1173x128xf32, #tpu.memory_space<hbm>>) dst(%dma_wait3A_2359 : memref<128x128xf32, #tpu.memory_space<vmem>>)
      %iota3A_2366 = tpu.iota {dimensions = array<i32: 0>} : vector<16xi32>
      %add3A_2367 = arith.constant 0 : i32
      %add3A_2368 = vector.broadcast %add3A_2367 : i32 to vector<16xi32>
      %add3A_2369 = arith.addi %iota3A_2366, %add3A_2368 : vector<16xi32>
      %get3A_2370 = arith.constant 0 : index
      %get3A_2371 = tpu.vector_load %arg6[%get3A_2370] {strides = array<i32>} : memref<384xi32, #tpu.memory_space<vmem>>, vector<16xi32>,
      %jit3A_2372 = arith.constant 128 : i32
      %div3A_2373 = vector.broadcast %jit3A_2372 : i32 to vector<16xi32>
      %div3A_2374 = arith.divsi %add3A_2369, %div3A_2373 : vector<16xi32>
      %sign3A_2375 = arith.constant 0 : i32
      %sign3A_2376 = vector.broadcast %sign3A_2375 : i32 to vector<16xi32>
      %sign3A_2377 = arith.cmpi sgt, %add3A_2369, %sign3A_2376 : vector<16xi32>
      %sign3A_2378 = arith.extui %sign3A_2377 : vector<16xi1> to vector<16xi32>
      %sign3A_2379 = arith.constant 0 : i32
      %sign3A_2380 = vector.broadcast %sign3A_2379 : i32 to vector<16xi32>
      %sign3A_2381 = arith.cmpi slt, %add3A_2369, %sign3A_2380 : vector<16xi32>
      %sign3A_2382 = arith.extui %sign3A_2381 : vector<16xi1> to vector<16xi32>
      %sign3A_2383 = arith.subi %sign3A_2378, %sign3A_2382 : vector<16xi32>
      %sign3A_2384 = arith.constant 0 : i32
      %sign3A_2385 = arith.cmpi sgt, %jit3A_2372, %sign3A_2384 : i32
      %sign3A_2386 = arith.extui %sign3A_2385 : i1 to i32
      %sign3A_2387 = arith.constant 0 : i32
      %sign3A_2388 = arith.cmpi slt, %jit3A_2372, %sign3A_2387 : i32
      %sign3A_2389 = arith.extui %sign3A_2388 : i1 to i32
      %sign3A_2390 = arith.subi %sign3A_2386, %sign3A_2389 : i32
      %ne3A_2391 = vector.broadcast %sign3A_2390 : i32 to vector<16xi32>
      %ne3A_2392 = arith.cmpi ne, %sign3A_2383, %ne3A_2391 : vector<16xi32>
      %rem3A_2393 = vector.broadcast %jit3A_2372 : i32 to vector<16xi32>
      %rem3A_2394 = arith.remsi %add3A_2369, %rem3A_2393 : vector<16xi32>
      %ne3A_2395 = arith.constant 0 : i32
      %ne3A_2396 = vector.broadcast %ne3A_2395 : i32 to vector<16xi32>
      %ne3A_2397 = arith.cmpi ne, %rem3A_2394, %ne3A_2396 : vector<16xi32>
      %and3A_2398 = arith.andi %ne3A_2392, %ne3A_2397 : vector<16xi1>
      %sub3A_2399 = arith.constant 1 : i32
      %sub3A_2400 = vector.broadcast %sub3A_2399 : i32 to vector<16xi32>
      %sub3A_2401 = arith.subi %div3A_2374, %sub3A_2400 : vector<16xi32>
      %select_n3A_2402 = arith.select %and3A_2398, %sub3A_2401, %div3A_2374 : vector<16xi1>, vector<16xi32>
      %jit3A_2403 = arith.constant 128 : i32
      %eq3A_2404 = arith.constant 0 : i32
      %eq3A_2405 = arith.cmpi eq, %jit3A_2403, %eq3A_2404 : i32
      %jit3A_2406 = arith.constant 1 : i32
      %select_n3A_2407 = arith.select %eq3A_2405, %jit3A_2406, %jit3A_2403 : i32
      %rem3A_2408 = vector.broadcast %select_n3A_2407 : i32 to vector<16xi32>
      %rem3A_2409 = arith.remsi %add3A_2369, %rem3A_2408 : vector<16xi32>
      %ne3A_2410 = arith.constant 0 : i32
      %ne3A_2411 = vector.broadcast %ne3A_2410 : i32 to vector<16xi32>
      %ne3A_2412 = arith.cmpi ne, %rem3A_2409, %ne3A_2411 : vector<16xi32>
      %lt3A_2413 = arith.constant 0 : i32
      %lt3A_2414 = vector.broadcast %lt3A_2413 : i32 to vector<16xi32>
      %lt3A_2415 = arith.cmpi slt, %rem3A_2409, %lt3A_2414 : vector<16xi32>
      %lt3A_2416 = arith.constant 0 : i32
      %lt3A_2417 = arith.cmpi slt, %select_n3A_2407, %lt3A_2416 : i32
      %ne3A_2418 = vector.broadcast %lt3A_2417 : i1 to vector<16xi1>
      %ne3A_2419 = vector.broadcast %ne3A_2418 : vector<16xi1> to vector<16xi1>
      %ne3A_2420 = arith.xori %lt3A_2415, %ne3A_2419 : vector<16xi1>
      %and3A_2421 = arith.andi %ne3A_2420, %ne3A_2412 : vector<16xi1>
      %add3A_2422 = vector.broadcast %select_n3A_2407 : i32 to vector<16xi32>
      %add3A_2423 = arith.addi %rem3A_2409, %add3A_2422 : vector<16xi32>
      %select_n3A_2424 = arith.select %and3A_2421, %add3A_2423, %rem3A_2409 : vector<16xi1>, vector<16xi32>
      %jit3A_2425 = arith.constant 128 : i32
      %eq3A_2426 = arith.constant 0 : i32
      %eq3A_2427 = arith.cmpi eq, %jit3A_2425, %eq3A_2426 : i32
      %jit3A_2428 = arith.constant 1 : i32
      %select_n3A_2429 = arith.select %eq3A_2427, %jit3A_2428, %jit3A_2425 : i32
      %rem3A_2430 = vector.broadcast %select_n3A_2429 : i32 to vector<16xi32>
      %rem3A_2431 = arith.remsi %get3A_2371, %rem3A_2430 : vector<16xi32>
      %ne3A_2432 = arith.constant 0 : i32
      %ne3A_2433 = vector.broadcast %ne3A_2432 : i32 to vector<16xi32>
      %ne3A_2434 = arith.cmpi ne, %rem3A_2431, %ne3A_2433 : vector<16xi32>
      %lt3A_2435 = arith.constant 0 : i32
      %lt3A_2436 = vector.broadcast %lt3A_2435 : i32 to vector<16xi32>
      %lt3A_2437 = arith.cmpi slt, %rem3A_2431, %lt3A_2436 : vector<16xi32>
      %lt3A_2438 = arith.constant 0 : i32
      %lt3A_2439 = arith.cmpi slt, %select_n3A_2429, %lt3A_2438 : i32
      %ne3A_2440 = vector.broadcast %lt3A_2439 : i1 to vector<16xi1>
      %ne3A_2441 = vector.broadcast %ne3A_2440 : vector<16xi1> to vector<16xi1>
      %ne3A_2442 = arith.xori %lt3A_2437, %ne3A_2441 : vector<16xi1>
      %and3A_2443 = arith.andi %ne3A_2442, %ne3A_2434 : vector<16xi1>
      %add3A_2444 = vector.broadcast %select_n3A_2429 : i32 to vector<16xi32>
      %add3A_2445 = arith.addi %rem3A_2431, %add3A_2444 : vector<16xi32>
      %select_n3A_2446 = arith.select %and3A_2443, %add3A_2445, %rem3A_2431 : vector<16xi1>, vector<16xi32>
      %gather3A = tpu.vector_load_idx %arg8[%select_n3A_2402, %select_n3A_2424, %select_n3A_2446] : memref<3x128x128xf32, #tpu.memory_space<vmem>>[vector<16xi32>, vector<16xi32>, vector<16xi32>], vector<16xf32>,
      %swap3A = arith.constant 0 : index
      %swap3A_2447 = tpu.vector_load %arg9[%swap3A] {strides = array<i32>} : memref<384xf32, #tpu.memory_space<vmem>>, vector<16xf32>,
      tpu.vector_store %arg9[%swap3A], %gather3A {strides = array<i32>} : memref<384xf32, #tpu.memory_space<vmem>>, vector<16xf32>,
      %iota3A_2448 = tpu.iota {dimensions = array<i32: 0>} : vector<16xi32>
      %add3A_2449 = arith.constant 16 : i32
      %add3A_2450 = vector.broadcast %add3A_2449 : i32 to vector<16xi32>
      %add3A_2451 = arith.addi %iota3A_2448, %add3A_2450 : vector<16xi32>
      %get3A_2452 = arith.constant 16 : index
      %get3A_2453 = tpu.vector_load %arg6[%get3A_2452] {strides = array<i32>} : memref<384xi32, #tpu.memory_space<vmem>>, vector<16xi32>,
      %jit3A_2454 = arith.constant 128 : i32
      %div3A_2455 = vector.broadcast %jit3A_2454 : i32 to vector<16xi32>
      %div3A_2456 = arith.divsi %add3A_2451, %div3A_2455 : vector<16xi32>
      %sign3A_2457 = arith.constant 0 : i32
      %sign3A_2458 = vector.broadcast %sign3A_2457 : i32 to vector<16xi32>
      %sign3A_2459 = arith.cmpi sgt, %add3A_2451, %sign3A_2458 : vector<16xi32>
      %sign3A_2460 = arith.extui %sign3A_2459 : vector<16xi1> to vector<16xi32>
      %sign3A_2461 = arith.constant 0 : i32
      %sign3A_2462 = vector.broadcast %sign3A_2461 : i32 to vector<16xi32>
      %sign3A_2463 = arith.cmpi slt, %add3A_2451, %sign3A_2462 : vector<16xi32>
      %sign3A_2464 = arith.extui %sign3A_2463 : vector<16xi1> to vector<16xi32>
      %sign3A_2465 = arith.subi %sign3A_2460, %sign3A_2464 : vector<16xi32>
      %sign3A_2466 = arith.constant 0 : i32
      %sign3A_2467 = arith.cmpi sgt, %jit3A_2454, %sign3A_2466 : i32
      %sign3A_2468 = arith.extui %sign3A_2467 : i1 to i32
      %sign3A_2469 = arith.constant 0 : i32
      %sign3A_2470 = arith.cmpi slt, %jit3A_2454, %sign3A_2469 : i32
      %sign3A_2471 = arith.extui %sign3A_2470 : i1 to i32
      %sign3A_2472 = arith.subi %sign3A_2468, %sign3A_2471 : i32
      %ne3A_2473 = vector.broadcast %sign3A_2472 : i32 to vector<16xi32>
      %ne3A_2474 = arith.cmpi ne, %sign3A_2465, %ne3A_2473 : vector<16xi32>
      %rem3A_2475 = vector.broadcast %jit3A_2454 : i32 to vector<16xi32>
      %rem3A_2476 = arith.remsi %add3A_2451, %rem3A_2475 : vector<16xi32>
      %ne3A_2477 = arith.constant 0 : i32
      %ne3A_2478 = vector.broadcast %ne3A_2477 : i32 to vector<16xi32>
      %ne3A_2479 = arith.cmpi ne, %rem3A_2476, %ne3A_2478 : vector<16xi32>
      %and3A_2480 = arith.andi %ne3A_2474, %ne3A_2479 : vector<16xi1>
      %sub3A_2481 = arith.constant 1 : i32
      %sub3A_2482 = vector.broadcast %sub3A_2481 : i32 to vector<16xi32>
      %sub3A_2483 = arith.subi %div3A_2456, %sub3A_2482 : vector<16xi32>
      %select_n3A_2484 = arith.select %and3A_2480, %sub3A_2483, %div3A_2456 : vector<16xi1>, vector<16xi32>
      %jit3A_2485 = arith.constant 128 : i32
      %eq3A_2486 = arith.constant 0 : i32
      %eq3A_2487 = arith.cmpi eq, %jit3A_2485, %eq3A_2486 : i32
      %jit3A_2488 = arith.constant 1 : i32
      %select_n3A_2489 = arith.select %eq3A_2487, %jit3A_2488, %jit3A_2485 : i32
      %rem3A_2490 = vector.broadcast %select_n3A_2489 : i32 to vector<16xi32>
      %rem3A_2491 = arith.remsi %add3A_2451, %rem3A_2490 : vector<16xi32>
      %ne3A_2492 = arith.constant 0 : i32
      %ne3A_2493 = vector.broadcast %ne3A_2492 : i32 to vector<16xi32>
      %ne3A_2494 = arith.cmpi ne, %rem3A_2491, %ne3A_2493 : vector<16xi32>
      %lt3A_2495 = arith.constant 0 : i32
      %lt3A_2496 = vector.broadcast %lt3A_2495 : i32 to vector<16xi32>
      %lt3A_2497 = arith.cmpi slt, %rem3A_2491, %lt3A_2496 : vector<16xi32>
      %lt3A_2498 = arith.constant 0 : i32
      %lt3A_2499 = arith.cmpi slt, %select_n3A_2489, %lt3A_2498 : i32
      %ne3A_2500 = vector.broadcast %lt3A_2499 : i1 to vector<16xi1>
      %ne3A_2501 = vector.broadcast %ne3A_2500 : vector<16xi1> to vector<16xi1>
      %ne3A_2502 = arith.xori %lt3A_2497, %ne3A_2501 : vector<16xi1>
      %and3A_2503 = arith.andi %ne3A_2502, %ne3A_2494 : vector<16xi1>
      %add3A_2504 = vector.broadcast %select_n3A_2489 : i32 to vector<16xi32>
      %add3A_2505 = arith.addi %rem3A_2491, %add3A_2504 : vector<16xi32>
      %select_n3A_2506 = arith.select %and3A_2503, %add3A_2505, %rem3A_2491 : vector<16xi1>, vector<16xi32>
      %jit3A_2507 = arith.constant 128 : i32
      %eq3A_2508 = arith.constant 0 : i32
      %eq3A_2509 = arith.cmpi eq, %jit3A_2507, %eq3A_2508 : i32
      %jit3A_2510 = arith.constant 1 : i32
      %select_n3A_2511 = arith.select %eq3A_2509, %jit3A_2510, %jit3A_2507 : i32
      %rem3A_2512 = vector.broadcast %select_n3A_2511 : i32 to vector<16xi32>
      %rem3A_2513 = arith.remsi %get3A_2453, %rem3A_2512 : vector<16xi32>
      %ne3A_2514 = arith.constant 0 : i32
      %ne3A_2515 = vector.broadcast %ne3A_2514 : i32 to vector<16xi32>
      %ne3A_2516 = arith.cmpi ne, %rem3A_2513, %ne3A_2515 : vector<16xi32>
      %lt3A_2517 = arith.constant 0 : i32
      %lt3A_2518 = vector.broadcast %lt3A_2517 : i32 to vector<16xi32>
      %lt3A_2519 = arith.cmpi slt, %rem3A_2513, %lt3A_2518 : vector<16xi32>
      %lt3A_2520 = arith.constant 0 : i32
      %lt3A_2521 = arith.cmpi slt, %select_n3A_2511, %lt3A_2520 : i32
      %ne3A_2522 = vector.broadcast %lt3A_2521 : i1 to vector<16xi1>
      %ne3A_2523 = vector.broadcast %ne3A_2522 : vector<16xi1> to vector<16xi1>
      %ne3A_2524 = arith.xori %lt3A_2519, %ne3A_2523 : vector<16xi1>
      %and3A_2525 = arith.andi %ne3A_2524, %ne3A_2516 : vector<16xi1>
      %add3A_2526 = vector.broadcast %select_n3A_2511 : i32 to vector<16xi32>
      %add3A_2527 = arith.addi %rem3A_2513, %add3A_2526 : vector<16xi32>
      %select_n3A_2528 = arith.select %and3A_2525, %add3A_2527, %rem3A_2513 : vector<16xi1>, vector<16xi32>
      %gather3A_2529 = tpu.vector_load_idx %arg8[%select_n3A_2484, %select_n3A_2506, %select_n3A_2528] : memref<3x128x128xf32, #tpu.memory_space<vmem>>[vector<16xi32>, vector<16xi32>, vector<16xi32>], vector<16xf32>,
      %swap3A_2530 = arith.constant 16 : index
      %swap3A_2531 = tpu.vector_load %arg9[%swap3A_2530] {strides = array<i32>} : memref<384xf32, #tpu.memory_space<vmem>>, vector<16xf32>,
      tpu.vector_store %arg9[%swap3A_2530], %gather3A_2529 {strides = array<i32>} : memref<384xf32, #tpu.memory_space<vmem>>, vector<16xf32>,
      %iota3A_2532 = tpu.iota {dimensions = array<i32: 0>} : vector<16xi32>
      %add3A_2533 = arith.constant 32 : i32
      %add3A_2534 = vector.broadcast %add3A_2533 : i32 to vector<16xi32>
      %add3A_2535 = arith.addi %iota3A_2532, %add3A_2534 : vector<16xi32>
      %get3A_2536 = arith.constant 32 : index
      %get3A_2537 = tpu.vector_load %arg6[%get3A_2536] {strides = array<i32>} : memref<384xi32, #tpu.memory_space<vmem>>, vector<16xi32>,
      %jit3A_2538 = arith.constant 128 : i32
      %div3A_2539 = vector.broadcast %jit3A_2538 : i32 to vector<16xi32>
      %div3A_2540 = arith.divsi %add3A_2535, %div3A_2539 : vector<16xi32>
      %sign3A_2541 = arith.constant 0 : i32
      %sign3A_2542 = vector.broadcast %sign3A_2541 : i32 to vector<16xi32>
      %sign3A_2543 = arith.cmpi sgt, %add3A_2535, %sign3A_2542 : vector<16xi32>
      %sign3A_2544 = arith.extui %sign3A_2543 : vector<16xi1> to vector<16xi32>
      %sign3A_2545 = arith.constant 0 : i32
      %sign3A_2546 = vector.broadcast %sign3A_2545 : i32 to vector<16xi32>
      %sign3A_2547 = arith.cmpi slt, %add3A_2535, %sign3A_2546 : vector<16xi32>
      %sign3A_2548 = arith.extui %sign3A_2547 : vector<16xi1> to vector<16xi32>
      %sign3A_2549 = arith.subi %sign3A_2544, %sign3A_2548 : vector<16xi32>
      %sign3A_2550 = arith.constant 0 : i32
      %sign3A_2551 = arith.cmpi sgt, %jit3A_2538, %sign3A_2550 : i32
      %sign3A_2552 = arith.extui %sign3A_2551 : i1 to i32
      %sign3A_2553 = arith.constant 0 : i32
      %sign3A_2554 = arith.cmpi slt, %jit3A_2538, %sign3A_2553 : i32
      %sign3A_2555 = arith.extui %sign3A_2554 : i1 to i32
      %sign3A_2556 = arith.subi %sign3A_2552, %sign3A_2555 : i32
      %ne3A_2557 = vector.broadcast %sign3A_2556 : i32 to vector<16xi32>
      %ne3A_2558 = arith.cmpi ne, %sign3A_2549, %ne3A_2557 : vector<16xi32>
      %rem3A_2559 = vector.broadcast %jit3A_2538 : i32 to vector<16xi32>
      %rem3A_2560 = arith.remsi %add3A_2535, %rem3A_2559 : vector<16xi32>
      %ne3A_2561 = arith.constant 0 : i32
      %ne3A_2562 = vector.broadcast %ne3A_2561 : i32 to vector<16xi32>
      %ne3A_2563 = arith.cmpi ne, %rem3A_2560, %ne3A_2562 : vector<16xi32>
      %and3A_2564 = arith.andi %ne3A_2558, %ne3A_2563 : vector<16xi1>
      %sub3A_2565 = arith.constant 1 : i32
      %sub3A_2566 = vector.broadcast %sub3A_2565 : i32 to vector<16xi32>
      %sub3A_2567 = arith.subi %div3A_2540, %sub3A_2566 : vector<16xi32>
      %select_n3A_2568 = arith.select %and3A_2564, %sub3A_2567, %div3A_2540 : vector<16xi1>, vector<16xi32>
      %jit3A_2569 = arith.constant 128 : i32
      %eq3A_2570 = arith.constant 0 : i32
      %eq3A_2571 = arith.cmpi eq, %jit3A_2569, %eq3A_2570 : i32
      %jit3A_2572 = arith.constant 1 : i32
      %select_n3A_2573 = arith.select %eq3A_2571, %jit3A_2572, %jit3A_2569 : i32
      %rem3A_2574 = vector.broadcast %select_n3A_2573 : i32 to vector<16xi32>
      %rem3A_2575 = arith.remsi %add3A_2535, %rem3A_2574 : vector<16xi32>
      %ne3A_2576 = arith.constant 0 : i32
      %ne3A_2577 = vector.broadcast %ne3A_2576 : i32 to vector<16xi32>
      %ne3A_2578 = arith.cmpi ne, %rem3A_2575, %ne3A_2577 : vector<16xi32>
      %lt3A_2579 = arith.constant 0 : i32
      %lt3A_2580 = vector.broadcast %lt3A_2579 : i32 to vector<16xi32>
      %lt3A_2581 = arith.cmpi slt, %rem3A_2575, %lt3A_2580 : vector<16xi32>
      %lt3A_2582 = arith.constant 0 : i32
      %lt3A_2583 = arith.cmpi slt, %select_n3A_2573, %lt3A_2582 : i32
      %ne3A_2584 = vector.broadcast %lt3A_2583 : i1 to vector<16xi1>
      %ne3A_2585 = vector.broadcast %ne3A_2584 : vector<16xi1> to vector<16xi1>
      %ne3A_2586 = arith.xori %lt3A_2581, %ne3A_2585 : vector<16xi1>
      %and3A_2587 = arith.andi %ne3A_2586, %ne3A_2578 : vector<16xi1>
      %add3A_2588 = vector.broadcast %select_n3A_2573 : i32 to vector<16xi32>
      %add3A_2589 = arith.addi %rem3A_2575, %add3A_2588 : vector<16xi32>
      %select_n3A_2590 = arith.select %and3A_2587, %add3A_2589, %rem3A_2575 : vector<16xi1>, vector<16xi32>
      %jit3A_2591 = arith.constant 128 : i32
      %eq3A_2592 = arith.constant 0 : i32
      %eq3A_2593 = arith.cmpi eq, %jit3A_2591, %eq3A_2592 : i32
      %jit3A_2594 = arith.constant 1 : i32
      %select_n3A_2595 = arith.select %eq3A_2593, %jit3A_2594, %jit3A_2591 : i32
      %rem3A_2596 = vector.broadcast %select_n3A_2595 : i32 to vector<16xi32>
      %rem3A_2597 = arith.remsi %get3A_2537, %rem3A_2596 : vector<16xi32>
      %ne3A_2598 = arith.constant 0 : i32
      %ne3A_2599 = vector.broadcast %ne3A_2598 : i32 to vector<16xi32>
      %ne3A_2600 = arith.cmpi ne, %rem3A_2597, %ne3A_2599 : vector<16xi32>
      %lt3A_2601 = arith.constant 0 : i32
      %lt3A_2602 = vector.broadcast %lt3A_2601 : i32 to vector<16xi32>
      %lt3A_2603 = arith.cmpi slt, %rem3A_2597, %lt3A_2602 : vector<16xi32>
      %lt3A_2604 = arith.constant 0 : i32
      %lt3A_2605 = arith.cmpi slt, %select_n3A_2595, %lt3A_2604 : i32
      %ne3A_2606 = vector.broadcast %lt3A_2605 : i1 to vector<16xi1>
      %ne3A_2607 = vector.broadcast %ne3A_2606 : vector<16xi1> to vector<16xi1>
      %ne3A_2608 = arith.xori %lt3A_2603, %ne3A_2607 : vector<16xi1>
      %and3A_2609 = arith.andi %ne3A_2608, %ne3A_2600 : vector<16xi1>
      %add3A_2610 = vector.broadcast %select_n3A_2595 : i32 to vector<16xi32>
      %add3A_2611 = arith.addi %rem3A_2597, %add3A_2610 : vector<16xi32>
      %select_n3A_2612 = arith.select %and3A_2609, %add3A_2611, %rem3A_2597 : vector<16xi1>, vector<16xi32>
      %gather3A_2613 = tpu.vector_load_idx %arg8[%select_n3A_2568, %select_n3A_2590, %select_n3A_2612] : memref<3x128x128xf32, #tpu.memory_space<vmem>>[vector<16xi32>, vector<16xi32>, vector<16xi32>], vector<16xf32>,
      %swap3A_2614 = arith.constant 32 : index
      %swap3A_2615 = tpu.vector_load %arg9[%swap3A_2614] {strides = array<i32>} : memref<384xf32, #tpu.memory_space<vmem>>, vector<16xf32>,
      tpu.vector_store %arg9[%swap3A_2614], %gather3A_2613 {strides = array<i32>} : memref<384xf32, #tpu.memory_space<vmem>>, vector<16xf32>,
      %iota3A_2616 = tpu.iota {dimensions = array<i32: 0>} : vector<16xi32>
      %add3A_2617 = arith.constant 48 : i32
      %add3A_2618 = vector.broadcast %add3A_2617 : i32 to vector<16xi32>
      %add3A_2619 = arith.addi %iota3A_2616, %add3A_2618 : vector<16xi32>
      %get3A_2620 = arith.constant 48 : index
      %get3A_2621 = tpu.vector_load %arg6[%get3A_2620] {strides = array<i32>} : memref<384xi32, #tpu.memory_space<vmem>>, vector<16xi32>,
      %jit3A_2622 = arith.constant 128 : i32
      %div3A_2623 = vector.broadcast %jit3A_2622 : i32 to vector<16xi32>
      %div3A_2624 = arith.divsi %add3A_2619, %div3A_2623 : vector<16xi32>
      %sign3A_2625 = arith.constant 0 : i32
      %sign3A_2626 = vector.broadcast %sign3A_2625 : i32 to vector<16xi32>
      %sign3A_2627 = arith.cmpi sgt, %add3A_2619, %sign3A_2626 : vector<16xi32>
      %sign3A_2628 = arith.extui %sign3A_2627 : vector<16xi1> to vector<16xi32>
      %sign3A_2629 = arith.constant 0 : i32
      %sign3A_2630 = vector.broadcast %sign3A_2629 : i32 to vector<16xi32>
      %sign3A_2631 = arith.cmpi slt, %add3A_2619, %sign3A_2630 : vector<16xi32>
      %sign3A_2632 = arith.extui %sign3A_2631 : vector<16xi1> to vector<16xi32>
      %sign3A_2633 = arith.subi %sign3A_2628, %sign3A_2632 : vector<16xi32>
      %sign3A_2634 = arith.constant 0 : i32
      %sign3A_2635 = arith.cmpi sgt, %jit3A_2622, %sign3A_2634 : i32
      %sign3A_2636 = arith.extui %sign3A_2635 : i1 to i32
      %sign3A_2637 = arith.constant 0 : i32
      %sign3A_2638 = arith.cmpi slt, %jit3A_2622, %sign3A_2637 : i32
      %sign3A_2639 = arith.extui %sign3A_2638 : i1 to i32
      %sign3A_2640 = arith.subi %sign3A_2636, %sign3A_2639 : i32
      %ne3A_2641 = vector.broadcast %sign3A_2640 : i32 to vector<16xi32>
      %ne3A_2642 = arith.cmpi ne, %sign3A_2633, %ne3A_2641 : vector<16xi32>
      %rem3A_2643 = vector.broadcast %jit3A_2622 : i32 to vector<16xi32>
      %rem3A_2644 = arith.remsi %add3A_2619, %rem3A_2643 : vector<16xi32>
      %ne3A_2645 = arith.constant 0 : i32
      %ne3A_2646 = vector.broadcast %ne3A_2645 : i32 to vector<16xi32>
      %ne3A_2647 = arith.cmpi ne, %rem3A_2644, %ne3A_2646 : vector<16xi32>
      %and3A_2648 = arith.andi %ne3A_2642, %ne3A_2647 : vector<16xi1>
      %sub3A_2649 = arith.constant 1 : i32
      %sub3A_2650 = vector.broadcast %sub3A_2649 : i32 to vector<16xi32>
      %sub3A_2651 = arith.subi %div3A_2624, %sub3A_2650 : vector<16xi32>
      %select_n3A_2652 = arith.select %and3A_2648, %sub3A_2651, %div3A_2624 : vector<16xi1>, vector<16xi32>
      %jit3A_2653 = arith.constant 128 : i32
      %eq3A_2654 = arith.constant 0 : i32
      %eq3A_2655 = arith.cmpi eq, %jit3A_2653, %eq3A_2654 : i32
      %jit3A_2656 = arith.constant 1 : i32
      %select_n3A_2657 = arith.select %eq3A_2655, %jit3A_2656, %jit3A_2653 : i32
      %rem3A_2658 = vector.broadcast %select_n3A_2657 : i32 to vector<16xi32>
      %rem3A_2659 = arith.remsi %add3A_2619, %rem3A_2658 : vector<16xi32>
      %ne3A_2660 = arith.constant 0 : i32
      %ne3A_2661 = vector.broadcast %ne3A_2660 : i32 to vector<16xi32>
      %ne3A_2662 = arith.cmpi ne, %rem3A_2659, %ne3A_2661 : vector<16xi32>
      %lt3A_2663 = arith.constant 0 : i32
      %lt3A_2664 = vector.broadcast %lt3A_2663 : i32 to vector<16xi32>
      %lt3A_2665 = arith.cmpi slt, %rem3A_2659, %lt3A_2664 : vector<16xi32>
      %lt3A_2666 = arith.constant 0 : i32
      %lt3A_2667 = arith.cmpi slt, %select_n3A_2657, %lt3A_2666 : i32
      %ne3A_2668 = vector.broadcast %lt3A_2667 : i1 to vector<16xi1>
      %ne3A_2669 = vector.broadcast %ne3A_2668 : vector<16xi1> to vector<16xi1>
      %ne3A_2670 = arith.xori %lt3A_2665, %ne3A_2669 : vector<16xi1>
      %and3A_2671 = arith.andi %ne3A_2670, %ne3A_2662 : vector<16xi1>
      %add3A_2672 = vector.broadcast %select_n3A_2657 : i32 to vector<16xi32>
      %add3A_2673 = arith.addi %rem3A_2659, %add3A_2672 : vector<16xi32>
      %select_n3A_2674 = arith.select %and3A_2671, %add3A_2673, %rem3A_2659 : vector<16xi1>, vector<16xi32>
      %jit3A_2675 = arith.constant 128 : i32
      %eq3A_2676 = arith.constant 0 : i32
      %eq3A_2677 = arith.cmpi eq, %jit3A_2675, %eq3A_2676 : i32
      %jit3A_2678 = arith.constant 1 : i32
      %select_n3A_2679 = arith.select %eq3A_2677, %jit3A_2678, %jit3A_2675 : i32
      %rem3A_2680 = vector.broadcast %select_n3A_2679 : i32 to vector<16xi32>
      %rem3A_2681 = arith.remsi %get3A_2621, %rem3A_2680 : vector<16xi32>
      %ne3A_2682 = arith.constant 0 : i32
      %ne3A_2683 = vector.broadcast %ne3A_2682 : i32 to vector<16xi32>
      %ne3A_2684 = arith.cmpi ne, %rem3A_2681, %ne3A_2683 : vector<16xi32>
      %lt3A_2685 = arith.constant 0 : i32
      %lt3A_2686 = vector.broadcast %lt3A_2685 : i32 to vector<16xi32>
      %lt3A_2687 = arith.cmpi slt, %rem3A_2681, %lt3A_2686 : vector<16xi32>
      %lt3A_2688 = arith.constant 0 : i32
      %lt3A_2689 = arith.cmpi slt, %select_n3A_2679, %lt3A_2688 : i32
      %ne3A_2690 = vector.broadcast %lt3A_2689 : i1 to vector<16xi1>
      %ne3A_2691 = vector.broadcast %ne3A_2690 : vector<16xi1> to vector<16xi1>
      %ne3A_2692 = arith.xori %lt3A_2687, %ne3A_2691 : vector<16xi1>
      %and3A_2693 = arith.andi %ne3A_2692, %ne3A_2684 : vector<16xi1>
      %add3A_2694 = vector.broadcast %select_n3A_2679 : i32 to vector<16xi32>
      %add3A_2695 = arith.addi %rem3A_2681, %add3A_2694 : vector<16xi32>
      %select_n3A_2696 = arith.select %and3A_2693, %add3A_2695, %rem3A_2681 : vector<16xi1>, vector<16xi32>
      %gather3A_2697 = tpu.vector_load_idx %arg8[%select_n3A_2652, %select_n3A_2674, %select_n3A_2696] : memref<3x128x128xf32, #tpu.memory_space<vmem>>[vector<16xi32>, vector<16xi32>, vector<16xi32>], vector<16xf32>,
      %swap3A_2698 = arith.constant 48 : index
      %swap3A_2699 = tpu.vector_load %arg9[%swap3A_2698] {strides = array<i32>} : memref<384xf32, #tpu.memory_space<vmem>>, vector<16xf32>,
      tpu.vector_store %arg9[%swap3A_2698], %gather3A_2697 {strides = array<i32>} : memref<384xf32, #tpu.memory_space<vmem>>, vector<16xf32>,
      %iota3A_2700 = tpu.iota {dimensions = array<i32: 0>} : vector<16xi32>
      %add3A_2701 = arith.constant 64 : i32
      %add3A_2702 = vector.broadcast %add3A_2701 : i32 to vector<16xi32>
      %add3A_2703 = arith.addi %iota3A_2700, %add3A_2702 : vector<16xi32>
      %get3A_2704 = arith.constant 64 : index
      %get3A_2705 = tpu.vector_load %arg6[%get3A_2704] {strides = array<i32>} : memref<384xi32, #tpu.memory_space<vmem>>, vector<16xi32>,
      %jit3A_2706 = arith.constant 128 : i32
      %div3A_2707 = vector.broadcast %jit3A_2706 : i32 to vector<16xi32>
      %div3A_2708 = arith.divsi %add3A_2703, %div3A_2707 : vector<16xi32>
      %sign3A_2709 = arith.constant 0 : i32
      %sign3A_2710 = vector.broadcast %sign3A_2709 : i32 to vector<16xi32>
      %sign3A_2711 = arith.cmpi sgt, %add3A_2703, %sign3A_2710 : vector<16xi32>
      %sign3A_2712 = arith.extui %sign3A_2711 : vector<16xi1> to vector<16xi32>
      %sign3A_2713 = arith.constant 0 : i32
      %sign3A_2714 = vector.broadcast %sign3A_2713 : i32 to vector<16xi32>
      %sign3A_2715 = arith.cmpi slt, %add3A_2703, %sign3A_2714 : vector<16xi32>
      %sign3A_2716 = arith.extui %sign3A_2715 : vector<16xi1> to vector<16xi32>
      %sign3A_2717 = arith.subi %sign3A_2712, %sign3A_2716 : vector<16xi32>
      %sign3A_2718 = arith.constant 0 : i32
      %sign3A_2719 = arith.cmpi sgt, %jit3A_2706, %sign3A_2718 : i32
      %sign3A_2720 = arith.extui %sign3A_2719 : i1 to i32
      %sign3A_2721 = arith.constant 0 : i32
      %sign3A_2722 = arith.cmpi slt, %jit3A_2706, %sign3A_2721 : i32
      %sign3A_2723 = arith.extui %sign3A_2722 : i1 to i32
      %sign3A_2724 = arith.subi %sign3A_2720, %sign3A_2723 : i32
      %ne3A_2725 = vector.broadcast %sign3A_2724 : i32 to vector<16xi32>
      %ne3A_2726 = arith.cmpi ne, %sign3A_2717, %ne3A_2725 : vector<16xi32>
      %rem3A_2727 = vector.broadcast %jit3A_2706 : i32 to vector<16xi32>
      %rem3A_2728 = arith.remsi %add3A_2703, %rem3A_2727 : vector<16xi32>
      %ne3A_2729 = arith.constant 0 : i32
      %ne3A_2730 = vector.broadcast %ne3A_2729 : i32 to vector<16xi32>
      %ne3A_2731 = arith.cmpi ne, %rem3A_2728, %ne3A_2730 : vector<16xi32>
      %and3A_2732 = arith.andi %ne3A_2726, %ne3A_2731 : vector<16xi1>
      %sub3A_2733 = arith.constant 1 : i32
      %sub3A_2734 = vector.broadcast %sub3A_2733 : i32 to vector<16xi32>
      %sub3A_2735 = arith.subi %div3A_2708, %sub3A_2734 : vector<16xi32>
      %select_n3A_2736 = arith.select %and3A_2732, %sub3A_2735, %div3A_2708 : vector<16xi1>, vector<16xi32>
      %jit3A_2737 = arith.constant 128 : i32
      %eq3A_2738 = arith.constant 0 : i32
      %eq3A_2739 = arith.cmpi eq, %jit3A_2737, %eq3A_2738 : i32
      %jit3A_2740 = arith.constant 1 : i32
      %select_n3A_2741 = arith.select %eq3A_2739, %jit3A_2740, %jit3A_2737 : i32
      %rem3A_2742 = vector.broadcast %select_n3A_2741 : i32 to vector<16xi32>
      %rem3A_2743 = arith.remsi %add3A_2703, %rem3A_2742 : vector<16xi32>
      %ne3A_2744 = arith.constant 0 : i32
      %ne3A_2745 = vector.broadcast %ne3A_2744 : i32 to vector<16xi32>
      %ne3A_2746 = arith.cmpi ne, %rem3A_2743, %ne3A_2745 : vector<16xi32>
      %lt3A_2747 = arith.constant 0 : i32
      %lt3A_2748 = vector.broadcast %lt3A_2747 : i32 to vector<16xi32>
      %lt3A_2749 = arith.cmpi slt, %rem3A_2743, %lt3A_2748 : vector<16xi32>
      %lt3A_2750 = arith.constant 0 : i32
      %lt3A_2751 = arith.cmpi slt, %select_n3A_2741, %lt3A_2750 : i32
      %ne3A_2752 = vector.broadcast %lt3A_2751 : i1 to vector<16xi1>
      %ne3A_2753 = vector.broadcast %ne3A_2752 : vector<16xi1> to vector<16xi1>
      %ne3A_2754 = arith.xori %lt3A_2749, %ne3A_2753 : vector<16xi1>
      %and3A_2755 = arith.andi %ne3A_2754, %ne3A_2746 : vector<16xi1>
      %add3A_2756 = vector.broadcast %select_n3A_2741 : i32 to vector<16xi32>
      %add3A_2757 = arith.addi %rem3A_2743, %add3A_2756 : vector<16xi32>
      %select_n3A_2758 = arith.select %and3A_2755, %add3A_2757, %rem3A_2743 : vector<16xi1>, vector<16xi32>
      %jit3A_2759 = arith.constant 128 : i32
      %eq3A_2760 = arith.constant 0 : i32
      %eq3A_2761 = arith.cmpi eq, %jit3A_2759, %eq3A_2760 : i32
      %jit3A_2762 = arith.constant 1 : i32
      %select_n3A_2763 = arith.select %eq3A_2761, %jit3A_2762, %jit3A_2759 : i32
      %rem3A_2764 = vector.broadcast %select_n3A_2763 : i32 to vector<16xi32>
      %rem3A_2765 = arith.remsi %get3A_2705, %rem3A_2764 : vector<16xi32>
      %ne3A_2766 = arith.constant 0 : i32
      %ne3A_2767 = vector.broadcast %ne3A_2766 : i32 to vector<16xi32>
      %ne3A_2768 = arith.cmpi ne, %rem3A_2765, %ne3A_2767 : vector<16xi32>
      %lt3A_2769 = arith.constant 0 : i32
      %lt3A_2770 = vector.broadcast %lt3A_2769 : i32 to vector<16xi32>
      %lt3A_2771 = arith.cmpi slt, %rem3A_2765, %lt3A_2770 : vector<16xi32>
      %lt3A_2772 = arith.constant 0 : i32
      %lt3A_2773 = arith.cmpi slt, %select_n3A_2763, %lt3A_2772 : i32
      %ne3A_2774 = vector.broadcast %lt3A_2773 : i1 to vector<16xi1>
      %ne3A_2775 = vector.broadcast %ne3A_2774 : vector<16xi1> to vector<16xi1>
      %ne3A_2776 = arith.xori %lt3A_2771, %ne3A_2775 : vector<16xi1>
      %and3A_2777 = arith.andi %ne3A_2776, %ne3A_2768 : vector<16xi1>
      %add3A_2778 = vector.broadcast %select_n3A_2763 : i32 to vector<16xi32>
      %add3A_2779 = arith.addi %rem3A_2765, %add3A_2778 : vector<16xi32>
      %select_n3A_2780 = arith.select %and3A_2777, %add3A_2779, %rem3A_2765 : vector<16xi1>, vector<16xi32>
      %gather3A_2781 = tpu.vector_load_idx %arg8[%select_n3A_2736, %select_n3A_2758, %select_n3A_2780] : memref<3x128x128xf32, #tpu.memory_space<vmem>>[vector<16xi32>, vector<16xi32>, vector<16xi32>], vector<16xf32>,
      %swap3A_2782 = arith.constant 64 : index
      %swap3A_2783 = tpu.vector_load %arg9[%swap3A_2782] {strides = array<i32>} : memref<384xf32, #tpu.memory_space<vmem>>, vector<16xf32>,
      tpu.vector_store %arg9[%swap3A_2782], %gather3A_2781 {strides = array<i32>} : memref<384xf32, #tpu.memory_space<vmem>>, vector<16xf32>,
      %iota3A_2784 = tpu.iota {dimensions = array<i32: 0>} : vector<16xi32>
      %add3A_2785 = arith.constant 80 : i32
      %add3A_2786 = vector.broadcast %add3A_2785 : i32 to vector<16xi32>
      %add3A_2787 = arith.addi %iota3A_2784, %add3A_2786 : vector<16xi32>
      %get3A_2788 = arith.constant 80 : index
      %get3A_2789 = tpu.vector_load %arg6[%get3A_2788] {strides = array<i32>} : memref<384xi32, #tpu.memory_space<vmem>>, vector<16xi32>,
      %jit3A_2790 = arith.constant 128 : i32
      %div3A_2791 = vector.broadcast %jit3A_2790 : i32 to vector<16xi32>
      %div3A_2792 = arith.divsi %add3A_2787, %div3A_2791 : vector<16xi32>
      %sign3A_2793 = arith.constant 0 : i32
      %sign3A_2794 = vector.broadcast %sign3A_2793 : i32 to vector<16xi32>
      %sign3A_2795 = arith.cmpi sgt, %add3A_2787, %sign3A_2794 : vector<16xi32>
      %sign3A_2796 = arith.extui %sign3A_2795 : vector<16xi1> to vector<16xi32>
      %sign3A_2797 = arith.constant 0 : i32
      %sign3A_2798 = vector.broadcast %sign3A_2797 : i32 to vector<16xi32>
      %sign3A_2799 = arith.cmpi slt, %add3A_2787, %sign3A_2798 : vector<16xi32>
      %sign3A_2800 = arith.extui %sign3A_2799 : vector<16xi1> to vector<16xi32>
      %sign3A_2801 = arith.subi %sign3A_2796, %sign3A_2800 : vector<16xi32>
      %sign3A_2802 = arith.constant 0 : i32
      %sign3A_2803 = arith.cmpi sgt, %jit3A_2790, %sign3A_2802 : i32
      %sign3A_2804 = arith.extui %sign3A_2803 : i1 to i32
      %sign3A_2805 = arith.constant 0 : i32
      %sign3A_2806 = arith.cmpi slt, %jit3A_2790, %sign3A_2805 : i32
      %sign3A_2807 = arith.extui %sign3A_2806 : i1 to i32
      %sign3A_2808 = arith.subi %sign3A_2804, %sign3A_2807 : i32
      %ne3A_2809 = vector.broadcast %sign3A_2808 : i32 to vector<16xi32>
      %ne3A_2810 = arith.cmpi ne, %sign3A_2801, %ne3A_2809 : vector<16xi32>
      %rem3A_2811 = vector.broadcast %jit3A_2790 : i32 to vector<16xi32>
      %rem3A_2812 = arith.remsi %add3A_2787, %rem3A_2811 : vector<16xi32>
      %ne3A_2813 = arith.constant 0 : i32
      %ne3A_2814 = vector.broadcast %ne3A_2813 : i32 to vector<16xi32>
      %ne3A_2815 = arith.cmpi ne, %rem3A_2812, %ne3A_2814 : vector<16xi32>
      %and3A_2816 = arith.andi %ne3A_2810, %ne3A_2815 : vector<16xi1>
      %sub3A_2817 = arith.constant 1 : i32
      %sub3A_2818 = vector.broadcast %sub3A_2817 : i32 to vector<16xi32>
      %sub3A_2819 = arith.subi %div3A_2792, %sub3A_2818 : vector<16xi32>
      %select_n3A_2820 = arith.select %and3A_2816, %sub3A_2819, %div3A_2792 : vector<16xi1>, vector<16xi32>
      %jit3A_2821 = arith.constant 128 : i32
      %eq3A_2822 = arith.constant 0 : i32
      %eq3A_2823 = arith.cmpi eq, %jit3A_2821, %eq3A_2822 : i32
      %jit3A_2824 = arith.constant 1 : i32
      %select_n3A_2825 = arith.select %eq3A_2823, %jit3A_2824, %jit3A_2821 : i32
      %rem3A_2826 = vector.broadcast %select_n3A_2825 : i32 to vector<16xi32>
      %rem3A_2827 = arith.remsi %add3A_2787, %rem3A_2826 : vector<16xi32>
      %ne3A_2828 = arith.constant 0 : i32
      %ne3A_2829 = vector.broadcast %ne3A_2828 : i32 to vector<16xi32>
      %ne3A_2830 = arith.cmpi ne, %rem3A_2827, %ne3A_2829 : vector<16xi32>
      %lt3A_2831 = arith.constant 0 : i32
      %lt3A_2832 = vector.broadcast %lt3A_2831 : i32 to vector<16xi32>
      %lt3A_2833 = arith.cmpi slt, %rem3A_2827, %lt3A_2832 : vector<16xi32>
      %lt3A_2834 = arith.constant 0 : i32
      %lt3A_2835 = arith.cmpi slt, %select_n3A_2825, %lt3A_2834 : i32
      %ne3A_2836 = vector.broadcast %lt3A_2835 : i1 to vector<16xi1>
      %ne3A_2837 = vector.broadcast %ne3A_2836 : vector<16xi1> to vector<16xi1>
      %ne3A_2838 = arith.xori %lt3A_2833, %ne3A_2837 : vector<16xi1>
      %and3A_2839 = arith.andi %ne3A_2838, %ne3A_2830 : vector<16xi1>
      %add3A_2840 = vector.broadcast %select_n3A_2825 : i32 to vector<16xi32>
      %add3A_2841 = arith.addi %rem3A_2827, %add3A_2840 : vector<16xi32>
      %select_n3A_2842 = arith.select %and3A_2839, %add3A_2841, %rem3A_2827 : vector<16xi1>, vector<16xi32>
      %jit3A_2843 = arith.constant 128 : i32
      %eq3A_2844 = arith.constant 0 : i32
      %eq3A_2845 = arith.cmpi eq, %jit3A_2843, %eq3A_2844 : i32
      %jit3A_2846 = arith.constant 1 : i32
      %select_n3A_2847 = arith.select %eq3A_2845, %jit3A_2846, %jit3A_2843 : i32
      %rem3A_2848 = vector.broadcast %select_n3A_2847 : i32 to vector<16xi32>
      %rem3A_2849 = arith.remsi %get3A_2789, %rem3A_2848 : vector<16xi32>
      %ne3A_2850 = arith.constant 0 : i32
      %ne3A_2851 = vector.broadcast %ne3A_2850 : i32 to vector<16xi32>
      %ne3A_2852 = arith.cmpi ne, %rem3A_2849, %ne3A_2851 : vector<16xi32>
      %lt3A_2853 = arith.constant 0 : i32
      %lt3A_2854 = vector.broadcast %lt3A_2853 : i32 to vector<16xi32>
      %lt3A_2855 = arith.cmpi slt, %rem3A_2849, %lt3A_2854 : vector<16xi32>
      %lt3A_2856 = arith.constant 0 : i32
      %lt3A_2857 = arith.cmpi slt, %select_n3A_2847, %lt3A_2856 : i32
      %ne3A_2858 = vector.broadcast %lt3A_2857 : i1 to vector<16xi1>
      %ne3A_2859 = vector.broadcast %ne3A_2858 : vector<16xi1> to vector<16xi1>
      %ne3A_2860 = arith.xori %lt3A_2855, %ne3A_2859 : vector<16xi1>
      %and3A_2861 = arith.andi %ne3A_2860, %ne3A_2852 : vector<16xi1>
      %add3A_2862 = vector.broadcast %select_n3A_2847 : i32 to vector<16xi32>
      %add3A_2863 = arith.addi %rem3A_2849, %add3A_2862 : vector<16xi32>
      %select_n3A_2864 = arith.select %and3A_2861, %add3A_2863, %rem3A_2849 : vector<16xi1>, vector<16xi32>
      %gather3A_2865 = tpu.vector_load_idx %arg8[%select_n3A_2820, %select_n3A_2842, %select_n3A_2864] : memref<3x128x128xf32, #tpu.memory_space<vmem>>[vector<16xi32>, vector<16xi32>, vector<16xi32>], vector<16xf32>,
      %swap3A_2866 = arith.constant 80 : index
      %swap3A_2867 = tpu.vector_load %arg9[%swap3A_2866] {strides = array<i32>} : memref<384xf32, #tpu.memory_space<vmem>>, vector<16xf32>,
      tpu.vector_store %arg9[%swap3A_2866], %gather3A_2865 {strides = array<i32>} : memref<384xf32, #tpu.memory_space<vmem>>, vector<16xf32>,
      %iota3A_2868 = tpu.iota {dimensions = array<i32: 0>} : vector<16xi32>
      %add3A_2869 = arith.constant 96 : i32
      %add3A_2870 = vector.broadcast %add3A_2869 : i32 to vector<16xi32>
      %add3A_2871 = arith.addi %iota3A_2868, %add3A_2870 : vector<16xi32>
      %get3A_2872 = arith.constant 96 : index
      %get3A_2873 = tpu.vector_load %arg6[%get3A_2872] {strides = array<i32>} : memref<384xi32, #tpu.memory_space<vmem>>, vector<16xi32>,
      %jit3A_2874 = arith.constant 128 : i32
      %div3A_2875 = vector.broadcast %jit3A_2874 : i32 to vector<16xi32>
      %div3A_2876 = arith.divsi %add3A_2871, %div3A_2875 : vector<16xi32>
      %sign3A_2877 = arith.constant 0 : i32
      %sign3A_2878 = vector.broadcast %sign3A_2877 : i32 to vector<16xi32>
      %sign3A_2879 = arith.cmpi sgt, %add3A_2871, %sign3A_2878 : vector<16xi32>
      %sign3A_2880 = arith.extui %sign3A_2879 : vector<16xi1> to vector<16xi32>
      %sign3A_2881 = arith.constant 0 : i32
      %sign3A_2882 = vector.broadcast %sign3A_2881 : i32 to vector<16xi32>
      %sign3A_2883 = arith.cmpi slt, %add3A_2871, %sign3A_2882 : vector<16xi32>
      %sign3A_2884 = arith.extui %sign3A_2883 : vector<16xi1> to vector<16xi32>
      %sign3A_2885 = arith.subi %sign3A_2880, %sign3A_2884 : vector<16xi32>
      %sign3A_2886 = arith.constant 0 : i32
      %sign3A_2887 = arith.cmpi sgt, %jit3A_2874, %sign3A_2886 : i32
      %sign3A_2888 = arith.extui %sign3A_2887 : i1 to i32
      %sign3A_2889 = arith.constant 0 : i32
      %sign3A_2890 = arith.cmpi slt, %jit3A_2874, %sign3A_2889 : i32
      %sign3A_2891 = arith.extui %sign3A_2890 : i1 to i32
      %sign3A_2892 = arith.subi %sign3A_2888, %sign3A_2891 : i32
      %ne3A_2893 = vector.broadcast %sign3A_2892 : i32 to vector<16xi32>
      %ne3A_2894 = arith.cmpi ne, %sign3A_2885, %ne3A_2893 : vector<16xi32>
      %rem3A_2895 = vector.broadcast %jit3A_2874 : i32 to vector<16xi32>
      %rem3A_2896 = arith.remsi %add3A_2871, %rem3A_2895 : vector<16xi32>
      %ne3A_2897 = arith.constant 0 : i32
      %ne3A_2898 = vector.broadcast %ne3A_2897 : i32 to vector<16xi32>
      %ne3A_2899 = arith.cmpi ne, %rem3A_2896, %ne3A_2898 : vector<16xi32>
      %and3A_2900 = arith.andi %ne3A_2894, %ne3A_2899 : vector<16xi1>
      %sub3A_2901 = arith.constant 1 : i32
      %sub3A_2902 = vector.broadcast %sub3A_2901 : i32 to vector<16xi32>
      %sub3A_2903 = arith.subi %div3A_2876, %sub3A_2902 : vector<16xi32>
      %select_n3A_2904 = arith.select %and3A_2900, %sub3A_2903, %div3A_2876 : vector<16xi1>, vector<16xi32>
      %jit3A_2905 = arith.constant 128 : i32
      %eq3A_2906 = arith.constant 0 : i32
      %eq3A_2907 = arith.cmpi eq, %jit3A_2905, %eq3A_2906 : i32
      %jit3A_2908 = arith.constant 1 : i32
      %select_n3A_2909 = arith.select %eq3A_2907, %jit3A_2908, %jit3A_2905 : i32
      %rem3A_2910 = vector.broadcast %select_n3A_2909 : i32 to vector<16xi32>
      %rem3A_2911 = arith.remsi %add3A_2871, %rem3A_2910 : vector<16xi32>
      %ne3A_2912 = arith.constant 0 : i32
      %ne3A_2913 = vector.broadcast %ne3A_2912 : i32 to vector<16xi32>
      %ne3A_2914 = arith.cmpi ne, %rem3A_2911, %ne3A_2913 : vector<16xi32>
      %lt3A_2915 = arith.constant 0 : i32
      %lt3A_2916 = vector.broadcast %lt3A_2915 : i32 to vector<16xi32>
      %lt3A_2917 = arith.cmpi slt, %rem3A_2911, %lt3A_2916 : vector<16xi32>
      %lt3A_2918 = arith.constant 0 : i32
      %lt3A_2919 = arith.cmpi slt, %select_n3A_2909, %lt3A_2918 : i32
      %ne3A_2920 = vector.broadcast %lt3A_2919 : i1 to vector<16xi1>
      %ne3A_2921 = vector.broadcast %ne3A_2920 : vector<16xi1> to vector<16xi1>
      %ne3A_2922 = arith.xori %lt3A_2917, %ne3A_2921 : vector<16xi1>
      %and3A_2923 = arith.andi %ne3A_2922, %ne3A_2914 : vector<16xi1>
      %add3A_2924 = vector.broadcast %select_n3A_2909 : i32 to vector<16xi32>
      %add3A_2925 = arith.addi %rem3A_2911, %add3A_2924 : vector<16xi32>
      %select_n3A_2926 = arith.select %and3A_2923, %add3A_2925, %rem3A_2911 : vector<16xi1>, vector<16xi32>
      %jit3A_2927 = arith.constant 128 : i32
      %eq3A_2928 = arith.constant 0 : i32
      %eq3A_2929 = arith.cmpi eq, %jit3A_2927, %eq3A_2928 : i32
      %jit3A_2930 = arith.constant 1 : i32
      %select_n3A_2931 = arith.select %eq3A_2929, %jit3A_2930, %jit3A_2927 : i32
      %rem3A_2932 = vector.broadcast %select_n3A_2931 : i32 to vector<16xi32>
      %rem3A_2933 = arith.remsi %get3A_2873, %rem3A_2932 : vector<16xi32>
      %ne3A_2934 = arith.constant 0 : i32
      %ne3A_2935 = vector.broadcast %ne3A_2934 : i32 to vector<16xi32>
      %ne3A_2936 = arith.cmpi ne, %rem3A_2933, %ne3A_2935 : vector<16xi32>
      %lt3A_2937 = arith.constant 0 : i32
      %lt3A_2938 = vector.broadcast %lt3A_2937 : i32 to vector<16xi32>
      %lt3A_2939 = arith.cmpi slt, %rem3A_2933, %lt3A_2938 : vector<16xi32>
      %lt3A_2940 = arith.constant 0 : i32
      %lt3A_2941 = arith.cmpi slt, %select_n3A_2931, %lt3A_2940 : i32
      %ne3A_2942 = vector.broadcast %lt3A_2941 : i1 to vector<16xi1>
      %ne3A_2943 = vector.broadcast %ne3A_2942 : vector<16xi1> to vector<16xi1>
      %ne3A_2944 = arith.xori %lt3A_2939, %ne3A_2943 : vector<16xi1>
      %and3A_2945 = arith.andi %ne3A_2944, %ne3A_2936 : vector<16xi1>
      %add3A_2946 = vector.broadcast %select_n3A_2931 : i32 to vector<16xi32>
      %add3A_2947 = arith.addi %rem3A_2933, %add3A_2946 : vector<16xi32>
      %select_n3A_2948 = arith.select %and3A_2945, %add3A_2947, %rem3A_2933 : vector<16xi1>, vector<16xi32>
      %gather3A_2949 = tpu.vector_load_idx %arg8[%select_n3A_2904, %select_n3A_2926, %select_n3A_2948] : memref<3x128x128xf32, #tpu.memory_space<vmem>>[vector<16xi32>, vector<16xi32>, vector<16xi32>], vector<16xf32>,
      %swap3A_2950 = arith.constant 96 : index
      %swap3A_2951 = tpu.vector_load %arg9[%swap3A_2950] {strides = array<i32>} : memref<384xf32, #tpu.memory_space<vmem>>, vector<16xf32>,
      tpu.vector_store %arg9[%swap3A_2950], %gather3A_2949 {strides = array<i32>} : memref<384xf32, #tpu.memory_space<vmem>>, vector<16xf32>,
      %iota3A_2952 = tpu.iota {dimensions = array<i32: 0>} : vector<16xi32>
      %add3A_2953 = arith.constant 112 : i32
      %add3A_2954 = vector.broadcast %add3A_2953 : i32 to vector<16xi32>
      %add3A_2955 = arith.addi %iota3A_2952, %add3A_2954 : vector<16xi32>
      %get3A_2956 = arith.constant 112 : index
      %get3A_2957 = tpu.vector_load %arg6[%get3A_2956] {strides = array<i32>} : memref<384xi32, #tpu.memory_space<vmem>>, vector<16xi32>,
      %jit3A_2958 = arith.constant 128 : i32
      %div3A_2959 = vector.broadcast %jit3A_2958 : i32 to vector<16xi32>
      %div3A_2960 = arith.divsi %add3A_2955, %div3A_2959 : vector<16xi32>
      %sign3A_2961 = arith.constant 0 : i32
      %sign3A_2962 = vector.broadcast %sign3A_2961 : i32 to vector<16xi32>
      %sign3A_2963 = arith.cmpi sgt, %add3A_2955, %sign3A_2962 : vector<16xi32>
      %sign3A_2964 = arith.extui %sign3A_2963 : vector<16xi1> to vector<16xi32>
      %sign3A_2965 = arith.constant 0 : i32
      %sign3A_2966 = vector.broadcast %sign3A_2965 : i32 to vector<16xi32>
      %sign3A_2967 = arith.cmpi slt, %add3A_2955, %sign3A_2966 : vector<16xi32>
      %sign3A_2968 = arith.extui %sign3A_2967 : vector<16xi1> to vector<16xi32>
      %sign3A_2969 = arith.subi %sign3A_2964, %sign3A_2968 : vector<16xi32>
      %sign3A_2970 = arith.constant 0 : i32
      %sign3A_2971 = arith.cmpi sgt, %jit3A_2958, %sign3A_2970 : i32
      %sign3A_2972 = arith.extui %sign3A_2971 : i1 to i32
      %sign3A_2973 = arith.constant 0 : i32
      %sign3A_2974 = arith.cmpi slt, %jit3A_2958, %sign3A_2973 : i32
      %sign3A_2975 = arith.extui %sign3A_2974 : i1 to i32
      %sign3A_2976 = arith.subi %sign3A_2972, %sign3A_2975 : i32
      %ne3A_2977 = vector.broadcast %sign3A_2976 : i32 to vector<16xi32>
      %ne3A_2978 = arith.cmpi ne, %sign3A_2969, %ne3A_2977 : vector<16xi32>
      %rem3A_2979 = vector.broadcast %jit3A_2958 : i32 to vector<16xi32>
      %rem3A_2980 = arith.remsi %add3A_2955, %rem3A_2979 : vector<16xi32>
      %ne3A_2981 = arith.constant 0 : i32
      %ne3A_2982 = vector.broadcast %ne3A_2981 : i32 to vector<16xi32>
      %ne3A_2983 = arith.cmpi ne, %rem3A_2980, %ne3A_2982 : vector<16xi32>
      %and3A_2984 = arith.andi %ne3A_2978, %ne3A_2983 : vector<16xi1>
      %sub3A_2985 = arith.constant 1 : i32
      %sub3A_2986 = vector.broadcast %sub3A_2985 : i32 to vector<16xi32>
      %sub3A_2987 = arith.subi %div3A_2960, %sub3A_2986 : vector<16xi32>
      %select_n3A_2988 = arith.select %and3A_2984, %sub3A_2987, %div3A_2960 : vector<16xi1>, vector<16xi32>
      %jit3A_2989 = arith.constant 128 : i32
      %eq3A_2990 = arith.constant 0 : i32
      %eq3A_2991 = arith.cmpi eq, %jit3A_2989, %eq3A_2990 : i32
      %jit3A_2992 = arith.constant 1 : i32
      %select_n3A_2993 = arith.select %eq3A_2991, %jit3A_2992, %jit3A_2989 : i32
      %rem3A_2994 = vector.broadcast %select_n3A_2993 : i32 to vector<16xi32>
      %rem3A_2995 = arith.remsi %add3A_2955, %rem3A_2994 : vector<16xi32>
      %ne3A_2996 = arith.constant 0 : i32
      %ne3A_2997 = vector.broadcast %ne3A_2996 : i32 to vector<16xi32>
      %ne3A_2998 = arith.cmpi ne, %rem3A_2995, %ne3A_2997 : vector<16xi32>
      %lt3A_2999 = arith.constant 0 : i32
      %lt3A_3000 = vector.broadcast %lt3A_2999 : i32 to vector<16xi32>
      %lt3A_3001 = arith.cmpi slt, %rem3A_2995, %lt3A_3000 : vector<16xi32>
      %lt3A_3002 = arith.constant 0 : i32
      %lt3A_3003 = arith.cmpi slt, %select_n3A_2993, %lt3A_3002 : i32
      %ne3A_3004 = vector.broadcast %lt3A_3003 : i1 to vector<16xi1>
      %ne3A_3005 = vector.broadcast %ne3A_3004 : vector<16xi1> to vector<16xi1>
      %ne3A_3006 = arith.xori %lt3A_3001, %ne3A_3005 : vector<16xi1>
      %and3A_3007 = arith.andi %ne3A_3006, %ne3A_2998 : vector<16xi1>
      %add3A_3008 = vector.broadcast %select_n3A_2993 : i32 to vector<16xi32>
      %add3A_3009 = arith.addi %rem3A_2995, %add3A_3008 : vector<16xi32>
      %select_n3A_3010 = arith.select %and3A_3007, %add3A_3009, %rem3A_2995 : vector<16xi1>, vector<16xi32>
      %jit3A_3011 = arith.constant 128 : i32
      %eq3A_3012 = arith.constant 0 : i32
      %eq3A_3013 = arith.cmpi eq, %jit3A_3011, %eq3A_3012 : i32
      %jit3A_3014 = arith.constant 1 : i32
      %select_n3A_3015 = arith.select %eq3A_3013, %jit3A_3014, %jit3A_3011 : i32
      %rem3A_3016 = vector.broadcast %select_n3A_3015 : i32 to vector<16xi32>
      %rem3A_3017 = arith.remsi %get3A_2957, %rem3A_3016 : vector<16xi32>
      %ne3A_3018 = arith.constant 0 : i32
      %ne3A_3019 = vector.broadcast %ne3A_3018 : i32 to vector<16xi32>
      %ne3A_3020 = arith.cmpi ne, %rem3A_3017, %ne3A_3019 : vector<16xi32>
      %lt3A_3021 = arith.constant 0 : i32
      %lt3A_3022 = vector.broadcast %lt3A_3021 : i32 to vector<16xi32>
      %lt3A_3023 = arith.cmpi slt, %rem3A_3017, %lt3A_3022 : vector<16xi32>
      %lt3A_3024 = arith.constant 0 : i32
      %lt3A_3025 = arith.cmpi slt, %select_n3A_3015, %lt3A_3024 : i32
      %ne3A_3026 = vector.broadcast %lt3A_3025 : i1 to vector<16xi1>
      %ne3A_3027 = vector.broadcast %ne3A_3026 : vector<16xi1> to vector<16xi1>
      %ne3A_3028 = arith.xori %lt3A_3023, %ne3A_3027 : vector<16xi1>
      %and3A_3029 = arith.andi %ne3A_3028, %ne3A_3020 : vector<16xi1>
      %add3A_3030 = vector.broadcast %select_n3A_3015 : i32 to vector<16xi32>
      %add3A_3031 = arith.addi %rem3A_3017, %add3A_3030 : vector<16xi32>
      %select_n3A_3032 = arith.select %and3A_3029, %add3A_3031, %rem3A_3017 : vector<16xi1>, vector<16xi32>
      %gather3A_3033 = tpu.vector_load_idx %arg8[%select_n3A_2988, %select_n3A_3010, %select_n3A_3032] : memref<3x128x128xf32, #tpu.memory_space<vmem>>[vector<16xi32>, vector<16xi32>, vector<16xi32>], vector<16xf32>,
      %swap3A_3034 = arith.constant 112 : index
      %swap3A_3035 = tpu.vector_load %arg9[%swap3A_3034] {strides = array<i32>} : memref<384xf32, #tpu.memory_space<vmem>>, vector<16xf32>,
      tpu.vector_store %arg9[%swap3A_3034], %gather3A_3033 {strides = array<i32>} : memref<384xf32, #tpu.memory_space<vmem>>, vector<16xf32>,
      %iota3A_3036 = tpu.iota {dimensions = array<i32: 0>} : vector<16xi32>
      %add3A_3037 = arith.constant 128 : i32
      %add3A_3038 = vector.broadcast %add3A_3037 : i32 to vector<16xi32>
      %add3A_3039 = arith.addi %iota3A_3036, %add3A_3038 : vector<16xi32>
      %get3A_3040 = arith.constant 128 : index
      %get3A_3041 = tpu.vector_load %arg6[%get3A_3040] {strides = array<i32>} : memref<384xi32, #tpu.memory_space<vmem>>, vector<16xi32>,
      %jit3A_3042 = arith.constant 128 : i32
      %div3A_3043 = vector.broadcast %jit3A_3042 : i32 to vector<16xi32>
      %div3A_3044 = arith.divsi %add3A_3039, %div3A_3043 : vector<16xi32>
      %sign3A_3045 = arith.constant 0 : i32
      %sign3A_3046 = vector.broadcast %sign3A_3045 : i32 to vector<16xi32>
      %sign3A_3047 = arith.cmpi sgt, %add3A_3039, %sign3A_3046 : vector<16xi32>
      %sign3A_3048 = arith.extui %sign3A_3047 : vector<16xi1> to vector<16xi32>
      %sign3A_3049 = arith.constant 0 : i32
      %sign3A_3050 = vector.broadcast %sign3A_3049 : i32 to vector<16xi32>
      %sign3A_3051 = arith.cmpi slt, %add3A_3039, %sign3A_3050 : vector<16xi32>
      %sign3A_3052 = arith.extui %sign3A_3051 : vector<16xi1> to vector<16xi32>
      %sign3A_3053 = arith.subi %sign3A_3048, %sign3A_3052 : vector<16xi32>
      %sign3A_3054 = arith.constant 0 : i32
      %sign3A_3055 = arith.cmpi sgt, %jit3A_3042, %sign3A_3054 : i32
      %sign3A_3056 = arith.extui %sign3A_3055 : i1 to i32
      %sign3A_3057 = arith.constant 0 : i32
      %sign3A_3058 = arith.cmpi slt, %jit3A_3042, %sign3A_3057 : i32
      %sign3A_3059 = arith.extui %sign3A_3058 : i1 to i32
      %sign3A_3060 = arith.subi %sign3A_3056, %sign3A_3059 : i32
      %ne3A_3061 = vector.broadcast %sign3A_3060 : i32 to vector<16xi32>
      %ne3A_3062 = arith.cmpi ne, %sign3A_3053, %ne3A_3061 : vector<16xi32>
      %rem3A_3063 = vector.broadcast %jit3A_3042 : i32 to vector<16xi32>
      %rem3A_3064 = arith.remsi %add3A_3039, %rem3A_3063 : vector<16xi32>
      %ne3A_3065 = arith.constant 0 : i32
      %ne3A_3066 = vector.broadcast %ne3A_3065 : i32 to vector<16xi32>
      %ne3A_3067 = arith.cmpi ne, %rem3A_3064, %ne3A_3066 : vector<16xi32>
      %and3A_3068 = arith.andi %ne3A_3062, %ne3A_3067 : vector<16xi1>
      %sub3A_3069 = arith.constant 1 : i32
      %sub3A_3070 = vector.broadcast %sub3A_3069 : i32 to vector<16xi32>
      %sub3A_3071 = arith.subi %div3A_3044, %sub3A_3070 : vector<16xi32>
      %select_n3A_3072 = arith.select %and3A_3068, %sub3A_3071, %div3A_3044 : vector<16xi1>, vector<16xi32>
      %jit3A_3073 = arith.constant 128 : i32
      %eq3A_3074 = arith.constant 0 : i32
      %eq3A_3075 = arith.cmpi eq, %jit3A_3073, %eq3A_3074 : i32
      %jit3A_3076 = arith.constant 1 : i32
      %select_n3A_3077 = arith.select %eq3A_3075, %jit3A_3076, %jit3A_3073 : i32
      %rem3A_3078 = vector.broadcast %select_n3A_3077 : i32 to vector<16xi32>
      %rem3A_3079 = arith.remsi %add3A_3039, %rem3A_3078 : vector<16xi32>
      %ne3A_3080 = arith.constant 0 : i32
      %ne3A_3081 = vector.broadcast %ne3A_3080 : i32 to vector<16xi32>
      %ne3A_3082 = arith.cmpi ne, %rem3A_3079, %ne3A_3081 : vector<16xi32>
      %lt3A_3083 = arith.constant 0 : i32
      %lt3A_3084 = vector.broadcast %lt3A_3083 : i32 to vector<16xi32>
      %lt3A_3085 = arith.cmpi slt, %rem3A_3079, %lt3A_3084 : vector<16xi32>
      %lt3A_3086 = arith.constant 0 : i32
      %lt3A_3087 = arith.cmpi slt, %select_n3A_3077, %lt3A_3086 : i32
      %ne3A_3088 = vector.broadcast %lt3A_3087 : i1 to vector<16xi1>
      %ne3A_3089 = vector.broadcast %ne3A_3088 : vector<16xi1> to vector<16xi1>
      %ne3A_3090 = arith.xori %lt3A_3085, %ne3A_3089 : vector<16xi1>
      %and3A_3091 = arith.andi %ne3A_3090, %ne3A_3082 : vector<16xi1>
      %add3A_3092 = vector.broadcast %select_n3A_3077 : i32 to vector<16xi32>
      %add3A_3093 = arith.addi %rem3A_3079, %add3A_3092 : vector<16xi32>
      %select_n3A_3094 = arith.select %and3A_3091, %add3A_3093, %rem3A_3079 : vector<16xi1>, vector<16xi32>
      %jit3A_3095 = arith.constant 128 : i32
      %eq3A_3096 = arith.constant 0 : i32
      %eq3A_3097 = arith.cmpi eq, %jit3A_3095, %eq3A_3096 : i32
      %jit3A_3098 = arith.constant 1 : i32
      %select_n3A_3099 = arith.select %eq3A_3097, %jit3A_3098, %jit3A_3095 : i32
      %rem3A_3100 = vector.broadcast %select_n3A_3099 : i32 to vector<16xi32>
      %rem3A_3101 = arith.remsi %get3A_3041, %rem3A_3100 : vector<16xi32>
      %ne3A_3102 = arith.constant 0 : i32
      %ne3A_3103 = vector.broadcast %ne3A_3102 : i32 to vector<16xi32>
      %ne3A_3104 = arith.cmpi ne, %rem3A_3101, %ne3A_3103 : vector<16xi32>
      %lt3A_3105 = arith.constant 0 : i32
      %lt3A_3106 = vector.broadcast %lt3A_3105 : i32 to vector<16xi32>
      %lt3A_3107 = arith.cmpi slt, %rem3A_3101, %lt3A_3106 : vector<16xi32>
      %lt3A_3108 = arith.constant 0 : i32
      %lt3A_3109 = arith.cmpi slt, %select_n3A_3099, %lt3A_3108 : i32
      %ne3A_3110 = vector.broadcast %lt3A_3109 : i1 to vector<16xi1>
      %ne3A_3111 = vector.broadcast %ne3A_3110 : vector<16xi1> to vector<16xi1>
      %ne3A_3112 = arith.xori %lt3A_3107, %ne3A_3111 : vector<16xi1>
      %and3A_3113 = arith.andi %ne3A_3112, %ne3A_3104 : vector<16xi1>
      %add3A_3114 = vector.broadcast %select_n3A_3099 : i32 to vector<16xi32>
      %add3A_3115 = arith.addi %rem3A_3101, %add3A_3114 : vector<16xi32>
      %select_n3A_3116 = arith.select %and3A_3113, %add3A_3115, %rem3A_3101 : vector<16xi1>, vector<16xi32>
      %gather3A_3117 = tpu.vector_load_idx %arg8[%select_n3A_3072, %select_n3A_3094, %select_n3A_3116] : memref<3x128x128xf32, #tpu.memory_space<vmem>>[vector<16xi32>, vector<16xi32>, vector<16xi32>], vector<16xf32>,
      %swap3A_3118 = arith.constant 128 : index
      %swap3A_3119 = tpu.vector_load %arg9[%swap3A_3118] {strides = array<i32>} : memref<384xf32, #tpu.memory_space<vmem>>, vector<16xf32>,
      tpu.vector_store %arg9[%swap3A_3118], %gather3A_3117 {strides = array<i32>} : memref<384xf32, #tpu.memory_space<vmem>>, vector<16xf32>,
      %iota3A_3120 = tpu.iota {dimensions = array<i32: 0>} : vector<16xi32>
      %add3A_3121 = arith.constant 144 : i32
      %add3A_3122 = vector.broadcast %add3A_3121 : i32 to vector<16xi32>
      %add3A_3123 = arith.addi %iota3A_3120, %add3A_3122 : vector<16xi32>
      %get3A_3124 = arith.constant 144 : index
      %get3A_3125 = tpu.vector_load %arg6[%get3A_3124] {strides = array<i32>} : memref<384xi32, #tpu.memory_space<vmem>>, vector<16xi32>,
      %jit3A_3126 = arith.constant 128 : i32
      %div3A_3127 = vector.broadcast %jit3A_3126 : i32 to vector<16xi32>
      %div3A_3128 = arith.divsi %add3A_3123, %div3A_3127 : vector<16xi32>
      %sign3A_3129 = arith.constant 0 : i32
      %sign3A_3130 = vector.broadcast %sign3A_3129 : i32 to vector<16xi32>
      %sign3A_3131 = arith.cmpi sgt, %add3A_3123, %sign3A_3130 : vector<16xi32>
      %sign3A_3132 = arith.extui %sign3A_3131 : vector<16xi1> to vector<16xi32>
      %sign3A_3133 = arith.constant 0 : i32
      %sign3A_3134 = vector.broadcast %sign3A_3133 : i32 to vector<16xi32>
      %sign3A_3135 = arith.cmpi slt, %add3A_3123, %sign3A_3134 : vector<16xi32>
      %sign3A_3136 = arith.extui %sign3A_3135 : vector<16xi1> to vector<16xi32>
      %sign3A_3137 = arith.subi %sign3A_3132, %sign3A_3136 : vector<16xi32>
      %sign3A_3138 = arith.constant 0 : i32
      %sign3A_3139 = arith.cmpi sgt, %jit3A_3126, %sign3A_3138 : i32
      %sign3A_3140 = arith.extui %sign3A_3139 : i1 to i32
      %sign3A_3141 = arith.constant 0 : i32
      %sign3A_3142 = arith.cmpi slt, %jit3A_3126, %sign3A_3141 : i32
      %sign3A_3143 = arith.extui %sign3A_3142 : i1 to i32
      %sign3A_3144 = arith.subi %sign3A_3140, %sign3A_3143 : i32
      %ne3A_3145 = vector.broadcast %sign3A_3144 : i32 to vector<16xi32>
      %ne3A_3146 = arith.cmpi ne, %sign3A_3137, %ne3A_3145 : vector<16xi32>
      %rem3A_3147 = vector.broadcast %jit3A_3126 : i32 to vector<16xi32>
      %rem3A_3148 = arith.remsi %add3A_3123, %rem3A_3147 : vector<16xi32>
      %ne3A_3149 = arith.constant 0 : i32
      %ne3A_3150 = vector.broadcast %ne3A_3149 : i32 to vector<16xi32>
      %ne3A_3151 = arith.cmpi ne, %rem3A_3148, %ne3A_3150 : vector<16xi32>
      %and3A_3152 = arith.andi %ne3A_3146, %ne3A_3151 : vector<16xi1>
      %sub3A_3153 = arith.constant 1 : i32
      %sub3A_3154 = vector.broadcast %sub3A_3153 : i32 to vector<16xi32>
      %sub3A_3155 = arith.subi %div3A_3128, %sub3A_3154 : vector<16xi32>
      %select_n3A_3156 = arith.select %and3A_3152, %sub3A_3155, %div3A_3128 : vector<16xi1>, vector<16xi32>
      %jit3A_3157 = arith.constant 128 : i32
      %eq3A_3158 = arith.constant 0 : i32
      %eq3A_3159 = arith.cmpi eq, %jit3A_3157, %eq3A_3158 : i32
      %jit3A_3160 = arith.constant 1 : i32
      %select_n3A_3161 = arith.select %eq3A_3159, %jit3A_3160, %jit3A_3157 : i32
      %rem3A_3162 = vector.broadcast %select_n3A_3161 : i32 to vector<16xi32>
      %rem3A_3163 = arith.remsi %add3A_3123, %rem3A_3162 : vector<16xi32>
      %ne3A_3164 = arith.constant 0 : i32
      %ne3A_3165 = vector.broadcast %ne3A_3164 : i32 to vector<16xi32>
      %ne3A_3166 = arith.cmpi ne, %rem3A_3163, %ne3A_3165 : vector<16xi32>
      %lt3A_3167 = arith.constant 0 : i32
      %lt3A_3168 = vector.broadcast %lt3A_3167 : i32 to vector<16xi32>
      %lt3A_3169 = arith.cmpi slt, %rem3A_3163, %lt3A_3168 : vector<16xi32>
      %lt3A_3170 = arith.constant 0 : i32
      %lt3A_3171 = arith.cmpi slt, %select_n3A_3161, %lt3A_3170 : i32
      %ne3A_3172 = vector.broadcast %lt3A_3171 : i1 to vector<16xi1>
      %ne3A_3173 = vector.broadcast %ne3A_3172 : vector<16xi1> to vector<16xi1>
      %ne3A_3174 = arith.xori %lt3A_3169, %ne3A_3173 : vector<16xi1>
      %and3A_3175 = arith.andi %ne3A_3174, %ne3A_3166 : vector<16xi1>
      %add3A_3176 = vector.broadcast %select_n3A_3161 : i32 to vector<16xi32>
      %add3A_3177 = arith.addi %rem3A_3163, %add3A_3176 : vector<16xi32>
      %select_n3A_3178 = arith.select %and3A_3175, %add3A_3177, %rem3A_3163 : vector<16xi1>, vector<16xi32>
      %jit3A_3179 = arith.constant 128 : i32
      %eq3A_3180 = arith.constant 0 : i32
      %eq3A_3181 = arith.cmpi eq, %jit3A_3179, %eq3A_3180 : i32
      %jit3A_3182 = arith.constant 1 : i32
      %select_n3A_3183 = arith.select %eq3A_3181, %jit3A_3182, %jit3A_3179 : i32
      %rem3A_3184 = vector.broadcast %select_n3A_3183 : i32 to vector<16xi32>
      %rem3A_3185 = arith.remsi %get3A_3125, %rem3A_3184 : vector<16xi32>
      %ne3A_3186 = arith.constant 0 : i32
      %ne3A_3187 = vector.broadcast %ne3A_3186 : i32 to vector<16xi32>
      %ne3A_3188 = arith.cmpi ne, %rem3A_3185, %ne3A_3187 : vector<16xi32>
      %lt3A_3189 = arith.constant 0 : i32
      %lt3A_3190 = vector.broadcast %lt3A_3189 : i32 to vector<16xi32>
      %lt3A_3191 = arith.cmpi slt, %rem3A_3185, %lt3A_3190 : vector<16xi32>
      %lt3A_3192 = arith.constant 0 : i32
      %lt3A_3193 = arith.cmpi slt, %select_n3A_3183, %lt3A_3192 : i32
      %ne3A_3194 = vector.broadcast %lt3A_3193 : i1 to vector<16xi1>
      %ne3A_3195 = vector.broadcast %ne3A_3194 : vector<16xi1> to vector<16xi1>
      %ne3A_3196 = arith.xori %lt3A_3191, %ne3A_3195 : vector<16xi1>
      %and3A_3197 = arith.andi %ne3A_3196, %ne3A_3188 : vector<16xi1>
      %add3A_3198 = vector.broadcast %select_n3A_3183 : i32 to vector<16xi32>
      %add3A_3199 = arith.addi %rem3A_3185, %add3A_3198 : vector<16xi32>
      %select_n3A_3200 = arith.select %and3A_3197, %add3A_3199, %rem3A_3185 : vector<16xi1>, vector<16xi32>
      %gather3A_3201 = tpu.vector_load_idx %arg8[%select_n3A_3156, %select_n3A_3178, %select_n3A_3200] : memref<3x128x128xf32, #tpu.memory_space<vmem>>[vector<16xi32>, vector<16xi32>, vector<16xi32>], vector<16xf32>,
      %swap3A_3202 = arith.constant 144 : index
      %swap3A_3203 = tpu.vector_load %arg9[%swap3A_3202] {strides = array<i32>} : memref<384xf32, #tpu.memory_space<vmem>>, vector<16xf32>,
      tpu.vector_store %arg9[%swap3A_3202], %gather3A_3201 {strides = array<i32>} : memref<384xf32, #tpu.memory_space<vmem>>, vector<16xf32>,
      %iota3A_3204 = tpu.iota {dimensions = array<i32: 0>} : vector<16xi32>
      %add3A_3205 = arith.constant 160 : i32
      %add3A_3206 = vector.broadcast %add3A_3205 : i32 to vector<16xi32>
      %add3A_3207 = arith.addi %iota3A_3204, %add3A_3206 : vector<16xi32>
      %get3A_3208 = arith.constant 160 : index
      %get3A_3209 = tpu.vector_load %arg6[%get3A_3208] {strides = array<i32>} : memref<384xi32, #tpu.memory_space<vmem>>, vector<16xi32>,
      %jit3A_3210 = arith.constant 128 : i32
      %div3A_3211 = vector.broadcast %jit3A_3210 : i32 to vector<16xi32>
      %div3A_3212 = arith.divsi %add3A_3207, %div3A_3211 : vector<16xi32>
      %sign3A_3213 = arith.constant 0 : i32
      %sign3A_3214 = vector.broadcast %sign3A_3213 : i32 to vector<16xi32>
      %sign3A_3215 = arith.cmpi sgt, %add3A_3207, %sign3A_3214 : vector<16xi32>
      %sign3A_3216 = arith.extui %sign3A_3215 : vector<16xi1> to vector<16xi32>
      %sign3A_3217 = arith.constant 0 : i32
      %sign3A_3218 = vector.broadcast %sign3A_3217 : i32 to vector<16xi32>
      %sign3A_3219 = arith.cmpi slt, %add3A_3207, %sign3A_3218 : vector<16xi32>
      %sign3A_3220 = arith.extui %sign3A_3219 : vector<16xi1> to vector<16xi32>
      %sign3A_3221 = arith.subi %sign3A_3216, %sign3A_3220 : vector<16xi32>
      %sign3A_3222 = arith.constant 0 : i32
      %sign3A_3223 = arith.cmpi sgt, %jit3A_3210, %sign3A_3222 : i32
      %sign3A_3224 = arith.extui %sign3A_3223 : i1 to i32
      %sign3A_3225 = arith.constant 0 : i32
      %sign3A_3226 = arith.cmpi slt, %jit3A_3210, %sign3A_3225 : i32
      %sign3A_3227 = arith.extui %sign3A_3226 : i1 to i32
      %sign3A_3228 = arith.subi %sign3A_3224, %sign3A_3227 : i32
      %ne3A_3229 = vector.broadcast %sign3A_3228 : i32 to vector<16xi32>
      %ne3A_3230 = arith.cmpi ne, %sign3A_3221, %ne3A_3229 : vector<16xi32>
      %rem3A_3231 = vector.broadcast %jit3A_3210 : i32 to vector<16xi32>
      %rem3A_3232 = arith.remsi %add3A_3207, %rem3A_3231 : vector<16xi32>
      %ne3A_3233 = arith.constant 0 : i32
      %ne3A_3234 = vector.broadcast %ne3A_3233 : i32 to vector<16xi32>
      %ne3A_3235 = arith.cmpi ne, %rem3A_3232, %ne3A_3234 : vector<16xi32>
      %and3A_3236 = arith.andi %ne3A_3230, %ne3A_3235 : vector<16xi1>
      %sub3A_3237 = arith.constant 1 : i32
      %sub3A_3238 = vector.broadcast %sub3A_3237 : i32 to vector<16xi32>
      %sub3A_3239 = arith.subi %div3A_3212, %sub3A_3238 : vector<16xi32>
      %select_n3A_3240 = arith.select %and3A_3236, %sub3A_3239, %div3A_3212 : vector<16xi1>, vector<16xi32>
      %jit3A_3241 = arith.constant 128 : i32
      %eq3A_3242 = arith.constant 0 : i32
      %eq3A_3243 = arith.cmpi eq, %jit3A_3241, %eq3A_3242 : i32
      %jit3A_3244 = arith.constant 1 : i32
      %select_n3A_3245 = arith.select %eq3A_3243, %jit3A_3244, %jit3A_3241 : i32
      %rem3A_3246 = vector.broadcast %select_n3A_3245 : i32 to vector<16xi32>
      %rem3A_3247 = arith.remsi %add3A_3207, %rem3A_3246 : vector<16xi32>
      %ne3A_3248 = arith.constant 0 : i32
      %ne3A_3249 = vector.broadcast %ne3A_3248 : i32 to vector<16xi32>
      %ne3A_3250 = arith.cmpi ne, %rem3A_3247, %ne3A_3249 : vector<16xi32>
      %lt3A_3251 = arith.constant 0 : i32
      %lt3A_3252 = vector.broadcast %lt3A_3251 : i32 to vector<16xi32>
      %lt3A_3253 = arith.cmpi slt, %rem3A_3247, %lt3A_3252 : vector<16xi32>
      %lt3A_3254 = arith.constant 0 : i32
      %lt3A_3255 = arith.cmpi slt, %select_n3A_3245, %lt3A_3254 : i32
      %ne3A_3256 = vector.broadcast %lt3A_3255 : i1 to vector<16xi1>
      %ne3A_3257 = vector.broadcast %ne3A_3256 : vector<16xi1> to vector<16xi1>
      %ne3A_3258 = arith.xori %lt3A_3253, %ne3A_3257 : vector<16xi1>
      %and3A_3259 = arith.andi %ne3A_3258, %ne3A_3250 : vector<16xi1>
      %add3A_3260 = vector.broadcast %select_n3A_3245 : i32 to vector<16xi32>
      %add3A_3261 = arith.addi %rem3A_3247, %add3A_3260 : vector<16xi32>
      %select_n3A_3262 = arith.select %and3A_3259, %add3A_3261, %rem3A_3247 : vector<16xi1>, vector<16xi32>
      %jit3A_3263 = arith.constant 128 : i32
      %eq3A_3264 = arith.constant 0 : i32
      %eq3A_3265 = arith.cmpi eq, %jit3A_3263, %eq3A_3264 : i32
      %jit3A_3266 = arith.constant 1 : i32
      %select_n3A_3267 = arith.select %eq3A_3265, %jit3A_3266, %jit3A_3263 : i32
      %rem3A_3268 = vector.broadcast %select_n3A_3267 : i32 to vector<16xi32>
      %rem3A_3269 = arith.remsi %get3A_3209, %rem3A_3268 : vector<16xi32>
      %ne3A_3270 = arith.constant 0 : i32
      %ne3A_3271 = vector.broadcast %ne3A_3270 : i32 to vector<16xi32>
      %ne3A_3272 = arith.cmpi ne, %rem3A_3269, %ne3A_3271 : vector<16xi32>
      %lt3A_3273 = arith.constant 0 : i32
      %lt3A_3274 = vector.broadcast %lt3A_3273 : i32 to vector<16xi32>
      %lt3A_3275 = arith.cmpi slt, %rem3A_3269, %lt3A_3274 : vector<16xi32>
      %lt3A_3276 = arith.constant 0 : i32
      %lt3A_3277 = arith.cmpi slt, %select_n3A_3267, %lt3A_3276 : i32
      %ne3A_3278 = vector.broadcast %lt3A_3277 : i1 to vector<16xi1>
      %ne3A_3279 = vector.broadcast %ne3A_3278 : vector<16xi1> to vector<16xi1>
      %ne3A_3280 = arith.xori %lt3A_3275, %ne3A_3279 : vector<16xi1>
      %and3A_3281 = arith.andi %ne3A_3280, %ne3A_3272 : vector<16xi1>
      %add3A_3282 = vector.broadcast %select_n3A_3267 : i32 to vector<16xi32>
      %add3A_3283 = arith.addi %rem3A_3269, %add3A_3282 : vector<16xi32>
      %select_n3A_3284 = arith.select %and3A_3281, %add3A_3283, %rem3A_3269 : vector<16xi1>, vector<16xi32>
      %gather3A_3285 = tpu.vector_load_idx %arg8[%select_n3A_3240, %select_n3A_3262, %select_n3A_3284] : memref<3x128x128xf32, #tpu.memory_space<vmem>>[vector<16xi32>, vector<16xi32>, vector<16xi32>], vector<16xf32>,
      %swap3A_3286 = arith.constant 160 : index
      %swap3A_3287 = tpu.vector_load %arg9[%swap3A_3286] {strides = array<i32>} : memref<384xf32, #tpu.memory_space<vmem>>, vector<16xf32>,
      tpu.vector_store %arg9[%swap3A_3286], %gather3A_3285 {strides = array<i32>} : memref<384xf32, #tpu.memory_space<vmem>>, vector<16xf32>,
      %iota3A_3288 = tpu.iota {dimensions = array<i32: 0>} : vector<16xi32>
      %add3A_3289 = arith.constant 176 : i32
      %add3A_3290 = vector.broadcast %add3A_3289 : i32 to vector<16xi32>
      %add3A_3291 = arith.addi %iota3A_3288, %add3A_3290 : vector<16xi32>
      %get3A_3292 = arith.constant 176 : index
      %get3A_3293 = tpu.vector_load %arg6[%get3A_3292] {strides = array<i32>} : memref<384xi32, #tpu.memory_space<vmem>>, vector<16xi32>,
      %jit3A_3294 = arith.constant 128 : i32
      %div3A_3295 = vector.broadcast %jit3A_3294 : i32 to vector<16xi32>
      %div3A_3296 = arith.divsi %add3A_3291, %div3A_3295 : vector<16xi32>
      %sign3A_3297 = arith.constant 0 : i32
      %sign3A_3298 = vector.broadcast %sign3A_3297 : i32 to vector<16xi32>
      %sign3A_3299 = arith.cmpi sgt, %add3A_3291, %sign3A_3298 : vector<16xi32>
      %sign3A_3300 = arith.extui %sign3A_3299 : vector<16xi1> to vector<16xi32>
      %sign3A_3301 = arith.constant 0 : i32
      %sign3A_3302 = vector.broadcast %sign3A_3301 : i32 to vector<16xi32>
      %sign3A_3303 = arith.cmpi slt, %add3A_3291, %sign3A_3302 : vector<16xi32>
      %sign3A_3304 = arith.extui %sign3A_3303 : vector<16xi1> to vector<16xi32>
      %sign3A_3305 = arith.subi %sign3A_3300, %sign3A_3304 : vector<16xi32>
      %sign3A_3306 = arith.constant 0 : i32
      %sign3A_3307 = arith.cmpi sgt, %jit3A_3294, %sign3A_3306 : i32
      %sign3A_3308 = arith.extui %sign3A_3307 : i1 to i32
      %sign3A_3309 = arith.constant 0 : i32
      %sign3A_3310 = arith.cmpi slt, %jit3A_3294, %sign3A_3309 : i32
      %sign3A_3311 = arith.extui %sign3A_3310 : i1 to i32
      %sign3A_3312 = arith.subi %sign3A_3308, %sign3A_3311 : i32
      %ne3A_3313 = vector.broadcast %sign3A_3312 : i32 to vector<16xi32>
      %ne3A_3314 = arith.cmpi ne, %sign3A_3305, %ne3A_3313 : vector<16xi32>
      %rem3A_3315 = vector.broadcast %jit3A_3294 : i32 to vector<16xi32>
      %rem3A_3316 = arith.remsi %add3A_3291, %rem3A_3315 : vector<16xi32>
      %ne3A_3317 = arith.constant 0 : i32
      %ne3A_3318 = vector.broadcast %ne3A_3317 : i32 to vector<16xi32>
      %ne3A_3319 = arith.cmpi ne, %rem3A_3316, %ne3A_3318 : vector<16xi32>
      %and3A_3320 = arith.andi %ne3A_3314, %ne3A_3319 : vector<16xi1>
      %sub3A_3321 = arith.constant 1 : i32
      %sub3A_3322 = vector.broadcast %sub3A_3321 : i32 to vector<16xi32>
      %sub3A_3323 = arith.subi %div3A_3296, %sub3A_3322 : vector<16xi32>
      %select_n3A_3324 = arith.select %and3A_3320, %sub3A_3323, %div3A_3296 : vector<16xi1>, vector<16xi32>
      %jit3A_3325 = arith.constant 128 : i32
      %eq3A_3326 = arith.constant 0 : i32
      %eq3A_3327 = arith.cmpi eq, %jit3A_3325, %eq3A_3326 : i32
      %jit3A_3328 = arith.constant 1 : i32
      %select_n3A_3329 = arith.select %eq3A_3327, %jit3A_3328, %jit3A_3325 : i32
      %rem3A_3330 = vector.broadcast %select_n3A_3329 : i32 to vector<16xi32>
      %rem3A_3331 = arith.remsi %add3A_3291, %rem3A_3330 : vector<16xi32>
      %ne3A_3332 = arith.constant 0 : i32
      %ne3A_3333 = vector.broadcast %ne3A_3332 : i32 to vector<16xi32>
      %ne3A_3334 = arith.cmpi ne, %rem3A_3331, %ne3A_3333 : vector<16xi32>
      %lt3A_3335 = arith.constant 0 : i32
      %lt3A_3336 = vector.broadcast %lt3A_3335 : i32 to vector<16xi32>
      %lt3A_3337 = arith.cmpi slt, %rem3A_3331, %lt3A_3336 : vector<16xi32>
      %lt3A_3338 = arith.constant 0 : i32
      %lt3A_3339 = arith.cmpi slt, %select_n3A_3329, %lt3A_3338 : i32
      %ne3A_3340 = vector.broadcast %lt3A_3339 : i1 to vector<16xi1>
      %ne3A_3341 = vector.broadcast %ne3A_3340 : vector<16xi1> to vector<16xi1>
      %ne3A_3342 = arith.xori %lt3A_3337, %ne3A_3341 : vector<16xi1>
      %and3A_3343 = arith.andi %ne3A_3342, %ne3A_3334 : vector<16xi1>
      %add3A_3344 = vector.broadcast %select_n3A_3329 : i32 to vector<16xi32>
      %add3A_3345 = arith.addi %rem3A_3331, %add3A_3344 : vector<16xi32>
      %select_n3A_3346 = arith.select %and3A_3343, %add3A_3345, %rem3A_3331 : vector<16xi1>, vector<16xi32>
      %jit3A_3347 = arith.constant 128 : i32
      %eq3A_3348 = arith.constant 0 : i32
      %eq3A_3349 = arith.cmpi eq, %jit3A_3347, %eq3A_3348 : i32
      %jit3A_3350 = arith.constant 1 : i32
      %select_n3A_3351 = arith.select %eq3A_3349, %jit3A_3350, %jit3A_3347 : i32
      %rem3A_3352 = vector.broadcast %select_n3A_3351 : i32 to vector<16xi32>
      %rem3A_3353 = arith.remsi %get3A_3293, %rem3A_3352 : vector<16xi32>
      %ne3A_3354 = arith.constant 0 : i32
      %ne3A_3355 = vector.broadcast %ne3A_3354 : i32 to vector<16xi32>
      %ne3A_3356 = arith.cmpi ne, %rem3A_3353, %ne3A_3355 : vector<16xi32>
      %lt3A_3357 = arith.constant 0 : i32
      %lt3A_3358 = vector.broadcast %lt3A_3357 : i32 to vector<16xi32>
      %lt3A_3359 = arith.cmpi slt, %rem3A_3353, %lt3A_3358 : vector<16xi32>
      %lt3A_3360 = arith.constant 0 : i32
      %lt3A_3361 = arith.cmpi slt, %select_n3A_3351, %lt3A_3360 : i32
      %ne3A_3362 = vector.broadcast %lt3A_3361 : i1 to vector<16xi1>
      %ne3A_3363 = vector.broadcast %ne3A_3362 : vector<16xi1> to vector<16xi1>
      %ne3A_3364 = arith.xori %lt3A_3359, %ne3A_3363 : vector<16xi1>
      %and3A_3365 = arith.andi %ne3A_3364, %ne3A_3356 : vector<16xi1>
      %add3A_3366 = vector.broadcast %select_n3A_3351 : i32 to vector<16xi32>
      %add3A_3367 = arith.addi %rem3A_3353, %add3A_3366 : vector<16xi32>
      %select_n3A_3368 = arith.select %and3A_3365, %add3A_3367, %rem3A_3353 : vector<16xi1>, vector<16xi32>
      %gather3A_3369 = tpu.vector_load_idx %arg8[%select_n3A_3324, %select_n3A_3346, %select_n3A_3368] : memref<3x128x128xf32, #tpu.memory_space<vmem>>[vector<16xi32>, vector<16xi32>, vector<16xi32>], vector<16xf32>,
      %swap3A_3370 = arith.constant 176 : index
      %swap3A_3371 = tpu.vector_load %arg9[%swap3A_3370] {strides = array<i32>} : memref<384xf32, #tpu.memory_space<vmem>>, vector<16xf32>,
      tpu.vector_store %arg9[%swap3A_3370], %gather3A_3369 {strides = array<i32>} : memref<384xf32, #tpu.memory_space<vmem>>, vector<16xf32>,
      %iota3A_3372 = tpu.iota {dimensions = array<i32: 0>} : vector<16xi32>
      %add3A_3373 = arith.constant 192 : i32
      %add3A_3374 = vector.broadcast %add3A_3373 : i32 to vector<16xi32>
      %add3A_3375 = arith.addi %iota3A_3372, %add3A_3374 : vector<16xi32>
      %get3A_3376 = arith.constant 192 : index
      %get3A_3377 = tpu.vector_load %arg6[%get3A_3376] {strides = array<i32>} : memref<384xi32, #tpu.memory_space<vmem>>, vector<16xi32>,
      %jit3A_3378 = arith.constant 128 : i32
      %div3A_3379 = vector.broadcast %jit3A_3378 : i32 to vector<16xi32>
      %div3A_3380 = arith.divsi %add3A_3375, %div3A_3379 : vector<16xi32>
      %sign3A_3381 = arith.constant 0 : i32
      %sign3A_3382 = vector.broadcast %sign3A_3381 : i32 to vector<16xi32>
      %sign3A_3383 = arith.cmpi sgt, %add3A_3375, %sign3A_3382 : vector<16xi32>
      %sign3A_3384 = arith.extui %sign3A_3383 : vector<16xi1> to vector<16xi32>
      %sign3A_3385 = arith.constant 0 : i32
      %sign3A_3386 = vector.broadcast %sign3A_3385 : i32 to vector<16xi32>
      %sign3A_3387 = arith.cmpi slt, %add3A_3375, %sign3A_3386 : vector<16xi32>
      %sign3A_3388 = arith.extui %sign3A_3387 : vector<16xi1> to vector<16xi32>
      %sign3A_3389 = arith.subi %sign3A_3384, %sign3A_3388 : vector<16xi32>
      %sign3A_3390 = arith.constant 0 : i32
      %sign3A_3391 = arith.cmpi sgt, %jit3A_3378, %sign3A_3390 : i32
      %sign3A_3392 = arith.extui %sign3A_3391 : i1 to i32
      %sign3A_3393 = arith.constant 0 : i32
      %sign3A_3394 = arith.cmpi slt, %jit3A_3378, %sign3A_3393 : i32
      %sign3A_3395 = arith.extui %sign3A_3394 : i1 to i32
      %sign3A_3396 = arith.subi %sign3A_3392, %sign3A_3395 : i32
      %ne3A_3397 = vector.broadcast %sign3A_3396 : i32 to vector<16xi32>
      %ne3A_3398 = arith.cmpi ne, %sign3A_3389, %ne3A_3397 : vector<16xi32>
      %rem3A_3399 = vector.broadcast %jit3A_3378 : i32 to vector<16xi32>
      %rem3A_3400 = arith.remsi %add3A_3375, %rem3A_3399 : vector<16xi32>
      %ne3A_3401 = arith.constant 0 : i32
      %ne3A_3402 = vector.broadcast %ne3A_3401 : i32 to vector<16xi32>
      %ne3A_3403 = arith.cmpi ne, %rem3A_3400, %ne3A_3402 : vector<16xi32>
      %and3A_3404 = arith.andi %ne3A_3398, %ne3A_3403 : vector<16xi1>
      %sub3A_3405 = arith.constant 1 : i32
      %sub3A_3406 = vector.broadcast %sub3A_3405 : i32 to vector<16xi32>
      %sub3A_3407 = arith.subi %div3A_3380, %sub3A_3406 : vector<16xi32>
      %select_n3A_3408 = arith.select %and3A_3404, %sub3A_3407, %div3A_3380 : vector<16xi1>, vector<16xi32>
      %jit3A_3409 = arith.constant 128 : i32
      %eq3A_3410 = arith.constant 0 : i32
      %eq3A_3411 = arith.cmpi eq, %jit3A_3409, %eq3A_3410 : i32
      %jit3A_3412 = arith.constant 1 : i32
      %select_n3A_3413 = arith.select %eq3A_3411, %jit3A_3412, %jit3A_3409 : i32
      %rem3A_3414 = vector.broadcast %select_n3A_3413 : i32 to vector<16xi32>
      %rem3A_3415 = arith.remsi %add3A_3375, %rem3A_3414 : vector<16xi32>
      %ne3A_3416 = arith.constant 0 : i32
      %ne3A_3417 = vector.broadcast %ne3A_3416 : i32 to vector<16xi32>
      %ne3A_3418 = arith.cmpi ne, %rem3A_3415, %ne3A_3417 : vector<16xi32>
      %lt3A_3419 = arith.constant 0 : i32
      %lt3A_3420 = vector.broadcast %lt3A_3419 : i32 to vector<16xi32>
      %lt3A_3421 = arith.cmpi slt, %rem3A_3415, %lt3A_3420 : vector<16xi32>
      %lt3A_3422 = arith.constant 0 : i32
      %lt3A_3423 = arith.cmpi slt, %select_n3A_3413, %lt3A_3422 : i32
      %ne3A_3424 = vector.broadcast %lt3A_3423 : i1 to vector<16xi1>
      %ne3A_3425 = vector.broadcast %ne3A_3424 : vector<16xi1> to vector<16xi1>
      %ne3A_3426 = arith.xori %lt3A_3421, %ne3A_3425 : vector<16xi1>
      %and3A_3427 = arith.andi %ne3A_3426, %ne3A_3418 : vector<16xi1>
      %add3A_3428 = vector.broadcast %select_n3A_3413 : i32 to vector<16xi32>
      %add3A_3429 = arith.addi %rem3A_3415, %add3A_3428 : vector<16xi32>
      %select_n3A_3430 = arith.select %and3A_3427, %add3A_3429, %rem3A_3415 : vector<16xi1>, vector<16xi32>
      %jit3A_3431 = arith.constant 128 : i32
      %eq3A_3432 = arith.constant 0 : i32
      %eq3A_3433 = arith.cmpi eq, %jit3A_3431, %eq3A_3432 : i32
      %jit3A_3434 = arith.constant 1 : i32
      %select_n3A_3435 = arith.select %eq3A_3433, %jit3A_3434, %jit3A_3431 : i32
      %rem3A_3436 = vector.broadcast %select_n3A_3435 : i32 to vector<16xi32>
      %rem3A_3437 = arith.remsi %get3A_3377, %rem3A_3436 : vector<16xi32>
      %ne3A_3438 = arith.constant 0 : i32
      %ne3A_3439 = vector.broadcast %ne3A_3438 : i32 to vector<16xi32>
      %ne3A_3440 = arith.cmpi ne, %rem3A_3437, %ne3A_3439 : vector<16xi32>
      %lt3A_3441 = arith.constant 0 : i32
      %lt3A_3442 = vector.broadcast %lt3A_3441 : i32 to vector<16xi32>
      %lt3A_3443 = arith.cmpi slt, %rem3A_3437, %lt3A_3442 : vector<16xi32>
      %lt3A_3444 = arith.constant 0 : i32
      %lt3A_3445 = arith.cmpi slt, %select_n3A_3435, %lt3A_3444 : i32
      %ne3A_3446 = vector.broadcast %lt3A_3445 : i1 to vector<16xi1>
      %ne3A_3447 = vector.broadcast %ne3A_3446 : vector<16xi1> to vector<16xi1>
      %ne3A_3448 = arith.xori %lt3A_3443, %ne3A_3447 : vector<16xi1>
      %and3A_3449 = arith.andi %ne3A_3448, %ne3A_3440 : vector<16xi1>
      %add3A_3450 = vector.broadcast %select_n3A_3435 : i32 to vector<16xi32>
      %add3A_3451 = arith.addi %rem3A_3437, %add3A_3450 : vector<16xi32>
      %select_n3A_3452 = arith.select %and3A_3449, %add3A_3451, %rem3A_3437 : vector<16xi1>, vector<16xi32>
      %gather3A_3453 = tpu.vector_load_idx %arg8[%select_n3A_3408, %select_n3A_3430, %select_n3A_3452] : memref<3x128x128xf32, #tpu.memory_space<vmem>>[vector<16xi32>, vector<16xi32>, vector<16xi32>], vector<16xf32>,
      %swap3A_3454 = arith.constant 192 : index
      %swap3A_3455 = tpu.vector_load %arg9[%swap3A_3454] {strides = array<i32>} : memref<384xf32, #tpu.memory_space<vmem>>, vector<16xf32>,
      tpu.vector_store %arg9[%swap3A_3454], %gather3A_3453 {strides = array<i32>} : memref<384xf32, #tpu.memory_space<vmem>>, vector<16xf32>,
      %iota3A_3456 = tpu.iota {dimensions = array<i32: 0>} : vector<16xi32>
      %add3A_3457 = arith.constant 208 : i32
      %add3A_3458 = vector.broadcast %add3A_3457 : i32 to vector<16xi32>
      %add3A_3459 = arith.addi %iota3A_3456, %add3A_3458 : vector<16xi32>
      %get3A_3460 = arith.constant 208 : index
      %get3A_3461 = tpu.vector_load %arg6[%get3A_3460] {strides = array<i32>} : memref<384xi32, #tpu.memory_space<vmem>>, vector<16xi32>,
      %jit3A_3462 = arith.constant 128 : i32
      %div3A_3463 = vector.broadcast %jit3A_3462 : i32 to vector<16xi32>
      %div3A_3464 = arith.divsi %add3A_3459, %div3A_3463 : vector<16xi32>
      %sign3A_3465 = arith.constant 0 : i32
      %sign3A_3466 = vector.broadcast %sign3A_3465 : i32 to vector<16xi32>
      %sign3A_3467 = arith.cmpi sgt, %add3A_3459, %sign3A_3466 : vector<16xi32>
      %sign3A_3468 = arith.extui %sign3A_3467 : vector<16xi1> to vector<16xi32>
      %sign3A_3469 = arith.constant 0 : i32
      %sign3A_3470 = vector.broadcast %sign3A_3469 : i32 to vector<16xi32>
      %sign3A_3471 = arith.cmpi slt, %add3A_3459, %sign3A_3470 : vector<16xi32>
      %sign3A_3472 = arith.extui %sign3A_3471 : vector<16xi1> to vector<16xi32>
      %sign3A_3473 = arith.subi %sign3A_3468, %sign3A_3472 : vector<16xi32>
      %sign3A_3474 = arith.constant 0 : i32
      %sign3A_3475 = arith.cmpi sgt, %jit3A_3462, %sign3A_3474 : i32
      %sign3A_3476 = arith.extui %sign3A_3475 : i1 to i32
      %sign3A_3477 = arith.constant 0 : i32
      %sign3A_3478 = arith.cmpi slt, %jit3A_3462, %sign3A_3477 : i32
      %sign3A_3479 = arith.extui %sign3A_3478 : i1 to i32
      %sign3A_3480 = arith.subi %sign3A_3476, %sign3A_3479 : i32
      %ne3A_3481 = vector.broadcast %sign3A_3480 : i32 to vector<16xi32>
      %ne3A_3482 = arith.cmpi ne, %sign3A_3473, %ne3A_3481 : vector<16xi32>
      %rem3A_3483 = vector.broadcast %jit3A_3462 : i32 to vector<16xi32>
      %rem3A_3484 = arith.remsi %add3A_3459, %rem3A_3483 : vector<16xi32>
      %ne3A_3485 = arith.constant 0 : i32
      %ne3A_3486 = vector.broadcast %ne3A_3485 : i32 to vector<16xi32>
      %ne3A_3487 = arith.cmpi ne, %rem3A_3484, %ne3A_3486 : vector<16xi32>
      %and3A_3488 = arith.andi %ne3A_3482, %ne3A_3487 : vector<16xi1>
      %sub3A_3489 = arith.constant 1 : i32
      %sub3A_3490 = vector.broadcast %sub3A_3489 : i32 to vector<16xi32>
      %sub3A_3491 = arith.subi %div3A_3464, %sub3A_3490 : vector<16xi32>
      %select_n3A_3492 = arith.select %and3A_3488, %sub3A_3491, %div3A_3464 : vector<16xi1>, vector<16xi32>
      %jit3A_3493 = arith.constant 128 : i32
      %eq3A_3494 = arith.constant 0 : i32
      %eq3A_3495 = arith.cmpi eq, %jit3A_3493, %eq3A_3494 : i32
      %jit3A_3496 = arith.constant 1 : i32
      %select_n3A_3497 = arith.select %eq3A_3495, %jit3A_3496, %jit3A_3493 : i32
      %rem3A_3498 = vector.broadcast %select_n3A_3497 : i32 to vector<16xi32>
      %rem3A_3499 = arith.remsi %add3A_3459, %rem3A_3498 : vector<16xi32>
      %ne3A_3500 = arith.constant 0 : i32
      %ne3A_3501 = vector.broadcast %ne3A_3500 : i32 to vector<16xi32>
      %ne3A_3502 = arith.cmpi ne, %rem3A_3499, %ne3A_3501 : vector<16xi32>
      %lt3A_3503 = arith.constant 0 : i32
      %lt3A_3504 = vector.broadcast %lt3A_3503 : i32 to vector<16xi32>
      %lt3A_3505 = arith.cmpi slt, %rem3A_3499, %lt3A_3504 : vector<16xi32>
      %lt3A_3506 = arith.constant 0 : i32
      %lt3A_3507 = arith.cmpi slt, %select_n3A_3497, %lt3A_3506 : i32
      %ne3A_3508 = vector.broadcast %lt3A_3507 : i1 to vector<16xi1>
      %ne3A_3509 = vector.broadcast %ne3A_3508 : vector<16xi1> to vector<16xi1>
      %ne3A_3510 = arith.xori %lt3A_3505, %ne3A_3509 : vector<16xi1>
      %and3A_3511 = arith.andi %ne3A_3510, %ne3A_3502 : vector<16xi1>
      %add3A_3512 = vector.broadcast %select_n3A_3497 : i32 to vector<16xi32>
      %add3A_3513 = arith.addi %rem3A_3499, %add3A_3512 : vector<16xi32>
      %select_n3A_3514 = arith.select %and3A_3511, %add3A_3513, %rem3A_3499 : vector<16xi1>, vector<16xi32>
      %jit3A_3515 = arith.constant 128 : i32
      %eq3A_3516 = arith.constant 0 : i32
      %eq3A_3517 = arith.cmpi eq, %jit3A_3515, %eq3A_3516 : i32
      %jit3A_3518 = arith.constant 1 : i32
      %select_n3A_3519 = arith.select %eq3A_3517, %jit3A_3518, %jit3A_3515 : i32
      %rem3A_3520 = vector.broadcast %select_n3A_3519 : i32 to vector<16xi32>
      %rem3A_3521 = arith.remsi %get3A_3461, %rem3A_3520 : vector<16xi32>
      %ne3A_3522 = arith.constant 0 : i32
      %ne3A_3523 = vector.broadcast %ne3A_3522 : i32 to vector<16xi32>
      %ne3A_3524 = arith.cmpi ne, %rem3A_3521, %ne3A_3523 : vector<16xi32>
      %lt3A_3525 = arith.constant 0 : i32
      %lt3A_3526 = vector.broadcast %lt3A_3525 : i32 to vector<16xi32>
      %lt3A_3527 = arith.cmpi slt, %rem3A_3521, %lt3A_3526 : vector<16xi32>
      %lt3A_3528 = arith.constant 0 : i32
      %lt3A_3529 = arith.cmpi slt, %select_n3A_3519, %lt3A_3528 : i32
      %ne3A_3530 = vector.broadcast %lt3A_3529 : i1 to vector<16xi1>
      %ne3A_3531 = vector.broadcast %ne3A_3530 : vector<16xi1> to vector<16xi1>
      %ne3A_3532 = arith.xori %lt3A_3527, %ne3A_3531 : vector<16xi1>
      %and3A_3533 = arith.andi %ne3A_3532, %ne3A_3524 : vector<16xi1>
      %add3A_3534 = vector.broadcast %select_n3A_3519 : i32 to vector<16xi32>
      %add3A_3535 = arith.addi %rem3A_3521, %add3A_3534 : vector<16xi32>
      %select_n3A_3536 = arith.select %and3A_3533, %add3A_3535, %rem3A_3521 : vector<16xi1>, vector<16xi32>
      %gather3A_3537 = tpu.vector_load_idx %arg8[%select_n3A_3492, %select_n3A_3514, %select_n3A_3536] : memref<3x128x128xf32, #tpu.memory_space<vmem>>[vector<16xi32>, vector<16xi32>, vector<16xi32>], vector<16xf32>,
      %swap3A_3538 = arith.constant 208 : index
      %swap3A_3539 = tpu.vector_load %arg9[%swap3A_3538] {strides = array<i32>} : memref<384xf32, #tpu.memory_space<vmem>>, vector<16xf32>,
      tpu.vector_store %arg9[%swap3A_3538], %gather3A_3537 {strides = array<i32>} : memref<384xf32, #tpu.memory_space<vmem>>, vector<16xf32>,
      %iota3A_3540 = tpu.iota {dimensions = array<i32: 0>} : vector<16xi32>
      %add3A_3541 = arith.constant 224 : i32
      %add3A_3542 = vector.broadcast %add3A_3541 : i32 to vector<16xi32>
      %add3A_3543 = arith.addi %iota3A_3540, %add3A_3542 : vector<16xi32>
      %get3A_3544 = arith.constant 224 : index
      %get3A_3545 = tpu.vector_load %arg6[%get3A_3544] {strides = array<i32>} : memref<384xi32, #tpu.memory_space<vmem>>, vector<16xi32>,
      %jit3A_3546 = arith.constant 128 : i32
      %div3A_3547 = vector.broadcast %jit3A_3546 : i32 to vector<16xi32>
      %div3A_3548 = arith.divsi %add3A_3543, %div3A_3547 : vector<16xi32>
      %sign3A_3549 = arith.constant 0 : i32
      %sign3A_3550 = vector.broadcast %sign3A_3549 : i32 to vector<16xi32>
      %sign3A_3551 = arith.cmpi sgt, %add3A_3543, %sign3A_3550 : vector<16xi32>
      %sign3A_3552 = arith.extui %sign3A_3551 : vector<16xi1> to vector<16xi32>
      %sign3A_3553 = arith.constant 0 : i32
      %sign3A_3554 = vector.broadcast %sign3A_3553 : i32 to vector<16xi32>
      %sign3A_3555 = arith.cmpi slt, %add3A_3543, %sign3A_3554 : vector<16xi32>
      %sign3A_3556 = arith.extui %sign3A_3555 : vector<16xi1> to vector<16xi32>
      %sign3A_3557 = arith.subi %sign3A_3552, %sign3A_3556 : vector<16xi32>
      %sign3A_3558 = arith.constant 0 : i32
      %sign3A_3559 = arith.cmpi sgt, %jit3A_3546, %sign3A_3558 : i32
      %sign3A_3560 = arith.extui %sign3A_3559 : i1 to i32
      %sign3A_3561 = arith.constant 0 : i32
      %sign3A_3562 = arith.cmpi slt, %jit3A_3546, %sign3A_3561 : i32
      %sign3A_3563 = arith.extui %sign3A_3562 : i1 to i32
      %sign3A_3564 = arith.subi %sign3A_3560, %sign3A_3563 : i32
      %ne3A_3565 = vector.broadcast %sign3A_3564 : i32 to vector<16xi32>
      %ne3A_3566 = arith.cmpi ne, %sign3A_3557, %ne3A_3565 : vector<16xi32>
      %rem3A_3567 = vector.broadcast %jit3A_3546 : i32 to vector<16xi32>
      %rem3A_3568 = arith.remsi %add3A_3543, %rem3A_3567 : vector<16xi32>
      %ne3A_3569 = arith.constant 0 : i32
      %ne3A_3570 = vector.broadcast %ne3A_3569 : i32 to vector<16xi32>
      %ne3A_3571 = arith.cmpi ne, %rem3A_3568, %ne3A_3570 : vector<16xi32>
      %and3A_3572 = arith.andi %ne3A_3566, %ne3A_3571 : vector<16xi1>
      %sub3A_3573 = arith.constant 1 : i32
      %sub3A_3574 = vector.broadcast %sub3A_3573 : i32 to vector<16xi32>
      %sub3A_3575 = arith.subi %div3A_3548, %sub3A_3574 : vector<16xi32>
      %select_n3A_3576 = arith.select %and3A_3572, %sub3A_3575, %div3A_3548 : vector<16xi1>, vector<16xi32>
      %jit3A_3577 = arith.constant 128 : i32
      %eq3A_3578 = arith.constant 0 : i32
      %eq3A_3579 = arith.cmpi eq, %jit3A_3577, %eq3A_3578 : i32
      %jit3A_3580 = arith.constant 1 : i32
      %select_n3A_3581 = arith.select %eq3A_3579, %jit3A_3580, %jit3A_3577 : i32
      %rem3A_3582 = vector.broadcast %select_n3A_3581 : i32 to vector<16xi32>
      %rem3A_3583 = arith.remsi %add3A_3543, %rem3A_3582 : vector<16xi32>
      %ne3A_3584 = arith.constant 0 : i32
      %ne3A_3585 = vector.broadcast %ne3A_3584 : i32 to vector<16xi32>
      %ne3A_3586 = arith.cmpi ne, %rem3A_3583, %ne3A_3585 : vector<16xi32>
      %lt3A_3587 = arith.constant 0 : i32
      %lt3A_3588 = vector.broadcast %lt3A_3587 : i32 to vector<16xi32>
      %lt3A_3589 = arith.cmpi slt, %rem3A_3583, %lt3A_3588 : vector<16xi32>
      %lt3A_3590 = arith.constant 0 : i32
      %lt3A_3591 = arith.cmpi slt, %select_n3A_3581, %lt3A_3590 : i32
      %ne3A_3592 = vector.broadcast %lt3A_3591 : i1 to vector<16xi1>
      %ne3A_3593 = vector.broadcast %ne3A_3592 : vector<16xi1> to vector<16xi1>
      %ne3A_3594 = arith.xori %lt3A_3589, %ne3A_3593 : vector<16xi1>
      %and3A_3595 = arith.andi %ne3A_3594, %ne3A_3586 : vector<16xi1>
      %add3A_3596 = vector.broadcast %select_n3A_3581 : i32 to vector<16xi32>
      %add3A_3597 = arith.addi %rem3A_3583, %add3A_3596 : vector<16xi32>
      %select_n3A_3598 = arith.select %and3A_3595, %add3A_3597, %rem3A_3583 : vector<16xi1>, vector<16xi32>
      %jit3A_3599 = arith.constant 128 : i32
      %eq3A_3600 = arith.constant 0 : i32
      %eq3A_3601 = arith.cmpi eq, %jit3A_3599, %eq3A_3600 : i32
      %jit3A_3602 = arith.constant 1 : i32
      %select_n3A_3603 = arith.select %eq3A_3601, %jit3A_3602, %jit3A_3599 : i32
      %rem3A_3604 = vector.broadcast %select_n3A_3603 : i32 to vector<16xi32>
      %rem3A_3605 = arith.remsi %get3A_3545, %rem3A_3604 : vector<16xi32>
      %ne3A_3606 = arith.constant 0 : i32
      %ne3A_3607 = vector.broadcast %ne3A_3606 : i32 to vector<16xi32>
      %ne3A_3608 = arith.cmpi ne, %rem3A_3605, %ne3A_3607 : vector<16xi32>
      %lt3A_3609 = arith.constant 0 : i32
      %lt3A_3610 = vector.broadcast %lt3A_3609 : i32 to vector<16xi32>
      %lt3A_3611 = arith.cmpi slt, %rem3A_3605, %lt3A_3610 : vector<16xi32>
      %lt3A_3612 = arith.constant 0 : i32
      %lt3A_3613 = arith.cmpi slt, %select_n3A_3603, %lt3A_3612 : i32
      %ne3A_3614 = vector.broadcast %lt3A_3613 : i1 to vector<16xi1>
      %ne3A_3615 = vector.broadcast %ne3A_3614 : vector<16xi1> to vector<16xi1>
      %ne3A_3616 = arith.xori %lt3A_3611, %ne3A_3615 : vector<16xi1>
      %and3A_3617 = arith.andi %ne3A_3616, %ne3A_3608 : vector<16xi1>
      %add3A_3618 = vector.broadcast %select_n3A_3603 : i32 to vector<16xi32>
      %add3A_3619 = arith.addi %rem3A_3605, %add3A_3618 : vector<16xi32>
      %select_n3A_3620 = arith.select %and3A_3617, %add3A_3619, %rem3A_3605 : vector<16xi1>, vector<16xi32>
      %gather3A_3621 = tpu.vector_load_idx %arg8[%select_n3A_3576, %select_n3A_3598, %select_n3A_3620] : memref<3x128x128xf32, #tpu.memory_space<vmem>>[vector<16xi32>, vector<16xi32>, vector<16xi32>], vector<16xf32>,
      %swap3A_3622 = arith.constant 224 : index
      %swap3A_3623 = tpu.vector_load %arg9[%swap3A_3622] {strides = array<i32>} : memref<384xf32, #tpu.memory_space<vmem>>, vector<16xf32>,
      tpu.vector_store %arg9[%swap3A_3622], %gather3A_3621 {strides = array<i32>} : memref<384xf32, #tpu.memory_space<vmem>>, vector<16xf32>,
      %iota3A_3624 = tpu.iota {dimensions = array<i32: 0>} : vector<16xi32>
      %add3A_3625 = arith.constant 240 : i32
      %add3A_3626 = vector.broadcast %add3A_3625 : i32 to vector<16xi32>
      %add3A_3627 = arith.addi %iota3A_3624, %add3A_3626 : vector<16xi32>
      %get3A_3628 = arith.constant 240 : index
      %get3A_3629 = tpu.vector_load %arg6[%get3A_3628] {strides = array<i32>} : memref<384xi32, #tpu.memory_space<vmem>>, vector<16xi32>,
      %jit3A_3630 = arith.constant 128 : i32
      %div3A_3631 = vector.broadcast %jit3A_3630 : i32 to vector<16xi32>
      %div3A_3632 = arith.divsi %add3A_3627, %div3A_3631 : vector<16xi32>
      %sign3A_3633 = arith.constant 0 : i32
      %sign3A_3634 = vector.broadcast %sign3A_3633 : i32 to vector<16xi32>
      %sign3A_3635 = arith.cmpi sgt, %add3A_3627, %sign3A_3634 : vector<16xi32>
      %sign3A_3636 = arith.extui %sign3A_3635 : vector<16xi1> to vector<16xi32>
      %sign3A_3637 = arith.constant 0 : i32
      %sign3A_3638 = vector.broadcast %sign3A_3637 : i32 to vector<16xi32>
      %sign3A_3639 = arith.cmpi slt, %add3A_3627, %sign3A_3638 : vector<16xi32>
      %sign3A_3640 = arith.extui %sign3A_3639 : vector<16xi1> to vector<16xi32>
      %sign3A_3641 = arith.subi %sign3A_3636, %sign3A_3640 : vector<16xi32>
      %sign3A_3642 = arith.constant 0 : i32
      %sign3A_3643 = arith.cmpi sgt, %jit3A_3630, %sign3A_3642 : i32
      %sign3A_3644 = arith.extui %sign3A_3643 : i1 to i32
      %sign3A_3645 = arith.constant 0 : i32
      %sign3A_3646 = arith.cmpi slt, %jit3A_3630, %sign3A_3645 : i32
      %sign3A_3647 = arith.extui %sign3A_3646 : i1 to i32
      %sign3A_3648 = arith.subi %sign3A_3644, %sign3A_3647 : i32
      %ne3A_3649 = vector.broadcast %sign3A_3648 : i32 to vector<16xi32>
      %ne3A_3650 = arith.cmpi ne, %sign3A_3641, %ne3A_3649 : vector<16xi32>
      %rem3A_3651 = vector.broadcast %jit3A_3630 : i32 to vector<16xi32>
      %rem3A_3652 = arith.remsi %add3A_3627, %rem3A_3651 : vector<16xi32>
      %ne3A_3653 = arith.constant 0 : i32
      %ne3A_3654 = vector.broadcast %ne3A_3653 : i32 to vector<16xi32>
      %ne3A_3655 = arith.cmpi ne, %rem3A_3652, %ne3A_3654 : vector<16xi32>
      %and3A_3656 = arith.andi %ne3A_3650, %ne3A_3655 : vector<16xi1>
      %sub3A_3657 = arith.constant 1 : i32
      %sub3A_3658 = vector.broadcast %sub3A_3657 : i32 to vector<16xi32>
      %sub3A_3659 = arith.subi %div3A_3632, %sub3A_3658 : vector<16xi32>
      %select_n3A_3660 = arith.select %and3A_3656, %sub3A_3659, %div3A_3632 : vector<16xi1>, vector<16xi32>
      %jit3A_3661 = arith.constant 128 : i32
      %eq3A_3662 = arith.constant 0 : i32
      %eq3A_3663 = arith.cmpi eq, %jit3A_3661, %eq3A_3662 : i32
      %jit3A_3664 = arith.constant 1 : i32
      %select_n3A_3665 = arith.select %eq3A_3663, %jit3A_3664, %jit3A_3661 : i32
      %rem3A_3666 = vector.broadcast %select_n3A_3665 : i32 to vector<16xi32>
      %rem3A_3667 = arith.remsi %add3A_3627, %rem3A_3666 : vector<16xi32>
      %ne3A_3668 = arith.constant 0 : i32
      %ne3A_3669 = vector.broadcast %ne3A_3668 : i32 to vector<16xi32>
      %ne3A_3670 = arith.cmpi ne, %rem3A_3667, %ne3A_3669 : vector<16xi32>
      %lt3A_3671 = arith.constant 0 : i32
      %lt3A_3672 = vector.broadcast %lt3A_3671 : i32 to vector<16xi32>
      %lt3A_3673 = arith.cmpi slt, %rem3A_3667, %lt3A_3672 : vector<16xi32>
      %lt3A_3674 = arith.constant 0 : i32
      %lt3A_3675 = arith.cmpi slt, %select_n3A_3665, %lt3A_3674 : i32
      %ne3A_3676 = vector.broadcast %lt3A_3675 : i1 to vector<16xi1>
      %ne3A_3677 = vector.broadcast %ne3A_3676 : vector<16xi1> to vector<16xi1>
      %ne3A_3678 = arith.xori %lt3A_3673, %ne3A_3677 : vector<16xi1>
      %and3A_3679 = arith.andi %ne3A_3678, %ne3A_3670 : vector<16xi1>
      %add3A_3680 = vector.broadcast %select_n3A_3665 : i32 to vector<16xi32>
      %add3A_3681 = arith.addi %rem3A_3667, %add3A_3680 : vector<16xi32>
      %select_n3A_3682 = arith.select %and3A_3679, %add3A_3681, %rem3A_3667 : vector<16xi1>, vector<16xi32>
      %jit3A_3683 = arith.constant 128 : i32
      %eq3A_3684 = arith.constant 0 : i32
      %eq3A_3685 = arith.cmpi eq, %jit3A_3683, %eq3A_3684 : i32
      %jit3A_3686 = arith.constant 1 : i32
      %select_n3A_3687 = arith.select %eq3A_3685, %jit3A_3686, %jit3A_3683 : i32
      %rem3A_3688 = vector.broadcast %select_n3A_3687 : i32 to vector<16xi32>
      %rem3A_3689 = arith.remsi %get3A_3629, %rem3A_3688 : vector<16xi32>
      %ne3A_3690 = arith.constant 0 : i32
      %ne3A_3691 = vector.broadcast %ne3A_3690 : i32 to vector<16xi32>
      %ne3A_3692 = arith.cmpi ne, %rem3A_3689, %ne3A_3691 : vector<16xi32>
      %lt3A_3693 = arith.constant 0 : i32
      %lt3A_3694 = vector.broadcast %lt3A_3693 : i32 to vector<16xi32>
      %lt3A_3695 = arith.cmpi slt, %rem3A_3689, %lt3A_3694 : vector<16xi32>
      %lt3A_3696 = arith.constant 0 : i32
      %lt3A_3697 = arith.cmpi slt, %select_n3A_3687, %lt3A_3696 : i32
      %ne3A_3698 = vector.broadcast %lt3A_3697 : i1 to vector<16xi1>
      %ne3A_3699 = vector.broadcast %ne3A_3698 : vector<16xi1> to vector<16xi1>
      %ne3A_3700 = arith.xori %lt3A_3695, %ne3A_3699 : vector<16xi1>
      %and3A_3701 = arith.andi %ne3A_3700, %ne3A_3692 : vector<16xi1>
      %add3A_3702 = vector.broadcast %select_n3A_3687 : i32 to vector<16xi32>
      %add3A_3703 = arith.addi %rem3A_3689, %add3A_3702 : vector<16xi32>
      %select_n3A_3704 = arith.select %and3A_3701, %add3A_3703, %rem3A_3689 : vector<16xi1>, vector<16xi32>
      %gather3A_3705 = tpu.vector_load_idx %arg8[%select_n3A_3660, %select_n3A_3682, %select_n3A_3704] : memref<3x128x128xf32, #tpu.memory_space<vmem>>[vector<16xi32>, vector<16xi32>, vector<16xi32>], vector<16xf32>,
      %swap3A_3706 = arith.constant 240 : index
      %swap3A_3707 = tpu.vector_load %arg9[%swap3A_3706] {strides = array<i32>} : memref<384xf32, #tpu.memory_space<vmem>>, vector<16xf32>,
      tpu.vector_store %arg9[%swap3A_3706], %gather3A_3705 {strides = array<i32>} : memref<384xf32, #tpu.memory_space<vmem>>, vector<16xf32>,
      %iota3A_3708 = tpu.iota {dimensions = array<i32: 0>} : vector<16xi32>
      %add3A_3709 = arith.constant 256 : i32
      %add3A_3710 = vector.broadcast %add3A_3709 : i32 to vector<16xi32>
      %add3A_3711 = arith.addi %iota3A_3708, %add3A_3710 : vector<16xi32>
      %get3A_3712 = arith.constant 256 : index
      %get3A_3713 = tpu.vector_load %arg6[%get3A_3712] {strides = array<i32>} : memref<384xi32, #tpu.memory_space<vmem>>, vector<16xi32>,
      %jit3A_3714 = arith.constant 128 : i32
      %div3A_3715 = vector.broadcast %jit3A_3714 : i32 to vector<16xi32>
      %div3A_3716 = arith.divsi %add3A_3711, %div3A_3715 : vector<16xi32>
      %sign3A_3717 = arith.constant 0 : i32
      %sign3A_3718 = vector.broadcast %sign3A_3717 : i32 to vector<16xi32>
      %sign3A_3719 = arith.cmpi sgt, %add3A_3711, %sign3A_3718 : vector<16xi32>
      %sign3A_3720 = arith.extui %sign3A_3719 : vector<16xi1> to vector<16xi32>
      %sign3A_3721 = arith.constant 0 : i32
      %sign3A_3722 = vector.broadcast %sign3A_3721 : i32 to vector<16xi32>
      %sign3A_3723 = arith.cmpi slt, %add3A_3711, %sign3A_3722 : vector<16xi32>
      %sign3A_3724 = arith.extui %sign3A_3723 : vector<16xi1> to vector<16xi32>
      %sign3A_3725 = arith.subi %sign3A_3720, %sign3A_3724 : vector<16xi32>
      %sign3A_3726 = arith.constant 0 : i32
      %sign3A_3727 = arith.cmpi sgt, %jit3A_3714, %sign3A_3726 : i32
      %sign3A_3728 = arith.extui %sign3A_3727 : i1 to i32
      %sign3A_3729 = arith.constant 0 : i32
      %sign3A_3730 = arith.cmpi slt, %jit3A_3714, %sign3A_3729 : i32
      %sign3A_3731 = arith.extui %sign3A_3730 : i1 to i32
      %sign3A_3732 = arith.subi %sign3A_3728, %sign3A_3731 : i32
      %ne3A_3733 = vector.broadcast %sign3A_3732 : i32 to vector<16xi32>
      %ne3A_3734 = arith.cmpi ne, %sign3A_3725, %ne3A_3733 : vector<16xi32>
      %rem3A_3735 = vector.broadcast %jit3A_3714 : i32 to vector<16xi32>
      %rem3A_3736 = arith.remsi %add3A_3711, %rem3A_3735 : vector<16xi32>
      %ne3A_3737 = arith.constant 0 : i32
      %ne3A_3738 = vector.broadcast %ne3A_3737 : i32 to vector<16xi32>
      %ne3A_3739 = arith.cmpi ne, %rem3A_3736, %ne3A_3738 : vector<16xi32>
      %and3A_3740 = arith.andi %ne3A_3734, %ne3A_3739 : vector<16xi1>
      %sub3A_3741 = arith.constant 1 : i32
      %sub3A_3742 = vector.broadcast %sub3A_3741 : i32 to vector<16xi32>
      %sub3A_3743 = arith.subi %div3A_3716, %sub3A_3742 : vector<16xi32>
      %select_n3A_3744 = arith.select %and3A_3740, %sub3A_3743, %div3A_3716 : vector<16xi1>, vector<16xi32>
      %jit3A_3745 = arith.constant 128 : i32
      %eq3A_3746 = arith.constant 0 : i32
      %eq3A_3747 = arith.cmpi eq, %jit3A_3745, %eq3A_3746 : i32
      %jit3A_3748 = arith.constant 1 : i32
      %select_n3A_3749 = arith.select %eq3A_3747, %jit3A_3748, %jit3A_3745 : i32
      %rem3A_3750 = vector.broadcast %select_n3A_3749 : i32 to vector<16xi32>
      %rem3A_3751 = arith.remsi %add3A_3711, %rem3A_3750 : vector<16xi32>
      %ne3A_3752 = arith.constant 0 : i32
      %ne3A_3753 = vector.broadcast %ne3A_3752 : i32 to vector<16xi32>
      %ne3A_3754 = arith.cmpi ne, %rem3A_3751, %ne3A_3753 : vector<16xi32>
      %lt3A_3755 = arith.constant 0 : i32
      %lt3A_3756 = vector.broadcast %lt3A_3755 : i32 to vector<16xi32>
      %lt3A_3757 = arith.cmpi slt, %rem3A_3751, %lt3A_3756 : vector<16xi32>
      %lt3A_3758 = arith.constant 0 : i32
      %lt3A_3759 = arith.cmpi slt, %select_n3A_3749, %lt3A_3758 : i32
      %ne3A_3760 = vector.broadcast %lt3A_3759 : i1 to vector<16xi1>
      %ne3A_3761 = vector.broadcast %ne3A_3760 : vector<16xi1> to vector<16xi1>
      %ne3A_3762 = arith.xori %lt3A_3757, %ne3A_3761 : vector<16xi1>
      %and3A_3763 = arith.andi %ne3A_3762, %ne3A_3754 : vector<16xi1>
      %add3A_3764 = vector.broadcast %select_n3A_3749 : i32 to vector<16xi32>
      %add3A_3765 = arith.addi %rem3A_3751, %add3A_3764 : vector<16xi32>
      %select_n3A_3766 = arith.select %and3A_3763, %add3A_3765, %rem3A_3751 : vector<16xi1>, vector<16xi32>
      %jit3A_3767 = arith.constant 128 : i32
      %eq3A_3768 = arith.constant 0 : i32
      %eq3A_3769 = arith.cmpi eq, %jit3A_3767, %eq3A_3768 : i32
      %jit3A_3770 = arith.constant 1 : i32
      %select_n3A_3771 = arith.select %eq3A_3769, %jit3A_3770, %jit3A_3767 : i32
      %rem3A_3772 = vector.broadcast %select_n3A_3771 : i32 to vector<16xi32>
      %rem3A_3773 = arith.remsi %get3A_3713, %rem3A_3772 : vector<16xi32>
      %ne3A_3774 = arith.constant 0 : i32
      %ne3A_3775 = vector.broadcast %ne3A_3774 : i32 to vector<16xi32>
      %ne3A_3776 = arith.cmpi ne, %rem3A_3773, %ne3A_3775 : vector<16xi32>
      %lt3A_3777 = arith.constant 0 : i32
      %lt3A_3778 = vector.broadcast %lt3A_3777 : i32 to vector<16xi32>
      %lt3A_3779 = arith.cmpi slt, %rem3A_3773, %lt3A_3778 : vector<16xi32>
      %lt3A_3780 = arith.constant 0 : i32
      %lt3A_3781 = arith.cmpi slt, %select_n3A_3771, %lt3A_3780 : i32
      %ne3A_3782 = vector.broadcast %lt3A_3781 : i1 to vector<16xi1>
      %ne3A_3783 = vector.broadcast %ne3A_3782 : vector<16xi1> to vector<16xi1>
      %ne3A_3784 = arith.xori %lt3A_3779, %ne3A_3783 : vector<16xi1>
      %and3A_3785 = arith.andi %ne3A_3784, %ne3A_3776 : vector<16xi1>
      %add3A_3786 = vector.broadcast %select_n3A_3771 : i32 to vector<16xi32>
      %add3A_3787 = arith.addi %rem3A_3773, %add3A_3786 : vector<16xi32>
      %select_n3A_3788 = arith.select %and3A_3785, %add3A_3787, %rem3A_3773 : vector<16xi1>, vector<16xi32>
      %gather3A_3789 = tpu.vector_load_idx %arg8[%select_n3A_3744, %select_n3A_3766, %select_n3A_3788] : memref<3x128x128xf32, #tpu.memory_space<vmem>>[vector<16xi32>, vector<16xi32>, vector<16xi32>], vector<16xf32>,
      %swap3A_3790 = arith.constant 256 : index
      %swap3A_3791 = tpu.vector_load %arg9[%swap3A_3790] {strides = array<i32>} : memref<384xf32, #tpu.memory_space<vmem>>, vector<16xf32>,
      tpu.vector_store %arg9[%swap3A_3790], %gather3A_3789 {strides = array<i32>} : memref<384xf32, #tpu.memory_space<vmem>>, vector<16xf32>,
      %iota3A_3792 = tpu.iota {dimensions = array<i32: 0>} : vector<16xi32>
      %add3A_3793 = arith.constant 272 : i32
      %add3A_3794 = vector.broadcast %add3A_3793 : i32 to vector<16xi32>
      %add3A_3795 = arith.addi %iota3A_3792, %add3A_3794 : vector<16xi32>
      %get3A_3796 = arith.constant 272 : index
      %get3A_3797 = tpu.vector_load %arg6[%get3A_3796] {strides = array<i32>} : memref<384xi32, #tpu.memory_space<vmem>>, vector<16xi32>,
      %jit3A_3798 = arith.constant 128 : i32
      %div3A_3799 = vector.broadcast %jit3A_3798 : i32 to vector<16xi32>
      %div3A_3800 = arith.divsi %add3A_3795, %div3A_3799 : vector<16xi32>
      %sign3A_3801 = arith.constant 0 : i32
      %sign3A_3802 = vector.broadcast %sign3A_3801 : i32 to vector<16xi32>
      %sign3A_3803 = arith.cmpi sgt, %add3A_3795, %sign3A_3802 : vector<16xi32>
      %sign3A_3804 = arith.extui %sign3A_3803 : vector<16xi1> to vector<16xi32>
      %sign3A_3805 = arith.constant 0 : i32
      %sign3A_3806 = vector.broadcast %sign3A_3805 : i32 to vector<16xi32>
      %sign3A_3807 = arith.cmpi slt, %add3A_3795, %sign3A_3806 : vector<16xi32>
      %sign3A_3808 = arith.extui %sign3A_3807 : vector<16xi1> to vector<16xi32>
      %sign3A_3809 = arith.subi %sign3A_3804, %sign3A_3808 : vector<16xi32>
      %sign3A_3810 = arith.constant 0 : i32
      %sign3A_3811 = arith.cmpi sgt, %jit3A_3798, %sign3A_3810 : i32
      %sign3A_3812 = arith.extui %sign3A_3811 : i1 to i32
      %sign3A_3813 = arith.constant 0 : i32
      %sign3A_3814 = arith.cmpi slt, %jit3A_3798, %sign3A_3813 : i32
      %sign3A_3815 = arith.extui %sign3A_3814 : i1 to i32
      %sign3A_3816 = arith.subi %sign3A_3812, %sign3A_3815 : i32
      %ne3A_3817 = vector.broadcast %sign3A_3816 : i32 to vector<16xi32>
      %ne3A_3818 = arith.cmpi ne, %sign3A_3809, %ne3A_3817 : vector<16xi32>
      %rem3A_3819 = vector.broadcast %jit3A_3798 : i32 to vector<16xi32>
      %rem3A_3820 = arith.remsi %add3A_3795, %rem3A_3819 : vector<16xi32>
      %ne3A_3821 = arith.constant 0 : i32
      %ne3A_3822 = vector.broadcast %ne3A_3821 : i32 to vector<16xi32>
      %ne3A_3823 = arith.cmpi ne, %rem3A_3820, %ne3A_3822 : vector<16xi32>
      %and3A_3824 = arith.andi %ne3A_3818, %ne3A_3823 : vector<16xi1>
      %sub3A_3825 = arith.constant 1 : i32
      %sub3A_3826 = vector.broadcast %sub3A_3825 : i32 to vector<16xi32>
      %sub3A_3827 = arith.subi %div3A_3800, %sub3A_3826 : vector<16xi32>
      %select_n3A_3828 = arith.select %and3A_3824, %sub3A_3827, %div3A_3800 : vector<16xi1>, vector<16xi32>
      %jit3A_3829 = arith.constant 128 : i32
      %eq3A_3830 = arith.constant 0 : i32
      %eq3A_3831 = arith.cmpi eq, %jit3A_3829, %eq3A_3830 : i32
      %jit3A_3832 = arith.constant 1 : i32
      %select_n3A_3833 = arith.select %eq3A_3831, %jit3A_3832, %jit3A_3829 : i32
      %rem3A_3834 = vector.broadcast %select_n3A_3833 : i32 to vector<16xi32>
      %rem3A_3835 = arith.remsi %add3A_3795, %rem3A_3834 : vector<16xi32>
      %ne3A_3836 = arith.constant 0 : i32
      %ne3A_3837 = vector.broadcast %ne3A_3836 : i32 to vector<16xi32>
      %ne3A_3838 = arith.cmpi ne, %rem3A_3835, %ne3A_3837 : vector<16xi32>
      %lt3A_3839 = arith.constant 0 : i32
      %lt3A_3840 = vector.broadcast %lt3A_3839 : i32 to vector<16xi32>
      %lt3A_3841 = arith.cmpi slt, %rem3A_3835, %lt3A_3840 : vector<16xi32>
      %lt3A_3842 = arith.constant 0 : i32
      %lt3A_3843 = arith.cmpi slt, %select_n3A_3833, %lt3A_3842 : i32
      %ne3A_3844 = vector.broadcast %lt3A_3843 : i1 to vector<16xi1>
      %ne3A_3845 = vector.broadcast %ne3A_3844 : vector<16xi1> to vector<16xi1>
      %ne3A_3846 = arith.xori %lt3A_3841, %ne3A_3845 : vector<16xi1>
      %and3A_3847 = arith.andi %ne3A_3846, %ne3A_3838 : vector<16xi1>
      %add3A_3848 = vector.broadcast %select_n3A_3833 : i32 to vector<16xi32>
      %add3A_3849 = arith.addi %rem3A_3835, %add3A_3848 : vector<16xi32>
      %select_n3A_3850 = arith.select %and3A_3847, %add3A_3849, %rem3A_3835 : vector<16xi1>, vector<16xi32>
      %jit3A_3851 = arith.constant 128 : i32
      %eq3A_3852 = arith.constant 0 : i32
      %eq3A_3853 = arith.cmpi eq, %jit3A_3851, %eq3A_3852 : i32
      %jit3A_3854 = arith.constant 1 : i32
      %select_n3A_3855 = arith.select %eq3A_3853, %jit3A_3854, %jit3A_3851 : i32
      %rem3A_3856 = vector.broadcast %select_n3A_3855 : i32 to vector<16xi32>
      %rem3A_3857 = arith.remsi %get3A_3797, %rem3A_3856 : vector<16xi32>
      %ne3A_3858 = arith.constant 0 : i32
      %ne3A_3859 = vector.broadcast %ne3A_3858 : i32 to vector<16xi32>
      %ne3A_3860 = arith.cmpi ne, %rem3A_3857, %ne3A_3859 : vector<16xi32>
      %lt3A_3861 = arith.constant 0 : i32
      %lt3A_3862 = vector.broadcast %lt3A_3861 : i32 to vector<16xi32>
      %lt3A_3863 = arith.cmpi slt, %rem3A_3857, %lt3A_3862 : vector<16xi32>
      %lt3A_3864 = arith.constant 0 : i32
      %lt3A_3865 = arith.cmpi slt, %select_n3A_3855, %lt3A_3864 : i32
      %ne3A_3866 = vector.broadcast %lt3A_3865 : i1 to vector<16xi1>
      %ne3A_3867 = vector.broadcast %ne3A_3866 : vector<16xi1> to vector<16xi1>
      %ne3A_3868 = arith.xori %lt3A_3863, %ne3A_3867 : vector<16xi1>
      %and3A_3869 = arith.andi %ne3A_3868, %ne3A_3860 : vector<16xi1>
      %add3A_3870 = vector.broadcast %select_n3A_3855 : i32 to vector<16xi32>
      %add3A_3871 = arith.addi %rem3A_3857, %add3A_3870 : vector<16xi32>
      %select_n3A_3872 = arith.select %and3A_3869, %add3A_3871, %rem3A_3857 : vector<16xi1>, vector<16xi32>
      %gather3A_3873 = tpu.vector_load_idx %arg8[%select_n3A_3828, %select_n3A_3850, %select_n3A_3872] : memref<3x128x128xf32, #tpu.memory_space<vmem>>[vector<16xi32>, vector<16xi32>, vector<16xi32>], vector<16xf32>,
      %swap3A_3874 = arith.constant 272 : index
      %swap3A_3875 = tpu.vector_load %arg9[%swap3A_3874] {strides = array<i32>} : memref<384xf32, #tpu.memory_space<vmem>>, vector<16xf32>,
      tpu.vector_store %arg9[%swap3A_3874], %gather3A_3873 {strides = array<i32>} : memref<384xf32, #tpu.memory_space<vmem>>, vector<16xf32>,
      %iota3A_3876 = tpu.iota {dimensions = array<i32: 0>} : vector<16xi32>
      %add3A_3877 = arith.constant 288 : i32
      %add3A_3878 = vector.broadcast %add3A_3877 : i32 to vector<16xi32>
      %add3A_3879 = arith.addi %iota3A_3876, %add3A_3878 : vector<16xi32>
      %get3A_3880 = arith.constant 288 : index
      %get3A_3881 = tpu.vector_load %arg6[%get3A_3880] {strides = array<i32>} : memref<384xi32, #tpu.memory_space<vmem>>, vector<16xi32>,
      %jit3A_3882 = arith.constant 128 : i32
      %div3A_3883 = vector.broadcast %jit3A_3882 : i32 to vector<16xi32>
      %div3A_3884 = arith.divsi %add3A_3879, %div3A_3883 : vector<16xi32>
      %sign3A_3885 = arith.constant 0 : i32
      %sign3A_3886 = vector.broadcast %sign3A_3885 : i32 to vector<16xi32>
      %sign3A_3887 = arith.cmpi sgt, %add3A_3879, %sign3A_3886 : vector<16xi32>
      %sign3A_3888 = arith.extui %sign3A_3887 : vector<16xi1> to vector<16xi32>
      %sign3A_3889 = arith.constant 0 : i32
      %sign3A_3890 = vector.broadcast %sign3A_3889 : i32 to vector<16xi32>
      %sign3A_3891 = arith.cmpi slt, %add3A_3879, %sign3A_3890 : vector<16xi32>
      %sign3A_3892 = arith.extui %sign3A_3891 : vector<16xi1> to vector<16xi32>
      %sign3A_3893 = arith.subi %sign3A_3888, %sign3A_3892 : vector<16xi32>
      %sign3A_3894 = arith.constant 0 : i32
      %sign3A_3895 = arith.cmpi sgt, %jit3A_3882, %sign3A_3894 : i32
      %sign3A_3896 = arith.extui %sign3A_3895 : i1 to i32
      %sign3A_3897 = arith.constant 0 : i32
      %sign3A_3898 = arith.cmpi slt, %jit3A_3882, %sign3A_3897 : i32
      %sign3A_3899 = arith.extui %sign3A_3898 : i1 to i32
      %sign3A_3900 = arith.subi %sign3A_3896, %sign3A_3899 : i32
      %ne3A_3901 = vector.broadcast %sign3A_3900 : i32 to vector<16xi32>
      %ne3A_3902 = arith.cmpi ne, %sign3A_3893, %ne3A_3901 : vector<16xi32>
      %rem3A_3903 = vector.broadcast %jit3A_3882 : i32 to vector<16xi32>
      %rem3A_3904 = arith.remsi %add3A_3879, %rem3A_3903 : vector<16xi32>
      %ne3A_3905 = arith.constant 0 : i32
      %ne3A_3906 = vector.broadcast %ne3A_3905 : i32 to vector<16xi32>
      %ne3A_3907 = arith.cmpi ne, %rem3A_3904, %ne3A_3906 : vector<16xi32>
      %and3A_3908 = arith.andi %ne3A_3902, %ne3A_3907 : vector<16xi1>
      %sub3A_3909 = arith.constant 1 : i32
      %sub3A_3910 = vector.broadcast %sub3A_3909 : i32 to vector<16xi32>
      %sub3A_3911 = arith.subi %div3A_3884, %sub3A_3910 : vector<16xi32>
      %select_n3A_3912 = arith.select %and3A_3908, %sub3A_3911, %div3A_3884 : vector<16xi1>, vector<16xi32>
      %jit3A_3913 = arith.constant 128 : i32
      %eq3A_3914 = arith.constant 0 : i32
      %eq3A_3915 = arith.cmpi eq, %jit3A_3913, %eq3A_3914 : i32
      %jit3A_3916 = arith.constant 1 : i32
      %select_n3A_3917 = arith.select %eq3A_3915, %jit3A_3916, %jit3A_3913 : i32
      %rem3A_3918 = vector.broadcast %select_n3A_3917 : i32 to vector<16xi32>
      %rem3A_3919 = arith.remsi %add3A_3879, %rem3A_3918 : vector<16xi32>
      %ne3A_3920 = arith.constant 0 : i32
      %ne3A_3921 = vector.broadcast %ne3A_3920 : i32 to vector<16xi32>
      %ne3A_3922 = arith.cmpi ne, %rem3A_3919, %ne3A_3921 : vector<16xi32>
      %lt3A_3923 = arith.constant 0 : i32
      %lt3A_3924 = vector.broadcast %lt3A_3923 : i32 to vector<16xi32>
      %lt3A_3925 = arith.cmpi slt, %rem3A_3919, %lt3A_3924 : vector<16xi32>
      %lt3A_3926 = arith.constant 0 : i32
      %lt3A_3927 = arith.cmpi slt, %select_n3A_3917, %lt3A_3926 : i32
      %ne3A_3928 = vector.broadcast %lt3A_3927 : i1 to vector<16xi1>
      %ne3A_3929 = vector.broadcast %ne3A_3928 : vector<16xi1> to vector<16xi1>
      %ne3A_3930 = arith.xori %lt3A_3925, %ne3A_3929 : vector<16xi1>
      %and3A_3931 = arith.andi %ne3A_3930, %ne3A_3922 : vector<16xi1>
      %add3A_3932 = vector.broadcast %select_n3A_3917 : i32 to vector<16xi32>
      %add3A_3933 = arith.addi %rem3A_3919, %add3A_3932 : vector<16xi32>
      %select_n3A_3934 = arith.select %and3A_3931, %add3A_3933, %rem3A_3919 : vector<16xi1>, vector<16xi32>
      %jit3A_3935 = arith.constant 128 : i32
      %eq3A_3936 = arith.constant 0 : i32
      %eq3A_3937 = arith.cmpi eq, %jit3A_3935, %eq3A_3936 : i32
      %jit3A_3938 = arith.constant 1 : i32
      %select_n3A_3939 = arith.select %eq3A_3937, %jit3A_3938, %jit3A_3935 : i32
      %rem3A_3940 = vector.broadcast %select_n3A_3939 : i32 to vector<16xi32>
      %rem3A_3941 = arith.remsi %get3A_3881, %rem3A_3940 : vector<16xi32>
      %ne3A_3942 = arith.constant 0 : i32
      %ne3A_3943 = vector.broadcast %ne3A_3942 : i32 to vector<16xi32>
      %ne3A_3944 = arith.cmpi ne, %rem3A_3941, %ne3A_3943 : vector<16xi32>
      %lt3A_3945 = arith.constant 0 : i32
      %lt3A_3946 = vector.broadcast %lt3A_3945 : i32 to vector<16xi32>
      %lt3A_3947 = arith.cmpi slt, %rem3A_3941, %lt3A_3946 : vector<16xi32>
      %lt3A_3948 = arith.constant 0 : i32
      %lt3A_3949 = arith.cmpi slt, %select_n3A_3939, %lt3A_3948 : i32
      %ne3A_3950 = vector.broadcast %lt3A_3949 : i1 to vector<16xi1>
      %ne3A_3951 = vector.broadcast %ne3A_3950 : vector<16xi1> to vector<16xi1>
      %ne3A_3952 = arith.xori %lt3A_3947, %ne3A_3951 : vector<16xi1>
      %and3A_3953 = arith.andi %ne3A_3952, %ne3A_3944 : vector<16xi1>
      %add3A_3954 = vector.broadcast %select_n3A_3939 : i32 to vector<16xi32>
      %add3A_3955 = arith.addi %rem3A_3941, %add3A_3954 : vector<16xi32>
      %select_n3A_3956 = arith.select %and3A_3953, %add3A_3955, %rem3A_3941 : vector<16xi1>, vector<16xi32>
      %gather3A_3957 = tpu.vector_load_idx %arg8[%select_n3A_3912, %select_n3A_3934, %select_n3A_3956] : memref<3x128x128xf32, #tpu.memory_space<vmem>>[vector<16xi32>, vector<16xi32>, vector<16xi32>], vector<16xf32>,
      %swap3A_3958 = arith.constant 288 : index
      %swap3A_3959 = tpu.vector_load %arg9[%swap3A_3958] {strides = array<i32>} : memref<384xf32, #tpu.memory_space<vmem>>, vector<16xf32>,
      tpu.vector_store %arg9[%swap3A_3958], %gather3A_3957 {strides = array<i32>} : memref<384xf32, #tpu.memory_space<vmem>>, vector<16xf32>,
      %iota3A_3960 = tpu.iota {dimensions = array<i32: 0>} : vector<16xi32>
      %add3A_3961 = arith.constant 304 : i32
      %add3A_3962 = vector.broadcast %add3A_3961 : i32 to vector<16xi32>
      %add3A_3963 = arith.addi %iota3A_3960, %add3A_3962 : vector<16xi32>
      %get3A_3964 = arith.constant 304 : index
      %get3A_3965 = tpu.vector_load %arg6[%get3A_3964] {strides = array<i32>} : memref<384xi32, #tpu.memory_space<vmem>>, vector<16xi32>,
      %jit3A_3966 = arith.constant 128 : i32
      %div3A_3967 = vector.broadcast %jit3A_3966 : i32 to vector<16xi32>
      %div3A_3968 = arith.divsi %add3A_3963, %div3A_3967 : vector<16xi32>
      %sign3A_3969 = arith.constant 0 : i32
      %sign3A_3970 = vector.broadcast %sign3A_3969 : i32 to vector<16xi32>
      %sign3A_3971 = arith.cmpi sgt, %add3A_3963, %sign3A_3970 : vector<16xi32>
      %sign3A_3972 = arith.extui %sign3A_3971 : vector<16xi1> to vector<16xi32>
      %sign3A_3973 = arith.constant 0 : i32
      %sign3A_3974 = vector.broadcast %sign3A_3973 : i32 to vector<16xi32>
      %sign3A_3975 = arith.cmpi slt, %add3A_3963, %sign3A_3974 : vector<16xi32>
      %sign3A_3976 = arith.extui %sign3A_3975 : vector<16xi1> to vector<16xi32>
      %sign3A_3977 = arith.subi %sign3A_3972, %sign3A_3976 : vector<16xi32>
      %sign3A_3978 = arith.constant 0 : i32
      %sign3A_3979 = arith.cmpi sgt, %jit3A_3966, %sign3A_3978 : i32
      %sign3A_3980 = arith.extui %sign3A_3979 : i1 to i32
      %sign3A_3981 = arith.constant 0 : i32
      %sign3A_3982 = arith.cmpi slt, %jit3A_3966, %sign3A_3981 : i32
      %sign3A_3983 = arith.extui %sign3A_3982 : i1 to i32
      %sign3A_3984 = arith.subi %sign3A_3980, %sign3A_3983 : i32
      %ne3A_3985 = vector.broadcast %sign3A_3984 : i32 to vector<16xi32>
      %ne3A_3986 = arith.cmpi ne, %sign3A_3977, %ne3A_3985 : vector<16xi32>
      %rem3A_3987 = vector.broadcast %jit3A_3966 : i32 to vector<16xi32>
      %rem3A_3988 = arith.remsi %add3A_3963, %rem3A_3987 : vector<16xi32>
      %ne3A_3989 = arith.constant 0 : i32
      %ne3A_3990 = vector.broadcast %ne3A_3989 : i32 to vector<16xi32>
      %ne3A_3991 = arith.cmpi ne, %rem3A_3988, %ne3A_3990 : vector<16xi32>
      %and3A_3992 = arith.andi %ne3A_3986, %ne3A_3991 : vector<16xi1>
      %sub3A_3993 = arith.constant 1 : i32
      %sub3A_3994 = vector.broadcast %sub3A_3993 : i32 to vector<16xi32>
      %sub3A_3995 = arith.subi %div3A_3968, %sub3A_3994 : vector<16xi32>
      %select_n3A_3996 = arith.select %and3A_3992, %sub3A_3995, %div3A_3968 : vector<16xi1>, vector<16xi32>
      %jit3A_3997 = arith.constant 128 : i32
      %eq3A_3998 = arith.constant 0 : i32
      %eq3A_3999 = arith.cmpi eq, %jit3A_3997, %eq3A_3998 : i32
      %jit3A_4000 = arith.constant 1 : i32
      %select_n3A_4001 = arith.select %eq3A_3999, %jit3A_4000, %jit3A_3997 : i32
      %rem3A_4002 = vector.broadcast %select_n3A_4001 : i32 to vector<16xi32>
      %rem3A_4003 = arith.remsi %add3A_3963, %rem3A_4002 : vector<16xi32>
      %ne3A_4004 = arith.constant 0 : i32
      %ne3A_4005 = vector.broadcast %ne3A_4004 : i32 to vector<16xi32>
      %ne3A_4006 = arith.cmpi ne, %rem3A_4003, %ne3A_4005 : vector<16xi32>
      %lt3A_4007 = arith.constant 0 : i32
      %lt3A_4008 = vector.broadcast %lt3A_4007 : i32 to vector<16xi32>
      %lt3A_4009 = arith.cmpi slt, %rem3A_4003, %lt3A_4008 : vector<16xi32>
      %lt3A_4010 = arith.constant 0 : i32
      %lt3A_4011 = arith.cmpi slt, %select_n3A_4001, %lt3A_4010 : i32
      %ne3A_4012 = vector.broadcast %lt3A_4011 : i1 to vector<16xi1>
      %ne3A_4013 = vector.broadcast %ne3A_4012 : vector<16xi1> to vector<16xi1>
      %ne3A_4014 = arith.xori %lt3A_4009, %ne3A_4013 : vector<16xi1>
      %and3A_4015 = arith.andi %ne3A_4014, %ne3A_4006 : vector<16xi1>
      %add3A_4016 = vector.broadcast %select_n3A_4001 : i32 to vector<16xi32>
      %add3A_4017 = arith.addi %rem3A_4003, %add3A_4016 : vector<16xi32>
      %select_n3A_4018 = arith.select %and3A_4015, %add3A_4017, %rem3A_4003 : vector<16xi1>, vector<16xi32>
      %jit3A_4019 = arith.constant 128 : i32
      %eq3A_4020 = arith.constant 0 : i32
      %eq3A_4021 = arith.cmpi eq, %jit3A_4019, %eq3A_4020 : i32
      %jit3A_4022 = arith.constant 1 : i32
      %select_n3A_4023 = arith.select %eq3A_4021, %jit3A_4022, %jit3A_4019 : i32
      %rem3A_4024 = vector.broadcast %select_n3A_4023 : i32 to vector<16xi32>
      %rem3A_4025 = arith.remsi %get3A_3965, %rem3A_4024 : vector<16xi32>
      %ne3A_4026 = arith.constant 0 : i32
      %ne3A_4027 = vector.broadcast %ne3A_4026 : i32 to vector<16xi32>
      %ne3A_4028 = arith.cmpi ne, %rem3A_4025, %ne3A_4027 : vector<16xi32>
      %lt3A_4029 = arith.constant 0 : i32
      %lt3A_4030 = vector.broadcast %lt3A_4029 : i32 to vector<16xi32>
      %lt3A_4031 = arith.cmpi slt, %rem3A_4025, %lt3A_4030 : vector<16xi32>
      %lt3A_4032 = arith.constant 0 : i32
      %lt3A_4033 = arith.cmpi slt, %select_n3A_4023, %lt3A_4032 : i32
      %ne3A_4034 = vector.broadcast %lt3A_4033 : i1 to vector<16xi1>
      %ne3A_4035 = vector.broadcast %ne3A_4034 : vector<16xi1> to vector<16xi1>
      %ne3A_4036 = arith.xori %lt3A_4031, %ne3A_4035 : vector<16xi1>
      %and3A_4037 = arith.andi %ne3A_4036, %ne3A_4028 : vector<16xi1>
      %add3A_4038 = vector.broadcast %select_n3A_4023 : i32 to vector<16xi32>
      %add3A_4039 = arith.addi %rem3A_4025, %add3A_4038 : vector<16xi32>
      %select_n3A_4040 = arith.select %and3A_4037, %add3A_4039, %rem3A_4025 : vector<16xi1>, vector<16xi32>
      %gather3A_4041 = tpu.vector_load_idx %arg8[%select_n3A_3996, %select_n3A_4018, %select_n3A_4040] : memref<3x128x128xf32, #tpu.memory_space<vmem>>[vector<16xi32>, vector<16xi32>, vector<16xi32>], vector<16xf32>,
      %swap3A_4042 = arith.constant 304 : index
      %swap3A_4043 = tpu.vector_load %arg9[%swap3A_4042] {strides = array<i32>} : memref<384xf32, #tpu.memory_space<vmem>>, vector<16xf32>,
      tpu.vector_store %arg9[%swap3A_4042], %gather3A_4041 {strides = array<i32>} : memref<384xf32, #tpu.memory_space<vmem>>, vector<16xf32>,
      %iota3A_4044 = tpu.iota {dimensions = array<i32: 0>} : vector<16xi32>
      %add3A_4045 = arith.constant 320 : i32
      %add3A_4046 = vector.broadcast %add3A_4045 : i32 to vector<16xi32>
      %add3A_4047 = arith.addi %iota3A_4044, %add3A_4046 : vector<16xi32>
      %get3A_4048 = arith.constant 320 : index
      %get3A_4049 = tpu.vector_load %arg6[%get3A_4048] {strides = array<i32>} : memref<384xi32, #tpu.memory_space<vmem>>, vector<16xi32>,
      %jit3A_4050 = arith.constant 128 : i32
      %div3A_4051 = vector.broadcast %jit3A_4050 : i32 to vector<16xi32>
      %div3A_4052 = arith.divsi %add3A_4047, %div3A_4051 : vector<16xi32>
      %sign3A_4053 = arith.constant 0 : i32
      %sign3A_4054 = vector.broadcast %sign3A_4053 : i32 to vector<16xi32>
      %sign3A_4055 = arith.cmpi sgt, %add3A_4047, %sign3A_4054 : vector<16xi32>
      %sign3A_4056 = arith.extui %sign3A_4055 : vector<16xi1> to vector<16xi32>
      %sign3A_4057 = arith.constant 0 : i32
      %sign3A_4058 = vector.broadcast %sign3A_4057 : i32 to vector<16xi32>
      %sign3A_4059 = arith.cmpi slt, %add3A_4047, %sign3A_4058 : vector<16xi32>
      %sign3A_4060 = arith.extui %sign3A_4059 : vector<16xi1> to vector<16xi32>
      %sign3A_4061 = arith.subi %sign3A_4056, %sign3A_4060 : vector<16xi32>
      %sign3A_4062 = arith.constant 0 : i32
      %sign3A_4063 = arith.cmpi sgt, %jit3A_4050, %sign3A_4062 : i32
      %sign3A_4064 = arith.extui %sign3A_4063 : i1 to i32
      %sign3A_4065 = arith.constant 0 : i32
      %sign3A_4066 = arith.cmpi slt, %jit3A_4050, %sign3A_4065 : i32
      %sign3A_4067 = arith.extui %sign3A_4066 : i1 to i32
      %sign3A_4068 = arith.subi %sign3A_4064, %sign3A_4067 : i32
      %ne3A_4069 = vector.broadcast %sign3A_4068 : i32 to vector<16xi32>
      %ne3A_4070 = arith.cmpi ne, %sign3A_4061, %ne3A_4069 : vector<16xi32>
      %rem3A_4071 = vector.broadcast %jit3A_4050 : i32 to vector<16xi32>
      %rem3A_4072 = arith.remsi %add3A_4047, %rem3A_4071 : vector<16xi32>
      %ne3A_4073 = arith.constant 0 : i32
      %ne3A_4074 = vector.broadcast %ne3A_4073 : i32 to vector<16xi32>
      %ne3A_4075 = arith.cmpi ne, %rem3A_4072, %ne3A_4074 : vector<16xi32>
      %and3A_4076 = arith.andi %ne3A_4070, %ne3A_4075 : vector<16xi1>
      %sub3A_4077 = arith.constant 1 : i32
      %sub3A_4078 = vector.broadcast %sub3A_4077 : i32 to vector<16xi32>
      %sub3A_4079 = arith.subi %div3A_4052, %sub3A_4078 : vector<16xi32>
      %select_n3A_4080 = arith.select %and3A_4076, %sub3A_4079, %div3A_4052 : vector<16xi1>, vector<16xi32>
      %jit3A_4081 = arith.constant 128 : i32
      %eq3A_4082 = arith.constant 0 : i32
      %eq3A_4083 = arith.cmpi eq, %jit3A_4081, %eq3A_4082 : i32
      %jit3A_4084 = arith.constant 1 : i32
      %select_n3A_4085 = arith.select %eq3A_4083, %jit3A_4084, %jit3A_4081 : i32
      %rem3A_4086 = vector.broadcast %select_n3A_4085 : i32 to vector<16xi32>
      %rem3A_4087 = arith.remsi %add3A_4047, %rem3A_4086 : vector<16xi32>
      %ne3A_4088 = arith.constant 0 : i32
      %ne3A_4089 = vector.broadcast %ne3A_4088 : i32 to vector<16xi32>
      %ne3A_4090 = arith.cmpi ne, %rem3A_4087, %ne3A_4089 : vector<16xi32>
      %lt3A_4091 = arith.constant 0 : i32
      %lt3A_4092 = vector.broadcast %lt3A_4091 : i32 to vector<16xi32>
      %lt3A_4093 = arith.cmpi slt, %rem3A_4087, %lt3A_4092 : vector<16xi32>
      %lt3A_4094 = arith.constant 0 : i32
      %lt3A_4095 = arith.cmpi slt, %select_n3A_4085, %lt3A_4094 : i32
      %ne3A_4096 = vector.broadcast %lt3A_4095 : i1 to vector<16xi1>
      %ne3A_4097 = vector.broadcast %ne3A_4096 : vector<16xi1> to vector<16xi1>
      %ne3A_4098 = arith.xori %lt3A_4093, %ne3A_4097 : vector<16xi1>
      %and3A_4099 = arith.andi %ne3A_4098, %ne3A_4090 : vector<16xi1>
      %add3A_4100 = vector.broadcast %select_n3A_4085 : i32 to vector<16xi32>
      %add3A_4101 = arith.addi %rem3A_4087, %add3A_4100 : vector<16xi32>
      %select_n3A_4102 = arith.select %and3A_4099, %add3A_4101, %rem3A_4087 : vector<16xi1>, vector<16xi32>
      %jit3A_4103 = arith.constant 128 : i32
      %eq3A_4104 = arith.constant 0 : i32
      %eq3A_4105 = arith.cmpi eq, %jit3A_4103, %eq3A_4104 : i32
      %jit3A_4106 = arith.constant 1 : i32
      %select_n3A_4107 = arith.select %eq3A_4105, %jit3A_4106, %jit3A_4103 : i32
      %rem3A_4108 = vector.broadcast %select_n3A_4107 : i32 to vector<16xi32>
      %rem3A_4109 = arith.remsi %get3A_4049, %rem3A_4108 : vector<16xi32>
      %ne3A_4110 = arith.constant 0 : i32
      %ne3A_4111 = vector.broadcast %ne3A_4110 : i32 to vector<16xi32>
      %ne3A_4112 = arith.cmpi ne, %rem3A_4109, %ne3A_4111 : vector<16xi32>
      %lt3A_4113 = arith.constant 0 : i32
      %lt3A_4114 = vector.broadcast %lt3A_4113 : i32 to vector<16xi32>
      %lt3A_4115 = arith.cmpi slt, %rem3A_4109, %lt3A_4114 : vector<16xi32>
      %lt3A_4116 = arith.constant 0 : i32
      %lt3A_4117 = arith.cmpi slt, %select_n3A_4107, %lt3A_4116 : i32
      %ne3A_4118 = vector.broadcast %lt3A_4117 : i1 to vector<16xi1>
      %ne3A_4119 = vector.broadcast %ne3A_4118 : vector<16xi1> to vector<16xi1>
      %ne3A_4120 = arith.xori %lt3A_4115, %ne3A_4119 : vector<16xi1>
      %and3A_4121 = arith.andi %ne3A_4120, %ne3A_4112 : vector<16xi1>
      %add3A_4122 = vector.broadcast %select_n3A_4107 : i32 to vector<16xi32>
      %add3A_4123 = arith.addi %rem3A_4109, %add3A_4122 : vector<16xi32>
      %select_n3A_4124 = arith.select %and3A_4121, %add3A_4123, %rem3A_4109 : vector<16xi1>, vector<16xi32>
      %gather3A_4125 = tpu.vector_load_idx %arg8[%select_n3A_4080, %select_n3A_4102, %select_n3A_4124] : memref<3x128x128xf32, #tpu.memory_space<vmem>>[vector<16xi32>, vector<16xi32>, vector<16xi32>], vector<16xf32>,
      %swap3A_4126 = arith.constant 320 : index
      %swap3A_4127 = tpu.vector_load %arg9[%swap3A_4126] {strides = array<i32>} : memref<384xf32, #tpu.memory_space<vmem>>, vector<16xf32>,
      tpu.vector_store %arg9[%swap3A_4126], %gather3A_4125 {strides = array<i32>} : memref<384xf32, #tpu.memory_space<vmem>>, vector<16xf32>,
      %iota3A_4128 = tpu.iota {dimensions = array<i32: 0>} : vector<16xi32>
      %add3A_4129 = arith.constant 336 : i32
      %add3A_4130 = vector.broadcast %add3A_4129 : i32 to vector<16xi32>
      %add3A_4131 = arith.addi %iota3A_4128, %add3A_4130 : vector<16xi32>
      %get3A_4132 = arith.constant 336 : index
      %get3A_4133 = tpu.vector_load %arg6[%get3A_4132] {strides = array<i32>} : memref<384xi32, #tpu.memory_space<vmem>>, vector<16xi32>,
      %jit3A_4134 = arith.constant 128 : i32
      %div3A_4135 = vector.broadcast %jit3A_4134 : i32 to vector<16xi32>
      %div3A_4136 = arith.divsi %add3A_4131, %div3A_4135 : vector<16xi32>
      %sign3A_4137 = arith.constant 0 : i32
      %sign3A_4138 = vector.broadcast %sign3A_4137 : i32 to vector<16xi32>
      %sign3A_4139 = arith.cmpi sgt, %add3A_4131, %sign3A_4138 : vector<16xi32>
      %sign3A_4140 = arith.extui %sign3A_4139 : vector<16xi1> to vector<16xi32>
      %sign3A_4141 = arith.constant 0 : i32
      %sign3A_4142 = vector.broadcast %sign3A_4141 : i32 to vector<16xi32>
      %sign3A_4143 = arith.cmpi slt, %add3A_4131, %sign3A_4142 : vector<16xi32>
      %sign3A_4144 = arith.extui %sign3A_4143 : vector<16xi1> to vector<16xi32>
      %sign3A_4145 = arith.subi %sign3A_4140, %sign3A_4144 : vector<16xi32>
      %sign3A_4146 = arith.constant 0 : i32
      %sign3A_4147 = arith.cmpi sgt, %jit3A_4134, %sign3A_4146 : i32
      %sign3A_4148 = arith.extui %sign3A_4147 : i1 to i32
      %sign3A_4149 = arith.constant 0 : i32
      %sign3A_4150 = arith.cmpi slt, %jit3A_4134, %sign3A_4149 : i32
      %sign3A_4151 = arith.extui %sign3A_4150 : i1 to i32
      %sign3A_4152 = arith.subi %sign3A_4148, %sign3A_4151 : i32
      %ne3A_4153 = vector.broadcast %sign3A_4152 : i32 to vector<16xi32>
      %ne3A_4154 = arith.cmpi ne, %sign3A_4145, %ne3A_4153 : vector<16xi32>
      %rem3A_4155 = vector.broadcast %jit3A_4134 : i32 to vector<16xi32>
      %rem3A_4156 = arith.remsi %add3A_4131, %rem3A_4155 : vector<16xi32>
      %ne3A_4157 = arith.constant 0 : i32
      %ne3A_4158 = vector.broadcast %ne3A_4157 : i32 to vector<16xi32>
      %ne3A_4159 = arith.cmpi ne, %rem3A_4156, %ne3A_4158 : vector<16xi32>
      %and3A_4160 = arith.andi %ne3A_4154, %ne3A_4159 : vector<16xi1>
      %sub3A_4161 = arith.constant 1 : i32
      %sub3A_4162 = vector.broadcast %sub3A_4161 : i32 to vector<16xi32>
      %sub3A_4163 = arith.subi %div3A_4136, %sub3A_4162 : vector<16xi32>
      %select_n3A_4164 = arith.select %and3A_4160, %sub3A_4163, %div3A_4136 : vector<16xi1>, vector<16xi32>
      %jit3A_4165 = arith.constant 128 : i32
      %eq3A_4166 = arith.constant 0 : i32
      %eq3A_4167 = arith.cmpi eq, %jit3A_4165, %eq3A_4166 : i32
      %jit3A_4168 = arith.constant 1 : i32
      %select_n3A_4169 = arith.select %eq3A_4167, %jit3A_4168, %jit3A_4165 : i32
      %rem3A_4170 = vector.broadcast %select_n3A_4169 : i32 to vector<16xi32>
      %rem3A_4171 = arith.remsi %add3A_4131, %rem3A_4170 : vector<16xi32>
      %ne3A_4172 = arith.constant 0 : i32
      %ne3A_4173 = vector.broadcast %ne3A_4172 : i32 to vector<16xi32>
      %ne3A_4174 = arith.cmpi ne, %rem3A_4171, %ne3A_4173 : vector<16xi32>
      %lt3A_4175 = arith.constant 0 : i32
      %lt3A_4176 = vector.broadcast %lt3A_4175 : i32 to vector<16xi32>
      %lt3A_4177 = arith.cmpi slt, %rem3A_4171, %lt3A_4176 : vector<16xi32>
      %lt3A_4178 = arith.constant 0 : i32
      %lt3A_4179 = arith.cmpi slt, %select_n3A_4169, %lt3A_4178 : i32
      %ne3A_4180 = vector.broadcast %lt3A_4179 : i1 to vector<16xi1>
      %ne3A_4181 = vector.broadcast %ne3A_4180 : vector<16xi1> to vector<16xi1>
      %ne3A_4182 = arith.xori %lt3A_4177, %ne3A_4181 : vector<16xi1>
      %and3A_4183 = arith.andi %ne3A_4182, %ne3A_4174 : vector<16xi1>
      %add3A_4184 = vector.broadcast %select_n3A_4169 : i32 to vector<16xi32>
      %add3A_4185 = arith.addi %rem3A_4171, %add3A_4184 : vector<16xi32>
      %select_n3A_4186 = arith.select %and3A_4183, %add3A_4185, %rem3A_4171 : vector<16xi1>, vector<16xi32>
      %jit3A_4187 = arith.constant 128 : i32
      %eq3A_4188 = arith.constant 0 : i32
      %eq3A_4189 = arith.cmpi eq, %jit3A_4187, %eq3A_4188 : i32
      %jit3A_4190 = arith.constant 1 : i32
      %select_n3A_4191 = arith.select %eq3A_4189, %jit3A_4190, %jit3A_4187 : i32
      %rem3A_4192 = vector.broadcast %select_n3A_4191 : i32 to vector<16xi32>
      %rem3A_4193 = arith.remsi %get3A_4133, %rem3A_4192 : vector<16xi32>
      %ne3A_4194 = arith.constant 0 : i32
      %ne3A_4195 = vector.broadcast %ne3A_4194 : i32 to vector<16xi32>
      %ne3A_4196 = arith.cmpi ne, %rem3A_4193, %ne3A_4195 : vector<16xi32>
      %lt3A_4197 = arith.constant 0 : i32
      %lt3A_4198 = vector.broadcast %lt3A_4197 : i32 to vector<16xi32>
      %lt3A_4199 = arith.cmpi slt, %rem3A_4193, %lt3A_4198 : vector<16xi32>
      %lt3A_4200 = arith.constant 0 : i32
      %lt3A_4201 = arith.cmpi slt, %select_n3A_4191, %lt3A_4200 : i32
      %ne3A_4202 = vector.broadcast %lt3A_4201 : i1 to vector<16xi1>
      %ne3A_4203 = vector.broadcast %ne3A_4202 : vector<16xi1> to vector<16xi1>
      %ne3A_4204 = arith.xori %lt3A_4199, %ne3A_4203 : vector<16xi1>
      %and3A_4205 = arith.andi %ne3A_4204, %ne3A_4196 : vector<16xi1>
      %add3A_4206 = vector.broadcast %select_n3A_4191 : i32 to vector<16xi32>
      %add3A_4207 = arith.addi %rem3A_4193, %add3A_4206 : vector<16xi32>
      %select_n3A_4208 = arith.select %and3A_4205, %add3A_4207, %rem3A_4193 : vector<16xi1>, vector<16xi32>
      %gather3A_4209 = tpu.vector_load_idx %arg8[%select_n3A_4164, %select_n3A_4186, %select_n3A_4208] : memref<3x128x128xf32, #tpu.memory_space<vmem>>[vector<16xi32>, vector<16xi32>, vector<16xi32>], vector<16xf32>,
      %swap3A_4210 = arith.constant 336 : index
      %swap3A_4211 = tpu.vector_load %arg9[%swap3A_4210] {strides = array<i32>} : memref<384xf32, #tpu.memory_space<vmem>>, vector<16xf32>,
      tpu.vector_store %arg9[%swap3A_4210], %gather3A_4209 {strides = array<i32>} : memref<384xf32, #tpu.memory_space<vmem>>, vector<16xf32>,
      %iota3A_4212 = tpu.iota {dimensions = array<i32: 0>} : vector<16xi32>
      %add3A_4213 = arith.constant 352 : i32
      %add3A_4214 = vector.broadcast %add3A_4213 : i32 to vector<16xi32>
      %add3A_4215 = arith.addi %iota3A_4212, %add3A_4214 : vector<16xi32>
      %get3A_4216 = arith.constant 352 : index
      %get3A_4217 = tpu.vector_load %arg6[%get3A_4216] {strides = array<i32>} : memref<384xi32, #tpu.memory_space<vmem>>, vector<16xi32>,
      %jit3A_4218 = arith.constant 128 : i32
      %div3A_4219 = vector.broadcast %jit3A_4218 : i32 to vector<16xi32>
      %div3A_4220 = arith.divsi %add3A_4215, %div3A_4219 : vector<16xi32>
      %sign3A_4221 = arith.constant 0 : i32
      %sign3A_4222 = vector.broadcast %sign3A_4221 : i32 to vector<16xi32>
      %sign3A_4223 = arith.cmpi sgt, %add3A_4215, %sign3A_4222 : vector<16xi32>
      %sign3A_4224 = arith.extui %sign3A_4223 : vector<16xi1> to vector<16xi32>
      %sign3A_4225 = arith.constant 0 : i32
      %sign3A_4226 = vector.broadcast %sign3A_4225 : i32 to vector<16xi32>
      %sign3A_4227 = arith.cmpi slt, %add3A_4215, %sign3A_4226 : vector<16xi32>
      %sign3A_4228 = arith.extui %sign3A_4227 : vector<16xi1> to vector<16xi32>
      %sign3A_4229 = arith.subi %sign3A_4224, %sign3A_4228 : vector<16xi32>
      %sign3A_4230 = arith.constant 0 : i32
      %sign3A_4231 = arith.cmpi sgt, %jit3A_4218, %sign3A_4230 : i32
      %sign3A_4232 = arith.extui %sign3A_4231 : i1 to i32
      %sign3A_4233 = arith.constant 0 : i32
      %sign3A_4234 = arith.cmpi slt, %jit3A_4218, %sign3A_4233 : i32
      %sign3A_4235 = arith.extui %sign3A_4234 : i1 to i32
      %sign3A_4236 = arith.subi %sign3A_4232, %sign3A_4235 : i32
      %ne3A_4237 = vector.broadcast %sign3A_4236 : i32 to vector<16xi32>
      %ne3A_4238 = arith.cmpi ne, %sign3A_4229, %ne3A_4237 : vector<16xi32>
      %rem3A_4239 = vector.broadcast %jit3A_4218 : i32 to vector<16xi32>
      %rem3A_4240 = arith.remsi %add3A_4215, %rem3A_4239 : vector<16xi32>
      %ne3A_4241 = arith.constant 0 : i32
      %ne3A_4242 = vector.broadcast %ne3A_4241 : i32 to vector<16xi32>
      %ne3A_4243 = arith.cmpi ne, %rem3A_4240, %ne3A_4242 : vector<16xi32>
      %and3A_4244 = arith.andi %ne3A_4238, %ne3A_4243 : vector<16xi1>
      %sub3A_4245 = arith.constant 1 : i32
      %sub3A_4246 = vector.broadcast %sub3A_4245 : i32 to vector<16xi32>
      %sub3A_4247 = arith.subi %div3A_4220, %sub3A_4246 : vector<16xi32>
      %select_n3A_4248 = arith.select %and3A_4244, %sub3A_4247, %div3A_4220 : vector<16xi1>, vector<16xi32>
      %jit3A_4249 = arith.constant 128 : i32
      %eq3A_4250 = arith.constant 0 : i32
      %eq3A_4251 = arith.cmpi eq, %jit3A_4249, %eq3A_4250 : i32
      %jit3A_4252 = arith.constant 1 : i32
      %select_n3A_4253 = arith.select %eq3A_4251, %jit3A_4252, %jit3A_4249 : i32
      %rem3A_4254 = vector.broadcast %select_n3A_4253 : i32 to vector<16xi32>
      %rem3A_4255 = arith.remsi %add3A_4215, %rem3A_4254 : vector<16xi32>
      %ne3A_4256 = arith.constant 0 : i32
      %ne3A_4257 = vector.broadcast %ne3A_4256 : i32 to vector<16xi32>
      %ne3A_4258 = arith.cmpi ne, %rem3A_4255, %ne3A_4257 : vector<16xi32>
      %lt3A_4259 = arith.constant 0 : i32
      %lt3A_4260 = vector.broadcast %lt3A_4259 : i32 to vector<16xi32>
      %lt3A_4261 = arith.cmpi slt, %rem3A_4255, %lt3A_4260 : vector<16xi32>
      %lt3A_4262 = arith.constant 0 : i32
      %lt3A_4263 = arith.cmpi slt, %select_n3A_4253, %lt3A_4262 : i32
      %ne3A_4264 = vector.broadcast %lt3A_4263 : i1 to vector<16xi1>
      %ne3A_4265 = vector.broadcast %ne3A_4264 : vector<16xi1> to vector<16xi1>
      %ne3A_4266 = arith.xori %lt3A_4261, %ne3A_4265 : vector<16xi1>
      %and3A_4267 = arith.andi %ne3A_4266, %ne3A_4258 : vector<16xi1>
      %add3A_4268 = vector.broadcast %select_n3A_4253 : i32 to vector<16xi32>
      %add3A_4269 = arith.addi %rem3A_4255, %add3A_4268 : vector<16xi32>
      %select_n3A_4270 = arith.select %and3A_4267, %add3A_4269, %rem3A_4255 : vector<16xi1>, vector<16xi32>
      %jit3A_4271 = arith.constant 128 : i32
      %eq3A_4272 = arith.constant 0 : i32
      %eq3A_4273 = arith.cmpi eq, %jit3A_4271, %eq3A_4272 : i32
      %jit3A_4274 = arith.constant 1 : i32
      %select_n3A_4275 = arith.select %eq3A_4273, %jit3A_4274, %jit3A_4271 : i32
      %rem3A_4276 = vector.broadcast %select_n3A_4275 : i32 to vector<16xi32>
      %rem3A_4277 = arith.remsi %get3A_4217, %rem3A_4276 : vector<16xi32>
      %ne3A_4278 = arith.constant 0 : i32
      %ne3A_4279 = vector.broadcast %ne3A_4278 : i32 to vector<16xi32>
      %ne3A_4280 = arith.cmpi ne, %rem3A_4277, %ne3A_4279 : vector<16xi32>
      %lt3A_4281 = arith.constant 0 : i32
      %lt3A_4282 = vector.broadcast %lt3A_4281 : i32 to vector<16xi32>
      %lt3A_4283 = arith.cmpi slt, %rem3A_4277, %lt3A_4282 : vector<16xi32>
      %lt3A_4284 = arith.constant 0 : i32
      %lt3A_4285 = arith.cmpi slt, %select_n3A_4275, %lt3A_4284 : i32
      %ne3A_4286 = vector.broadcast %lt3A_4285 : i1 to vector<16xi1>
      %ne3A_4287 = vector.broadcast %ne3A_4286 : vector<16xi1> to vector<16xi1>
      %ne3A_4288 = arith.xori %lt3A_4283, %ne3A_4287 : vector<16xi1>
      %and3A_4289 = arith.andi %ne3A_4288, %ne3A_4280 : vector<16xi1>
      %add3A_4290 = vector.broadcast %select_n3A_4275 : i32 to vector<16xi32>
      %add3A_4291 = arith.addi %rem3A_4277, %add3A_4290 : vector<16xi32>
      %select_n3A_4292 = arith.select %and3A_4289, %add3A_4291, %rem3A_4277 : vector<16xi1>, vector<16xi32>
      %gather3A_4293 = tpu.vector_load_idx %arg8[%select_n3A_4248, %select_n3A_4270, %select_n3A_4292] : memref<3x128x128xf32, #tpu.memory_space<vmem>>[vector<16xi32>, vector<16xi32>, vector<16xi32>], vector<16xf32>,
      %swap3A_4294 = arith.constant 352 : index
      %swap3A_4295 = tpu.vector_load %arg9[%swap3A_4294] {strides = array<i32>} : memref<384xf32, #tpu.memory_space<vmem>>, vector<16xf32>,
      tpu.vector_store %arg9[%swap3A_4294], %gather3A_4293 {strides = array<i32>} : memref<384xf32, #tpu.memory_space<vmem>>, vector<16xf32>,
      %iota3A_4296 = tpu.iota {dimensions = array<i32: 0>} : vector<16xi32>
      %add3A_4297 = arith.constant 368 : i32
      %add3A_4298 = vector.broadcast %add3A_4297 : i32 to vector<16xi32>
      %add3A_4299 = arith.addi %iota3A_4296, %add3A_4298 : vector<16xi32>
      %get3A_4300 = arith.constant 368 : index
      %get3A_4301 = tpu.vector_load %arg6[%get3A_4300] {strides = array<i32>} : memref<384xi32, #tpu.memory_space<vmem>>, vector<16xi32>,
      %jit3A_4302 = arith.constant 128 : i32
      %div3A_4303 = vector.broadcast %jit3A_4302 : i32 to vector<16xi32>
      %div3A_4304 = arith.divsi %add3A_4299, %div3A_4303 : vector<16xi32>
      %sign3A_4305 = arith.constant 0 : i32
      %sign3A_4306 = vector.broadcast %sign3A_4305 : i32 to vector<16xi32>
      %sign3A_4307 = arith.cmpi sgt, %add3A_4299, %sign3A_4306 : vector<16xi32>
      %sign3A_4308 = arith.extui %sign3A_4307 : vector<16xi1> to vector<16xi32>
      %sign3A_4309 = arith.constant 0 : i32
      %sign3A_4310 = vector.broadcast %sign3A_4309 : i32 to vector<16xi32>
      %sign3A_4311 = arith.cmpi slt, %add3A_4299, %sign3A_4310 : vector<16xi32>
      %sign3A_4312 = arith.extui %sign3A_4311 : vector<16xi1> to vector<16xi32>
      %sign3A_4313 = arith.subi %sign3A_4308, %sign3A_4312 : vector<16xi32>
      %sign3A_4314 = arith.constant 0 : i32
      %sign3A_4315 = arith.cmpi sgt, %jit3A_4302, %sign3A_4314 : i32
      %sign3A_4316 = arith.extui %sign3A_4315 : i1 to i32
      %sign3A_4317 = arith.constant 0 : i32
      %sign3A_4318 = arith.cmpi slt, %jit3A_4302, %sign3A_4317 : i32
      %sign3A_4319 = arith.extui %sign3A_4318 : i1 to i32
      %sign3A_4320 = arith.subi %sign3A_4316, %sign3A_4319 : i32
      %ne3A_4321 = vector.broadcast %sign3A_4320 : i32 to vector<16xi32>
      %ne3A_4322 = arith.cmpi ne, %sign3A_4313, %ne3A_4321 : vector<16xi32>
      %rem3A_4323 = vector.broadcast %jit3A_4302 : i32 to vector<16xi32>
      %rem3A_4324 = arith.remsi %add3A_4299, %rem3A_4323 : vector<16xi32>
      %ne3A_4325 = arith.constant 0 : i32
      %ne3A_4326 = vector.broadcast %ne3A_4325 : i32 to vector<16xi32>
      %ne3A_4327 = arith.cmpi ne, %rem3A_4324, %ne3A_4326 : vector<16xi32>
      %and3A_4328 = arith.andi %ne3A_4322, %ne3A_4327 : vector<16xi1>
      %sub3A_4329 = arith.constant 1 : i32
      %sub3A_4330 = vector.broadcast %sub3A_4329 : i32 to vector<16xi32>
      %sub3A_4331 = arith.subi %div3A_4304, %sub3A_4330 : vector<16xi32>
      %select_n3A_4332 = arith.select %and3A_4328, %sub3A_4331, %div3A_4304 : vector<16xi1>, vector<16xi32>
      %jit3A_4333 = arith.constant 128 : i32
      %eq3A_4334 = arith.constant 0 : i32
      %eq3A_4335 = arith.cmpi eq, %jit3A_4333, %eq3A_4334 : i32
      %jit3A_4336 = arith.constant 1 : i32
      %select_n3A_4337 = arith.select %eq3A_4335, %jit3A_4336, %jit3A_4333 : i32
      %rem3A_4338 = vector.broadcast %select_n3A_4337 : i32 to vector<16xi32>
      %rem3A_4339 = arith.remsi %add3A_4299, %rem3A_4338 : vector<16xi32>
      %ne3A_4340 = arith.constant 0 : i32
      %ne3A_4341 = vector.broadcast %ne3A_4340 : i32 to vector<16xi32>
      %ne3A_4342 = arith.cmpi ne, %rem3A_4339, %ne3A_4341 : vector<16xi32>
      %lt3A_4343 = arith.constant 0 : i32
      %lt3A_4344 = vector.broadcast %lt3A_4343 : i32 to vector<16xi32>
      %lt3A_4345 = arith.cmpi slt, %rem3A_4339, %lt3A_4344 : vector<16xi32>
      %lt3A_4346 = arith.constant 0 : i32
      %lt3A_4347 = arith.cmpi slt, %select_n3A_4337, %lt3A_4346 : i32
      %ne3A_4348 = vector.broadcast %lt3A_4347 : i1 to vector<16xi1>
      %ne3A_4349 = vector.broadcast %ne3A_4348 : vector<16xi1> to vector<16xi1>
      %ne3A_4350 = arith.xori %lt3A_4345, %ne3A_4349 : vector<16xi1>
      %and3A_4351 = arith.andi %ne3A_4350, %ne3A_4342 : vector<16xi1>
      %add3A_4352 = vector.broadcast %select_n3A_4337 : i32 to vector<16xi32>
      %add3A_4353 = arith.addi %rem3A_4339, %add3A_4352 : vector<16xi32>
      %select_n3A_4354 = arith.select %and3A_4351, %add3A_4353, %rem3A_4339 : vector<16xi1>, vector<16xi32>
      %jit3A_4355 = arith.constant 128 : i32
      %eq3A_4356 = arith.constant 0 : i32
      %eq3A_4357 = arith.cmpi eq, %jit3A_4355, %eq3A_4356 : i32
      %jit3A_4358 = arith.constant 1 : i32
      %select_n3A_4359 = arith.select %eq3A_4357, %jit3A_4358, %jit3A_4355 : i32
      %rem3A_4360 = vector.broadcast %select_n3A_4359 : i32 to vector<16xi32>
      %rem3A_4361 = arith.remsi %get3A_4301, %rem3A_4360 : vector<16xi32>
      %ne3A_4362 = arith.constant 0 : i32
      %ne3A_4363 = vector.broadcast %ne3A_4362 : i32 to vector<16xi32>
      %ne3A_4364 = arith.cmpi ne, %rem3A_4361, %ne3A_4363 : vector<16xi32>
      %lt3A_4365 = arith.constant 0 : i32
      %lt3A_4366 = vector.broadcast %lt3A_4365 : i32 to vector<16xi32>
      %lt3A_4367 = arith.cmpi slt, %rem3A_4361, %lt3A_4366 : vector<16xi32>
      %lt3A_4368 = arith.constant 0 : i32
      %lt3A_4369 = arith.cmpi slt, %select_n3A_4359, %lt3A_4368 : i32
      %ne3A_4370 = vector.broadcast %lt3A_4369 : i1 to vector<16xi1>
      %ne3A_4371 = vector.broadcast %ne3A_4370 : vector<16xi1> to vector<16xi1>
      %ne3A_4372 = arith.xori %lt3A_4367, %ne3A_4371 : vector<16xi1>
      %and3A_4373 = arith.andi %ne3A_4372, %ne3A_4364 : vector<16xi1>
      %add3A_4374 = vector.broadcast %select_n3A_4359 : i32 to vector<16xi32>
      %add3A_4375 = arith.addi %rem3A_4361, %add3A_4374 : vector<16xi32>
      %select_n3A_4376 = arith.select %and3A_4373, %add3A_4375, %rem3A_4361 : vector<16xi1>, vector<16xi32>
      %gather3A_4377 = tpu.vector_load_idx %arg8[%select_n3A_4332, %select_n3A_4354, %select_n3A_4376] : memref<3x128x128xf32, #tpu.memory_space<vmem>>[vector<16xi32>, vector<16xi32>, vector<16xi32>], vector<16xf32>,
      %swap3A_4378 = arith.constant 368 : index
      %swap3A_4379 = tpu.vector_load %arg9[%swap3A_4378] {strides = array<i32>} : memref<384xf32, #tpu.memory_space<vmem>>, vector<16xf32>,
      tpu.vector_store %arg9[%swap3A_4378], %gather3A_4377 {strides = array<i32>} : memref<384xf32, #tpu.memory_space<vmem>>, vector<16xf32>,
      "tpu.region"() ({
        %run_scoped3A = tpu.sem_alloc : memref<!tpu.dma_semaphore, #tpu.memory_space<semaphore_mem>>
        tpu.enqueue_dma source(%arg9 : memref<384xf32, #tpu.memory_space<vmem>>) target(%arg4 : memref<384xf32, #tpu.memory_space<hbm>>) target_semaphore(%run_scoped3A : memref<!tpu.dma_semaphore, #tpu.memory_space<semaphore_mem>>)
        tpu.wait_dma2 semaphore(%run_scoped3A : memref<!tpu.dma_semaphore, #tpu.memory_space<semaphore_mem>>) src(%arg9 : memref<384xf32, #tpu.memory_space<vmem>>) dst(%arg4 : memref<384xf32, #tpu.memory_space<hbm>>)
        tpu.yield
      }) : () -> ()
    } else {
    }
    return
  }
}

module attributes {stable_mosaic.version = 14 : i64} {
  func.func @_grad_body(%arg0: i32, %arg1: memref<1x128xi32, #tpu.memory_space<vmem>>, %arg2: memref<3000x384xf32, #tpu.memory_space<vmem>>, %arg3: memref<1x384xi32, #tpu.memory_space<vmem>>) attributes {dimension_semantics = [#tpu.dimension_semantics<arbitrary>], iteration_bounds = array<i64: 50>, scalar_prefetch = 0 : i64, scratch_operands = 1 : i64, tpu.core_type = #tpu.core_type<tc>, window_params = [{pipeline_mode = #tpu.pipeline_mode<synchronous>, transform_indices = @transform_0, window_bounds = array<i64: 1, 128>}, {transform_indices = @transform_1, window_bounds = array<i64: 3000, 384>}]} {
    %eq3A = arith.constant 0 : i32
    %eq3A_0 = arith.cmpi eq, %arg0, %eq3A : i32
    %convert_element_type3A = arith.extui %eq3A_0 : i1 to i32
    %cond3A = arith.constant 0 : i32
    %cond3A_1 = arith.cmpi ne, %convert_element_type3A, %cond3A : i32
    scf.if %cond3A_1 {
      %iota3A_12 = tpu.iota {dimensions = array<i32: 0>} : vector<128x384xi32>
      %iota3A_13 = tpu.iota {dimensions = array<i32: 1>} : vector<128x384xi32>
      %jit3A = arith.constant 3 : i32
      %div3A = vector.broadcast %jit3A : i32 to vector<128x384xi32>
      %div3A_14 = arith.divsi %iota3A_13, %div3A : vector<128x384xi32>
      %sign3A = arith.constant 0 : i32
      %sign3A_15 = vector.broadcast %sign3A : i32 to vector<128x384xi32>
      %sign3A_16 = arith.cmpi sgt, %iota3A_13, %sign3A_15 : vector<128x384xi32>
      %sign3A_17 = arith.extui %sign3A_16 : vector<128x384xi1> to vector<128x384xi32>
      %sign3A_18 = arith.constant 0 : i32
      %sign3A_19 = vector.broadcast %sign3A_18 : i32 to vector<128x384xi32>
      %sign3A_20 = arith.cmpi slt, %iota3A_13, %sign3A_19 : vector<128x384xi32>
      %sign3A_21 = arith.extui %sign3A_20 : vector<128x384xi1> to vector<128x384xi32>
      %sign3A_22 = arith.subi %sign3A_17, %sign3A_21 : vector<128x384xi32>
      %sign3A_23 = arith.constant 0 : i32
      %sign3A_24 = arith.cmpi sgt, %jit3A, %sign3A_23 : i32
      %sign3A_25 = arith.extui %sign3A_24 : i1 to i32
      %sign3A_26 = arith.constant 0 : i32
      %sign3A_27 = arith.cmpi slt, %jit3A, %sign3A_26 : i32
      %sign3A_28 = arith.extui %sign3A_27 : i1 to i32
      %sign3A_29 = arith.subi %sign3A_25, %sign3A_28 : i32
      %ne3A = vector.broadcast %sign3A_29 : i32 to vector<128x384xi32>
      %ne3A_30 = arith.cmpi ne, %sign3A_22, %ne3A : vector<128x384xi32>
      %rem3A = vector.broadcast %jit3A : i32 to vector<128x384xi32>
      %rem3A_31 = arith.remsi %iota3A_13, %rem3A : vector<128x384xi32>
      %ne3A_32 = arith.constant 0 : i32
      %ne3A_33 = vector.broadcast %ne3A_32 : i32 to vector<128x384xi32>
      %ne3A_34 = arith.cmpi ne, %rem3A_31, %ne3A_33 : vector<128x384xi32>
      %and3A = arith.andi %ne3A_30, %ne3A_34 : vector<128x384xi1>
      %sub3A = arith.constant 1 : i32
      %sub3A_35 = vector.broadcast %sub3A : i32 to vector<128x384xi32>
      %sub3A_36 = arith.subi %div3A_14, %sub3A_35 : vector<128x384xi32>
      %select_n3A = arith.select %and3A, %sub3A_36, %div3A_14 : vector<128x384xi1>, vector<128x384xi32>
      %eq3A_37 = arith.cmpi eq, %iota3A_12, %select_n3A : vector<128x384xi32>
      %convert_element_type3A_38 = arith.extui %eq3A_37 : vector<128x384xi1> to vector<128x384xi32>
      %convert_element_type3A_39 = arith.sitofp %convert_element_type3A_38 : vector<128x384xi32> to vector<128x384xf32>
      %get3A_40 = arith.constant 0 : index
      %get3A_41 = arith.constant 0 : index
      %get3A_42 = vector.load %arg1[%get3A_40, %get3A_41] : memref<1x128xi32, #tpu.memory_space<vmem>>, vector<1x128xi32>
      %convert_element_type3A_43 = arith.sitofp %get3A_42 : vector<1x128xi32> to vector<1x128xf32>
      %dot_general3A = arith.constant dense<0.000000e+00> : vector<1x384xf32>
      %dot_general3A_44 = tpu.matmul %convert_element_type3A_43, %convert_element_type3A_39, %dot_general3A {dimension_numbers = #tpu.dot_dimension_numbers<[1], [0], [0], [1], [0, 0, 1, 1], [], []>, precision = #tpu.contract_precision<fp32>, transpose_lhs_hint = false} : vector<1x128xf32>, vector<128x384xf32>, vector<1x384xf32> -> vector<1x384xf32>
      %iota3A_45 = tpu.iota {dimensions = array<i32: 1>} : vector<1x384xi32>
      %convert_element_type3A_46 = arith.fptosi %dot_general3A_44 : vector<1x384xf32> to vector<1x384xi32>
      %mul3A_47 = arith.constant 3 : i32
      %mul3A_48 = vector.broadcast %mul3A_47 : i32 to vector<1x384xi32>
      %mul3A_49 = arith.muli %convert_element_type3A_46, %mul3A_48 : vector<1x384xi32>
      %jit3A_50 = arith.constant 3 : i32
      %eq3A_51 = arith.constant 0 : i32
      %eq3A_52 = arith.cmpi eq, %jit3A_50, %eq3A_51 : i32
      %jit3A_53 = arith.constant 1 : i32
      %select_n3A_54 = arith.select %eq3A_52, %jit3A_53, %jit3A_50 : i32
      %rem3A_55 = vector.broadcast %select_n3A_54 : i32 to vector<1x384xi32>
      %rem3A_56 = arith.remsi %iota3A_45, %rem3A_55 : vector<1x384xi32>
      %ne3A_57 = arith.constant 0 : i32
      %ne3A_58 = vector.broadcast %ne3A_57 : i32 to vector<1x384xi32>
      %ne3A_59 = arith.cmpi ne, %rem3A_56, %ne3A_58 : vector<1x384xi32>
      %lt3A = arith.constant 0 : i32
      %lt3A_60 = vector.broadcast %lt3A : i32 to vector<1x384xi32>
      %lt3A_61 = arith.cmpi slt, %rem3A_56, %lt3A_60 : vector<1x384xi32>
      %lt3A_62 = arith.constant 0 : i32
      %lt3A_63 = arith.cmpi slt, %select_n3A_54, %lt3A_62 : i32
      %ne3A_64 = vector.broadcast %lt3A_63 : i1 to vector<1x384xi1>
      %ne3A_65 = vector.broadcast %ne3A_64 : vector<1x384xi1> to vector<1x384xi1>
      %ne3A_66 = arith.xori %lt3A_61, %ne3A_65 : vector<1x384xi1>
      %and3A_67 = arith.andi %ne3A_66, %ne3A_59 : vector<1x384xi1>
      %add3A_68 = vector.broadcast %select_n3A_54 : i32 to vector<1x384xi32>
      %add3A_69 = arith.addi %rem3A_56, %add3A_68 : vector<1x384xi32>
      %select_n3A_70 = arith.select %and3A_67, %add3A_69, %rem3A_56 : vector<1x384xi1>, vector<1x384xi32>
      %add3A_71 = arith.addi %mul3A_49, %select_n3A_70 : vector<1x384xi32>
      %swap3A_72 = arith.constant 0 : index
      %swap3A_73 = arith.constant 0 : index
      %swap3A_74 = vector.load %arg3[%swap3A_72, %swap3A_73] : memref<1x384xi32, #tpu.memory_space<vmem>>, vector<1x384xi32>
      tpu.vector_store %arg3[%swap3A_72, %swap3A_73], %add3A_71 {strides = array<i32>} : memref<1x384xi32, #tpu.memory_space<vmem>>, vector<1x384xi32>,
    } else {
    }
    %iota3A = tpu.iota {dimensions = array<i32: 0>} : vector<3000x384xi32>
    %mul3A = arith.constant 3000 : i32
    %mul3A_2 = arith.muli %arg0, %mul3A : i32
    %add3A = vector.broadcast %mul3A_2 : i32 to vector<3000x384xi32>
    %add3A_3 = arith.addi %iota3A, %add3A : vector<3000x384xi32>
    %get3A = arith.constant 0 : index
    %get3A_4 = arith.constant 0 : index
    %get3A_5 = vector.load %arg3[%get3A, %get3A_4] : memref<1x384xi32, #tpu.memory_space<vmem>>, vector<1x384xi32>
    %eq3A_6 = vector.broadcast %get3A_5 : vector<1x384xi32> to vector<3000x384xi32>
    %eq3A_7 = arith.cmpi eq, %add3A_3, %eq3A_6 : vector<3000x384xi32>
    %convert_element_type3A_8 = arith.extui %eq3A_7 : vector<3000x384xi1> to vector<3000x384xi32>
    %convert_element_type3A_9 = arith.sitofp %convert_element_type3A_8 : vector<3000x384xi32> to vector<3000x384xf32>
    %swap3A = arith.constant 0 : index
    %swap3A_10 = arith.constant 0 : index
    %swap3A_11 = vector.load %arg2[%swap3A, %swap3A_10] : memref<3000x384xf32, #tpu.memory_space<vmem>>, vector<3000x384xf32>
    tpu.vector_store %arg2[%swap3A, %swap3A_10], %convert_element_type3A_9 {strides = array<i32>} : memref<3000x384xf32, #tpu.memory_space<vmem>>, vector<3000x384xf32>,
    return
  }
  func.func @transform_0(%arg0: i32) -> (i32, i32) {
    %c0_i32 = arith.constant 0 : i32
    %c0_i32_0 = arith.constant 0 : i32
    %c0_i32_1 = arith.constant 0 : i32
    return %c0_i32, %c0_i32_0 : i32, i32
  }
  func.func @transform_1(%arg0: i32) -> (i32, i32) {
    %c0_i32 = arith.constant 0 : i32
    %c0_i32_0 = arith.constant 0 : i32
    return %arg0, %c0_i32 : i32, i32
  }
}

</mosaic_0001>

<sc_bundles>
// kernel: kernel.4.cloned.1.call-start
scs
__scs_entry_jumppad:
0x0: {  	(pc) =	sbr.rel $0x88, $3  }
0x1: {  	(tag) =	ssettag $0x0;
	lr =	simm.s32 $0x1  }
0x2: {  	[smem:$0x3F9F] =	sst lr;
	_ =	strace $0xD0000000  }
0x3: {  	_ = 	snop  }
0x4: {  	_ = 	snop  }
0x5: {  	_ = 	snop  }
0x6: {  	_ = 	snop  }
0x7: {  	_ = 	snop  }
__scs_overlays_trampoline_lowered:
0x8: {  	[smem:$0x3FAE] =	sst s0  }
0x9: {  	[smem:$0x3FAF] =	sst s1  }
0xa: {  	[smem:$0x3FB0] =	sst s2  }
0xb: {  	[smem:$0x3FB1] =	sst s3  }
0xc: {  	[smem:$0x3FB2] =	sst s4  }
0xd: {  	[smem:$0x3FB3] =	sst s5  }
0xe: {  	[smem:$0x3FB4] =	sst s6  }
0xf: {  	[smem:$0x3FB5] =	sst s7  }
0x10: {  	[smem:$0x3FB6] =	sst s8  }
0x11: {  	[smem:$0x3FB7] =	sst s9;
	s0 =	simm.s32 @!p0 $0x0  }
0x12: {  	s1 =	sld [smem:$0x3F9D];
	s0 =	simm.s32 @p0 $0x1  }
0x13: {  	[smem:$0x3FB8] =	sst s0;
	s0 =	simm.s32 @!p1 $0x0  }
0x14: {  	s2 =	sld [smem:$0x3F9C];
	s0 =	simm.s32 @p1 $0x1  }
0x15: {  	[smem:$0x3FB9] =	sst s0;
	s0 =	simm.s32 @!p2 $0x0  }
0x16: {  	s3 =	sld [smem:$0x3FDB];
	s0 =	simm.s32 @p2 $0x1  }
0x17: {  	s4 =	simm.s32 $0x1BF5;
	[smem:$0x3FBB] =	sst s0  }
0x18: {  	s0 =	sld [smem:$0x3F9E];
	_ =	swait.ge [sflag:s4], $0x0  }
0x19: {  	s7 =	sld [smem:$0x3F9F]  }
0x1a: {  	s8 =	sadd.s32 $0xFFFFE003, lr  }
0x1b: {  	s9 =	sadd.s32 $0xFFFFFEF7, lr;
	s5 =	simm.s32 $0xFFFFFFFF;
	p2 =	slt.u32 s8, $0xFFFFF086  }
0x1c: {  	p1 =	slt.u32 s9, $0xF7A;
	s5 =	simm.s32 @!p2 $0x0  }
0x1d: {  	s5 =	simm.s32 @p1 $0x1;
	p0 =	seq.s32 s7, s2  }
0x1e: {  	s7 =	smul.u32 @!p0 $0xF7A, s2;
	p2 =	seq.s32 @!p0 s5, $0x0  }
0x1f: {  	s9 =	smul.u32 $0xF7A, s1;
	s8 =	simm.s32 @!p0 $0x1BF5;
	p2 =	por !p2, p0  }
0x20: {  	[sflag:s8] =	ssyncset.s32 @!p0 $0xFFFFF086;
	s6 =	sadd.s32 @!p0 s3, s7;
	s7 =	simm.s32 @!p0 $0x108  }
0x21: {  	s3 =	sadd.s32 s3, s9;
	s6 =	sadd.s32 @!p0 $0x88, s6;
	s7 =	simm.s32 @p2 $0x1082  }
0x22: {  	[simem:s7], [sflag:s8] =	dma.local @!p0 [hbm:s6], $0xF7A  }
0x23: {  	s9 =	sor.u32 $0xD0000000, s2;
	s6 =	simm.s32 $0x108;
	_ =	swait.ge @!p0 [sflag:s8], $0x0  }
0x24: {  	s3 =	sadd.s32 $0x88, s3;
	s6 =	simm.s32 @!p1 $0x1082;
	[sflag:s4] =	ssyncset.s32 $0xFFFFF086  }
0x25: {  	[simem:s6], [sflag:s4] =	dma.local [hbm:s3], $0xF7A  }
0x26: {  	[smem:$0x3F9F] =	sst s1;
	(tag) =	ssettag s2;
	_ =	strace s9  }
0x27: {  	s1 =	sld [smem:$0x3FAF]  }
0x28: {  	s2 =	sld [smem:$0x3FB0]  }
0x29: {  	s4 =	sld [smem:$0x3FB2]  }
0x2a: {  	p0 =	seq.s32 s5, $0x0;
	s5 =	sld [smem:$0x3FB3]  }
0x2b: {  	s6 =	sld [smem:$0x3FB4]  }
0x2c: {  	s7 =	sld [smem:$0x3FB5]  }
0x2d: {  	s3 =	simm.s32 $0x108;
	s8 =	sld [smem:$0x3FB6]  }
0x2e: {  	s3 =	simm.s32 @!p0 $0x1082;
	s9 =	sld [smem:$0x3FB7]  }
0x2f: {  	lr =	sadd.s32 s0, s3;
	s0 =	sld [smem:$0x3FAE]  }
0x30: {  	s3 =	sld [smem:$0x3FB1]  }
0x31: {  	[smem:$0x3FBA] =	sst s10  }
0x32: {  	s10 =	sld [smem:$0x3FB8];
	_ =	sdelay $0x3  }
0x33: {  	p0 =	seq.s32 s10, $0x1;
	s10 =	sld [smem:$0x3FBA];
	_ =	sdelay $0x3  }
0x34: {  	[smem:$0x3FBA] =	sst s10  }
0x35: {  	s10 =	sld [smem:$0x3FB9];
	_ =	sdelay $0x3  }
0x36: {  	p1 =	seq.s32 s10, $0x1;
	s10 =	sld [smem:$0x3FBA];
	_ =	sdelay $0x3  }
0x37: {  	[smem:$0x3FBA] =	sst s10  }
0x38: {  	s10 =	sld [smem:$0x3FBB]  }
0x39: {  	_ = 	snop;
	(pc) =	sbr.ind lr, $3  }
0x3a: {  	_ = 	snop  }
0x3b: {  	_ = 	snop  }
0x3c: {  	p2 =	seq.s32 s10, $0x1;
	s10 =	sld [smem:$0x3FBA]  }
0x3d: {  	_ =	shalt  }
0x3e: {  	_ =	shalt  }
0x3f: {  	_ =	shalt  }
0x40: {  	_ =	shalt  }
0x41: {  	_ =	shalt  }
0x42: {  	_ =	shalt  }
0x43: {  	_ =	shalt  }
0x44: {  	_ =	shalt  }
0x45: {  	_ =	shalt  }
0x46: {  	_ =	shalt  }
0x47: {  	_ =	shalt  }
0x48: {  	_ =	shalt  }
0x49: {  	_ =	shalt  }
0x4a: {  	_ =	shalt  }
0x4b: {  	_ =	shalt  }
0x4c: {  	_ =	shalt  }
0x4d: {  	_ =	shalt  }
0x4e: {  	_ =	shalt  }
0x4f: {  	_ =	shalt  }
0x50: {  	_ =	shalt  }
0x51: {  	_ =	shalt  }
0x52: {  	_ =	shalt  }
0x53: {  	_ =	shalt  }
0x54: {  	_ =	shalt  }
0x55: {  	_ =	shalt  }
0x56: {  	_ =	shalt  }
0x57: {  	_ =	shalt  }
0x58: {  	_ =	shalt  }
0x59: {  	_ =	shalt  }
0x5a: {  	_ =	shalt  }
0x5b: {  	_ =	shalt  }
0x5c: {  	_ =	shalt  }
0x5d: {  	_ =	shalt  }
0x5e: {  	_ =	shalt  }
0x5f: {  	_ =	shalt  }
0x60: {  	_ =	shalt  }
0x61: {  	_ =	shalt  }
0x62: {  	_ =	shalt  }
0x63: {  	_ =	shalt  }
0x64: {  	_ =	shalt  }
0x65: {  	_ =	shalt  }
0x66: {  	_ =	shalt  }
0x67: {  	_ =	shalt  }
0x68: {  	_ =	shalt  }
0x69: {  	_ =	shalt  }
0x6a: {  	_ =	shalt  }
0x6b: {  	_ =	shalt  }
0x6c: {  	_ =	shalt  }
0x6d: {  	_ =	shalt  }
0x6e: {  	_ =	shalt  }
0x6f: {  	_ =	shalt  }
0x70: {  	_ =	shalt  }
0x71: {  	_ =	shalt  }
0x72: {  	_ =	shalt  }
0x73: {  	_ =	shalt  }
0x74: {  	_ =	shalt  }
0x75: {  	_ =	shalt  }
0x76: {  	_ =	shalt  }
0x77: {  	_ =	shalt  }
0x78: {  	_ =	shalt  }
0x79: {  	_ =	shalt  }
0x7a: {  	_ =	shalt  }
0x7b: {  	_ =	shalt  }
0x7c: {  	_ =	shalt  }
0x7d: {  	_ =	shalt  }
0x7e: {  	_ =	shalt  }
0x7f: {  	_ =	shalt  }
0x80: {  	_ =	shalt  }
0x81: {  	_ =	shalt  }
0x82: {  	_ =	shalt  }
0x83: {  	_ =	shalt  }
0x84: {  	_ =	shalt  }
0x85: {  	_ =	shalt  }
0x86: {  	_ =	shalt  }
0x87: {  	_ =	shalt  }
.Lfunc_end0:
.L_simem_size_0:
called_computation_lowered:
.L_overlay_start_0:
0x88: {  	s2 =	sld [smem:$0x3FD9]  }
0x89: {  	s3 =	sld [smem:$0x3FFE];
	_ =	sdelay $0x1  }
0x8a: {  	s1 =	srdreg.scid  }
0x8b: {  	s0 =	sand.u32 $0x1, s1  }
0x8c: {  	s14 =	sshll.u32 s0, $0xA;
	s2 =	sadd.s32 s3, s2  }
0x8d: {  	s2 =	sadd.s32 s2, s14  }
0x8e: {  	[smem:$0x3FC6] =	sst s2  }
0x8f: {  	_ = 	snop  }
0x90: {  	s2 =	sld [smem:$0x3FD0];
	_ =	sdelay $0x2  }
0x91: {  	s4 =	simm.s32 $0xA;
	s5 =	simm.s32 $0x10;
	s15 =	sld [smem:$0x3FC8]  }
0x92: {  	[smem:s5], [sflag:s4] =	dma.local [hbm:s2], $0x1  }
0x93: {  	_ =	swait.eq [sflag:s4], $0x1  }
0x94: {  	[sflag:s4] =	ssyncset.done $0x0  }
0x95: {  	[sflag:s4] =	ssyncadd.s32 $0xFFFFFFFF  }
0x96: {  	s16 =	sld [smem:$0x10];
	(tm) =	ssettm $0x1  }
0x97: {  	s17 =	sld [smem:$0x3FFB];
	_ =	sdelay $0x3  }
0x98: {  	_ =	strace s17  }
0x99: {  	s4 =	sld [smem:$0x3FFC];
	_ =	sdelay $0x3  }
0x9a: {  	_ =	strace s4  }
0x9b: {  	s4 =	sld [smem:$0x3FFD];
	_ =	sdelay $0x3  }
0x9c: {  	_ =	strace s4  }
0x9d: {  	_ =	strace $0x8FFFFFFF  }
0x9e: {  	s18 =	sld [smem:$0x3FDB];
	_ =	sdelay $0x1  }
0x9f: {  	s19 =	simm.s32 $_scs_section_size  }
0xa0: {  	s6 =	simm.s32 $_size__tile_overlayer_lowered;
	s7 =	simm.s32 $_tile_overlayer_lowered  }
0xa1: {  	s22 =	simm.s32 $0x1BFF;
	s21 =	sshll.u32 s7, $0x1;
	s4 =	sadd.s32 s19, s18  }
0xa2: {  	s8 =	simm.s32 $0x0;
	s20 =	sshll.u32 s6, $0x1;
	s6 =	sadd.s32 s21, s4  }
0xa3: {  	[timem:s8], [sflag:s22] =	dma.local [hbm:s6], s20  }
0xa4: {  	_ =	swait.ge [sflag:s22], s20  }
0xa5: {  	s5 =	ssub.s32 $0x0, s20;
	[sflag:s22] =	ssyncset.done $0x0  }
0xa6: {  	[sflag:s22] =	ssyncadd.s32 s5;
	_ =	sdelay $0x1  }
0xa7: {  	s23 =	simm.s32 $0x1B8B  }
0xa8: {  	_ =	swait.ge [sflag:s23], $0x1  }
0xa9: {  	[sflag:s23] =	ssyncset.done $0x0  }
0xaa: {  	s25 =	simm.s32 $0x1B8E;
	s24 =	sld [smem:$0x3FFE];
	[sflag:s23] =	ssyncadd.s32 $0xFFFFFFFF  }
0xab: {  	s26 =	simm.s32 $execute0_lowered;
	[smem:$0x3FD2] =	sst s25  }
0xac: {  	s6 =	sshll.u32 s26, $0x1;
	_ =	strace $0x80000046;
	[dreg:$0x1] =	wrdreg $0xFFFFFFFF  }
0xad: {  	s28 =	simm.s32 $_size_execute0_lowered;
	s4 =	sadd.s32 s4, s6;
	[dreg:$0x0] =	wrdreg $0x0  }
0xae: {  	s6 =	sshll.u32 s28, $0x1;
	[dreg:$0x2] =	wrdreg s4  }
0xaf: {  	[dreg:$0x3] =	wrdreg s6  }
0xb0: {  	[dreg:$0x4] =	wrdreg $0xC0  }
0xb1: {  	_ =	task [dreg:s8], $0x5FFFF  }
0xb2: {  	[dreg:$0x1] =	wrdreg $0xFFFFFFFF  }
0xb3: {  	[dreg:$0x0] =	wrdreg $0x60  }
0xb4: {  	[dreg:$0x2] =	wrdreg s24  }
0xb5: {  	[dreg:$0x3] =	wrdreg s15  }
0xb6: {  	[dreg:$0x4] =	wrdreg s16  }
0xb7: {  	[dreg:$0x5] =	wrdreg $0x9  }
0xb8: {  	_ =	task.clear_ibuf [dreg:s8], $0x6FFFF;
	_ =	strace $0x90000046  }
0xb9: {  	s29 =	simm.s32 $0x9;
	_ =	strace $0x80000048  }
0xba: {  	_ =	swait.ge [sflag:s29], $0x1  }
0xbb: {  	[sflag:s29] =	ssyncadd.s32 $0xFFFFFFFF  }
0xbc: {  	_ =	strace $0x90000048  }
0xbd: {  	_ =	sfence  }
0xbe: {  	s30 =	sld [smem:$0x0];
	_ =	sdelay $0x2  }
0xbf: {  	s31 =	sshll.u32 s1, $0xD;
	s1 =	sshrl.u32 s1, $0x2  }
0xc0: {  	s3 =	sand.u32 $0x4000, s31;
	s1 =	sadd.s32 s1, s30  }
0xc1: {  	s0 =	sor.u32 s3, s0;
	s1 =	sshll.u32 s1, $0x11  }
0xc2: {  	s0 =	sor.u32 s1, s0  }
0xc3: {  	s0 =	sadd.s32 $0x8F2B, s0  }
0xc4: {  	[sflag:s0] =	ssyncadd.remote.s32 $0x1  }
0xc5: {  	_ =	sfence.sel $0xFFFF  }
0xc6: {  	[dreg:$0x0] =	wrdreg $0xFFFFFFFF;
	(pc) =	sbr.abs _section_cstart, $3  }
0xc7: {  	[dreg:$0x1] =	wrdreg $0xFFFFFFFF  }
0xc8: {  	_ =	task.clear_ibuf [dreg:s8], $0x2FFFF;
	_ =	strace $0x9FFFFFFF  }
0xc9: {  	(tm) =	ssettm $0x7FFFFFFF  }
tec
execute0_lowered:
.L_overlay_start_1:
0x0: {  	(tag) =	ssettag $0x1  }
0x1: {  	s0 =	srdreg.scid  }
0x2: {  	s5 =	sand.u32 $0x1, s0;
	s0 =	stileid.u32  }
0x3: {  	s6 =	sor.u32 s0, s5  }
0x4: {  	p0 =	sne.s32 s6, $0x0  }
.Ltmp0:
0x5: {  	_ = 	snop;
	(pc) =	sbr.rel @p0 .LBB2_3-.Ltmp0, $4  }
0x6: {  	s4 =	rddreg [dreg:$0x0]  }
0x7: {  	s2 =	rddreg [dreg:$0x1]  }
0x8: {  	s3 =	rddreg [dreg:$0x2]  }
0x9: {  	s1 =	rddreg [dreg:$0x3];
	_ =	strace $0x80000047  }
0xa: {  	v21 =	vlaneseq.u32  }
0xb: {  	v0 =	vmul.u32 $0x3, v21;
	_ =	sdelay $0x1  }
0xc: {  	v1 =	vimm.s32 $0x0;
	v21 =	vmul.u32 $0x80, v21;
	v2 =	vadd.s32 $0x1, v0  }
0xd: {  	v3 =	vadd.s32 $0x2, v0;
	v4 =	vadd.s32 $0x30, v0;
	v5 =	vadd.s32 $0x31, v0  }
0xe: {  	v6 =	vadd.s32 $0x32, v0;
	v7 =	vadd.s32 $0x60, v0;
	v8 =	vadd.s32 $0x61, v0  }
0xf: {  	v9 =	vadd.s32 $0x62, v0;
	v10 =	vadd.s32 $0x90, v0;
	v11 =	vadd.s32 $0x91, v0  }
0x10: {  	v12 =	vadd.s32 $0x92, v0;
	v13 =	vor.u32 $0xC0, v0;
	v14 =	vadd.s32 $0xC1, v0  }
0x11: {  	v15 =	vadd.s32 $0xC2, v0;
	v16 =	vadd.s32 $0xF0, v0;
	v17 =	vadd.s32 $0xF1, v0  }
0x12: {  	v18 =	vadd.s32 $0xF2, v0;
	v19 =	vadd.s32 $0x120, v0;
	v20 =	vadd.s32 $0x121, v0  }
0x13: {  	v22 =	vadd.s32 $0x122, v0;
	v23 =	vadd.s32 $0x150, v0;
	v24 =	vadd.s32 $0x151, v0  }
0x14: {  	v25 =	vadd.s32 $0x152, v0;
	v26 =	vor.u32 $0x800, v21;
	v27 =	vor.u32 $0x1000, v21  }
0x15: {  	v28 =	vor.u32 $0x1800, v21;
	v29 =	vor.u32 $0x2000, v21;
	v30 =	vor.u32 $0x2800, v21  }
0x16: {  	v31 =	vor.u32 $0x3000, v21;
	v32 =	vor.u32 $0x3800, v21;
	v33 =	vor.u32 $0x4000, v21  }
0x17: {  	s5 =	ssub.s32 $0x2, s5;
	s4 =	sadd.s32 $0x600, s4;
	s7 =	simm.s32 $0x2;
	v34 =	vor.u32 $0x4800, v21;
	v35 =	vor.u32 $0x5000, v21;
	v36 =	vor.u32 $0x5800, v21  }
0x18: {  	s8 =	simm.s32 $0x80;
	s9 =	simm.s32 $0x200;
	s10 =	simm.s32 $0x380;
	v37 =	vor.u32 $0x6000, v21;
	v38 =	vor.u32 $0x6800, v21;
	v39 =	vor.u32 $0x7000, v21  }
0x19: {  	s11 =	simm.s32 $0x1;
	s12 =	simm.s32 $0x280;
	s13 =	simm.s32 $0x4380;
	v40 =	vor.u32 $0x7800, v21;
	v41 =	vor.u32 $0x8000, v21;
	v42 =	vor.u32 $0x8800, v21  }
0x1a: {  	s14 =	simm.s32 $0x300;
	s15 =	simm.s32 $0x8380;
	s6 =	sshrl.u32 s5, $0x1;
	v43 =	vor.u32 $0x9000, v21;
	v44 =	vor.u32 $0x9800, v21;
	v45 =	vor.u32 $0xA000, v21  }
0x1b: {  	s16 =	simm.s32 $0xC380;
	s5 =	ssub.s32 s5, s6;
	s6 =	simm.s32 $0x0;
	v46 =	vor.u32 $0xA800, v21;
	v47 =	vor.u32 $0xB000, v21;
	v48 =	vor.u32 $0xB800, v21  }
.LBB2_2:
0x1c: {  	[tilespmem:s6], [sflag:$0x2] =	stream.linear.gather [hbm4b:s2+s6], $0x80, $0x38;
	[tilespmem:$0xC500] =	vst v63  }
0x1d: {  	_ =	swait.ge [sflag:s7], $0x80  }
0x1e: {  	[sflag:s7] =	ssyncset.done $0x0  }
0x1f: {  	[sflag:s7] =	ssyncadd.s32 $0xFFFFFF80  }
0x20: {  	v49 =	vld [tilespmem:$0x0];
	_ =	sdelay $0x4  }
0x21: {  	v50 =	vmul.u32 $0x3, v49;
	vm0 =	vne.s32 v49, $0x0  }
0x22: {  	v51 =	vsel vm0, $0x1, v1  }
0x23: {  	v61 =	vshra.s32 v50, $0x1F;
	v62 =	vand.u32 $0x7F, v50;
	v57 =	vadd.s32 $0x1, v50  }
0x24: {  	vm15 =	vlt.u32 v50, $0x7FFFFFFF;
	v52 =	vshrl.u32 v61, $0x19;
	v49 =	vor.u32 v51, v61  }
0x25: {  	vm1 =	vne.s32 v62, $0x0;
	v58 =	vshra.s32 v57, $0x1F;
	v53 =	vsel vm15, $0x1, v1  }
0x26: {  	v59 =	vand.u32 $0x7F, v57;
	v61 =	vadd.s32 $0x2, v50;
	v52 =	vadd.s32 v52, v50  }
0x27: {  	vm14 =	vne.s32 v49, $0x1;
	v54 =	vshrl.u32 v58, $0x19;
	v51 =	vadd.s32 v53, v58  }
0x28: {  	vm5 =	vne.s32 v59, $0x0;
	v55 =	vand.u32 $0x7F, v61;
	vm6 =	vlt.s32 v61, $0x1  }
0x29: {  	v63 =	vshra.s32 v52, $0x7;
	vm0 =	vmand vm1, vm14;
	v54 =	vadd.s32 v54, v57  }
0x2a: {  	vm4 =	vne.s32 v51, $0x1;
	vm7 =	vne.s32 v55, $0x0;
	v56 =	vsel vm0, $0xFFFFFFFF, v1  }
0x2b: {  	[tilespmem:v0+s8+$0x0] =	vst.idx.msk $0xffff, v50;
	vm0 =	vmand vm5, vm4;
	v49 =	vadd.s32 v56, v63;
	v63 =	vshra.s32 v61, $0x1F  }
0x2c: {  	v60 =	vshra.s32 v54, $0x7;
	v62 =	vsel vm0, $0xFFFFFFFF, v1;
	[tilespmem:v0+s9+$0x0] =	vst.idx.msk $0xffff, v49;
	v54 =	vshrl.u32 v63, $0x19  }
0x2d: {  	vm0 =	vmand vm6, vm7;
	v50 =	vadd.s32 v62, v60;
	[tilespmem:v2+s8+$0x0] =	vst.idx.msk $0xffff, v57;
	v49 =	vadd.s32 v54, v61  }
0x2e: {  	v55 =	vsel vm0, $0xFFFFFFFF, v1;
	[tilespmem:v2+s9+$0x0] =	vst.idx.msk $0xffff, v50;
	v49 =	vshra.s32 v49, $0x7  }
0x2f: {  	[tilespmem:v3+s8+$0x0] =	vst.idx.msk $0xffff, v61;
	v49 =	vadd.s32 v55, v49  }
0x30: {  	[tilespmem:v3+s9+$0x0] =	vst.idx.msk $0xffff, v49  }
0x31: {  	v49 =	vld [tilespmem:$0x10];
	_ =	sdelay $0x4  }
0x32: {  	v50 =	vmul.u32 $0x3, v49;
	vm8 =	vne.s32 v49, $0x0  }
0x33: {  	v57 =	vsel vm8, $0x1, v1  }
0x34: {  	v56 =	vshra.s32 v50, $0x1F;
	v59 =	vand.u32 $0x7F, v50;
	vm11 =	vlt.u32 v50, $0x7FFFFFFF  }
0x35: {  	v58 =	vshrl.u32 v56, $0x19;
	v49 =	vor.u32 v57, v56;
	vm10 =	vne.s32 v59, $0x0  }
0x36: {  	v63 =	vsel vm11, $0x1, v1;
	v52 =	vadd.s32 v58, v50;
	vm9 =	vne.s32 v49, $0x1  }
0x37: {  	v60 =	vshra.s32 v52, $0x7;
	vm0 =	vmand vm10, vm9;
	v52 =	vadd.s32 $0x1, v50  }
0x38: {  	v61 =	vsel vm0, $0xFFFFFFFF, v1;
	v62 =	vshra.s32 v52, $0x1F;
	v58 =	vand.u32 $0x7F, v52  }
0x39: {  	v49 =	vadd.s32 v61, v60;
	v57 =	vshrl.u32 v62, $0x19;
	v51 =	vadd.s32 v63, v62  }
0x3a: {  	vm13 =	vne.s32 v58, $0x0;
	v60 =	vadd.s32 $0x2, v50;
	v54 =	vadd.s32 v57, v52  }
0x3b: {  	vm12 =	vne.s32 v51, $0x1;
	v62 =	vshra.s32 v60, $0x1F;
	v63 =	vand.u32 $0x7F, v60  }
0x3c: {  	[tilespmem:v4+s8+$0x0] =	vst.idx.msk $0xffff, v50;
	vm14 =	vlt.s32 v60, $0x1;
	v59 =	vshra.s32 v54, $0x7;
	vm0 =	vmand vm13, vm12  }
0x3d: {  	[tilespmem:v4+s9+$0x0] =	vst.idx.msk $0xffff, v49;
	v54 =	vshrl.u32 v62, $0x19;
	vm15 =	vne.s32 v63, $0x0;
	v61 =	vsel vm0, $0xFFFFFFFF, v1  }
0x3e: {  	[tilespmem:v5+s8+$0x0] =	vst.idx.msk $0xffff, v52;
	v49 =	vadd.s32 v54, v60;
	vm0 =	vmand vm14, vm15;
	v50 =	vadd.s32 v61, v59  }
0x3f: {  	v49 =	vshra.s32 v49, $0x7;
	v55 =	vsel vm0, $0xFFFFFFFF, v1;
	[tilespmem:v5+s9+$0x0] =	vst.idx.msk $0xffff, v50  }
0x40: {  	v49 =	vadd.s32 v55, v49;
	[tilespmem:v6+s8+$0x0] =	vst.idx.msk $0xffff, v60  }
0x41: {  	[tilespmem:v6+s9+$0x0] =	vst.idx.msk $0xffff, v49  }
0x42: {  	v49 =	vld [tilespmem:$0x20];
	_ =	sdelay $0x4  }
0x43: {  	v50 =	vmul.u32 $0x3, v49;
	vm4 =	vne.s32 v49, $0x0  }
0x44: {  	v57 =	vsel vm4, $0x1, v1  }
0x45: {  	v56 =	vshra.s32 v50, $0x1F;
	v59 =	vand.u32 $0x7F, v50;
	vm7 =	vlt.u32 v50, $0x7FFFFFFF  }
0x46: {  	v58 =	vshrl.u32 v56, $0x19;
	v49 =	vor.u32 v57, v56;
	vm6 =	vne.s32 v59, $0x0  }
0x47: {  	v63 =	vsel vm7, $0x1, v1;
	v52 =	vadd.s32 v58, v50;
	vm5 =	vne.s32 v49, $0x1  }
0x48: {  	v60 =	vshra.s32 v52, $0x7;
	vm0 =	vmand vm6, vm5;
	v52 =	vadd.s32 $0x1, v50  }
0x49: {  	v61 =	vsel vm0, $0xFFFFFFFF, v1;
	v62 =	vshra.s32 v52, $0x1F;
	v58 =	vand.u32 $0x7F, v52  }
0x4a: {  	v49 =	vadd.s32 v61, v60;
	v57 =	vshrl.u32 v62, $0x19;
	v51 =	vadd.s32 v63, v62  }
0x4b: {  	vm9 =	vne.s32 v58, $0x0;
	v60 =	vadd.s32 $0x2, v50;
	v54 =	vadd.s32 v57, v52  }
0x4c: {  	vm8 =	vne.s32 v51, $0x1;
	v62 =	vshra.s32 v60, $0x1F;
	v63 =	vand.u32 $0x7F, v60  }
0x4d: {  	[tilespmem:v7+s8+$0x0] =	vst.idx.msk $0xffff, v50;
	vm10 =	vlt.s32 v60, $0x1;
	v59 =	vshra.s32 v54, $0x7;
	vm0 =	vmand vm9, vm8  }
0x4e: {  	[tilespmem:v7+s9+$0x0] =	vst.idx.msk $0xffff, v49;
	v54 =	vshrl.u32 v62, $0x19;
	vm11 =	vne.s32 v63, $0x0;
	v61 =	vsel vm0, $0xFFFFFFFF, v1  }
0x4f: {  	[tilespmem:v8+s8+$0x0] =	vst.idx.msk $0xffff, v52;
	v49 =	vadd.s32 v54, v60;
	vm0 =	vmand vm10, vm11;
	v50 =	vadd.s32 v61, v59  }
0x50: {  	v49 =	vshra.s32 v49, $0x7;
	v55 =	vsel vm0, $0xFFFFFFFF, v1;
	[tilespmem:v8+s9+$0x0] =	vst.idx.msk $0xffff, v50  }
0x51: {  	v49 =	vadd.s32 v55, v49;
	[tilespmem:v9+s8+$0x0] =	vst.idx.msk $0xffff, v60  }
0x52: {  	[tilespmem:v9+s9+$0x0] =	vst.idx.msk $0xffff, v49  }
0x53: {  	v49 =	vld [tilespmem:$0x30];
	_ =	sdelay $0x4  }
0x54: {  	v50 =	vmul.u32 $0x3, v49;
	vm12 =	vne.s32 v49, $0x0  }
0x55: {  	v57 =	vsel vm12, $0x1, v1  }
0x56: {  	v56 =	vshra.s32 v50, $0x1F;
	v59 =	vand.u32 $0x7F, v50;
	vm15 =	vlt.u32 v50, $0x7FFFFFFF  }
0x57: {  	v58 =	vshrl.u32 v56, $0x19;
	v49 =	vor.u32 v57, v56;
	vm14 =	vne.s32 v59, $0x0  }
0x58: {  	v63 =	vsel vm15, $0x1, v1;
	v52 =	vadd.s32 v58, v50;
	vm13 =	vne.s32 v49, $0x1  }
0x59: {  	v60 =	vshra.s32 v52, $0x7;
	vm0 =	vmand vm14, vm13;
	v52 =	vadd.s32 $0x1, v50  }
0x5a: {  	v61 =	vsel vm0, $0xFFFFFFFF, v1;
	v62 =	vshra.s32 v52, $0x1F;
	v58 =	vand.u32 $0x7F, v52  }
0x5b: {  	v49 =	vadd.s32 v61, v60;
	v57 =	vshrl.u32 v62, $0x19;
	v51 =	vadd.s32 v63, v62  }
0x5c: {  	vm5 =	vne.s32 v58, $0x0;
	v60 =	vadd.s32 $0x2, v50;
	v54 =	vadd.s32 v57, v52  }
0x5d: {  	vm4 =	vne.s32 v51, $0x1;
	v62 =	vshra.s32 v60, $0x1F;
	v63 =	vand.u32 $0x7F, v60  }
0x5e: {  	[tilespmem:v10+s8+$0x0] =	vst.idx.msk $0xffff, v50;
	vm6 =	vlt.s32 v60, $0x1;
	v59 =	vshra.s32 v54, $0x7;
	vm0 =	vmand vm5, vm4  }
0x5f: {  	[tilespmem:v10+s9+$0x0] =	vst.idx.msk $0xffff, v49;
	v54 =	vshrl.u32 v62, $0x19;
	vm7 =	vne.s32 v63, $0x0;
	v61 =	vsel vm0, $0xFFFFFFFF, v1  }
0x60: {  	[tilespmem:v11+s8+$0x0] =	vst.idx.msk $0xffff, v52;
	v49 =	vadd.s32 v54, v60;
	vm0 =	vmand vm6, vm7;
	v50 =	vadd.s32 v61, v59  }
0x61: {  	v49 =	vshra.s32 v49, $0x7;
	v55 =	vsel vm0, $0xFFFFFFFF, v1;
	[tilespmem:v11+s9+$0x0] =	vst.idx.msk $0xffff, v50  }
0x62: {  	v49 =	vadd.s32 v55, v49;
	[tilespmem:v12+s8+$0x0] =	vst.idx.msk $0xffff, v60  }
0x63: {  	[tilespmem:v12+s9+$0x0] =	vst.idx.msk $0xffff, v49  }
0x64: {  	v49 =	vld [tilespmem:$0x40];
	_ =	sdelay $0x4  }
0x65: {  	v50 =	vmul.u32 $0x3, v49;
	vm8 =	vne.s32 v49, $0x0  }
0x66: {  	v57 =	vsel vm8, $0x1, v1  }
0x67: {  	v56 =	vshra.s32 v50, $0x1F;
	v59 =	vand.u32 $0x7F, v50;
	vm11 =	vlt.u32 v50, $0x7FFFFFFF  }
0x68: {  	v58 =	vshrl.u32 v56, $0x19;
	v49 =	vor.u32 v57, v56;
	vm10 =	vne.s32 v59, $0x0  }
0x69: {  	v63 =	vsel vm11, $0x1, v1;
	v52 =	vadd.s32 v58, v50;
	vm9 =	vne.s32 v49, $0x1  }
0x6a: {  	v60 =	vshra.s32 v52, $0x7;
	vm0 =	vmand vm10, vm9;
	v52 =	vadd.s32 $0x1, v50  }
0x6b: {  	v61 =	vsel vm0, $0xFFFFFFFF, v1;
	v62 =	vshra.s32 v52, $0x1F;
	v58 =	vand.u32 $0x7F, v52  }
0x6c: {  	v49 =	vadd.s32 v61, v60;
	v57 =	vshrl.u32 v62, $0x19;
	v51 =	vadd.s32 v63, v62  }
0x6d: {  	vm13 =	vne.s32 v58, $0x0;
	v60 =	vadd.s32 $0x2, v50;
	v54 =	vadd.s32 v57, v52  }
0x6e: {  	vm12 =	vne.s32 v51, $0x1;
	v62 =	vshra.s32 v60, $0x1F;
	v63 =	vand.u32 $0x7F, v60  }
0x6f: {  	[tilespmem:v13+s8+$0x0] =	vst.idx.msk $0xffff, v50;
	vm14 =	vlt.s32 v60, $0x1;
	v59 =	vshra.s32 v54, $0x7;
	vm0 =	vmand vm13, vm12  }
0x70: {  	[tilespmem:v13+s9+$0x0] =	vst.idx.msk $0xffff, v49;
	v54 =	vshrl.u32 v62, $0x19;
	vm15 =	vne.s32 v63, $0x0;
	v61 =	vsel vm0, $0xFFFFFFFF, v1  }
0x71: {  	[tilespmem:v14+s8+$0x0] =	vst.idx.msk $0xffff, v52;
	v49 =	vadd.s32 v54, v60;
	vm0 =	vmand vm14, vm15;
	v50 =	vadd.s32 v61, v59  }
0x72: {  	v49 =	vshra.s32 v49, $0x7;
	v55 =	vsel vm0, $0xFFFFFFFF, v1;
	[tilespmem:v14+s9+$0x0] =	vst.idx.msk $0xffff, v50  }
0x73: {  	v49 =	vadd.s32 v55, v49;
	[tilespmem:v15+s8+$0x0] =	vst.idx.msk $0xffff, v60  }
0x74: {  	[tilespmem:v15+s9+$0x0] =	vst.idx.msk $0xffff, v49  }
0x75: {  	v49 =	vld [tilespmem:$0x50];
	_ =	sdelay $0x4  }
0x76: {  	v50 =	vmul.u32 $0x3, v49;
	vm4 =	vne.s32 v49, $0x0  }
0x77: {  	v57 =	vsel vm4, $0x1, v1  }
0x78: {  	v56 =	vshra.s32 v50, $0x1F;
	v59 =	vand.u32 $0x7F, v50;
	vm7 =	vlt.u32 v50, $0x7FFFFFFF  }
0x79: {  	v58 =	vshrl.u32 v56, $0x19;
	v49 =	vor.u32 v57, v56;
	vm6 =	vne.s32 v59, $0x0  }
0x7a: {  	v63 =	vsel vm7, $0x1, v1;
	v52 =	vadd.s32 v58, v50;
	vm5 =	vne.s32 v49, $0x1  }
0x7b: {  	v60 =	vshra.s32 v52, $0x7;
	vm0 =	vmand vm6, vm5;
	v52 =	vadd.s32 $0x1, v50  }
0x7c: {  	v61 =	vsel vm0, $0xFFFFFFFF, v1;
	v62 =	vshra.s32 v52, $0x1F;
	v58 =	vand.u32 $0x7F, v52  }
0x7d: {  	v49 =	vadd.s32 v61, v60;
	v57 =	vshrl.u32 v62, $0x19;
	v51 =	vadd.s32 v63, v62  }
0x7e: {  	vm9 =	vne.s32 v58, $0x0;
	v60 =	vadd.s32 $0x2, v50;
	v54 =	vadd.s32 v57, v52  }
0x7f: {  	vm8 =	vne.s32 v51, $0x1;
	v62 =	vshra.s32 v60, $0x1F;
	v63 =	vand.u32 $0x7F, v60  }
0x80: {  	[tilespmem:v16+s8+$0x0] =	vst.idx.msk $0xffff, v50;
	vm10 =	vlt.s32 v60, $0x1;
	v59 =	vshra.s32 v54, $0x7;
	vm0 =	vmand vm9, vm8  }
0x81: {  	[tilespmem:v16+s9+$0x0] =	vst.idx.msk $0xffff, v49;
	v54 =	vshrl.u32 v62, $0x19;
	vm11 =	vne.s32 v63, $0x0;
	v61 =	vsel vm0, $0xFFFFFFFF, v1  }
0x82: {  	[tilespmem:v17+s8+$0x0] =	vst.idx.msk $0xffff, v52;
	v49 =	vadd.s32 v54, v60;
	vm0 =	vmand vm10, vm11;
	v50 =	vadd.s32 v61, v59  }
0x83: {  	v49 =	vshra.s32 v49, $0x7;
	v55 =	vsel vm0, $0xFFFFFFFF, v1;
	[tilespmem:v17+s9+$0x0] =	vst.idx.msk $0xffff, v50  }
0x84: {  	v49 =	vadd.s32 v55, v49;
	[tilespmem:v18+s8+$0x0] =	vst.idx.msk $0xffff, v60  }
0x85: {  	[tilespmem:v18+s9+$0x0] =	vst.idx.msk $0xffff, v49  }
0x86: {  	v49 =	vld [tilespmem:$0x60];
	_ =	sdelay $0x4  }
0x87: {  	v50 =	vmul.u32 $0x3, v49;
	vm12 =	vne.s32 v49, $0x0  }
0x88: {  	v57 =	vsel vm12, $0x1, v1  }
0x89: {  	v56 =	vshra.s32 v50, $0x1F;
	v59 =	vand.u32 $0x7F, v50;
	vm15 =	vlt.u32 v50, $0x7FFFFFFF  }
0x8a: {  	v58 =	vshrl.u32 v56, $0x19;
	v49 =	vor.u32 v57, v56;
	vm14 =	vne.s32 v59, $0x0  }
0x8b: {  	v63 =	vsel vm15, $0x1, v1;
	v52 =	vadd.s32 v58, v50;
	vm13 =	vne.s32 v49, $0x1  }
0x8c: {  	v60 =	vshra.s32 v52, $0x7;
	vm0 =	vmand vm14, vm13;
	v52 =	vadd.s32 $0x1, v50  }
0x8d: {  	v61 =	vsel vm0, $0xFFFFFFFF, v1;
	v62 =	vshra.s32 v52, $0x1F;
	v58 =	vand.u32 $0x7F, v52  }
0x8e: {  	v49 =	vadd.s32 v61, v60;
	v57 =	vshrl.u32 v62, $0x19;
	v51 =	vadd.s32 v63, v62  }
0x8f: {  	vm5 =	vne.s32 v58, $0x0;
	v60 =	vadd.s32 $0x2, v50;
	v54 =	vadd.s32 v57, v52  }
0x90: {  	vm4 =	vne.s32 v51, $0x1;
	v62 =	vshra.s32 v60, $0x1F;
	v63 =	vand.u32 $0x7F, v60  }
0x91: {  	[tilespmem:v19+s8+$0x0] =	vst.idx.msk $0xffff, v50;
	vm6 =	vlt.s32 v60, $0x1;
	v59 =	vshra.s32 v54, $0x7;
	vm0 =	vmand vm5, vm4  }
0x92: {  	[tilespmem:v19+s9+$0x0] =	vst.idx.msk $0xffff, v49;
	v56 =	vshrl.u32 v62, $0x19;
	vm7 =	vne.s32 v63, $0x0;
	v61 =	vsel vm0, $0xFFFFFFFF, v1  }
0x93: {  	[tilespmem:v20+s8+$0x0] =	vst.idx.msk $0xffff, v52;
	v49 =	vadd.s32 v56, v60;
	vm0 =	vmand vm6, vm7;
	v50 =	vadd.s32 v61, v59  }
0x94: {  	v49 =	vshra.s32 v49, $0x7;
	v57 =	vsel vm0, $0xFFFFFFFF, v1;
	[tilespmem:v20+s9+$0x0] =	vst.idx.msk $0xffff, v50  }
0x95: {  	v49 =	vadd.s32 v57, v49;
	[tilespmem:v22+s8+$0x0] =	vst.idx.msk $0xffff, v60  }
0x96: {  	[tilespmem:v22+s9+$0x0] =	vst.idx.msk $0xffff, v49  }
0x97: {  	v49 =	vld [tilespmem:$0x70];
	_ =	sdelay $0x4  }
0x98: {  	v50 =	vmul.u32 $0x3, v49;
	vm8 =	vne.s32 v49, $0x0  }
0x99: {  	v61 =	vsel vm8, $0x1, v1  }
0x9a: {  	v58 =	vshra.s32 v50, $0x1F;
	v62 =	vand.u32 $0x7F, v50;
	vm11 =	vlt.u32 v50, $0x7FFFFFFF  }
0x9b: {  	v59 =	vshrl.u32 v58, $0x19;
	v51 =	vor.u32 v61, v58;
	vm10 =	vne.s32 v62, $0x0  }
0x9c: {  	v62 =	vadd.s32 $0x2, v50;
	v60 =	vadd.s32 v59, v50;
	vm9 =	vne.s32 v51, $0x1  }
0x9d: {  	v51 =	vadd.s32 $0x1, v50;
	v59 =	vsel vm11, $0x1, v1;
	v55 =	vshra.s32 v62, $0x1F  }
0x9e: {  	vm15 =	vlt.s32 v62, $0x1;
	v49 =	vshra.s32 v60, $0x7;
	vm0 =	vmand vm10, vm9  }
0x9f: {  	[tilespmem:v23+s8+$0x0] =	vst.idx.msk $0xffff, v50;
	v63 =	vshra.s32 v51, $0x1F;
	v61 =	vand.u32 $0x7F, v51;
	v50 =	vshrl.u32 v55, $0x19  }
0xa0: {  	v57 =	vsel vm0, $0xFFFFFFFF, v1;
	v58 =	vshrl.u32 v63, $0x19;
	v52 =	vadd.s32 v59, v63  }
0xa1: {  	vm13 =	vne.s32 v61, $0x0;
	v63 =	vand.u32 $0x7F, v62;
	vm12 =	vne.s32 v52, $0x1  }
0xa2: {  	v49 =	vadd.s32 v57, v49;
	v60 =	vadd.s32 v58, v51;
	vm0 =	vmand vm13, vm12  }
0xa3: {  	vm14 =	vne.s32 v63, $0x0;
	v53 =	vshra.s32 v60, $0x7;
	[tilespmem:v23+s9+$0x0] =	vst.idx.msk $0xffff, v49;
	v56 =	vsel vm0, $0xFFFFFFFF, v1  }
0xa4: {  	v50 =	vadd.s32 v50, v62;
	[tilespmem:v24+s8+$0x0] =	vst.idx.msk $0xffff, v51;
	vm0 =	vmand vm15, vm14;
	v49 =	vadd.s32 v56, v53  }
0xa5: {  	v57 =	vshra.s32 v50, $0x7;
	v58 =	vsel vm0, $0xFFFFFFFF, v1;
	[tilespmem:v24+s9+$0x0] =	vst.idx.msk $0xffff, v49  }
0xa6: {  	v49 =	vadd.s32 v58, v57;
	[tilespmem:v25+s8+$0x0] =	vst.idx.msk $0xffff, v62  }
0xa7: {  	[tilespmem:v25+s9+$0x0] =	vst.idx.msk $0xffff, v49  }
0xa8: {  	[tilespmem:s10], [sflag:$0x1] =	stream.indirect.gather [hbm4b:s4+s8], $0x80, s9, s8, $0xb8;
	[tilespmem:$0xC500] =	vst v63  }
0xa9: {  	_ =	swait.ge [sflag:s11], $0x4000  }
0xaa: {  	[sflag:s11] =	ssyncset.done $0x0  }
0xab: {  	[sflag:s11] =	ssyncadd.s32 $0xFFFFC000  }
0xac: {  	[tilespmem:s13], [sflag:$0x1] =	stream.indirect.gather [hbm4b:s4+s8], $0x80, s12, s8, $0xb8;
	[tilespmem:$0xC500] =	vst v63  }
0xad: {  	_ =	swait.ge [sflag:s11], $0x4000  }
0xae: {  	[sflag:s11] =	ssyncset.done $0x0  }
0xaf: {  	[sflag:s11] =	ssyncadd.s32 $0xFFFFC000  }
0xb0: {  	[tilespmem:s15], [sflag:$0x1] =	stream.indirect.gather [hbm4b:s4+s8], $0x80, s14, s8, $0xb8;
	[tilespmem:$0xC500] =	vst v63  }
0xb1: {  	_ =	swait.ge [sflag:s11], $0x4000  }
0xb2: {  	[sflag:s11] =	ssyncset.done $0x0  }
0xb3: {  	[sflag:s11] =	ssyncadd.s32 $0xFFFFC000  }
0xb4: {  	v59 =	vld [tilespmem:$0x80];
	_ =	sdelay $0x4  }
0xb5: {  	v49 =	vand.u32 $0x7F, v59  }
0xb6: {  	v60 =	vld [tilespmem:$0x90];
	v49 =	vor.u32 v21, v49;
	_ =	sdelay $0x4  }
0xb7: {  	v50 =	vand.u32 $0x7F, v60;
	v49 =	vld.idx.msk [tilespmem:v49+s10+$0x0], $0xffff  }
0xb8: {  	v61 =	vld [tilespmem:$0xA0];
	v50 =	vor.u32 v26, v50;
	_ =	sdelay $0x3  }
0xb9: {  	[tilespmem:$0xC380] =	vst v49  }
0xba: {  	v62 =	vand.u32 $0x7F, v61;
	v49 =	vld.idx.msk [tilespmem:v50+s10+$0x0], $0xffff  }
0xbb: {  	v63 =	vld [tilespmem:$0xB0];
	v50 =	vor.u32 v27, v62;
	_ =	sdelay $0x3  }
0xbc: {  	[tilespmem:$0xC390] =	vst v49  }
0xbd: {  	v54 =	vand.u32 $0x7F, v63;
	v49 =	vld.idx.msk [tilespmem:v50+s10+$0x0], $0xffff  }
0xbe: {  	v55 =	vld [tilespmem:$0xC0];
	v50 =	vor.u32 v28, v54;
	_ =	sdelay $0x3  }
0xbf: {  	[tilespmem:$0xC3A0] =	vst v49  }
0xc0: {  	v56 =	vand.u32 $0x7F, v55;
	v49 =	vld.idx.msk [tilespmem:v50+s10+$0x0], $0xffff  }
0xc1: {  	v57 =	vld [tilespmem:$0xD0];
	v50 =	vor.u32 v29, v56;
	_ =	sdelay $0x3  }
0xc2: {  	[tilespmem:$0xC3B0] =	vst v49  }
0xc3: {  	v58 =	vand.u32 $0x7F, v57;
	v49 =	vld.idx.msk [tilespmem:v50+s10+$0x0], $0xffff  }
0xc4: {  	v59 =	vld [tilespmem:$0xE0];
	v50 =	vor.u32 v30, v58;
	_ =	sdelay $0x3  }
0xc5: {  	[tilespmem:$0xC3C0] =	vst v49  }
0xc6: {  	v60 =	vand.u32 $0x7F, v59;
	v49 =	vld.idx.msk [tilespmem:v50+s10+$0x0], $0xffff  }
0xc7: {  	v61 =	vld [tilespmem:$0xF0];
	v50 =	vor.u32 v31, v60;
	_ =	sdelay $0x3  }
0xc8: {  	[tilespmem:$0xC3D0] =	vst v49  }
0xc9: {  	v62 =	vand.u32 $0x7F, v61;
	v49 =	vld.idx.msk [tilespmem:v50+s10+$0x0], $0xffff  }
0xca: {  	v63 =	vld [tilespmem:$0x100];
	v50 =	vor.u32 v32, v62;
	_ =	sdelay $0x3  }
0xcb: {  	[tilespmem:$0xC3E0] =	vst v49  }
0xcc: {  	v54 =	vand.u32 $0x7F, v63;
	v49 =	vld.idx.msk [tilespmem:v50+s10+$0x0], $0xffff  }
0xcd: {  	v55 =	vld [tilespmem:$0x110];
	v50 =	vor.u32 v33, v54;
	_ =	sdelay $0x3  }
0xce: {  	[tilespmem:$0xC3F0] =	vst v49  }
0xcf: {  	v56 =	vand.u32 $0x7F, v55;
	v49 =	vld.idx.msk [tilespmem:v50+s10+$0x0], $0xffff  }
0xd0: {  	v57 =	vld [tilespmem:$0x120];
	v50 =	vor.u32 v34, v56;
	_ =	sdelay $0x3  }
0xd1: {  	[tilespmem:$0xC400] =	vst v49  }
0xd2: {  	v58 =	vand.u32 $0x7F, v57;
	v49 =	vld.idx.msk [tilespmem:v50+s10+$0x0], $0xffff  }
0xd3: {  	v59 =	vld [tilespmem:$0x130];
	v50 =	vor.u32 v35, v58;
	_ =	sdelay $0x3  }
0xd4: {  	[tilespmem:$0xC410] =	vst v49  }
0xd5: {  	v60 =	vand.u32 $0x7F, v59;
	v49 =	vld.idx.msk [tilespmem:v50+s10+$0x0], $0xffff  }
0xd6: {  	v61 =	vld [tilespmem:$0x140];
	v50 =	vor.u32 v36, v60;
	_ =	sdelay $0x3  }
0xd7: {  	[tilespmem:$0xC420] =	vst v49  }
0xd8: {  	v62 =	vand.u32 $0x7F, v61;
	v49 =	vld.idx.msk [tilespmem:v50+s10+$0x0], $0xffff  }
0xd9: {  	v63 =	vld [tilespmem:$0x150];
	v50 =	vor.u32 v37, v62;
	_ =	sdelay $0x3  }
0xda: {  	[tilespmem:$0xC430] =	vst v49  }
0xdb: {  	v54 =	vand.u32 $0x7F, v63;
	v49 =	vld.idx.msk [tilespmem:v50+s10+$0x0], $0xffff  }
0xdc: {  	v55 =	vld [tilespmem:$0x160];
	v50 =	vor.u32 v38, v54;
	_ =	sdelay $0x3  }
0xdd: {  	[tilespmem:$0xC440] =	vst v49  }
0xde: {  	v56 =	vand.u32 $0x7F, v55;
	v49 =	vld.idx.msk [tilespmem:v50+s10+$0x0], $0xffff  }
0xdf: {  	v57 =	vld [tilespmem:$0x170];
	v50 =	vor.u32 v39, v56;
	_ =	sdelay $0x3  }
0xe0: {  	[tilespmem:$0xC450] =	vst v49  }
0xe1: {  	v58 =	vand.u32 $0x7F, v57;
	v49 =	vld.idx.msk [tilespmem:v50+s10+$0x0], $0xffff  }
0xe2: {  	v59 =	vld [tilespmem:$0x180];
	v50 =	vor.u32 v40, v58;
	_ =	sdelay $0x3  }
0xe3: {  	[tilespmem:$0xC460] =	vst v49  }
0xe4: {  	v60 =	vand.u32 $0x7F, v59;
	v49 =	vld.idx.msk [tilespmem:v50+s10+$0x0], $0xffff  }
0xe5: {  	v61 =	vld [tilespmem:$0x190];
	v50 =	vor.u32 v41, v60;
	_ =	sdelay $0x3  }
0xe6: {  	[tilespmem:$0xC470] =	vst v49  }
0xe7: {  	v62 =	vand.u32 $0x7F, v61;
	v49 =	vld.idx.msk [tilespmem:v50+s10+$0x0], $0xffff  }
0xe8: {  	v63 =	vld [tilespmem:$0x1A0];
	v50 =	vor.u32 v42, v62;
	_ =	sdelay $0x3  }
0xe9: {  	[tilespmem:$0xC480] =	vst v49  }
0xea: {  	v53 =	vand.u32 $0x7F, v63;
	v49 =	vld.idx.msk [tilespmem:v50+s10+$0x0], $0xffff  }
0xeb: {  	v54 =	vld [tilespmem:$0x1B0];
	v50 =	vor.u32 v43, v53;
	_ =	sdelay $0x3  }
0xec: {  	[tilespmem:$0xC490] =	vst v49  }
0xed: {  	v55 =	vand.u32 $0x7F, v54;
	v49 =	vld.idx.msk [tilespmem:v50+s10+$0x0], $0xffff  }
0xee: {  	v56 =	vld [tilespmem:$0x1C0];
	v50 =	vor.u32 v44, v55;
	_ =	sdelay $0x3  }
0xef: {  	[tilespmem:$0xC4A0] =	vst v49  }
0xf0: {  	v57 =	vand.u32 $0x7F, v56;
	v49 =	vld.idx.msk [tilespmem:v50+s10+$0x0], $0xffff  }
0xf1: {  	v58 =	vld [tilespmem:$0x1D0];
	v50 =	vor.u32 v45, v57;
	_ =	sdelay $0x3  }
0xf2: {  	[tilespmem:$0xC4B0] =	vst v49  }
0xf3: {  	v59 =	vand.u32 $0x7F, v58;
	v49 =	vld.idx.msk [tilespmem:v50+s10+$0x0], $0xffff  }
0xf4: {  	v60 =	vld [tilespmem:$0x1E0];
	v50 =	vor.u32 v46, v59;
	_ =	sdelay $0x3  }
0xf5: {  	[tilespmem:$0xC4C0] =	vst v49  }
0xf6: {  	v61 =	vand.u32 $0x7F, v60;
	v49 =	vld.idx.msk [tilespmem:v50+s10+$0x0], $0xffff  }
0xf7: {  	v62 =	vld [tilespmem:$0x1F0];
	v50 =	vor.u32 v47, v61;
	_ =	sdelay $0x3  }
0xf8: {  	[tilespmem:$0xC4D0] =	vst v49  }
0xf9: {  	v63 =	vand.u32 $0x7F, v62;
	v49 =	vld.idx.msk [tilespmem:v50+s10+$0x0], $0xffff  }
0xfa: {  	v50 =	vor.u32 v48, v63;
	_ =	sdelay $0x3  }
0xfb: {  	[tilespmem:$0xC4E0] =	vst v49  }
0xfc: {  	v49 =	vld.idx.msk [tilespmem:v50+s10+$0x0], $0xffff;
	_ =	sdelay $0x3  }
0xfd: {  	p0 =	sne.s32 s5, $0x1  }
.Ltmp1:
0xfe: {  	[tilespmem:$0xC4F0] =	vst v49;
	(pc) =	sbr.rel @p0 .LBB2_2-.Ltmp1, $4  }
0xff: {  	[hbm4b:s3+s6] =	stream.linear.scatter [tilespmem:s16], [sflag:$0x2], $0x180, $0x38;
	[tilespmem:$0xC500] =	vst v63  }
0x100: {  	_ =	swait.ge [sflag:s7], $0x180  }
0x101: {  	[sflag:s7] =	ssyncset.done $0x0  }
0x102: {  	s5 =	sadd.s32 $0xFFFFFFFF, s5;
	[sflag:s7] =	ssyncadd.s32 $0xFFFFFE80  }
.LBB2_3:
0x103: {  	_ =	sfence.sel $0x180000  }
0x104: {  	[bflag:$0x0] =	sbarrier.arrive $0xFFFF  }
0x105: {  	p0 =	sne.s32 s0, $0x0;
	_ =	strace $0x90000047  }
0x106: {  	s0 =	sadd.s32 @!p0 $0x100000, s1;
	[bflag:$0x2] =	sbarrier.arrive $0xFFFF  }
0x107: {  	[sflag:s0] =	ssyncadd.tile.s32 @!p0 $0x1;
	_ =	shalt  }
.Lfunc_end2:
_tile_overlayer_lowered:
.L_overlay_start_2:
0x108: {  	(tag) =	ssettag $0x2  }
0x109: {  	s0 =	rddreg [dreg:$0x0];
	s2 =	stileid.u32  }
0x10a: {  	s1 =	rddreg [dreg:$0x1];
	p0 =	sne.s32 s2, $0x0  }
0x10b: {  	s3 =	rddreg [dreg:$0x2];
	[bflag:$0x3] =	sbarrier.arrive $0xFFFF;
	s2 =	simm.s32 @!p0 $0x1C02  }
0x10c: {  	[timem:s3], [sflag:s2] =	dma.local @!p0 [hbm:s0], s1  }
0x10d: {  	s0 =	simm.s32 @!p0 $0x2  }
0x10e: {  	_ =	swait.ge @!p0 [sflag:s0], s1  }
0x10f: {  	s1 =	ssub.s32 @!p0 $0x0, s1;
	[sflag:s0] =	ssyncset.done @!p0 $0x0  }
0x110: {  	[sflag:s0] =	ssyncadd.s32 @!p0 s1  }
0x111: {  	[bflag:$0x3] =	sbarrier.arrive $0xFFFF  }
0x112: {  	_ =	shalt  }

</sc_bundles>
